<compile_context>
chip_gen: v7x
topology: tpu7x:2x2x1
jax: 0.10.2.dev20260603
libtpu: 0.0.44.dev20260713+nightly
codegen_flags: <defaults>
</compile_context>

<pallas_src>
import functools
import jax
import jax.numpy as jnp
from jax import lax
from jax.experimental import pallas as pl
from jax.experimental.pallas import tpu as pltpu
from jax.experimental.pallas import tpu_sc as plsc

_N, _L, _C = 16, 256, 1024
_K = 4
_G = 8
_W = _G * _L
_NG = _N // _G

_NT = (((1,), (1,)), ((), ()))
_HI = jax.lax.Precision.HIGHEST

_NC = 2
_NS = 16
_PW = _N * _L // (_NC * _NS)
_V = 16


def _msm_dist_kernel(z_all_ref, out_ref, zb_ref, nc_ref, nr_ref):
    c = pl.program_id(0)

    @pl.when(c == 0)
    def _():
        z_all = z_all_ref[...]
        n_all = jnp.sum(z_all * z_all, axis=1, keepdims=True)
        nc_ref[...] = n_all
        zb_ref[...] = z_all.astype(jnp.bfloat16)
        for k in range(_NG):
            nr_ref[k:k + 1, :] = jax.lax.dot_general(
                jnp.ones((1, 1), jnp.float32),
                n_all[k * _W:(k + 1) * _W, :], _NT,
                precision=_HI, preferred_element_type=jnp.float32)

    g = jax.lax.dot_general(zb_ref[...], zb_ref[pl.ds(c * _W, _W), :], _NT,
                            preferred_element_type=jnp.float32)
    n_p = nr_ref[pl.ds(c, 1), :]

    mins = [jnp.min(nc_ref[j * _L:(j + 1) * _L, :] - 2.0 * g[j * _L:(j + 1) * _L, :],
                    axis=0, keepdims=True)
            for j in range(_N)]
    m = jnp.concatenate(mins, axis=0)

    row = jax.lax.broadcasted_iota(jnp.int32, (_N, _W), 0)
    img = c * _G + jax.lax.broadcasted_iota(jnp.int32, (_N, _W), 1) // _L
    dist = jnp.sqrt(jnp.maximum(n_p + m, 1e-12))
    out_ref[...] = jnp.where(row == img, jnp.float32(jnp.inf), dist)


def _sc_score_kernel(d_hbm, out_hbm, mblk, obuf):
    wid = lax.axis_index("s") * _NC + lax.axis_index("c")
    base = wid * _PW
    pltpu.sync_copy(d_hbm.at[:, pl.ds(base, _PW)], mblk)
    inf = jnp.full((_V,), jnp.inf, jnp.float32)
    zero = jnp.full((_V,), 0.0, jnp.float32)
    one = jnp.full((_V,), 1.0, jnp.float32)
    for gidx in range(_PW // _V):
        regs = [mblk[j, pl.ds(gidx * _V, _V)] for j in range(_N)]
        acc = zero
        rem = jnp.full((_V,), jnp.float32(_K))
        for _ in range(_K):
            v = regs[0]
            for j in range(1, _N):
                v = jnp.minimum(v, regs[j])
            cnt = zero
            for j in range(_N):
                cnt = cnt + jnp.where(regs[j] == v, one, zero)
            t = jnp.minimum(cnt, rem)
            acc = acc + jnp.where(t > 0.0, t * v, zero)
            rem = rem - t
            regs = [jnp.where(r == v, inf, r) for r in regs]
        obuf[pl.ds(gidx * _V, _V)] = acc * jnp.float32(1.0 / _K)
    pltpu.sync_copy(obuf, out_hbm.at[pl.ds(base, _PW)])


def kernel(Z):
    N, L, C = Z.shape
    z_all = Z.reshape(N * L, C)
    dist = pl.pallas_call(
        _msm_dist_kernel,
        grid=(_NG,),
        in_specs=[pl.BlockSpec((N * L, C), lambda c: (0, 0))],
        out_specs=pl.BlockSpec((_N, _W), lambda c: (0, c)),
        out_shape=jax.ShapeDtypeStruct((_N, N * L), jnp.float32),
        scratch_shapes=[pltpu.VMEM((N * L, C), jnp.bfloat16),
                        pltpu.VMEM((N * L, 1), jnp.float32),
                        pltpu.VMEM((_NG, _W), jnp.float32)],
    )(z_all)

    mesh = plsc.VectorSubcoreMesh(core_axis_name="c", subcore_axis_name="s")
    score = functools.partial(
        pl.kernel, mesh=mesh,
        out_type=jax.ShapeDtypeStruct((N * L,), jnp.float32),
        scratch_types=[pltpu.VMEM((_N, _PW), jnp.float32),
                       pltpu.VMEM((_PW,), jnp.float32)],
    )(_sc_score_kernel)
    out = score(dist)
    return out.reshape(N, L)

# --- scband reference (transcript-rebuilt; emitter-appended) ---
"""Pipeline reference for scband-batch-mu-sc-54314156425484 (READ-ONLY COPY).

The authoritative reference and input builder live on the scoring server;
editing this copy changes nothing except your own understanding.
"""

import jax, jax.numpy as jnp
import numpy as np

TOPMIN_MIN = 0.0
TOPMIN_MAX = 0.3

def setup_inputs(seed: int = 0) -> dict:
    key = jax.random.key(seed)
    Z = jax.random.normal(key, (16, 256, 1024), dtype=jnp.float32)
    return {"Z": Z}

def _cdist(a, b):
    # a: [La, C], b: [Lb, C] -> [La, Lb] euclidean distances (torch.cdist p=2)
    a2 = jnp.sum(a * a, axis=-1, keepdims=True)
    b2 = jnp.sum(b * b, axis=-1, keepdims=True).T
    d2 = a2 + b2 - 2.0 * (a @ b.T)
    return jnp.sqrt(jnp.maximum(d2, 1e-12))

def reference(Z):
    # Mutual Scoring Mechanism (MSM): for each image i, compare its patches
    # against all patches of all other images; per (patch, ref image) take the
    # min patch distance, then average the interval-topk smallest values.
    N, L, C = Z.shape
    k_max = int((N - 1) * TOPMIN_MAX)
    k_min = int((N - 1) * TOPMIN_MIN)
    if k_max < k_min:
        k_max, k_min = k_min, k_max
    rows = []
    for i in range(N):
        Z_ref = jnp.concatenate([Z[:i], Z[i + 1:]], axis=0).reshape(-1, C)
        dist = _cdist(Z[i], Z_ref).reshape(L, N - 1, L)
        patch2image = jnp.min(dist, axis=-1)  # [L, N-1]
        # torch.topk(largest=False, k_max): k_max smallest values
        neg_small, _ = jax.lax.top_k(-patch2image, k_max)
        smallest = -neg_small  # [L, k_max]
        # torch.topk(largest=True, k_max - k_min) over the smallest values
        vals, _ = jax.lax.top_k(smallest, k_max - k_min)  # [L, k_max-k_min]
        rows.append(jnp.mean(vals, axis=1))
    return jnp.stack(rows, axis=0)  # [N, L] anomaly score matrix

if __name__ == "__main__":
    import jax
    _d = setup_inputs()
    print(jax.jit(kernel)(*tuple(_d.values())))

</pallas_src>

<mosaic_0001>
#map = affine_map<(d0, d1) -> (0, 0)>
#map1 = affine_map<(d0, d1) -> (0)>
module attributes {stable_mosaic.version = 14 : i64} {
  func.func @_sc_score_kernel(%arg0: i32, %arg1: i32, %arg2: memref<16x4096xf32, #tpu.memory_space<hbm>>, %arg3: memref<4096xf32, #tpu.memory_space<hbm>>, %arg4: memref<16x128xf32, #tpu.memory_space<vmem>>, %arg5: memref<128xf32, #tpu.memory_space<vmem>>) attributes {dimension_semantics = [#tpu.dimension_semantics<core_parallel>, #tpu.dimension_semantics<subcore_parallel>], iteration_bounds = array<i64: 2, 16>, scalar_prefetch = 0 : i64, scratch_operands = 2 : i64, tpu.core_type = #tpu.core_type<sc_vector_subcore>, window_params = [{transform_indices = #map}, {transform_indices = #map1}]} {
    %mul3A = arith.constant 2 : i32
    %mul3A_0 = arith.muli %arg1, %mul3A : i32
    %add3A = arith.addi %mul3A_0, %arg0 : i32
    %mul3A_1 = arith.constant 128 : i32
    %mul3A_2 = arith.muli %add3A, %mul3A_1 : i32
    "tpu.region"() ({
      %run_scoped3A = tpu.sem_alloc : memref<!tpu.dma_semaphore, #tpu.memory_space<semaphore_mem>>
      %dma_start3A = arith.constant 0 : i32
      %dma_start3A_4009 = tpu.memref_slice %arg2[%dma_start3A, %mul3A_2] : memref<16x4096xf32, #tpu.memory_space<hbm>> -> memref<16x128xf32, #tpu.memory_space<hbm>>
      %dma_start3A_4010 = arith.constant 0 : i32
      %dma_start3A_4011 = tpu.memref_slice %arg2[%dma_start3A_4010, %mul3A_2] : memref<16x4096xf32, #tpu.memory_space<hbm>> -> memref<16x128xf32, #tpu.memory_space<hbm>>
      tpu.enqueue_dma source(%dma_start3A_4011 : memref<16x128xf32, #tpu.memory_space<hbm>>) target(%arg4 : memref<16x128xf32, #tpu.memory_space<vmem>>) target_semaphore(%run_scoped3A : memref<!tpu.dma_semaphore, #tpu.memory_space<semaphore_mem>>)
      %dma_wait3A = arith.constant 0 : i32
      %dma_wait3A_4012 = tpu.memref_slice %arg2[%dma_wait3A, %mul3A_2] : memref<16x4096xf32, #tpu.memory_space<hbm>> -> memref<16x128xf32, #tpu.memory_space<hbm>>
      %dma_wait3A_4013 = arith.constant 0 : i32
      %dma_wait3A_4014 = tpu.memref_slice %arg2[%dma_wait3A_4013, %mul3A_2] : memref<16x4096xf32, #tpu.memory_space<hbm>> -> memref<16x128xf32, #tpu.memory_space<hbm>>
      tpu.wait_dma2 semaphore(%run_scoped3A : memref<!tpu.dma_semaphore, #tpu.memory_space<semaphore_mem>>) src(%dma_wait3A_4014 : memref<16x128xf32, #tpu.memory_space<hbm>>) dst(%arg4 : memref<16x128xf32, #tpu.memory_space<vmem>>)
      tpu.yield
    }) : () -> ()
    %broadcast_in_dim3A = arith.constant 0x7F800000 : f32
    %broadcast_in_dim3A_3 = vector.broadcast %broadcast_in_dim3A : f32 to vector<16xf32>
    %broadcast_in_dim3A_4 = arith.constant 0.000000e+00 : f32
    %broadcast_in_dim3A_5 = vector.broadcast %broadcast_in_dim3A_4 : f32 to vector<16xf32>
    %broadcast_in_dim3A_6 = arith.constant 1.000000e+00 : f32
    %broadcast_in_dim3A_7 = vector.broadcast %broadcast_in_dim3A_6 : f32 to vector<16xf32>
    %get3A = arith.constant 0 : i32
    %get3A_8 = arith.index_cast %get3A : i32 to index
    %get3A_9 = arith.constant 0 : index
    %get3A_10 = tpu.vector_load %arg4[%get3A_8, %get3A_9] {strides = array<i32>} : memref<16x128xf32, #tpu.memory_space<vmem>>, vector<1x16xf32>,
    %get3A_11 = vector.shape_cast %get3A_10 : vector<1x16xf32> to vector<16xf32>
    %get3A_12 = arith.constant 1 : i32
    %get3A_13 = arith.index_cast %get3A_12 : i32 to index
    %get3A_14 = arith.constant 0 : index
    %get3A_15 = tpu.vector_load %arg4[%get3A_13, %get3A_14] {strides = array<i32>} : memref<16x128xf32, #tpu.memory_space<vmem>>, vector<1x16xf32>,
    %get3A_16 = vector.shape_cast %get3A_15 : vector<1x16xf32> to vector<16xf32>
    %get3A_17 = arith.constant 2 : i32
    %get3A_18 = arith.index_cast %get3A_17 : i32 to index
    %get3A_19 = arith.constant 0 : index
    %get3A_20 = tpu.vector_load %arg4[%get3A_18, %get3A_19] {strides = array<i32>} : memref<16x128xf32, #tpu.memory_space<vmem>>, vector<1x16xf32>,
    %get3A_21 = vector.shape_cast %get3A_20 : vector<1x16xf32> to vector<16xf32>
    %get3A_22 = arith.constant 3 : i32
    %get3A_23 = arith.index_cast %get3A_22 : i32 to index
    %get3A_24 = arith.constant 0 : index
    %get3A_25 = tpu.vector_load %arg4[%get3A_23, %get3A_24] {strides = array<i32>} : memref<16x128xf32, #tpu.memory_space<vmem>>, vector<1x16xf32>,
    %get3A_26 = vector.shape_cast %get3A_25 : vector<1x16xf32> to vector<16xf32>
    %get3A_27 = arith.constant 4 : i32
    %get3A_28 = arith.index_cast %get3A_27 : i32 to index
    %get3A_29 = arith.constant 0 : index
    %get3A_30 = tpu.vector_load %arg4[%get3A_28, %get3A_29] {strides = array<i32>} : memref<16x128xf32, #tpu.memory_space<vmem>>, vector<1x16xf32>,
    %get3A_31 = vector.shape_cast %get3A_30 : vector<1x16xf32> to vector<16xf32>
    %get3A_32 = arith.constant 5 : i32
    %get3A_33 = arith.index_cast %get3A_32 : i32 to index
    %get3A_34 = arith.constant 0 : index
    %get3A_35 = tpu.vector_load %arg4[%get3A_33, %get3A_34] {strides = array<i32>} : memref<16x128xf32, #tpu.memory_space<vmem>>, vector<1x16xf32>,
    %get3A_36 = vector.shape_cast %get3A_35 : vector<1x16xf32> to vector<16xf32>
    %get3A_37 = arith.constant 6 : i32
    %get3A_38 = arith.index_cast %get3A_37 : i32 to index
    %get3A_39 = arith.constant 0 : index
    %get3A_40 = tpu.vector_load %arg4[%get3A_38, %get3A_39] {strides = array<i32>} : memref<16x128xf32, #tpu.memory_space<vmem>>, vector<1x16xf32>,
    %get3A_41 = vector.shape_cast %get3A_40 : vector<1x16xf32> to vector<16xf32>
    %get3A_42 = arith.constant 7 : i32
    %get3A_43 = arith.index_cast %get3A_42 : i32 to index
    %get3A_44 = arith.constant 0 : index
    %get3A_45 = tpu.vector_load %arg4[%get3A_43, %get3A_44] {strides = array<i32>} : memref<16x128xf32, #tpu.memory_space<vmem>>, vector<1x16xf32>,
    %get3A_46 = vector.shape_cast %get3A_45 : vector<1x16xf32> to vector<16xf32>
    %get3A_47 = arith.constant 8 : i32
    %get3A_48 = arith.index_cast %get3A_47 : i32 to index
    %get3A_49 = arith.constant 0 : index
    %get3A_50 = tpu.vector_load %arg4[%get3A_48, %get3A_49] {strides = array<i32>} : memref<16x128xf32, #tpu.memory_space<vmem>>, vector<1x16xf32>,
    %get3A_51 = vector.shape_cast %get3A_50 : vector<1x16xf32> to vector<16xf32>
    %get3A_52 = arith.constant 9 : i32
    %get3A_53 = arith.index_cast %get3A_52 : i32 to index
    %get3A_54 = arith.constant 0 : index
    %get3A_55 = tpu.vector_load %arg4[%get3A_53, %get3A_54] {strides = array<i32>} : memref<16x128xf32, #tpu.memory_space<vmem>>, vector<1x16xf32>,
    %get3A_56 = vector.shape_cast %get3A_55 : vector<1x16xf32> to vector<16xf32>
    %get3A_57 = arith.constant 10 : i32
    %get3A_58 = arith.index_cast %get3A_57 : i32 to index
    %get3A_59 = arith.constant 0 : index
    %get3A_60 = tpu.vector_load %arg4[%get3A_58, %get3A_59] {strides = array<i32>} : memref<16x128xf32, #tpu.memory_space<vmem>>, vector<1x16xf32>,
    %get3A_61 = vector.shape_cast %get3A_60 : vector<1x16xf32> to vector<16xf32>
    %get3A_62 = arith.constant 11 : i32
    %get3A_63 = arith.index_cast %get3A_62 : i32 to index
    %get3A_64 = arith.constant 0 : index
    %get3A_65 = tpu.vector_load %arg4[%get3A_63, %get3A_64] {strides = array<i32>} : memref<16x128xf32, #tpu.memory_space<vmem>>, vector<1x16xf32>,
    %get3A_66 = vector.shape_cast %get3A_65 : vector<1x16xf32> to vector<16xf32>
    %get3A_67 = arith.constant 12 : i32
    %get3A_68 = arith.index_cast %get3A_67 : i32 to index
    %get3A_69 = arith.constant 0 : index
    %get3A_70 = tpu.vector_load %arg4[%get3A_68, %get3A_69] {strides = array<i32>} : memref<16x128xf32, #tpu.memory_space<vmem>>, vector<1x16xf32>,
    %get3A_71 = vector.shape_cast %get3A_70 : vector<1x16xf32> to vector<16xf32>
    %get3A_72 = arith.constant 13 : i32
    %get3A_73 = arith.index_cast %get3A_72 : i32 to index
    %get3A_74 = arith.constant 0 : index
    %get3A_75 = tpu.vector_load %arg4[%get3A_73, %get3A_74] {strides = array<i32>} : memref<16x128xf32, #tpu.memory_space<vmem>>, vector<1x16xf32>,
    %get3A_76 = vector.shape_cast %get3A_75 : vector<1x16xf32> to vector<16xf32>
    %get3A_77 = arith.constant 14 : i32
    %get3A_78 = arith.index_cast %get3A_77 : i32 to index
    %get3A_79 = arith.constant 0 : index
    %get3A_80 = tpu.vector_load %arg4[%get3A_78, %get3A_79] {strides = array<i32>} : memref<16x128xf32, #tpu.memory_space<vmem>>, vector<1x16xf32>,
    %get3A_81 = vector.shape_cast %get3A_80 : vector<1x16xf32> to vector<16xf32>
    %get3A_82 = arith.constant 15 : i32
    %get3A_83 = arith.index_cast %get3A_82 : i32 to index
    %get3A_84 = arith.constant 0 : index
    %get3A_85 = tpu.vector_load %arg4[%get3A_83, %get3A_84] {strides = array<i32>} : memref<16x128xf32, #tpu.memory_space<vmem>>, vector<1x16xf32>,
    %get3A_86 = vector.shape_cast %get3A_85 : vector<1x16xf32> to vector<16xf32>
    %broadcast_in_dim3A_87 = arith.constant 4.000000e+00 : f32
    %broadcast_in_dim3A_88 = vector.broadcast %broadcast_in_dim3A_87 : f32 to vector<16xf32>
    %min3A = arith.minimumf %get3A_11, %get3A_16 : vector<16xf32>
    %min3A_89 = arith.minimumf %min3A, %get3A_21 : vector<16xf32>
    %min3A_90 = arith.minimumf %min3A_89, %get3A_26 : vector<16xf32>
    %min3A_91 = arith.minimumf %min3A_90, %get3A_31 : vector<16xf32>
    %min3A_92 = arith.minimumf %min3A_91, %get3A_36 : vector<16xf32>
    %min3A_93 = arith.minimumf %min3A_92, %get3A_41 : vector<16xf32>
    %min3A_94 = arith.minimumf %min3A_93, %get3A_46 : vector<16xf32>
    %min3A_95 = arith.minimumf %min3A_94, %get3A_51 : vector<16xf32>
    %min3A_96 = arith.minimumf %min3A_95, %get3A_56 : vector<16xf32>
    %min3A_97 = arith.minimumf %min3A_96, %get3A_61 : vector<16xf32>
    %min3A_98 = arith.minimumf %min3A_97, %get3A_66 : vector<16xf32>
    %min3A_99 = arith.minimumf %min3A_98, %get3A_71 : vector<16xf32>
    %min3A_100 = arith.minimumf %min3A_99, %get3A_76 : vector<16xf32>
    %min3A_101 = arith.minimumf %min3A_100, %get3A_81 : vector<16xf32>
    %min3A_102 = arith.minimumf %min3A_101, %get3A_86 : vector<16xf32>
    %eq3A = arith.cmpf oeq, %get3A_11, %min3A_102 : vector<16xf32>
    %select_n3A = arith.select %eq3A, %broadcast_in_dim3A_7, %broadcast_in_dim3A_5 : vector<16xi1>, vector<16xf32>
    %add3A_103 = arith.addf %broadcast_in_dim3A_5, %select_n3A : vector<16xf32>
    %eq3A_104 = arith.cmpf oeq, %get3A_16, %min3A_102 : vector<16xf32>
    %select_n3A_105 = arith.select %eq3A_104, %broadcast_in_dim3A_7, %broadcast_in_dim3A_5 : vector<16xi1>, vector<16xf32>
    %add3A_106 = arith.addf %add3A_103, %select_n3A_105 : vector<16xf32>
    %eq3A_107 = arith.cmpf oeq, %get3A_21, %min3A_102 : vector<16xf32>
    %select_n3A_108 = arith.select %eq3A_107, %broadcast_in_dim3A_7, %broadcast_in_dim3A_5 : vector<16xi1>, vector<16xf32>
    %add3A_109 = arith.addf %add3A_106, %select_n3A_108 : vector<16xf32>
    %eq3A_110 = arith.cmpf oeq, %get3A_26, %min3A_102 : vector<16xf32>
    %select_n3A_111 = arith.select %eq3A_110, %broadcast_in_dim3A_7, %broadcast_in_dim3A_5 : vector<16xi1>, vector<16xf32>
    %add3A_112 = arith.addf %add3A_109, %select_n3A_111 : vector<16xf32>
    %eq3A_113 = arith.cmpf oeq, %get3A_31, %min3A_102 : vector<16xf32>
    %select_n3A_114 = arith.select %eq3A_113, %broadcast_in_dim3A_7, %broadcast_in_dim3A_5 : vector<16xi1>, vector<16xf32>
    %add3A_115 = arith.addf %add3A_112, %select_n3A_114 : vector<16xf32>
    %eq3A_116 = arith.cmpf oeq, %get3A_36, %min3A_102 : vector<16xf32>
    %select_n3A_117 = arith.select %eq3A_116, %broadcast_in_dim3A_7, %broadcast_in_dim3A_5 : vector<16xi1>, vector<16xf32>
    %add3A_118 = arith.addf %add3A_115, %select_n3A_117 : vector<16xf32>
    %eq3A_119 = arith.cmpf oeq, %get3A_41, %min3A_102 : vector<16xf32>
    %select_n3A_120 = arith.select %eq3A_119, %broadcast_in_dim3A_7, %broadcast_in_dim3A_5 : vector<16xi1>, vector<16xf32>
    %add3A_121 = arith.addf %add3A_118, %select_n3A_120 : vector<16xf32>
    %eq3A_122 = arith.cmpf oeq, %get3A_46, %min3A_102 : vector<16xf32>
    %select_n3A_123 = arith.select %eq3A_122, %broadcast_in_dim3A_7, %broadcast_in_dim3A_5 : vector<16xi1>, vector<16xf32>
    %add3A_124 = arith.addf %add3A_121, %select_n3A_123 : vector<16xf32>
    %eq3A_125 = arith.cmpf oeq, %get3A_51, %min3A_102 : vector<16xf32>
    %select_n3A_126 = arith.select %eq3A_125, %broadcast_in_dim3A_7, %broadcast_in_dim3A_5 : vector<16xi1>, vector<16xf32>
    %add3A_127 = arith.addf %add3A_124, %select_n3A_126 : vector<16xf32>
    %eq3A_128 = arith.cmpf oeq, %get3A_56, %min3A_102 : vector<16xf32>
    %select_n3A_129 = arith.select %eq3A_128, %broadcast_in_dim3A_7, %broadcast_in_dim3A_5 : vector<16xi1>, vector<16xf32>
    %add3A_130 = arith.addf %add3A_127, %select_n3A_129 : vector<16xf32>
    %eq3A_131 = arith.cmpf oeq, %get3A_61, %min3A_102 : vector<16xf32>
    %select_n3A_132 = arith.select %eq3A_131, %broadcast_in_dim3A_7, %broadcast_in_dim3A_5 : vector<16xi1>, vector<16xf32>
    %add3A_133 = arith.addf %add3A_130, %select_n3A_132 : vector<16xf32>
    %eq3A_134 = arith.cmpf oeq, %get3A_66, %min3A_102 : vector<16xf32>
    %select_n3A_135 = arith.select %eq3A_134, %broadcast_in_dim3A_7, %broadcast_in_dim3A_5 : vector<16xi1>, vector<16xf32>
    %add3A_136 = arith.addf %add3A_133, %select_n3A_135 : vector<16xf32>
    %eq3A_137 = arith.cmpf oeq, %get3A_71, %min3A_102 : vector<16xf32>
    %select_n3A_138 = arith.select %eq3A_137, %broadcast_in_dim3A_7, %broadcast_in_dim3A_5 : vector<16xi1>, vector<16xf32>
    %add3A_139 = arith.addf %add3A_136, %select_n3A_138 : vector<16xf32>
    %eq3A_140 = arith.cmpf oeq, %get3A_76, %min3A_102 : vector<16xf32>
    %select_n3A_141 = arith.select %eq3A_140, %broadcast_in_dim3A_7, %broadcast_in_dim3A_5 : vector<16xi1>, vector<16xf32>
    %add3A_142 = arith.addf %add3A_139, %select_n3A_141 : vector<16xf32>
    %eq3A_143 = arith.cmpf oeq, %get3A_81, %min3A_102 : vector<16xf32>
    %select_n3A_144 = arith.select %eq3A_143, %broadcast_in_dim3A_7, %broadcast_in_dim3A_5 : vector<16xi1>, vector<16xf32>
    %add3A_145 = arith.addf %add3A_142, %select_n3A_144 : vector<16xf32>
    %eq3A_146 = arith.cmpf oeq, %get3A_86, %min3A_102 : vector<16xf32>
    %select_n3A_147 = arith.select %eq3A_146, %broadcast_in_dim3A_7, %broadcast_in_dim3A_5 : vector<16xi1>, vector<16xf32>
    %add3A_148 = arith.addf %add3A_145, %select_n3A_147 : vector<16xf32>
    %min3A_149 = arith.minimumf %add3A_148, %broadcast_in_dim3A_88 : vector<16xf32>
    %gt3A = arith.constant 0.000000e+00 : f32
    %gt3A_150 = vector.broadcast %gt3A : f32 to vector<16xf32>
    %gt3A_151 = arith.cmpf ogt, %min3A_149, %gt3A_150 : vector<16xf32>
    %mul3A_152 = arith.mulf %min3A_149, %min3A_102 : vector<16xf32>
    %select_n3A_153 = arith.select %gt3A_151, %mul3A_152, %broadcast_in_dim3A_5 : vector<16xi1>, vector<16xf32>
    %add3A_154 = arith.addf %broadcast_in_dim3A_5, %select_n3A_153 : vector<16xf32>
    %sub3A = arith.subf %broadcast_in_dim3A_88, %min3A_149 : vector<16xf32>
    %eq3A_155 = arith.cmpf oeq, %get3A_11, %min3A_102 : vector<16xf32>
    %select_n3A_156 = arith.select %eq3A_155, %broadcast_in_dim3A_3, %get3A_11 : vector<16xi1>, vector<16xf32>
    %eq3A_157 = arith.cmpf oeq, %get3A_16, %min3A_102 : vector<16xf32>
    %select_n3A_158 = arith.select %eq3A_157, %broadcast_in_dim3A_3, %get3A_16 : vector<16xi1>, vector<16xf32>
    %eq3A_159 = arith.cmpf oeq, %get3A_21, %min3A_102 : vector<16xf32>
    %select_n3A_160 = arith.select %eq3A_159, %broadcast_in_dim3A_3, %get3A_21 : vector<16xi1>, vector<16xf32>
    %eq3A_161 = arith.cmpf oeq, %get3A_26, %min3A_102 : vector<16xf32>
    %select_n3A_162 = arith.select %eq3A_161, %broadcast_in_dim3A_3, %get3A_26 : vector<16xi1>, vector<16xf32>
    %eq3A_163 = arith.cmpf oeq, %get3A_31, %min3A_102 : vector<16xf32>
    %select_n3A_164 = arith.select %eq3A_163, %broadcast_in_dim3A_3, %get3A_31 : vector<16xi1>, vector<16xf32>
    %eq3A_165 = arith.cmpf oeq, %get3A_36, %min3A_102 : vector<16xf32>
    %select_n3A_166 = arith.select %eq3A_165, %broadcast_in_dim3A_3, %get3A_36 : vector<16xi1>, vector<16xf32>
    %eq3A_167 = arith.cmpf oeq, %get3A_41, %min3A_102 : vector<16xf32>
    %select_n3A_168 = arith.select %eq3A_167, %broadcast_in_dim3A_3, %get3A_41 : vector<16xi1>, vector<16xf32>
    %eq3A_169 = arith.cmpf oeq, %get3A_46, %min3A_102 : vector<16xf32>
    %select_n3A_170 = arith.select %eq3A_169, %broadcast_in_dim3A_3, %get3A_46 : vector<16xi1>, vector<16xf32>
    %eq3A_171 = arith.cmpf oeq, %get3A_51, %min3A_102 : vector<16xf32>
    %select_n3A_172 = arith.select %eq3A_171, %broadcast_in_dim3A_3, %get3A_51 : vector<16xi1>, vector<16xf32>
    %eq3A_173 = arith.cmpf oeq, %get3A_56, %min3A_102 : vector<16xf32>
    %select_n3A_174 = arith.select %eq3A_173, %broadcast_in_dim3A_3, %get3A_56 : vector<16xi1>, vector<16xf32>
    %eq3A_175 = arith.cmpf oeq, %get3A_61, %min3A_102 : vector<16xf32>
    %select_n3A_176 = arith.select %eq3A_175, %broadcast_in_dim3A_3, %get3A_61 : vector<16xi1>, vector<16xf32>
    %eq3A_177 = arith.cmpf oeq, %get3A_66, %min3A_102 : vector<16xf32>
    %select_n3A_178 = arith.select %eq3A_177, %broadcast_in_dim3A_3, %get3A_66 : vector<16xi1>, vector<16xf32>
    %eq3A_179 = arith.cmpf oeq, %get3A_71, %min3A_102 : vector<16xf32>
    %select_n3A_180 = arith.select %eq3A_179, %broadcast_in_dim3A_3, %get3A_71 : vector<16xi1>, vector<16xf32>
    %eq3A_181 = arith.cmpf oeq, %get3A_76, %min3A_102 : vector<16xf32>
    %select_n3A_182 = arith.select %eq3A_181, %broadcast_in_dim3A_3, %get3A_76 : vector<16xi1>, vector<16xf32>
    %eq3A_183 = arith.cmpf oeq, %get3A_81, %min3A_102 : vector<16xf32>
    %select_n3A_184 = arith.select %eq3A_183, %broadcast_in_dim3A_3, %get3A_81 : vector<16xi1>, vector<16xf32>
    %eq3A_185 = arith.cmpf oeq, %get3A_86, %min3A_102 : vector<16xf32>
    %select_n3A_186 = arith.select %eq3A_185, %broadcast_in_dim3A_3, %get3A_86 : vector<16xi1>, vector<16xf32>
    %min3A_187 = arith.minimumf %select_n3A_156, %select_n3A_158 : vector<16xf32>
    %min3A_188 = arith.minimumf %min3A_187, %select_n3A_160 : vector<16xf32>
    %min3A_189 = arith.minimumf %min3A_188, %select_n3A_162 : vector<16xf32>
    %min3A_190 = arith.minimumf %min3A_189, %select_n3A_164 : vector<16xf32>
    %min3A_191 = arith.minimumf %min3A_190, %select_n3A_166 : vector<16xf32>
    %min3A_192 = arith.minimumf %min3A_191, %select_n3A_168 : vector<16xf32>
    %min3A_193 = arith.minimumf %min3A_192, %select_n3A_170 : vector<16xf32>
    %min3A_194 = arith.minimumf %min3A_193, %select_n3A_172 : vector<16xf32>
    %min3A_195 = arith.minimumf %min3A_194, %select_n3A_174 : vector<16xf32>
    %min3A_196 = arith.minimumf %min3A_195, %select_n3A_176 : vector<16xf32>
    %min3A_197 = arith.minimumf %min3A_196, %select_n3A_178 : vector<16xf32>
    %min3A_198 = arith.minimumf %min3A_197, %select_n3A_180 : vector<16xf32>
    %min3A_199 = arith.minimumf %min3A_198, %select_n3A_182 : vector<16xf32>
    %min3A_200 = arith.minimumf %min3A_199, %select_n3A_184 : vector<16xf32>
    %min3A_201 = arith.minimumf %min3A_200, %select_n3A_186 : vector<16xf32>
    %eq3A_202 = arith.cmpf oeq, %select_n3A_156, %min3A_201 : vector<16xf32>
    %select_n3A_203 = arith.select %eq3A_202, %broadcast_in_dim3A_7, %broadcast_in_dim3A_5 : vector<16xi1>, vector<16xf32>
    %add3A_204 = arith.addf %broadcast_in_dim3A_5, %select_n3A_203 : vector<16xf32>
    %eq3A_205 = arith.cmpf oeq, %select_n3A_158, %min3A_201 : vector<16xf32>
    %select_n3A_206 = arith.select %eq3A_205, %broadcast_in_dim3A_7, %broadcast_in_dim3A_5 : vector<16xi1>, vector<16xf32>
    %add3A_207 = arith.addf %add3A_204, %select_n3A_206 : vector<16xf32>
    %eq3A_208 = arith.cmpf oeq, %select_n3A_160, %min3A_201 : vector<16xf32>
    %select_n3A_209 = arith.select %eq3A_208, %broadcast_in_dim3A_7, %broadcast_in_dim3A_5 : vector<16xi1>, vector<16xf32>
    %add3A_210 = arith.addf %add3A_207, %select_n3A_209 : vector<16xf32>
    %eq3A_211 = arith.cmpf oeq, %select_n3A_162, %min3A_201 : vector<16xf32>
    %select_n3A_212 = arith.select %eq3A_211, %broadcast_in_dim3A_7, %broadcast_in_dim3A_5 : vector<16xi1>, vector<16xf32>
    %add3A_213 = arith.addf %add3A_210, %select_n3A_212 : vector<16xf32>
    %eq3A_214 = arith.cmpf oeq, %select_n3A_164, %min3A_201 : vector<16xf32>
    %select_n3A_215 = arith.select %eq3A_214, %broadcast_in_dim3A_7, %broadcast_in_dim3A_5 : vector<16xi1>, vector<16xf32>
    %add3A_216 = arith.addf %add3A_213, %select_n3A_215 : vector<16xf32>
    %eq3A_217 = arith.cmpf oeq, %select_n3A_166, %min3A_201 : vector<16xf32>
    %select_n3A_218 = arith.select %eq3A_217, %broadcast_in_dim3A_7, %broadcast_in_dim3A_5 : vector<16xi1>, vector<16xf32>
    %add3A_219 = arith.addf %add3A_216, %select_n3A_218 : vector<16xf32>
    %eq3A_220 = arith.cmpf oeq, %select_n3A_168, %min3A_201 : vector<16xf32>
    %select_n3A_221 = arith.select %eq3A_220, %broadcast_in_dim3A_7, %broadcast_in_dim3A_5 : vector<16xi1>, vector<16xf32>
    %add3A_222 = arith.addf %add3A_219, %select_n3A_221 : vector<16xf32>
    %eq3A_223 = arith.cmpf oeq, %select_n3A_170, %min3A_201 : vector<16xf32>
    %select_n3A_224 = arith.select %eq3A_223, %broadcast_in_dim3A_7, %broadcast_in_dim3A_5 : vector<16xi1>, vector<16xf32>
    %add3A_225 = arith.addf %add3A_222, %select_n3A_224 : vector<16xf32>
    %eq3A_226 = arith.cmpf oeq, %select_n3A_172, %min3A_201 : vector<16xf32>
    %select_n3A_227 = arith.select %eq3A_226, %broadcast_in_dim3A_7, %broadcast_in_dim3A_5 : vector<16xi1>, vector<16xf32>
    %add3A_228 = arith.addf %add3A_225, %select_n3A_227 : vector<16xf32>
    %eq3A_229 = arith.cmpf oeq, %select_n3A_174, %min3A_201 : vector<16xf32>
    %select_n3A_230 = arith.select %eq3A_229, %broadcast_in_dim3A_7, %broadcast_in_dim3A_5 : vector<16xi1>, vector<16xf32>
    %add3A_231 = arith.addf %add3A_228, %select_n3A_230 : vector<16xf32>
    %eq3A_232 = arith.cmpf oeq, %select_n3A_176, %min3A_201 : vector<16xf32>
    %select_n3A_233 = arith.select %eq3A_232, %broadcast_in_dim3A_7, %broadcast_in_dim3A_5 : vector<16xi1>, vector<16xf32>
    %add3A_234 = arith.addf %add3A_231, %select_n3A_233 : vector<16xf32>
    %eq3A_235 = arith.cmpf oeq, %select_n3A_178, %min3A_201 : vector<16xf32>
    %select_n3A_236 = arith.select %eq3A_235, %broadcast_in_dim3A_7, %broadcast_in_dim3A_5 : vector<16xi1>, vector<16xf32>
    %add3A_237 = arith.addf %add3A_234, %select_n3A_236 : vector<16xf32>
    %eq3A_238 = arith.cmpf oeq, %select_n3A_180, %min3A_201 : vector<16xf32>
    %select_n3A_239 = arith.select %eq3A_238, %broadcast_in_dim3A_7, %broadcast_in_dim3A_5 : vector<16xi1>, vector<16xf32>
    %add3A_240 = arith.addf %add3A_237, %select_n3A_239 : vector<16xf32>
    %eq3A_241 = arith.cmpf oeq, %select_n3A_182, %min3A_201 : vector<16xf32>
    %select_n3A_242 = arith.select %eq3A_241, %broadcast_in_dim3A_7, %broadcast_in_dim3A_5 : vector<16xi1>, vector<16xf32>
    %add3A_243 = arith.addf %add3A_240, %select_n3A_242 : vector<16xf32>
    %eq3A_244 = arith.cmpf oeq, %select_n3A_184, %min3A_201 : vector<16xf32>
    %select_n3A_245 = arith.select %eq3A_244, %broadcast_in_dim3A_7, %broadcast_in_dim3A_5 : vector<16xi1>, vector<16xf32>
    %add3A_246 = arith.addf %add3A_243, %select_n3A_245 : vector<16xf32>
    %eq3A_247 = arith.cmpf oeq, %select_n3A_186, %min3A_201 : vector<16xf32>
    %select_n3A_248 = arith.select %eq3A_247, %broadcast_in_dim3A_7, %broadcast_in_dim3A_5 : vector<16xi1>, vector<16xf32>
    %add3A_249 = arith.addf %add3A_246, %select_n3A_248 : vector<16xf32>
    %min3A_250 = arith.minimumf %add3A_249, %sub3A : vector<16xf32>
    %gt3A_251 = arith.constant 0.000000e+00 : f32
    %gt3A_252 = vector.broadcast %gt3A_251 : f32 to vector<16xf32>
    %gt3A_253 = arith.cmpf ogt, %min3A_250, %gt3A_252 : vector<16xf32>
    %mul3A_254 = arith.mulf %min3A_250, %min3A_201 : vector<16xf32>
    %select_n3A_255 = arith.select %gt3A_253, %mul3A_254, %broadcast_in_dim3A_5 : vector<16xi1>, vector<16xf32>
    %add3A_256 = arith.addf %add3A_154, %select_n3A_255 : vector<16xf32>
    %sub3A_257 = arith.subf %sub3A, %min3A_250 : vector<16xf32>
    %eq3A_258 = arith.cmpf oeq, %select_n3A_156, %min3A_201 : vector<16xf32>
    %select_n3A_259 = arith.select %eq3A_258, %broadcast_in_dim3A_3, %select_n3A_156 : vector<16xi1>, vector<16xf32>
    %eq3A_260 = arith.cmpf oeq, %select_n3A_158, %min3A_201 : vector<16xf32>
    %select_n3A_261 = arith.select %eq3A_260, %broadcast_in_dim3A_3, %select_n3A_158 : vector<16xi1>, vector<16xf32>
    %eq3A_262 = arith.cmpf oeq, %select_n3A_160, %min3A_201 : vector<16xf32>
    %select_n3A_263 = arith.select %eq3A_262, %broadcast_in_dim3A_3, %select_n3A_160 : vector<16xi1>, vector<16xf32>
    %eq3A_264 = arith.cmpf oeq, %select_n3A_162, %min3A_201 : vector<16xf32>
    %select_n3A_265 = arith.select %eq3A_264, %broadcast_in_dim3A_3, %select_n3A_162 : vector<16xi1>, vector<16xf32>
    %eq3A_266 = arith.cmpf oeq, %select_n3A_164, %min3A_201 : vector<16xf32>
    %select_n3A_267 = arith.select %eq3A_266, %broadcast_in_dim3A_3, %select_n3A_164 : vector<16xi1>, vector<16xf32>
    %eq3A_268 = arith.cmpf oeq, %select_n3A_166, %min3A_201 : vector<16xf32>
    %select_n3A_269 = arith.select %eq3A_268, %broadcast_in_dim3A_3, %select_n3A_166 : vector<16xi1>, vector<16xf32>
    %eq3A_270 = arith.cmpf oeq, %select_n3A_168, %min3A_201 : vector<16xf32>
    %select_n3A_271 = arith.select %eq3A_270, %broadcast_in_dim3A_3, %select_n3A_168 : vector<16xi1>, vector<16xf32>
    %eq3A_272 = arith.cmpf oeq, %select_n3A_170, %min3A_201 : vector<16xf32>
    %select_n3A_273 = arith.select %eq3A_272, %broadcast_in_dim3A_3, %select_n3A_170 : vector<16xi1>, vector<16xf32>
    %eq3A_274 = arith.cmpf oeq, %select_n3A_172, %min3A_201 : vector<16xf32>
    %select_n3A_275 = arith.select %eq3A_274, %broadcast_in_dim3A_3, %select_n3A_172 : vector<16xi1>, vector<16xf32>
    %eq3A_276 = arith.cmpf oeq, %select_n3A_174, %min3A_201 : vector<16xf32>
    %select_n3A_277 = arith.select %eq3A_276, %broadcast_in_dim3A_3, %select_n3A_174 : vector<16xi1>, vector<16xf32>
    %eq3A_278 = arith.cmpf oeq, %select_n3A_176, %min3A_201 : vector<16xf32>
    %select_n3A_279 = arith.select %eq3A_278, %broadcast_in_dim3A_3, %select_n3A_176 : vector<16xi1>, vector<16xf32>
    %eq3A_280 = arith.cmpf oeq, %select_n3A_178, %min3A_201 : vector<16xf32>
    %select_n3A_281 = arith.select %eq3A_280, %broadcast_in_dim3A_3, %select_n3A_178 : vector<16xi1>, vector<16xf32>
    %eq3A_282 = arith.cmpf oeq, %select_n3A_180, %min3A_201 : vector<16xf32>
    %select_n3A_283 = arith.select %eq3A_282, %broadcast_in_dim3A_3, %select_n3A_180 : vector<16xi1>, vector<16xf32>
    %eq3A_284 = arith.cmpf oeq, %select_n3A_182, %min3A_201 : vector<16xf32>
    %select_n3A_285 = arith.select %eq3A_284, %broadcast_in_dim3A_3, %select_n3A_182 : vector<16xi1>, vector<16xf32>
    %eq3A_286 = arith.cmpf oeq, %select_n3A_184, %min3A_201 : vector<16xf32>
    %select_n3A_287 = arith.select %eq3A_286, %broadcast_in_dim3A_3, %select_n3A_184 : vector<16xi1>, vector<16xf32>
    %eq3A_288 = arith.cmpf oeq, %select_n3A_186, %min3A_201 : vector<16xf32>
    %select_n3A_289 = arith.select %eq3A_288, %broadcast_in_dim3A_3, %select_n3A_186 : vector<16xi1>, vector<16xf32>
    %min3A_290 = arith.minimumf %select_n3A_259, %select_n3A_261 : vector<16xf32>
    %min3A_291 = arith.minimumf %min3A_290, %select_n3A_263 : vector<16xf32>
    %min3A_292 = arith.minimumf %min3A_291, %select_n3A_265 : vector<16xf32>
    %min3A_293 = arith.minimumf %min3A_292, %select_n3A_267 : vector<16xf32>
    %min3A_294 = arith.minimumf %min3A_293, %select_n3A_269 : vector<16xf32>
    %min3A_295 = arith.minimumf %min3A_294, %select_n3A_271 : vector<16xf32>
    %min3A_296 = arith.minimumf %min3A_295, %select_n3A_273 : vector<16xf32>
    %min3A_297 = arith.minimumf %min3A_296, %select_n3A_275 : vector<16xf32>
    %min3A_298 = arith.minimumf %min3A_297, %select_n3A_277 : vector<16xf32>
    %min3A_299 = arith.minimumf %min3A_298, %select_n3A_279 : vector<16xf32>
    %min3A_300 = arith.minimumf %min3A_299, %select_n3A_281 : vector<16xf32>
    %min3A_301 = arith.minimumf %min3A_300, %select_n3A_283 : vector<16xf32>
    %min3A_302 = arith.minimumf %min3A_301, %select_n3A_285 : vector<16xf32>
    %min3A_303 = arith.minimumf %min3A_302, %select_n3A_287 : vector<16xf32>
    %min3A_304 = arith.minimumf %min3A_303, %select_n3A_289 : vector<16xf32>
    %eq3A_305 = arith.cmpf oeq, %select_n3A_259, %min3A_304 : vector<16xf32>
    %select_n3A_306 = arith.select %eq3A_305, %broadcast_in_dim3A_7, %broadcast_in_dim3A_5 : vector<16xi1>, vector<16xf32>
    %add3A_307 = arith.addf %broadcast_in_dim3A_5, %select_n3A_306 : vector<16xf32>
    %eq3A_308 = arith.cmpf oeq, %select_n3A_261, %min3A_304 : vector<16xf32>
    %select_n3A_309 = arith.select %eq3A_308, %broadcast_in_dim3A_7, %broadcast_in_dim3A_5 : vector<16xi1>, vector<16xf32>
    %add3A_310 = arith.addf %add3A_307, %select_n3A_309 : vector<16xf32>
    %eq3A_311 = arith.cmpf oeq, %select_n3A_263, %min3A_304 : vector<16xf32>
    %select_n3A_312 = arith.select %eq3A_311, %broadcast_in_dim3A_7, %broadcast_in_dim3A_5 : vector<16xi1>, vector<16xf32>
    %add3A_313 = arith.addf %add3A_310, %select_n3A_312 : vector<16xf32>
    %eq3A_314 = arith.cmpf oeq, %select_n3A_265, %min3A_304 : vector<16xf32>
    %select_n3A_315 = arith.select %eq3A_314, %broadcast_in_dim3A_7, %broadcast_in_dim3A_5 : vector<16xi1>, vector<16xf32>
    %add3A_316 = arith.addf %add3A_313, %select_n3A_315 : vector<16xf32>
    %eq3A_317 = arith.cmpf oeq, %select_n3A_267, %min3A_304 : vector<16xf32>
    %select_n3A_318 = arith.select %eq3A_317, %broadcast_in_dim3A_7, %broadcast_in_dim3A_5 : vector<16xi1>, vector<16xf32>
    %add3A_319 = arith.addf %add3A_316, %select_n3A_318 : vector<16xf32>
    %eq3A_320 = arith.cmpf oeq, %select_n3A_269, %min3A_304 : vector<16xf32>
    %select_n3A_321 = arith.select %eq3A_320, %broadcast_in_dim3A_7, %broadcast_in_dim3A_5 : vector<16xi1>, vector<16xf32>
    %add3A_322 = arith.addf %add3A_319, %select_n3A_321 : vector<16xf32>
    %eq3A_323 = arith.cmpf oeq, %select_n3A_271, %min3A_304 : vector<16xf32>
    %select_n3A_324 = arith.select %eq3A_323, %broadcast_in_dim3A_7, %broadcast_in_dim3A_5 : vector<16xi1>, vector<16xf32>
    %add3A_325 = arith.addf %add3A_322, %select_n3A_324 : vector<16xf32>
    %eq3A_326 = arith.cmpf oeq, %select_n3A_273, %min3A_304 : vector<16xf32>
    %select_n3A_327 = arith.select %eq3A_326, %broadcast_in_dim3A_7, %broadcast_in_dim3A_5 : vector<16xi1>, vector<16xf32>
    %add3A_328 = arith.addf %add3A_325, %select_n3A_327 : vector<16xf32>
    %eq3A_329 = arith.cmpf oeq, %select_n3A_275, %min3A_304 : vector<16xf32>
    %select_n3A_330 = arith.select %eq3A_329, %broadcast_in_dim3A_7, %broadcast_in_dim3A_5 : vector<16xi1>, vector<16xf32>
    %add3A_331 = arith.addf %add3A_328, %select_n3A_330 : vector<16xf32>
    %eq3A_332 = arith.cmpf oeq, %select_n3A_277, %min3A_304 : vector<16xf32>
    %select_n3A_333 = arith.select %eq3A_332, %broadcast_in_dim3A_7, %broadcast_in_dim3A_5 : vector<16xi1>, vector<16xf32>
    %add3A_334 = arith.addf %add3A_331, %select_n3A_333 : vector<16xf32>
    %eq3A_335 = arith.cmpf oeq, %select_n3A_279, %min3A_304 : vector<16xf32>
    %select_n3A_336 = arith.select %eq3A_335, %broadcast_in_dim3A_7, %broadcast_in_dim3A_5 : vector<16xi1>, vector<16xf32>
    %add3A_337 = arith.addf %add3A_334, %select_n3A_336 : vector<16xf32>
    %eq3A_338 = arith.cmpf oeq, %select_n3A_281, %min3A_304 : vector<16xf32>
    %select_n3A_339 = arith.select %eq3A_338, %broadcast_in_dim3A_7, %broadcast_in_dim3A_5 : vector<16xi1>, vector<16xf32>
    %add3A_340 = arith.addf %add3A_337, %select_n3A_339 : vector<16xf32>
    %eq3A_341 = arith.cmpf oeq, %select_n3A_283, %min3A_304 : vector<16xf32>
    %select_n3A_342 = arith.select %eq3A_341, %broadcast_in_dim3A_7, %broadcast_in_dim3A_5 : vector<16xi1>, vector<16xf32>
    %add3A_343 = arith.addf %add3A_340, %select_n3A_342 : vector<16xf32>
    %eq3A_344 = arith.cmpf oeq, %select_n3A_285, %min3A_304 : vector<16xf32>
    %select_n3A_345 = arith.select %eq3A_344, %broadcast_in_dim3A_7, %broadcast_in_dim3A_5 : vector<16xi1>, vector<16xf32>
    %add3A_346 = arith.addf %add3A_343, %select_n3A_345 : vector<16xf32>
    %eq3A_347 = arith.cmpf oeq, %select_n3A_287, %min3A_304 : vector<16xf32>
    %select_n3A_348 = arith.select %eq3A_347, %broadcast_in_dim3A_7, %broadcast_in_dim3A_5 : vector<16xi1>, vector<16xf32>
    %add3A_349 = arith.addf %add3A_346, %select_n3A_348 : vector<16xf32>
    %eq3A_350 = arith.cmpf oeq, %select_n3A_289, %min3A_304 : vector<16xf32>
    %select_n3A_351 = arith.select %eq3A_350, %broadcast_in_dim3A_7, %broadcast_in_dim3A_5 : vector<16xi1>, vector<16xf32>
    %add3A_352 = arith.addf %add3A_349, %select_n3A_351 : vector<16xf32>
    %min3A_353 = arith.minimumf %add3A_352, %sub3A_257 : vector<16xf32>
    %gt3A_354 = arith.constant 0.000000e+00 : f32
    %gt3A_355 = vector.broadcast %gt3A_354 : f32 to vector<16xf32>
    %gt3A_356 = arith.cmpf ogt, %min3A_353, %gt3A_355 : vector<16xf32>
    %mul3A_357 = arith.mulf %min3A_353, %min3A_304 : vector<16xf32>
    %select_n3A_358 = arith.select %gt3A_356, %mul3A_357, %broadcast_in_dim3A_5 : vector<16xi1>, vector<16xf32>
    %add3A_359 = arith.addf %add3A_256, %select_n3A_358 : vector<16xf32>
    %sub3A_360 = arith.subf %sub3A_257, %min3A_353 : vector<16xf32>
    %eq3A_361 = arith.cmpf oeq, %select_n3A_259, %min3A_304 : vector<16xf32>
    %select_n3A_362 = arith.select %eq3A_361, %broadcast_in_dim3A_3, %select_n3A_259 : vector<16xi1>, vector<16xf32>
    %eq3A_363 = arith.cmpf oeq, %select_n3A_261, %min3A_304 : vector<16xf32>
    %select_n3A_364 = arith.select %eq3A_363, %broadcast_in_dim3A_3, %select_n3A_261 : vector<16xi1>, vector<16xf32>
    %eq3A_365 = arith.cmpf oeq, %select_n3A_263, %min3A_304 : vector<16xf32>
    %select_n3A_366 = arith.select %eq3A_365, %broadcast_in_dim3A_3, %select_n3A_263 : vector<16xi1>, vector<16xf32>
    %eq3A_367 = arith.cmpf oeq, %select_n3A_265, %min3A_304 : vector<16xf32>
    %select_n3A_368 = arith.select %eq3A_367, %broadcast_in_dim3A_3, %select_n3A_265 : vector<16xi1>, vector<16xf32>
    %eq3A_369 = arith.cmpf oeq, %select_n3A_267, %min3A_304 : vector<16xf32>
    %select_n3A_370 = arith.select %eq3A_369, %broadcast_in_dim3A_3, %select_n3A_267 : vector<16xi1>, vector<16xf32>
    %eq3A_371 = arith.cmpf oeq, %select_n3A_269, %min3A_304 : vector<16xf32>
    %select_n3A_372 = arith.select %eq3A_371, %broadcast_in_dim3A_3, %select_n3A_269 : vector<16xi1>, vector<16xf32>
    %eq3A_373 = arith.cmpf oeq, %select_n3A_271, %min3A_304 : vector<16xf32>
    %select_n3A_374 = arith.select %eq3A_373, %broadcast_in_dim3A_3, %select_n3A_271 : vector<16xi1>, vector<16xf32>
    %eq3A_375 = arith.cmpf oeq, %select_n3A_273, %min3A_304 : vector<16xf32>
    %select_n3A_376 = arith.select %eq3A_375, %broadcast_in_dim3A_3, %select_n3A_273 : vector<16xi1>, vector<16xf32>
    %eq3A_377 = arith.cmpf oeq, %select_n3A_275, %min3A_304 : vector<16xf32>
    %select_n3A_378 = arith.select %eq3A_377, %broadcast_in_dim3A_3, %select_n3A_275 : vector<16xi1>, vector<16xf32>
    %eq3A_379 = arith.cmpf oeq, %select_n3A_277, %min3A_304 : vector<16xf32>
    %select_n3A_380 = arith.select %eq3A_379, %broadcast_in_dim3A_3, %select_n3A_277 : vector<16xi1>, vector<16xf32>
    %eq3A_381 = arith.cmpf oeq, %select_n3A_279, %min3A_304 : vector<16xf32>
    %select_n3A_382 = arith.select %eq3A_381, %broadcast_in_dim3A_3, %select_n3A_279 : vector<16xi1>, vector<16xf32>
    %eq3A_383 = arith.cmpf oeq, %select_n3A_281, %min3A_304 : vector<16xf32>
    %select_n3A_384 = arith.select %eq3A_383, %broadcast_in_dim3A_3, %select_n3A_281 : vector<16xi1>, vector<16xf32>
    %eq3A_385 = arith.cmpf oeq, %select_n3A_283, %min3A_304 : vector<16xf32>
    %select_n3A_386 = arith.select %eq3A_385, %broadcast_in_dim3A_3, %select_n3A_283 : vector<16xi1>, vector<16xf32>
    %eq3A_387 = arith.cmpf oeq, %select_n3A_285, %min3A_304 : vector<16xf32>
    %select_n3A_388 = arith.select %eq3A_387, %broadcast_in_dim3A_3, %select_n3A_285 : vector<16xi1>, vector<16xf32>
    %eq3A_389 = arith.cmpf oeq, %select_n3A_287, %min3A_304 : vector<16xf32>
    %select_n3A_390 = arith.select %eq3A_389, %broadcast_in_dim3A_3, %select_n3A_287 : vector<16xi1>, vector<16xf32>
    %eq3A_391 = arith.cmpf oeq, %select_n3A_289, %min3A_304 : vector<16xf32>
    %select_n3A_392 = arith.select %eq3A_391, %broadcast_in_dim3A_3, %select_n3A_289 : vector<16xi1>, vector<16xf32>
    %min3A_393 = arith.minimumf %select_n3A_362, %select_n3A_364 : vector<16xf32>
    %min3A_394 = arith.minimumf %min3A_393, %select_n3A_366 : vector<16xf32>
    %min3A_395 = arith.minimumf %min3A_394, %select_n3A_368 : vector<16xf32>
    %min3A_396 = arith.minimumf %min3A_395, %select_n3A_370 : vector<16xf32>
    %min3A_397 = arith.minimumf %min3A_396, %select_n3A_372 : vector<16xf32>
    %min3A_398 = arith.minimumf %min3A_397, %select_n3A_374 : vector<16xf32>
    %min3A_399 = arith.minimumf %min3A_398, %select_n3A_376 : vector<16xf32>
    %min3A_400 = arith.minimumf %min3A_399, %select_n3A_378 : vector<16xf32>
    %min3A_401 = arith.minimumf %min3A_400, %select_n3A_380 : vector<16xf32>
    %min3A_402 = arith.minimumf %min3A_401, %select_n3A_382 : vector<16xf32>
    %min3A_403 = arith.minimumf %min3A_402, %select_n3A_384 : vector<16xf32>
    %min3A_404 = arith.minimumf %min3A_403, %select_n3A_386 : vector<16xf32>
    %min3A_405 = arith.minimumf %min3A_404, %select_n3A_388 : vector<16xf32>
    %min3A_406 = arith.minimumf %min3A_405, %select_n3A_390 : vector<16xf32>
    %min3A_407 = arith.minimumf %min3A_406, %select_n3A_392 : vector<16xf32>
    %eq3A_408 = arith.cmpf oeq, %select_n3A_362, %min3A_407 : vector<16xf32>
    %select_n3A_409 = arith.select %eq3A_408, %broadcast_in_dim3A_7, %broadcast_in_dim3A_5 : vector<16xi1>, vector<16xf32>
    %add3A_410 = arith.addf %broadcast_in_dim3A_5, %select_n3A_409 : vector<16xf32>
    %eq3A_411 = arith.cmpf oeq, %select_n3A_364, %min3A_407 : vector<16xf32>
    %select_n3A_412 = arith.select %eq3A_411, %broadcast_in_dim3A_7, %broadcast_in_dim3A_5 : vector<16xi1>, vector<16xf32>
    %add3A_413 = arith.addf %add3A_410, %select_n3A_412 : vector<16xf32>
    %eq3A_414 = arith.cmpf oeq, %select_n3A_366, %min3A_407 : vector<16xf32>
    %select_n3A_415 = arith.select %eq3A_414, %broadcast_in_dim3A_7, %broadcast_in_dim3A_5 : vector<16xi1>, vector<16xf32>
    %add3A_416 = arith.addf %add3A_413, %select_n3A_415 : vector<16xf32>
    %eq3A_417 = arith.cmpf oeq, %select_n3A_368, %min3A_407 : vector<16xf32>
    %select_n3A_418 = arith.select %eq3A_417, %broadcast_in_dim3A_7, %broadcast_in_dim3A_5 : vector<16xi1>, vector<16xf32>
    %add3A_419 = arith.addf %add3A_416, %select_n3A_418 : vector<16xf32>
    %eq3A_420 = arith.cmpf oeq, %select_n3A_370, %min3A_407 : vector<16xf32>
    %select_n3A_421 = arith.select %eq3A_420, %broadcast_in_dim3A_7, %broadcast_in_dim3A_5 : vector<16xi1>, vector<16xf32>
    %add3A_422 = arith.addf %add3A_419, %select_n3A_421 : vector<16xf32>
    %eq3A_423 = arith.cmpf oeq, %select_n3A_372, %min3A_407 : vector<16xf32>
    %select_n3A_424 = arith.select %eq3A_423, %broadcast_in_dim3A_7, %broadcast_in_dim3A_5 : vector<16xi1>, vector<16xf32>
    %add3A_425 = arith.addf %add3A_422, %select_n3A_424 : vector<16xf32>
    %eq3A_426 = arith.cmpf oeq, %select_n3A_374, %min3A_407 : vector<16xf32>
    %select_n3A_427 = arith.select %eq3A_426, %broadcast_in_dim3A_7, %broadcast_in_dim3A_5 : vector<16xi1>, vector<16xf32>
    %add3A_428 = arith.addf %add3A_425, %select_n3A_427 : vector<16xf32>
    %eq3A_429 = arith.cmpf oeq, %select_n3A_376, %min3A_407 : vector<16xf32>
    %select_n3A_430 = arith.select %eq3A_429, %broadcast_in_dim3A_7, %broadcast_in_dim3A_5 : vector<16xi1>, vector<16xf32>
    %add3A_431 = arith.addf %add3A_428, %select_n3A_430 : vector<16xf32>
    %eq3A_432 = arith.cmpf oeq, %select_n3A_378, %min3A_407 : vector<16xf32>
    %select_n3A_433 = arith.select %eq3A_432, %broadcast_in_dim3A_7, %broadcast_in_dim3A_5 : vector<16xi1>, vector<16xf32>
    %add3A_434 = arith.addf %add3A_431, %select_n3A_433 : vector<16xf32>
    %eq3A_435 = arith.cmpf oeq, %select_n3A_380, %min3A_407 : vector<16xf32>
    %select_n3A_436 = arith.select %eq3A_435, %broadcast_in_dim3A_7, %broadcast_in_dim3A_5 : vector<16xi1>, vector<16xf32>
    %add3A_437 = arith.addf %add3A_434, %select_n3A_436 : vector<16xf32>
    %eq3A_438 = arith.cmpf oeq, %select_n3A_382, %min3A_407 : vector<16xf32>
    %select_n3A_439 = arith.select %eq3A_438, %broadcast_in_dim3A_7, %broadcast_in_dim3A_5 : vector<16xi1>, vector<16xf32>
    %add3A_440 = arith.addf %add3A_437, %select_n3A_439 : vector<16xf32>
    %eq3A_441 = arith.cmpf oeq, %select_n3A_384, %min3A_407 : vector<16xf32>
    %select_n3A_442 = arith.select %eq3A_441, %broadcast_in_dim3A_7, %broadcast_in_dim3A_5 : vector<16xi1>, vector<16xf32>
    %add3A_443 = arith.addf %add3A_440, %select_n3A_442 : vector<16xf32>
    %eq3A_444 = arith.cmpf oeq, %select_n3A_386, %min3A_407 : vector<16xf32>
    %select_n3A_445 = arith.select %eq3A_444, %broadcast_in_dim3A_7, %broadcast_in_dim3A_5 : vector<16xi1>, vector<16xf32>
    %add3A_446 = arith.addf %add3A_443, %select_n3A_445 : vector<16xf32>
    %eq3A_447 = arith.cmpf oeq, %select_n3A_388, %min3A_407 : vector<16xf32>
    %select_n3A_448 = arith.select %eq3A_447, %broadcast_in_dim3A_7, %broadcast_in_dim3A_5 : vector<16xi1>, vector<16xf32>
    %add3A_449 = arith.addf %add3A_446, %select_n3A_448 : vector<16xf32>
    %eq3A_450 = arith.cmpf oeq, %select_n3A_390, %min3A_407 : vector<16xf32>
    %select_n3A_451 = arith.select %eq3A_450, %broadcast_in_dim3A_7, %broadcast_in_dim3A_5 : vector<16xi1>, vector<16xf32>
    %add3A_452 = arith.addf %add3A_449, %select_n3A_451 : vector<16xf32>
    %eq3A_453 = arith.cmpf oeq, %select_n3A_392, %min3A_407 : vector<16xf32>
    %select_n3A_454 = arith.select %eq3A_453, %broadcast_in_dim3A_7, %broadcast_in_dim3A_5 : vector<16xi1>, vector<16xf32>
    %add3A_455 = arith.addf %add3A_452, %select_n3A_454 : vector<16xf32>
    %min3A_456 = arith.minimumf %add3A_455, %sub3A_360 : vector<16xf32>
    %gt3A_457 = arith.constant 0.000000e+00 : f32
    %gt3A_458 = vector.broadcast %gt3A_457 : f32 to vector<16xf32>
    %gt3A_459 = arith.cmpf ogt, %min3A_456, %gt3A_458 : vector<16xf32>
    %mul3A_460 = arith.mulf %min3A_456, %min3A_407 : vector<16xf32>
    %select_n3A_461 = arith.select %gt3A_459, %mul3A_460, %broadcast_in_dim3A_5 : vector<16xi1>, vector<16xf32>
    %add3A_462 = arith.addf %add3A_359, %select_n3A_461 : vector<16xf32>
    %sub3A_463 = arith.subf %sub3A_360, %min3A_456 : vector<16xf32>
    %eq3A_464 = arith.cmpf oeq, %select_n3A_362, %min3A_407 : vector<16xf32>
    %select_n3A_465 = arith.select %eq3A_464, %broadcast_in_dim3A_3, %select_n3A_362 : vector<16xi1>, vector<16xf32>
    %eq3A_466 = arith.cmpf oeq, %select_n3A_364, %min3A_407 : vector<16xf32>
    %select_n3A_467 = arith.select %eq3A_466, %broadcast_in_dim3A_3, %select_n3A_364 : vector<16xi1>, vector<16xf32>
    %eq3A_468 = arith.cmpf oeq, %select_n3A_366, %min3A_407 : vector<16xf32>
    %select_n3A_469 = arith.select %eq3A_468, %broadcast_in_dim3A_3, %select_n3A_366 : vector<16xi1>, vector<16xf32>
    %eq3A_470 = arith.cmpf oeq, %select_n3A_368, %min3A_407 : vector<16xf32>
    %select_n3A_471 = arith.select %eq3A_470, %broadcast_in_dim3A_3, %select_n3A_368 : vector<16xi1>, vector<16xf32>
    %eq3A_472 = arith.cmpf oeq, %select_n3A_370, %min3A_407 : vector<16xf32>
    %select_n3A_473 = arith.select %eq3A_472, %broadcast_in_dim3A_3, %select_n3A_370 : vector<16xi1>, vector<16xf32>
    %eq3A_474 = arith.cmpf oeq, %select_n3A_372, %min3A_407 : vector<16xf32>
    %select_n3A_475 = arith.select %eq3A_474, %broadcast_in_dim3A_3, %select_n3A_372 : vector<16xi1>, vector<16xf32>
    %eq3A_476 = arith.cmpf oeq, %select_n3A_374, %min3A_407 : vector<16xf32>
    %select_n3A_477 = arith.select %eq3A_476, %broadcast_in_dim3A_3, %select_n3A_374 : vector<16xi1>, vector<16xf32>
    %eq3A_478 = arith.cmpf oeq, %select_n3A_376, %min3A_407 : vector<16xf32>
    %select_n3A_479 = arith.select %eq3A_478, %broadcast_in_dim3A_3, %select_n3A_376 : vector<16xi1>, vector<16xf32>
    %eq3A_480 = arith.cmpf oeq, %select_n3A_378, %min3A_407 : vector<16xf32>
    %select_n3A_481 = arith.select %eq3A_480, %broadcast_in_dim3A_3, %select_n3A_378 : vector<16xi1>, vector<16xf32>
    %eq3A_482 = arith.cmpf oeq, %select_n3A_380, %min3A_407 : vector<16xf32>
    %select_n3A_483 = arith.select %eq3A_482, %broadcast_in_dim3A_3, %select_n3A_380 : vector<16xi1>, vector<16xf32>
    %eq3A_484 = arith.cmpf oeq, %select_n3A_382, %min3A_407 : vector<16xf32>
    %select_n3A_485 = arith.select %eq3A_484, %broadcast_in_dim3A_3, %select_n3A_382 : vector<16xi1>, vector<16xf32>
    %eq3A_486 = arith.cmpf oeq, %select_n3A_384, %min3A_407 : vector<16xf32>
    %select_n3A_487 = arith.select %eq3A_486, %broadcast_in_dim3A_3, %select_n3A_384 : vector<16xi1>, vector<16xf32>
    %eq3A_488 = arith.cmpf oeq, %select_n3A_386, %min3A_407 : vector<16xf32>
    %select_n3A_489 = arith.select %eq3A_488, %broadcast_in_dim3A_3, %select_n3A_386 : vector<16xi1>, vector<16xf32>
    %eq3A_490 = arith.cmpf oeq, %select_n3A_388, %min3A_407 : vector<16xf32>
    %select_n3A_491 = arith.select %eq3A_490, %broadcast_in_dim3A_3, %select_n3A_388 : vector<16xi1>, vector<16xf32>
    %eq3A_492 = arith.cmpf oeq, %select_n3A_390, %min3A_407 : vector<16xf32>
    %select_n3A_493 = arith.select %eq3A_492, %broadcast_in_dim3A_3, %select_n3A_390 : vector<16xi1>, vector<16xf32>
    %eq3A_494 = arith.cmpf oeq, %select_n3A_392, %min3A_407 : vector<16xf32>
    %select_n3A_495 = arith.select %eq3A_494, %broadcast_in_dim3A_3, %select_n3A_392 : vector<16xi1>, vector<16xf32>
    %mul3A_496 = arith.constant 2.500000e-01 : f32
    %mul3A_497 = vector.broadcast %mul3A_496 : f32 to vector<16xf32>
    %mul3A_498 = arith.mulf %add3A_462, %mul3A_497 : vector<16xf32>
    %swap3A = arith.constant 0 : index
    %swap3A_499 = tpu.vector_load %arg5[%swap3A] {strides = array<i32>} : memref<128xf32, #tpu.memory_space<vmem>>, vector<16xf32>,
    %swap3A_500 = vector.shape_cast %swap3A_499 : vector<16xf32> to vector<16xf32>
    %swap3A_501 = vector.shape_cast %mul3A_498 : vector<16xf32> to vector<16xf32>
    tpu.vector_store %arg5[%swap3A], %swap3A_501 {strides = array<i32>} : memref<128xf32, #tpu.memory_space<vmem>>, vector<16xf32>,
    %get3A_502 = arith.constant 0 : i32
    %get3A_503 = arith.index_cast %get3A_502 : i32 to index
    %get3A_504 = arith.constant 16 : index
    %get3A_505 = tpu.vector_load %arg4[%get3A_503, %get3A_504] {strides = array<i32>} : memref<16x128xf32, #tpu.memory_space<vmem>>, vector<1x16xf32>,
    %get3A_506 = vector.shape_cast %get3A_505 : vector<1x16xf32> to vector<16xf32>
    %get3A_507 = arith.constant 1 : i32
    %get3A_508 = arith.index_cast %get3A_507 : i32 to index
    %get3A_509 = arith.constant 16 : index
    %get3A_510 = tpu.vector_load %arg4[%get3A_508, %get3A_509] {strides = array<i32>} : memref<16x128xf32, #tpu.memory_space<vmem>>, vector<1x16xf32>,
    %get3A_511 = vector.shape_cast %get3A_510 : vector<1x16xf32> to vector<16xf32>
    %get3A_512 = arith.constant 2 : i32
    %get3A_513 = arith.index_cast %get3A_512 : i32 to index
    %get3A_514 = arith.constant 16 : index
    %get3A_515 = tpu.vector_load %arg4[%get3A_513, %get3A_514] {strides = array<i32>} : memref<16x128xf32, #tpu.memory_space<vmem>>, vector<1x16xf32>,
    %get3A_516 = vector.shape_cast %get3A_515 : vector<1x16xf32> to vector<16xf32>
    %get3A_517 = arith.constant 3 : i32
    %get3A_518 = arith.index_cast %get3A_517 : i32 to index
    %get3A_519 = arith.constant 16 : index
    %get3A_520 = tpu.vector_load %arg4[%get3A_518, %get3A_519] {strides = array<i32>} : memref<16x128xf32, #tpu.memory_space<vmem>>, vector<1x16xf32>,
    %get3A_521 = vector.shape_cast %get3A_520 : vector<1x16xf32> to vector<16xf32>
    %get3A_522 = arith.constant 4 : i32
    %get3A_523 = arith.index_cast %get3A_522 : i32 to index
    %get3A_524 = arith.constant 16 : index
    %get3A_525 = tpu.vector_load %arg4[%get3A_523, %get3A_524] {strides = array<i32>} : memref<16x128xf32, #tpu.memory_space<vmem>>, vector<1x16xf32>,
    %get3A_526 = vector.shape_cast %get3A_525 : vector<1x16xf32> to vector<16xf32>
    %get3A_527 = arith.constant 5 : i32
    %get3A_528 = arith.index_cast %get3A_527 : i32 to index
    %get3A_529 = arith.constant 16 : index
    %get3A_530 = tpu.vector_load %arg4[%get3A_528, %get3A_529] {strides = array<i32>} : memref<16x128xf32, #tpu.memory_space<vmem>>, vector<1x16xf32>,
    %get3A_531 = vector.shape_cast %get3A_530 : vector<1x16xf32> to vector<16xf32>
    %get3A_532 = arith.constant 6 : i32
    %get3A_533 = arith.index_cast %get3A_532 : i32 to index
    %get3A_534 = arith.constant 16 : index
    %get3A_535 = tpu.vector_load %arg4[%get3A_533, %get3A_534] {strides = array<i32>} : memref<16x128xf32, #tpu.memory_space<vmem>>, vector<1x16xf32>,
    %get3A_536 = vector.shape_cast %get3A_535 : vector<1x16xf32> to vector<16xf32>
    %get3A_537 = arith.constant 7 : i32
    %get3A_538 = arith.index_cast %get3A_537 : i32 to index
    %get3A_539 = arith.constant 16 : index
    %get3A_540 = tpu.vector_load %arg4[%get3A_538, %get3A_539] {strides = array<i32>} : memref<16x128xf32, #tpu.memory_space<vmem>>, vector<1x16xf32>,
    %get3A_541 = vector.shape_cast %get3A_540 : vector<1x16xf32> to vector<16xf32>
    %get3A_542 = arith.constant 8 : i32
    %get3A_543 = arith.index_cast %get3A_542 : i32 to index
    %get3A_544 = arith.constant 16 : index
    %get3A_545 = tpu.vector_load %arg4[%get3A_543, %get3A_544] {strides = array<i32>} : memref<16x128xf32, #tpu.memory_space<vmem>>, vector<1x16xf32>,
    %get3A_546 = vector.shape_cast %get3A_545 : vector<1x16xf32> to vector<16xf32>
    %get3A_547 = arith.constant 9 : i32
    %get3A_548 = arith.index_cast %get3A_547 : i32 to index
    %get3A_549 = arith.constant 16 : index
    %get3A_550 = tpu.vector_load %arg4[%get3A_548, %get3A_549] {strides = array<i32>} : memref<16x128xf32, #tpu.memory_space<vmem>>, vector<1x16xf32>,
    %get3A_551 = vector.shape_cast %get3A_550 : vector<1x16xf32> to vector<16xf32>
    %get3A_552 = arith.constant 10 : i32
    %get3A_553 = arith.index_cast %get3A_552 : i32 to index
    %get3A_554 = arith.constant 16 : index
    %get3A_555 = tpu.vector_load %arg4[%get3A_553, %get3A_554] {strides = array<i32>} : memref<16x128xf32, #tpu.memory_space<vmem>>, vector<1x16xf32>,
    %get3A_556 = vector.shape_cast %get3A_555 : vector<1x16xf32> to vector<16xf32>
    %get3A_557 = arith.constant 11 : i32
    %get3A_558 = arith.index_cast %get3A_557 : i32 to index
    %get3A_559 = arith.constant 16 : index
    %get3A_560 = tpu.vector_load %arg4[%get3A_558, %get3A_559] {strides = array<i32>} : memref<16x128xf32, #tpu.memory_space<vmem>>, vector<1x16xf32>,
    %get3A_561 = vector.shape_cast %get3A_560 : vector<1x16xf32> to vector<16xf32>
    %get3A_562 = arith.constant 12 : i32
    %get3A_563 = arith.index_cast %get3A_562 : i32 to index
    %get3A_564 = arith.constant 16 : index
    %get3A_565 = tpu.vector_load %arg4[%get3A_563, %get3A_564] {strides = array<i32>} : memref<16x128xf32, #tpu.memory_space<vmem>>, vector<1x16xf32>,
    %get3A_566 = vector.shape_cast %get3A_565 : vector<1x16xf32> to vector<16xf32>
    %get3A_567 = arith.constant 13 : i32
    %get3A_568 = arith.index_cast %get3A_567 : i32 to index
    %get3A_569 = arith.constant 16 : index
    %get3A_570 = tpu.vector_load %arg4[%get3A_568, %get3A_569] {strides = array<i32>} : memref<16x128xf32, #tpu.memory_space<vmem>>, vector<1x16xf32>,
    %get3A_571 = vector.shape_cast %get3A_570 : vector<1x16xf32> to vector<16xf32>
    %get3A_572 = arith.constant 14 : i32
    %get3A_573 = arith.index_cast %get3A_572 : i32 to index
    %get3A_574 = arith.constant 16 : index
    %get3A_575 = tpu.vector_load %arg4[%get3A_573, %get3A_574] {strides = array<i32>} : memref<16x128xf32, #tpu.memory_space<vmem>>, vector<1x16xf32>,
    %get3A_576 = vector.shape_cast %get3A_575 : vector<1x16xf32> to vector<16xf32>
    %get3A_577 = arith.constant 15 : i32
    %get3A_578 = arith.index_cast %get3A_577 : i32 to index
    %get3A_579 = arith.constant 16 : index
    %get3A_580 = tpu.vector_load %arg4[%get3A_578, %get3A_579] {strides = array<i32>} : memref<16x128xf32, #tpu.memory_space<vmem>>, vector<1x16xf32>,
    %get3A_581 = vector.shape_cast %get3A_580 : vector<1x16xf32> to vector<16xf32>
    %broadcast_in_dim3A_582 = arith.constant 4.000000e+00 : f32
    %broadcast_in_dim3A_583 = vector.broadcast %broadcast_in_dim3A_582 : f32 to vector<16xf32>
    %min3A_584 = arith.minimumf %get3A_506, %get3A_511 : vector<16xf32>
    %min3A_585 = arith.minimumf %min3A_584, %get3A_516 : vector<16xf32>
    %min3A_586 = arith.minimumf %min3A_585, %get3A_521 : vector<16xf32>
    %min3A_587 = arith.minimumf %min3A_586, %get3A_526 : vector<16xf32>
    %min3A_588 = arith.minimumf %min3A_587, %get3A_531 : vector<16xf32>
    %min3A_589 = arith.minimumf %min3A_588, %get3A_536 : vector<16xf32>
    %min3A_590 = arith.minimumf %min3A_589, %get3A_541 : vector<16xf32>
    %min3A_591 = arith.minimumf %min3A_590, %get3A_546 : vector<16xf32>
    %min3A_592 = arith.minimumf %min3A_591, %get3A_551 : vector<16xf32>
    %min3A_593 = arith.minimumf %min3A_592, %get3A_556 : vector<16xf32>
    %min3A_594 = arith.minimumf %min3A_593, %get3A_561 : vector<16xf32>
    %min3A_595 = arith.minimumf %min3A_594, %get3A_566 : vector<16xf32>
    %min3A_596 = arith.minimumf %min3A_595, %get3A_571 : vector<16xf32>
    %min3A_597 = arith.minimumf %min3A_596, %get3A_576 : vector<16xf32>
    %min3A_598 = arith.minimumf %min3A_597, %get3A_581 : vector<16xf32>
    %eq3A_599 = arith.cmpf oeq, %get3A_506, %min3A_598 : vector<16xf32>
    %select_n3A_600 = arith.select %eq3A_599, %broadcast_in_dim3A_7, %broadcast_in_dim3A_5 : vector<16xi1>, vector<16xf32>
    %add3A_601 = arith.addf %broadcast_in_dim3A_5, %select_n3A_600 : vector<16xf32>
    %eq3A_602 = arith.cmpf oeq, %get3A_511, %min3A_598 : vector<16xf32>
    %select_n3A_603 = arith.select %eq3A_602, %broadcast_in_dim3A_7, %broadcast_in_dim3A_5 : vector<16xi1>, vector<16xf32>
    %add3A_604 = arith.addf %add3A_601, %select_n3A_603 : vector<16xf32>
    %eq3A_605 = arith.cmpf oeq, %get3A_516, %min3A_598 : vector<16xf32>
    %select_n3A_606 = arith.select %eq3A_605, %broadcast_in_dim3A_7, %broadcast_in_dim3A_5 : vector<16xi1>, vector<16xf32>
    %add3A_607 = arith.addf %add3A_604, %select_n3A_606 : vector<16xf32>
    %eq3A_608 = arith.cmpf oeq, %get3A_521, %min3A_598 : vector<16xf32>
    %select_n3A_609 = arith.select %eq3A_608, %broadcast_in_dim3A_7, %broadcast_in_dim3A_5 : vector<16xi1>, vector<16xf32>
    %add3A_610 = arith.addf %add3A_607, %select_n3A_609 : vector<16xf32>
    %eq3A_611 = arith.cmpf oeq, %get3A_526, %min3A_598 : vector<16xf32>
    %select_n3A_612 = arith.select %eq3A_611, %broadcast_in_dim3A_7, %broadcast_in_dim3A_5 : vector<16xi1>, vector<16xf32>
    %add3A_613 = arith.addf %add3A_610, %select_n3A_612 : vector<16xf32>
    %eq3A_614 = arith.cmpf oeq, %get3A_531, %min3A_598 : vector<16xf32>
    %select_n3A_615 = arith.select %eq3A_614, %broadcast_in_dim3A_7, %broadcast_in_dim3A_5 : vector<16xi1>, vector<16xf32>
    %add3A_616 = arith.addf %add3A_613, %select_n3A_615 : vector<16xf32>
    %eq3A_617 = arith.cmpf oeq, %get3A_536, %min3A_598 : vector<16xf32>
    %select_n3A_618 = arith.select %eq3A_617, %broadcast_in_dim3A_7, %broadcast_in_dim3A_5 : vector<16xi1>, vector<16xf32>
    %add3A_619 = arith.addf %add3A_616, %select_n3A_618 : vector<16xf32>
    %eq3A_620 = arith.cmpf oeq, %get3A_541, %min3A_598 : vector<16xf32>
    %select_n3A_621 = arith.select %eq3A_620, %broadcast_in_dim3A_7, %broadcast_in_dim3A_5 : vector<16xi1>, vector<16xf32>
    %add3A_622 = arith.addf %add3A_619, %select_n3A_621 : vector<16xf32>
    %eq3A_623 = arith.cmpf oeq, %get3A_546, %min3A_598 : vector<16xf32>
    %select_n3A_624 = arith.select %eq3A_623, %broadcast_in_dim3A_7, %broadcast_in_dim3A_5 : vector<16xi1>, vector<16xf32>
    %add3A_625 = arith.addf %add3A_622, %select_n3A_624 : vector<16xf32>
    %eq3A_626 = arith.cmpf oeq, %get3A_551, %min3A_598 : vector<16xf32>
    %select_n3A_627 = arith.select %eq3A_626, %broadcast_in_dim3A_7, %broadcast_in_dim3A_5 : vector<16xi1>, vector<16xf32>
    %add3A_628 = arith.addf %add3A_625, %select_n3A_627 : vector<16xf32>
    %eq3A_629 = arith.cmpf oeq, %get3A_556, %min3A_598 : vector<16xf32>
    %select_n3A_630 = arith.select %eq3A_629, %broadcast_in_dim3A_7, %broadcast_in_dim3A_5 : vector<16xi1>, vector<16xf32>
    %add3A_631 = arith.addf %add3A_628, %select_n3A_630 : vector<16xf32>
    %eq3A_632 = arith.cmpf oeq, %get3A_561, %min3A_598 : vector<16xf32>
    %select_n3A_633 = arith.select %eq3A_632, %broadcast_in_dim3A_7, %broadcast_in_dim3A_5 : vector<16xi1>, vector<16xf32>
    %add3A_634 = arith.addf %add3A_631, %select_n3A_633 : vector<16xf32>
    %eq3A_635 = arith.cmpf oeq, %get3A_566, %min3A_598 : vector<16xf32>
    %select_n3A_636 = arith.select %eq3A_635, %broadcast_in_dim3A_7, %broadcast_in_dim3A_5 : vector<16xi1>, vector<16xf32>
    %add3A_637 = arith.addf %add3A_634, %select_n3A_636 : vector<16xf32>
    %eq3A_638 = arith.cmpf oeq, %get3A_571, %min3A_598 : vector<16xf32>
    %select_n3A_639 = arith.select %eq3A_638, %broadcast_in_dim3A_7, %broadcast_in_dim3A_5 : vector<16xi1>, vector<16xf32>
    %add3A_640 = arith.addf %add3A_637, %select_n3A_639 : vector<16xf32>
    %eq3A_641 = arith.cmpf oeq, %get3A_576, %min3A_598 : vector<16xf32>
    %select_n3A_642 = arith.select %eq3A_641, %broadcast_in_dim3A_7, %broadcast_in_dim3A_5 : vector<16xi1>, vector<16xf32>
    %add3A_643 = arith.addf %add3A_640, %select_n3A_642 : vector<16xf32>
    %eq3A_644 = arith.cmpf oeq, %get3A_581, %min3A_598 : vector<16xf32>
    %select_n3A_645 = arith.select %eq3A_644, %broadcast_in_dim3A_7, %broadcast_in_dim3A_5 : vector<16xi1>, vector<16xf32>
    %add3A_646 = arith.addf %add3A_643, %select_n3A_645 : vector<16xf32>
    %min3A_647 = arith.minimumf %add3A_646, %broadcast_in_dim3A_583 : vector<16xf32>
    %gt3A_648 = arith.constant 0.000000e+00 : f32
    %gt3A_649 = vector.broadcast %gt3A_648 : f32 to vector<16xf32>
    %gt3A_650 = arith.cmpf ogt, %min3A_647, %gt3A_649 : vector<16xf32>
    %mul3A_651 = arith.mulf %min3A_647, %min3A_598 : vector<16xf32>
    %select_n3A_652 = arith.select %gt3A_650, %mul3A_651, %broadcast_in_dim3A_5 : vector<16xi1>, vector<16xf32>
    %add3A_653 = arith.addf %broadcast_in_dim3A_5, %select_n3A_652 : vector<16xf32>
    %sub3A_654 = arith.subf %broadcast_in_dim3A_583, %min3A_647 : vector<16xf32>
    %eq3A_655 = arith.cmpf oeq, %get3A_506, %min3A_598 : vector<16xf32>
    %select_n3A_656 = arith.select %eq3A_655, %broadcast_in_dim3A_3, %get3A_506 : vector<16xi1>, vector<16xf32>
    %eq3A_657 = arith.cmpf oeq, %get3A_511, %min3A_598 : vector<16xf32>
    %select_n3A_658 = arith.select %eq3A_657, %broadcast_in_dim3A_3, %get3A_511 : vector<16xi1>, vector<16xf32>
    %eq3A_659 = arith.cmpf oeq, %get3A_516, %min3A_598 : vector<16xf32>
    %select_n3A_660 = arith.select %eq3A_659, %broadcast_in_dim3A_3, %get3A_516 : vector<16xi1>, vector<16xf32>
    %eq3A_661 = arith.cmpf oeq, %get3A_521, %min3A_598 : vector<16xf32>
    %select_n3A_662 = arith.select %eq3A_661, %broadcast_in_dim3A_3, %get3A_521 : vector<16xi1>, vector<16xf32>
    %eq3A_663 = arith.cmpf oeq, %get3A_526, %min3A_598 : vector<16xf32>
    %select_n3A_664 = arith.select %eq3A_663, %broadcast_in_dim3A_3, %get3A_526 : vector<16xi1>, vector<16xf32>
    %eq3A_665 = arith.cmpf oeq, %get3A_531, %min3A_598 : vector<16xf32>
    %select_n3A_666 = arith.select %eq3A_665, %broadcast_in_dim3A_3, %get3A_531 : vector<16xi1>, vector<16xf32>
    %eq3A_667 = arith.cmpf oeq, %get3A_536, %min3A_598 : vector<16xf32>
    %select_n3A_668 = arith.select %eq3A_667, %broadcast_in_dim3A_3, %get3A_536 : vector<16xi1>, vector<16xf32>
    %eq3A_669 = arith.cmpf oeq, %get3A_541, %min3A_598 : vector<16xf32>
    %select_n3A_670 = arith.select %eq3A_669, %broadcast_in_dim3A_3, %get3A_541 : vector<16xi1>, vector<16xf32>
    %eq3A_671 = arith.cmpf oeq, %get3A_546, %min3A_598 : vector<16xf32>
    %select_n3A_672 = arith.select %eq3A_671, %broadcast_in_dim3A_3, %get3A_546 : vector<16xi1>, vector<16xf32>
    %eq3A_673 = arith.cmpf oeq, %get3A_551, %min3A_598 : vector<16xf32>
    %select_n3A_674 = arith.select %eq3A_673, %broadcast_in_dim3A_3, %get3A_551 : vector<16xi1>, vector<16xf32>
    %eq3A_675 = arith.cmpf oeq, %get3A_556, %min3A_598 : vector<16xf32>
    %select_n3A_676 = arith.select %eq3A_675, %broadcast_in_dim3A_3, %get3A_556 : vector<16xi1>, vector<16xf32>
    %eq3A_677 = arith.cmpf oeq, %get3A_561, %min3A_598 : vector<16xf32>
    %select_n3A_678 = arith.select %eq3A_677, %broadcast_in_dim3A_3, %get3A_561 : vector<16xi1>, vector<16xf32>
    %eq3A_679 = arith.cmpf oeq, %get3A_566, %min3A_598 : vector<16xf32>
    %select_n3A_680 = arith.select %eq3A_679, %broadcast_in_dim3A_3, %get3A_566 : vector<16xi1>, vector<16xf32>
    %eq3A_681 = arith.cmpf oeq, %get3A_571, %min3A_598 : vector<16xf32>
    %select_n3A_682 = arith.select %eq3A_681, %broadcast_in_dim3A_3, %get3A_571 : vector<16xi1>, vector<16xf32>
    %eq3A_683 = arith.cmpf oeq, %get3A_576, %min3A_598 : vector<16xf32>
    %select_n3A_684 = arith.select %eq3A_683, %broadcast_in_dim3A_3, %get3A_576 : vector<16xi1>, vector<16xf32>
    %eq3A_685 = arith.cmpf oeq, %get3A_581, %min3A_598 : vector<16xf32>
    %select_n3A_686 = arith.select %eq3A_685, %broadcast_in_dim3A_3, %get3A_581 : vector<16xi1>, vector<16xf32>
    %min3A_687 = arith.minimumf %select_n3A_656, %select_n3A_658 : vector<16xf32>
    %min3A_688 = arith.minimumf %min3A_687, %select_n3A_660 : vector<16xf32>
    %min3A_689 = arith.minimumf %min3A_688, %select_n3A_662 : vector<16xf32>
    %min3A_690 = arith.minimumf %min3A_689, %select_n3A_664 : vector<16xf32>
    %min3A_691 = arith.minimumf %min3A_690, %select_n3A_666 : vector<16xf32>
    %min3A_692 = arith.minimumf %min3A_691, %select_n3A_668 : vector<16xf32>
    %min3A_693 = arith.minimumf %min3A_692, %select_n3A_670 : vector<16xf32>
    %min3A_694 = arith.minimumf %min3A_693, %select_n3A_672 : vector<16xf32>
    %min3A_695 = arith.minimumf %min3A_694, %select_n3A_674 : vector<16xf32>
    %min3A_696 = arith.minimumf %min3A_695, %select_n3A_676 : vector<16xf32>
    %min3A_697 = arith.minimumf %min3A_696, %select_n3A_678 : vector<16xf32>
    %min3A_698 = arith.minimumf %min3A_697, %select_n3A_680 : vector<16xf32>
    %min3A_699 = arith.minimumf %min3A_698, %select_n3A_682 : vector<16xf32>
    %min3A_700 = arith.minimumf %min3A_699, %select_n3A_684 : vector<16xf32>
    %min3A_701 = arith.minimumf %min3A_700, %select_n3A_686 : vector<16xf32>
    %eq3A_702 = arith.cmpf oeq, %select_n3A_656, %min3A_701 : vector<16xf32>
    %select_n3A_703 = arith.select %eq3A_702, %broadcast_in_dim3A_7, %broadcast_in_dim3A_5 : vector<16xi1>, vector<16xf32>
    %add3A_704 = arith.addf %broadcast_in_dim3A_5, %select_n3A_703 : vector<16xf32>
    %eq3A_705 = arith.cmpf oeq, %select_n3A_658, %min3A_701 : vector<16xf32>
    %select_n3A_706 = arith.select %eq3A_705, %broadcast_in_dim3A_7, %broadcast_in_dim3A_5 : vector<16xi1>, vector<16xf32>
    %add3A_707 = arith.addf %add3A_704, %select_n3A_706 : vector<16xf32>
    %eq3A_708 = arith.cmpf oeq, %select_n3A_660, %min3A_701 : vector<16xf32>
    %select_n3A_709 = arith.select %eq3A_708, %broadcast_in_dim3A_7, %broadcast_in_dim3A_5 : vector<16xi1>, vector<16xf32>
    %add3A_710 = arith.addf %add3A_707, %select_n3A_709 : vector<16xf32>
    %eq3A_711 = arith.cmpf oeq, %select_n3A_662, %min3A_701 : vector<16xf32>
    %select_n3A_712 = arith.select %eq3A_711, %broadcast_in_dim3A_7, %broadcast_in_dim3A_5 : vector<16xi1>, vector<16xf32>
    %add3A_713 = arith.addf %add3A_710, %select_n3A_712 : vector<16xf32>
    %eq3A_714 = arith.cmpf oeq, %select_n3A_664, %min3A_701 : vector<16xf32>
    %select_n3A_715 = arith.select %eq3A_714, %broadcast_in_dim3A_7, %broadcast_in_dim3A_5 : vector<16xi1>, vector<16xf32>
    %add3A_716 = arith.addf %add3A_713, %select_n3A_715 : vector<16xf32>
    %eq3A_717 = arith.cmpf oeq, %select_n3A_666, %min3A_701 : vector<16xf32>
    %select_n3A_718 = arith.select %eq3A_717, %broadcast_in_dim3A_7, %broadcast_in_dim3A_5 : vector<16xi1>, vector<16xf32>
    %add3A_719 = arith.addf %add3A_716, %select_n3A_718 : vector<16xf32>
    %eq3A_720 = arith.cmpf oeq, %select_n3A_668, %min3A_701 : vector<16xf32>
    %select_n3A_721 = arith.select %eq3A_720, %broadcast_in_dim3A_7, %broadcast_in_dim3A_5 : vector<16xi1>, vector<16xf32>
    %add3A_722 = arith.addf %add3A_719, %select_n3A_721 : vector<16xf32>
    %eq3A_723 = arith.cmpf oeq, %select_n3A_670, %min3A_701 : vector<16xf32>
    %select_n3A_724 = arith.select %eq3A_723, %broadcast_in_dim3A_7, %broadcast_in_dim3A_5 : vector<16xi1>, vector<16xf32>
    %add3A_725 = arith.addf %add3A_722, %select_n3A_724 : vector<16xf32>
    %eq3A_726 = arith.cmpf oeq, %select_n3A_672, %min3A_701 : vector<16xf32>
    %select_n3A_727 = arith.select %eq3A_726, %broadcast_in_dim3A_7, %broadcast_in_dim3A_5 : vector<16xi1>, vector<16xf32>
    %add3A_728 = arith.addf %add3A_725, %select_n3A_727 : vector<16xf32>
    %eq3A_729 = arith.cmpf oeq, %select_n3A_674, %min3A_701 : vector<16xf32>
    %select_n3A_730 = arith.select %eq3A_729, %broadcast_in_dim3A_7, %broadcast_in_dim3A_5 : vector<16xi1>, vector<16xf32>
    %add3A_731 = arith.addf %add3A_728, %select_n3A_730 : vector<16xf32>
    %eq3A_732 = arith.cmpf oeq, %select_n3A_676, %min3A_701 : vector<16xf32>
    %select_n3A_733 = arith.select %eq3A_732, %broadcast_in_dim3A_7, %broadcast_in_dim3A_5 : vector<16xi1>, vector<16xf32>
    %add3A_734 = arith.addf %add3A_731, %select_n3A_733 : vector<16xf32>
    %eq3A_735 = arith.cmpf oeq, %select_n3A_678, %min3A_701 : vector<16xf32>
    %select_n3A_736 = arith.select %eq3A_735, %broadcast_in_dim3A_7, %broadcast_in_dim3A_5 : vector<16xi1>, vector<16xf32>
    %add3A_737 = arith.addf %add3A_734, %select_n3A_736 : vector<16xf32>
    %eq3A_738 = arith.cmpf oeq, %select_n3A_680, %min3A_701 : vector<16xf32>
    %select_n3A_739 = arith.select %eq3A_738, %broadcast_in_dim3A_7, %broadcast_in_dim3A_5 : vector<16xi1>, vector<16xf32>
    %add3A_740 = arith.addf %add3A_737, %select_n3A_739 : vector<16xf32>
    %eq3A_741 = arith.cmpf oeq, %select_n3A_682, %min3A_701 : vector<16xf32>
    %select_n3A_742 = arith.select %eq3A_741, %broadcast_in_dim3A_7, %broadcast_in_dim3A_5 : vector<16xi1>, vector<16xf32>
    %add3A_743 = arith.addf %add3A_740, %select_n3A_742 : vector<16xf32>
    %eq3A_744 = arith.cmpf oeq, %select_n3A_684, %min3A_701 : vector<16xf32>
    %select_n3A_745 = arith.select %eq3A_744, %broadcast_in_dim3A_7, %broadcast_in_dim3A_5 : vector<16xi1>, vector<16xf32>
    %add3A_746 = arith.addf %add3A_743, %select_n3A_745 : vector<16xf32>
    %eq3A_747 = arith.cmpf oeq, %select_n3A_686, %min3A_701 : vector<16xf32>
    %select_n3A_748 = arith.select %eq3A_747, %broadcast_in_dim3A_7, %broadcast_in_dim3A_5 : vector<16xi1>, vector<16xf32>
    %add3A_749 = arith.addf %add3A_746, %select_n3A_748 : vector<16xf32>
    %min3A_750 = arith.minimumf %add3A_749, %sub3A_654 : vector<16xf32>
    %gt3A_751 = arith.constant 0.000000e+00 : f32
    %gt3A_752 = vector.broadcast %gt3A_751 : f32 to vector<16xf32>
    %gt3A_753 = arith.cmpf ogt, %min3A_750, %gt3A_752 : vector<16xf32>
    %mul3A_754 = arith.mulf %min3A_750, %min3A_701 : vector<16xf32>
    %select_n3A_755 = arith.select %gt3A_753, %mul3A_754, %broadcast_in_dim3A_5 : vector<16xi1>, vector<16xf32>
    %add3A_756 = arith.addf %add3A_653, %select_n3A_755 : vector<16xf32>
    %sub3A_757 = arith.subf %sub3A_654, %min3A_750 : vector<16xf32>
    %eq3A_758 = arith.cmpf oeq, %select_n3A_656, %min3A_701 : vector<16xf32>
    %select_n3A_759 = arith.select %eq3A_758, %broadcast_in_dim3A_3, %select_n3A_656 : vector<16xi1>, vector<16xf32>
    %eq3A_760 = arith.cmpf oeq, %select_n3A_658, %min3A_701 : vector<16xf32>
    %select_n3A_761 = arith.select %eq3A_760, %broadcast_in_dim3A_3, %select_n3A_658 : vector<16xi1>, vector<16xf32>
    %eq3A_762 = arith.cmpf oeq, %select_n3A_660, %min3A_701 : vector<16xf32>
    %select_n3A_763 = arith.select %eq3A_762, %broadcast_in_dim3A_3, %select_n3A_660 : vector<16xi1>, vector<16xf32>
    %eq3A_764 = arith.cmpf oeq, %select_n3A_662, %min3A_701 : vector<16xf32>
    %select_n3A_765 = arith.select %eq3A_764, %broadcast_in_dim3A_3, %select_n3A_662 : vector<16xi1>, vector<16xf32>
    %eq3A_766 = arith.cmpf oeq, %select_n3A_664, %min3A_701 : vector<16xf32>
    %select_n3A_767 = arith.select %eq3A_766, %broadcast_in_dim3A_3, %select_n3A_664 : vector<16xi1>, vector<16xf32>
    %eq3A_768 = arith.cmpf oeq, %select_n3A_666, %min3A_701 : vector<16xf32>
    %select_n3A_769 = arith.select %eq3A_768, %broadcast_in_dim3A_3, %select_n3A_666 : vector<16xi1>, vector<16xf32>
    %eq3A_770 = arith.cmpf oeq, %select_n3A_668, %min3A_701 : vector<16xf32>
    %select_n3A_771 = arith.select %eq3A_770, %broadcast_in_dim3A_3, %select_n3A_668 : vector<16xi1>, vector<16xf32>
    %eq3A_772 = arith.cmpf oeq, %select_n3A_670, %min3A_701 : vector<16xf32>
    %select_n3A_773 = arith.select %eq3A_772, %broadcast_in_dim3A_3, %select_n3A_670 : vector<16xi1>, vector<16xf32>
    %eq3A_774 = arith.cmpf oeq, %select_n3A_672, %min3A_701 : vector<16xf32>
    %select_n3A_775 = arith.select %eq3A_774, %broadcast_in_dim3A_3, %select_n3A_672 : vector<16xi1>, vector<16xf32>
    %eq3A_776 = arith.cmpf oeq, %select_n3A_674, %min3A_701 : vector<16xf32>
    %select_n3A_777 = arith.select %eq3A_776, %broadcast_in_dim3A_3, %select_n3A_674 : vector<16xi1>, vector<16xf32>
    %eq3A_778 = arith.cmpf oeq, %select_n3A_676, %min3A_701 : vector<16xf32>
    %select_n3A_779 = arith.select %eq3A_778, %broadcast_in_dim3A_3, %select_n3A_676 : vector<16xi1>, vector<16xf32>
    %eq3A_780 = arith.cmpf oeq, %select_n3A_678, %min3A_701 : vector<16xf32>
    %select_n3A_781 = arith.select %eq3A_780, %broadcast_in_dim3A_3, %select_n3A_678 : vector<16xi1>, vector<16xf32>
    %eq3A_782 = arith.cmpf oeq, %select_n3A_680, %min3A_701 : vector<16xf32>
    %select_n3A_783 = arith.select %eq3A_782, %broadcast_in_dim3A_3, %select_n3A_680 : vector<16xi1>, vector<16xf32>
    %eq3A_784 = arith.cmpf oeq, %select_n3A_682, %min3A_701 : vector<16xf32>
    %select_n3A_785 = arith.select %eq3A_784, %broadcast_in_dim3A_3, %select_n3A_682 : vector<16xi1>, vector<16xf32>
    %eq3A_786 = arith.cmpf oeq, %select_n3A_684, %min3A_701 : vector<16xf32>
    %select_n3A_787 = arith.select %eq3A_786, %broadcast_in_dim3A_3, %select_n3A_684 : vector<16xi1>, vector<16xf32>
    %eq3A_788 = arith.cmpf oeq, %select_n3A_686, %min3A_701 : vector<16xf32>
    %select_n3A_789 = arith.select %eq3A_788, %broadcast_in_dim3A_3, %select_n3A_686 : vector<16xi1>, vector<16xf32>
    %min3A_790 = arith.minimumf %select_n3A_759, %select_n3A_761 : vector<16xf32>
    %min3A_791 = arith.minimumf %min3A_790, %select_n3A_763 : vector<16xf32>
    %min3A_792 = arith.minimumf %min3A_791, %select_n3A_765 : vector<16xf32>
    %min3A_793 = arith.minimumf %min3A_792, %select_n3A_767 : vector<16xf32>
    %min3A_794 = arith.minimumf %min3A_793, %select_n3A_769 : vector<16xf32>
    %min3A_795 = arith.minimumf %min3A_794, %select_n3A_771 : vector<16xf32>
    %min3A_796 = arith.minimumf %min3A_795, %select_n3A_773 : vector<16xf32>
    %min3A_797 = arith.minimumf %min3A_796, %select_n3A_775 : vector<16xf32>
    %min3A_798 = arith.minimumf %min3A_797, %select_n3A_777 : vector<16xf32>
    %min3A_799 = arith.minimumf %min3A_798, %select_n3A_779 : vector<16xf32>
    %min3A_800 = arith.minimumf %min3A_799, %select_n3A_781 : vector<16xf32>
    %min3A_801 = arith.minimumf %min3A_800, %select_n3A_783 : vector<16xf32>
    %min3A_802 = arith.minimumf %min3A_801, %select_n3A_785 : vector<16xf32>
    %min3A_803 = arith.minimumf %min3A_802, %select_n3A_787 : vector<16xf32>
    %min3A_804 = arith.minimumf %min3A_803, %select_n3A_789 : vector<16xf32>
    %eq3A_805 = arith.cmpf oeq, %select_n3A_759, %min3A_804 : vector<16xf32>
    %select_n3A_806 = arith.select %eq3A_805, %broadcast_in_dim3A_7, %broadcast_in_dim3A_5 : vector<16xi1>, vector<16xf32>
    %add3A_807 = arith.addf %broadcast_in_dim3A_5, %select_n3A_806 : vector<16xf32>
    %eq3A_808 = arith.cmpf oeq, %select_n3A_761, %min3A_804 : vector<16xf32>
    %select_n3A_809 = arith.select %eq3A_808, %broadcast_in_dim3A_7, %broadcast_in_dim3A_5 : vector<16xi1>, vector<16xf32>
    %add3A_810 = arith.addf %add3A_807, %select_n3A_809 : vector<16xf32>
    %eq3A_811 = arith.cmpf oeq, %select_n3A_763, %min3A_804 : vector<16xf32>
    %select_n3A_812 = arith.select %eq3A_811, %broadcast_in_dim3A_7, %broadcast_in_dim3A_5 : vector<16xi1>, vector<16xf32>
    %add3A_813 = arith.addf %add3A_810, %select_n3A_812 : vector<16xf32>
    %eq3A_814 = arith.cmpf oeq, %select_n3A_765, %min3A_804 : vector<16xf32>
    %select_n3A_815 = arith.select %eq3A_814, %broadcast_in_dim3A_7, %broadcast_in_dim3A_5 : vector<16xi1>, vector<16xf32>
    %add3A_816 = arith.addf %add3A_813, %select_n3A_815 : vector<16xf32>
    %eq3A_817 = arith.cmpf oeq, %select_n3A_767, %min3A_804 : vector<16xf32>
    %select_n3A_818 = arith.select %eq3A_817, %broadcast_in_dim3A_7, %broadcast_in_dim3A_5 : vector<16xi1>, vector<16xf32>
    %add3A_819 = arith.addf %add3A_816, %select_n3A_818 : vector<16xf32>
    %eq3A_820 = arith.cmpf oeq, %select_n3A_769, %min3A_804 : vector<16xf32>
    %select_n3A_821 = arith.select %eq3A_820, %broadcast_in_dim3A_7, %broadcast_in_dim3A_5 : vector<16xi1>, vector<16xf32>
    %add3A_822 = arith.addf %add3A_819, %select_n3A_821 : vector<16xf32>
    %eq3A_823 = arith.cmpf oeq, %select_n3A_771, %min3A_804 : vector<16xf32>
    %select_n3A_824 = arith.select %eq3A_823, %broadcast_in_dim3A_7, %broadcast_in_dim3A_5 : vector<16xi1>, vector<16xf32>
    %add3A_825 = arith.addf %add3A_822, %select_n3A_824 : vector<16xf32>
    %eq3A_826 = arith.cmpf oeq, %select_n3A_773, %min3A_804 : vector<16xf32>
    %select_n3A_827 = arith.select %eq3A_826, %broadcast_in_dim3A_7, %broadcast_in_dim3A_5 : vector<16xi1>, vector<16xf32>
    %add3A_828 = arith.addf %add3A_825, %select_n3A_827 : vector<16xf32>
    %eq3A_829 = arith.cmpf oeq, %select_n3A_775, %min3A_804 : vector<16xf32>
    %select_n3A_830 = arith.select %eq3A_829, %broadcast_in_dim3A_7, %broadcast_in_dim3A_5 : vector<16xi1>, vector<16xf32>
    %add3A_831 = arith.addf %add3A_828, %select_n3A_830 : vector<16xf32>
    %eq3A_832 = arith.cmpf oeq, %select_n3A_777, %min3A_804 : vector<16xf32>
    %select_n3A_833 = arith.select %eq3A_832, %broadcast_in_dim3A_7, %broadcast_in_dim3A_5 : vector<16xi1>, vector<16xf32>
    %add3A_834 = arith.addf %add3A_831, %select_n3A_833 : vector<16xf32>
    %eq3A_835 = arith.cmpf oeq, %select_n3A_779, %min3A_804 : vector<16xf32>
    %select_n3A_836 = arith.select %eq3A_835, %broadcast_in_dim3A_7, %broadcast_in_dim3A_5 : vector<16xi1>, vector<16xf32>
    %add3A_837 = arith.addf %add3A_834, %select_n3A_836 : vector<16xf32>
    %eq3A_838 = arith.cmpf oeq, %select_n3A_781, %min3A_804 : vector<16xf32>
    %select_n3A_839 = arith.select %eq3A_838, %broadcast_in_dim3A_7, %broadcast_in_dim3A_5 : vector<16xi1>, vector<16xf32>
    %add3A_840 = arith.addf %add3A_837, %select_n3A_839 : vector<16xf32>
    %eq3A_841 = arith.cmpf oeq, %select_n3A_783, %min3A_804 : vector<16xf32>
    %select_n3A_842 = arith.select %eq3A_841, %broadcast_in_dim3A_7, %broadcast_in_dim3A_5 : vector<16xi1>, vector<16xf32>
    %add3A_843 = arith.addf %add3A_840, %select_n3A_842 : vector<16xf32>
    %eq3A_844 = arith.cmpf oeq, %select_n3A_785, %min3A_804 : vector<16xf32>
    %select_n3A_845 = arith.select %eq3A_844, %broadcast_in_dim3A_7, %broadcast_in_dim3A_5 : vector<16xi1>, vector<16xf32>
    %add3A_846 = arith.addf %add3A_843, %select_n3A_845 : vector<16xf32>
    %eq3A_847 = arith.cmpf oeq, %select_n3A_787, %min3A_804 : vector<16xf32>
    %select_n3A_848 = arith.select %eq3A_847, %broadcast_in_dim3A_7, %broadcast_in_dim3A_5 : vector<16xi1>, vector<16xf32>
    %add3A_849 = arith.addf %add3A_846, %select_n3A_848 : vector<16xf32>
    %eq3A_850 = arith.cmpf oeq, %select_n3A_789, %min3A_804 : vector<16xf32>
    %select_n3A_851 = arith.select %eq3A_850, %broadcast_in_dim3A_7, %broadcast_in_dim3A_5 : vector<16xi1>, vector<16xf32>
    %add3A_852 = arith.addf %add3A_849, %select_n3A_851 : vector<16xf32>
    %min3A_853 = arith.minimumf %add3A_852, %sub3A_757 : vector<16xf32>
    %gt3A_854 = arith.constant 0.000000e+00 : f32
    %gt3A_855 = vector.broadcast %gt3A_854 : f32 to vector<16xf32>
    %gt3A_856 = arith.cmpf ogt, %min3A_853, %gt3A_855 : vector<16xf32>
    %mul3A_857 = arith.mulf %min3A_853, %min3A_804 : vector<16xf32>
    %select_n3A_858 = arith.select %gt3A_856, %mul3A_857, %broadcast_in_dim3A_5 : vector<16xi1>, vector<16xf32>
    %add3A_859 = arith.addf %add3A_756, %select_n3A_858 : vector<16xf32>
    %sub3A_860 = arith.subf %sub3A_757, %min3A_853 : vector<16xf32>
    %eq3A_861 = arith.cmpf oeq, %select_n3A_759, %min3A_804 : vector<16xf32>
    %select_n3A_862 = arith.select %eq3A_861, %broadcast_in_dim3A_3, %select_n3A_759 : vector<16xi1>, vector<16xf32>
    %eq3A_863 = arith.cmpf oeq, %select_n3A_761, %min3A_804 : vector<16xf32>
    %select_n3A_864 = arith.select %eq3A_863, %broadcast_in_dim3A_3, %select_n3A_761 : vector<16xi1>, vector<16xf32>
    %eq3A_865 = arith.cmpf oeq, %select_n3A_763, %min3A_804 : vector<16xf32>
    %select_n3A_866 = arith.select %eq3A_865, %broadcast_in_dim3A_3, %select_n3A_763 : vector<16xi1>, vector<16xf32>
    %eq3A_867 = arith.cmpf oeq, %select_n3A_765, %min3A_804 : vector<16xf32>
    %select_n3A_868 = arith.select %eq3A_867, %broadcast_in_dim3A_3, %select_n3A_765 : vector<16xi1>, vector<16xf32>
    %eq3A_869 = arith.cmpf oeq, %select_n3A_767, %min3A_804 : vector<16xf32>
    %select_n3A_870 = arith.select %eq3A_869, %broadcast_in_dim3A_3, %select_n3A_767 : vector<16xi1>, vector<16xf32>
    %eq3A_871 = arith.cmpf oeq, %select_n3A_769, %min3A_804 : vector<16xf32>
    %select_n3A_872 = arith.select %eq3A_871, %broadcast_in_dim3A_3, %select_n3A_769 : vector<16xi1>, vector<16xf32>
    %eq3A_873 = arith.cmpf oeq, %select_n3A_771, %min3A_804 : vector<16xf32>
    %select_n3A_874 = arith.select %eq3A_873, %broadcast_in_dim3A_3, %select_n3A_771 : vector<16xi1>, vector<16xf32>
    %eq3A_875 = arith.cmpf oeq, %select_n3A_773, %min3A_804 : vector<16xf32>
    %select_n3A_876 = arith.select %eq3A_875, %broadcast_in_dim3A_3, %select_n3A_773 : vector<16xi1>, vector<16xf32>
    %eq3A_877 = arith.cmpf oeq, %select_n3A_775, %min3A_804 : vector<16xf32>
    %select_n3A_878 = arith.select %eq3A_877, %broadcast_in_dim3A_3, %select_n3A_775 : vector<16xi1>, vector<16xf32>
    %eq3A_879 = arith.cmpf oeq, %select_n3A_777, %min3A_804 : vector<16xf32>
    %select_n3A_880 = arith.select %eq3A_879, %broadcast_in_dim3A_3, %select_n3A_777 : vector<16xi1>, vector<16xf32>
    %eq3A_881 = arith.cmpf oeq, %select_n3A_779, %min3A_804 : vector<16xf32>
    %select_n3A_882 = arith.select %eq3A_881, %broadcast_in_dim3A_3, %select_n3A_779 : vector<16xi1>, vector<16xf32>
    %eq3A_883 = arith.cmpf oeq, %select_n3A_781, %min3A_804 : vector<16xf32>
    %select_n3A_884 = arith.select %eq3A_883, %broadcast_in_dim3A_3, %select_n3A_781 : vector<16xi1>, vector<16xf32>
    %eq3A_885 = arith.cmpf oeq, %select_n3A_783, %min3A_804 : vector<16xf32>
    %select_n3A_886 = arith.select %eq3A_885, %broadcast_in_dim3A_3, %select_n3A_783 : vector<16xi1>, vector<16xf32>
    %eq3A_887 = arith.cmpf oeq, %select_n3A_785, %min3A_804 : vector<16xf32>
    %select_n3A_888 = arith.select %eq3A_887, %broadcast_in_dim3A_3, %select_n3A_785 : vector<16xi1>, vector<16xf32>
    %eq3A_889 = arith.cmpf oeq, %select_n3A_787, %min3A_804 : vector<16xf32>
    %select_n3A_890 = arith.select %eq3A_889, %broadcast_in_dim3A_3, %select_n3A_787 : vector<16xi1>, vector<16xf32>
    %eq3A_891 = arith.cmpf oeq, %select_n3A_789, %min3A_804 : vector<16xf32>
    %select_n3A_892 = arith.select %eq3A_891, %broadcast_in_dim3A_3, %select_n3A_789 : vector<16xi1>, vector<16xf32>
    %min3A_893 = arith.minimumf %select_n3A_862, %select_n3A_864 : vector<16xf32>
    %min3A_894 = arith.minimumf %min3A_893, %select_n3A_866 : vector<16xf32>
    %min3A_895 = arith.minimumf %min3A_894, %select_n3A_868 : vector<16xf32>
    %min3A_896 = arith.minimumf %min3A_895, %select_n3A_870 : vector<16xf32>
    %min3A_897 = arith.minimumf %min3A_896, %select_n3A_872 : vector<16xf32>
    %min3A_898 = arith.minimumf %min3A_897, %select_n3A_874 : vector<16xf32>
    %min3A_899 = arith.minimumf %min3A_898, %select_n3A_876 : vector<16xf32>
    %min3A_900 = arith.minimumf %min3A_899, %select_n3A_878 : vector<16xf32>
    %min3A_901 = arith.minimumf %min3A_900, %select_n3A_880 : vector<16xf32>
    %min3A_902 = arith.minimumf %min3A_901, %select_n3A_882 : vector<16xf32>
    %min3A_903 = arith.minimumf %min3A_902, %select_n3A_884 : vector<16xf32>
    %min3A_904 = arith.minimumf %min3A_903, %select_n3A_886 : vector<16xf32>
    %min3A_905 = arith.minimumf %min3A_904, %select_n3A_888 : vector<16xf32>
    %min3A_906 = arith.minimumf %min3A_905, %select_n3A_890 : vector<16xf32>
    %min3A_907 = arith.minimumf %min3A_906, %select_n3A_892 : vector<16xf32>
    %eq3A_908 = arith.cmpf oeq, %select_n3A_862, %min3A_907 : vector<16xf32>
    %select_n3A_909 = arith.select %eq3A_908, %broadcast_in_dim3A_7, %broadcast_in_dim3A_5 : vector<16xi1>, vector<16xf32>
    %add3A_910 = arith.addf %broadcast_in_dim3A_5, %select_n3A_909 : vector<16xf32>
    %eq3A_911 = arith.cmpf oeq, %select_n3A_864, %min3A_907 : vector<16xf32>
    %select_n3A_912 = arith.select %eq3A_911, %broadcast_in_dim3A_7, %broadcast_in_dim3A_5 : vector<16xi1>, vector<16xf32>
    %add3A_913 = arith.addf %add3A_910, %select_n3A_912 : vector<16xf32>
    %eq3A_914 = arith.cmpf oeq, %select_n3A_866, %min3A_907 : vector<16xf32>
    %select_n3A_915 = arith.select %eq3A_914, %broadcast_in_dim3A_7, %broadcast_in_dim3A_5 : vector<16xi1>, vector<16xf32>
    %add3A_916 = arith.addf %add3A_913, %select_n3A_915 : vector<16xf32>
    %eq3A_917 = arith.cmpf oeq, %select_n3A_868, %min3A_907 : vector<16xf32>
    %select_n3A_918 = arith.select %eq3A_917, %broadcast_in_dim3A_7, %broadcast_in_dim3A_5 : vector<16xi1>, vector<16xf32>
    %add3A_919 = arith.addf %add3A_916, %select_n3A_918 : vector<16xf32>
    %eq3A_920 = arith.cmpf oeq, %select_n3A_870, %min3A_907 : vector<16xf32>
    %select_n3A_921 = arith.select %eq3A_920, %broadcast_in_dim3A_7, %broadcast_in_dim3A_5 : vector<16xi1>, vector<16xf32>
    %add3A_922 = arith.addf %add3A_919, %select_n3A_921 : vector<16xf32>
    %eq3A_923 = arith.cmpf oeq, %select_n3A_872, %min3A_907 : vector<16xf32>
    %select_n3A_924 = arith.select %eq3A_923, %broadcast_in_dim3A_7, %broadcast_in_dim3A_5 : vector<16xi1>, vector<16xf32>
    %add3A_925 = arith.addf %add3A_922, %select_n3A_924 : vector<16xf32>
    %eq3A_926 = arith.cmpf oeq, %select_n3A_874, %min3A_907 : vector<16xf32>
    %select_n3A_927 = arith.select %eq3A_926, %broadcast_in_dim3A_7, %broadcast_in_dim3A_5 : vector<16xi1>, vector<16xf32>
    %add3A_928 = arith.addf %add3A_925, %select_n3A_927 : vector<16xf32>
    %eq3A_929 = arith.cmpf oeq, %select_n3A_876, %min3A_907 : vector<16xf32>
    %select_n3A_930 = arith.select %eq3A_929, %broadcast_in_dim3A_7, %broadcast_in_dim3A_5 : vector<16xi1>, vector<16xf32>
    %add3A_931 = arith.addf %add3A_928, %select_n3A_930 : vector<16xf32>
    %eq3A_932 = arith.cmpf oeq, %select_n3A_878, %min3A_907 : vector<16xf32>
    %select_n3A_933 = arith.select %eq3A_932, %broadcast_in_dim3A_7, %broadcast_in_dim3A_5 : vector<16xi1>, vector<16xf32>
    %add3A_934 = arith.addf %add3A_931, %select_n3A_933 : vector<16xf32>
    %eq3A_935 = arith.cmpf oeq, %select_n3A_880, %min3A_907 : vector<16xf32>
    %select_n3A_936 = arith.select %eq3A_935, %broadcast_in_dim3A_7, %broadcast_in_dim3A_5 : vector<16xi1>, vector<16xf32>
    %add3A_937 = arith.addf %add3A_934, %select_n3A_936 : vector<16xf32>
    %eq3A_938 = arith.cmpf oeq, %select_n3A_882, %min3A_907 : vector<16xf32>
    %select_n3A_939 = arith.select %eq3A_938, %broadcast_in_dim3A_7, %broadcast_in_dim3A_5 : vector<16xi1>, vector<16xf32>
    %add3A_940 = arith.addf %add3A_937, %select_n3A_939 : vector<16xf32>
    %eq3A_941 = arith.cmpf oeq, %select_n3A_884, %min3A_907 : vector<16xf32>
    %select_n3A_942 = arith.select %eq3A_941, %broadcast_in_dim3A_7, %broadcast_in_dim3A_5 : vector<16xi1>, vector<16xf32>
    %add3A_943 = arith.addf %add3A_940, %select_n3A_942 : vector<16xf32>
    %eq3A_944 = arith.cmpf oeq, %select_n3A_886, %min3A_907 : vector<16xf32>
    %select_n3A_945 = arith.select %eq3A_944, %broadcast_in_dim3A_7, %broadcast_in_dim3A_5 : vector<16xi1>, vector<16xf32>
    %add3A_946 = arith.addf %add3A_943, %select_n3A_945 : vector<16xf32>
    %eq3A_947 = arith.cmpf oeq, %select_n3A_888, %min3A_907 : vector<16xf32>
    %select_n3A_948 = arith.select %eq3A_947, %broadcast_in_dim3A_7, %broadcast_in_dim3A_5 : vector<16xi1>, vector<16xf32>
    %add3A_949 = arith.addf %add3A_946, %select_n3A_948 : vector<16xf32>
    %eq3A_950 = arith.cmpf oeq, %select_n3A_890, %min3A_907 : vector<16xf32>
    %select_n3A_951 = arith.select %eq3A_950, %broadcast_in_dim3A_7, %broadcast_in_dim3A_5 : vector<16xi1>, vector<16xf32>
    %add3A_952 = arith.addf %add3A_949, %select_n3A_951 : vector<16xf32>
    %eq3A_953 = arith.cmpf oeq, %select_n3A_892, %min3A_907 : vector<16xf32>
    %select_n3A_954 = arith.select %eq3A_953, %broadcast_in_dim3A_7, %broadcast_in_dim3A_5 : vector<16xi1>, vector<16xf32>
    %add3A_955 = arith.addf %add3A_952, %select_n3A_954 : vector<16xf32>
    %min3A_956 = arith.minimumf %add3A_955, %sub3A_860 : vector<16xf32>
    %gt3A_957 = arith.constant 0.000000e+00 : f32
    %gt3A_958 = vector.broadcast %gt3A_957 : f32 to vector<16xf32>
    %gt3A_959 = arith.cmpf ogt, %min3A_956, %gt3A_958 : vector<16xf32>
    %mul3A_960 = arith.mulf %min3A_956, %min3A_907 : vector<16xf32>
    %select_n3A_961 = arith.select %gt3A_959, %mul3A_960, %broadcast_in_dim3A_5 : vector<16xi1>, vector<16xf32>
    %add3A_962 = arith.addf %add3A_859, %select_n3A_961 : vector<16xf32>
    %sub3A_963 = arith.subf %sub3A_860, %min3A_956 : vector<16xf32>
    %eq3A_964 = arith.cmpf oeq, %select_n3A_862, %min3A_907 : vector<16xf32>
    %select_n3A_965 = arith.select %eq3A_964, %broadcast_in_dim3A_3, %select_n3A_862 : vector<16xi1>, vector<16xf32>
    %eq3A_966 = arith.cmpf oeq, %select_n3A_864, %min3A_907 : vector<16xf32>
    %select_n3A_967 = arith.select %eq3A_966, %broadcast_in_dim3A_3, %select_n3A_864 : vector<16xi1>, vector<16xf32>
    %eq3A_968 = arith.cmpf oeq, %select_n3A_866, %min3A_907 : vector<16xf32>
    %select_n3A_969 = arith.select %eq3A_968, %broadcast_in_dim3A_3, %select_n3A_866 : vector<16xi1>, vector<16xf32>
    %eq3A_970 = arith.cmpf oeq, %select_n3A_868, %min3A_907 : vector<16xf32>
    %select_n3A_971 = arith.select %eq3A_970, %broadcast_in_dim3A_3, %select_n3A_868 : vector<16xi1>, vector<16xf32>
    %eq3A_972 = arith.cmpf oeq, %select_n3A_870, %min3A_907 : vector<16xf32>
    %select_n3A_973 = arith.select %eq3A_972, %broadcast_in_dim3A_3, %select_n3A_870 : vector<16xi1>, vector<16xf32>
    %eq3A_974 = arith.cmpf oeq, %select_n3A_872, %min3A_907 : vector<16xf32>
    %select_n3A_975 = arith.select %eq3A_974, %broadcast_in_dim3A_3, %select_n3A_872 : vector<16xi1>, vector<16xf32>
    %eq3A_976 = arith.cmpf oeq, %select_n3A_874, %min3A_907 : vector<16xf32>
    %select_n3A_977 = arith.select %eq3A_976, %broadcast_in_dim3A_3, %select_n3A_874 : vector<16xi1>, vector<16xf32>
    %eq3A_978 = arith.cmpf oeq, %select_n3A_876, %min3A_907 : vector<16xf32>
    %select_n3A_979 = arith.select %eq3A_978, %broadcast_in_dim3A_3, %select_n3A_876 : vector<16xi1>, vector<16xf32>
    %eq3A_980 = arith.cmpf oeq, %select_n3A_878, %min3A_907 : vector<16xf32>
    %select_n3A_981 = arith.select %eq3A_980, %broadcast_in_dim3A_3, %select_n3A_878 : vector<16xi1>, vector<16xf32>
    %eq3A_982 = arith.cmpf oeq, %select_n3A_880, %min3A_907 : vector<16xf32>
    %select_n3A_983 = arith.select %eq3A_982, %broadcast_in_dim3A_3, %select_n3A_880 : vector<16xi1>, vector<16xf32>
    %eq3A_984 = arith.cmpf oeq, %select_n3A_882, %min3A_907 : vector<16xf32>
    %select_n3A_985 = arith.select %eq3A_984, %broadcast_in_dim3A_3, %select_n3A_882 : vector<16xi1>, vector<16xf32>
    %eq3A_986 = arith.cmpf oeq, %select_n3A_884, %min3A_907 : vector<16xf32>
    %select_n3A_987 = arith.select %eq3A_986, %broadcast_in_dim3A_3, %select_n3A_884 : vector<16xi1>, vector<16xf32>
    %eq3A_988 = arith.cmpf oeq, %select_n3A_886, %min3A_907 : vector<16xf32>
    %select_n3A_989 = arith.select %eq3A_988, %broadcast_in_dim3A_3, %select_n3A_886 : vector<16xi1>, vector<16xf32>
    %eq3A_990 = arith.cmpf oeq, %select_n3A_888, %min3A_907 : vector<16xf32>
    %select_n3A_991 = arith.select %eq3A_990, %broadcast_in_dim3A_3, %select_n3A_888 : vector<16xi1>, vector<16xf32>
    %eq3A_992 = arith.cmpf oeq, %select_n3A_890, %min3A_907 : vector<16xf32>
    %select_n3A_993 = arith.select %eq3A_992, %broadcast_in_dim3A_3, %select_n3A_890 : vector<16xi1>, vector<16xf32>
    %eq3A_994 = arith.cmpf oeq, %select_n3A_892, %min3A_907 : vector<16xf32>
    %select_n3A_995 = arith.select %eq3A_994, %broadcast_in_dim3A_3, %select_n3A_892 : vector<16xi1>, vector<16xf32>
    %mul3A_996 = arith.constant 2.500000e-01 : f32
    %mul3A_997 = vector.broadcast %mul3A_996 : f32 to vector<16xf32>
    %mul3A_998 = arith.mulf %add3A_962, %mul3A_997 : vector<16xf32>
    %swap3A_999 = arith.constant 16 : index
    %swap3A_1000 = tpu.vector_load %arg5[%swap3A_999] {strides = array<i32>} : memref<128xf32, #tpu.memory_space<vmem>>, vector<16xf32>,
    %swap3A_1001 = vector.shape_cast %swap3A_1000 : vector<16xf32> to vector<16xf32>
    %swap3A_1002 = vector.shape_cast %mul3A_998 : vector<16xf32> to vector<16xf32>
    tpu.vector_store %arg5[%swap3A_999], %swap3A_1002 {strides = array<i32>} : memref<128xf32, #tpu.memory_space<vmem>>, vector<16xf32>,
    %get3A_1003 = arith.constant 0 : i32
    %get3A_1004 = arith.index_cast %get3A_1003 : i32 to index
    %get3A_1005 = arith.constant 32 : index
    %get3A_1006 = tpu.vector_load %arg4[%get3A_1004, %get3A_1005] {strides = array<i32>} : memref<16x128xf32, #tpu.memory_space<vmem>>, vector<1x16xf32>,
    %get3A_1007 = vector.shape_cast %get3A_1006 : vector<1x16xf32> to vector<16xf32>
    %get3A_1008 = arith.constant 1 : i32
    %get3A_1009 = arith.index_cast %get3A_1008 : i32 to index
    %get3A_1010 = arith.constant 32 : index
    %get3A_1011 = tpu.vector_load %arg4[%get3A_1009, %get3A_1010] {strides = array<i32>} : memref<16x128xf32, #tpu.memory_space<vmem>>, vector<1x16xf32>,
    %get3A_1012 = vector.shape_cast %get3A_1011 : vector<1x16xf32> to vector<16xf32>
    %get3A_1013 = arith.constant 2 : i32
    %get3A_1014 = arith.index_cast %get3A_1013 : i32 to index
    %get3A_1015 = arith.constant 32 : index
    %get3A_1016 = tpu.vector_load %arg4[%get3A_1014, %get3A_1015] {strides = array<i32>} : memref<16x128xf32, #tpu.memory_space<vmem>>, vector<1x16xf32>,
    %get3A_1017 = vector.shape_cast %get3A_1016 : vector<1x16xf32> to vector<16xf32>
    %get3A_1018 = arith.constant 3 : i32
    %get3A_1019 = arith.index_cast %get3A_1018 : i32 to index
    %get3A_1020 = arith.constant 32 : index
    %get3A_1021 = tpu.vector_load %arg4[%get3A_1019, %get3A_1020] {strides = array<i32>} : memref<16x128xf32, #tpu.memory_space<vmem>>, vector<1x16xf32>,
    %get3A_1022 = vector.shape_cast %get3A_1021 : vector<1x16xf32> to vector<16xf32>
    %get3A_1023 = arith.constant 4 : i32
    %get3A_1024 = arith.index_cast %get3A_1023 : i32 to index
    %get3A_1025 = arith.constant 32 : index
    %get3A_1026 = tpu.vector_load %arg4[%get3A_1024, %get3A_1025] {strides = array<i32>} : memref<16x128xf32, #tpu.memory_space<vmem>>, vector<1x16xf32>,
    %get3A_1027 = vector.shape_cast %get3A_1026 : vector<1x16xf32> to vector<16xf32>
    %get3A_1028 = arith.constant 5 : i32
    %get3A_1029 = arith.index_cast %get3A_1028 : i32 to index
    %get3A_1030 = arith.constant 32 : index
    %get3A_1031 = tpu.vector_load %arg4[%get3A_1029, %get3A_1030] {strides = array<i32>} : memref<16x128xf32, #tpu.memory_space<vmem>>, vector<1x16xf32>,
    %get3A_1032 = vector.shape_cast %get3A_1031 : vector<1x16xf32> to vector<16xf32>
    %get3A_1033 = arith.constant 6 : i32
    %get3A_1034 = arith.index_cast %get3A_1033 : i32 to index
    %get3A_1035 = arith.constant 32 : index
    %get3A_1036 = tpu.vector_load %arg4[%get3A_1034, %get3A_1035] {strides = array<i32>} : memref<16x128xf32, #tpu.memory_space<vmem>>, vector<1x16xf32>,
    %get3A_1037 = vector.shape_cast %get3A_1036 : vector<1x16xf32> to vector<16xf32>
    %get3A_1038 = arith.constant 7 : i32
    %get3A_1039 = arith.index_cast %get3A_1038 : i32 to index
    %get3A_1040 = arith.constant 32 : index
    %get3A_1041 = tpu.vector_load %arg4[%get3A_1039, %get3A_1040] {strides = array<i32>} : memref<16x128xf32, #tpu.memory_space<vmem>>, vector<1x16xf32>,
    %get3A_1042 = vector.shape_cast %get3A_1041 : vector<1x16xf32> to vector<16xf32>
    %get3A_1043 = arith.constant 8 : i32
    %get3A_1044 = arith.index_cast %get3A_1043 : i32 to index
    %get3A_1045 = arith.constant 32 : index
    %get3A_1046 = tpu.vector_load %arg4[%get3A_1044, %get3A_1045] {strides = array<i32>} : memref<16x128xf32, #tpu.memory_space<vmem>>, vector<1x16xf32>,
    %get3A_1047 = vector.shape_cast %get3A_1046 : vector<1x16xf32> to vector<16xf32>
    %get3A_1048 = arith.constant 9 : i32
    %get3A_1049 = arith.index_cast %get3A_1048 : i32 to index
    %get3A_1050 = arith.constant 32 : index
    %get3A_1051 = tpu.vector_load %arg4[%get3A_1049, %get3A_1050] {strides = array<i32>} : memref<16x128xf32, #tpu.memory_space<vmem>>, vector<1x16xf32>,
    %get3A_1052 = vector.shape_cast %get3A_1051 : vector<1x16xf32> to vector<16xf32>
    %get3A_1053 = arith.constant 10 : i32
    %get3A_1054 = arith.index_cast %get3A_1053 : i32 to index
    %get3A_1055 = arith.constant 32 : index
    %get3A_1056 = tpu.vector_load %arg4[%get3A_1054, %get3A_1055] {strides = array<i32>} : memref<16x128xf32, #tpu.memory_space<vmem>>, vector<1x16xf32>,
    %get3A_1057 = vector.shape_cast %get3A_1056 : vector<1x16xf32> to vector<16xf32>
    %get3A_1058 = arith.constant 11 : i32
    %get3A_1059 = arith.index_cast %get3A_1058 : i32 to index
    %get3A_1060 = arith.constant 32 : index
    %get3A_1061 = tpu.vector_load %arg4[%get3A_1059, %get3A_1060] {strides = array<i32>} : memref<16x128xf32, #tpu.memory_space<vmem>>, vector<1x16xf32>,
    %get3A_1062 = vector.shape_cast %get3A_1061 : vector<1x16xf32> to vector<16xf32>
    %get3A_1063 = arith.constant 12 : i32
    %get3A_1064 = arith.index_cast %get3A_1063 : i32 to index
    %get3A_1065 = arith.constant 32 : index
    %get3A_1066 = tpu.vector_load %arg4[%get3A_1064, %get3A_1065] {strides = array<i32>} : memref<16x128xf32, #tpu.memory_space<vmem>>, vector<1x16xf32>,
    %get3A_1067 = vector.shape_cast %get3A_1066 : vector<1x16xf32> to vector<16xf32>
    %get3A_1068 = arith.constant 13 : i32
    %get3A_1069 = arith.index_cast %get3A_1068 : i32 to index
    %get3A_1070 = arith.constant 32 : index
    %get3A_1071 = tpu.vector_load %arg4[%get3A_1069, %get3A_1070] {strides = array<i32>} : memref<16x128xf32, #tpu.memory_space<vmem>>, vector<1x16xf32>,
    %get3A_1072 = vector.shape_cast %get3A_1071 : vector<1x16xf32> to vector<16xf32>
    %get3A_1073 = arith.constant 14 : i32
    %get3A_1074 = arith.index_cast %get3A_1073 : i32 to index
    %get3A_1075 = arith.constant 32 : index
    %get3A_1076 = tpu.vector_load %arg4[%get3A_1074, %get3A_1075] {strides = array<i32>} : memref<16x128xf32, #tpu.memory_space<vmem>>, vector<1x16xf32>,
    %get3A_1077 = vector.shape_cast %get3A_1076 : vector<1x16xf32> to vector<16xf32>
    %get3A_1078 = arith.constant 15 : i32
    %get3A_1079 = arith.index_cast %get3A_1078 : i32 to index
    %get3A_1080 = arith.constant 32 : index
    %get3A_1081 = tpu.vector_load %arg4[%get3A_1079, %get3A_1080] {strides = array<i32>} : memref<16x128xf32, #tpu.memory_space<vmem>>, vector<1x16xf32>,
    %get3A_1082 = vector.shape_cast %get3A_1081 : vector<1x16xf32> to vector<16xf32>
    %broadcast_in_dim3A_1083 = arith.constant 4.000000e+00 : f32
    %broadcast_in_dim3A_1084 = vector.broadcast %broadcast_in_dim3A_1083 : f32 to vector<16xf32>
    %min3A_1085 = arith.minimumf %get3A_1007, %get3A_1012 : vector<16xf32>
    %min3A_1086 = arith.minimumf %min3A_1085, %get3A_1017 : vector<16xf32>
    %min3A_1087 = arith.minimumf %min3A_1086, %get3A_1022 : vector<16xf32>
    %min3A_1088 = arith.minimumf %min3A_1087, %get3A_1027 : vector<16xf32>
    %min3A_1089 = arith.minimumf %min3A_1088, %get3A_1032 : vector<16xf32>
    %min3A_1090 = arith.minimumf %min3A_1089, %get3A_1037 : vector<16xf32>
    %min3A_1091 = arith.minimumf %min3A_1090, %get3A_1042 : vector<16xf32>
    %min3A_1092 = arith.minimumf %min3A_1091, %get3A_1047 : vector<16xf32>
    %min3A_1093 = arith.minimumf %min3A_1092, %get3A_1052 : vector<16xf32>
    %min3A_1094 = arith.minimumf %min3A_1093, %get3A_1057 : vector<16xf32>
    %min3A_1095 = arith.minimumf %min3A_1094, %get3A_1062 : vector<16xf32>
    %min3A_1096 = arith.minimumf %min3A_1095, %get3A_1067 : vector<16xf32>
    %min3A_1097 = arith.minimumf %min3A_1096, %get3A_1072 : vector<16xf32>
    %min3A_1098 = arith.minimumf %min3A_1097, %get3A_1077 : vector<16xf32>
    %min3A_1099 = arith.minimumf %min3A_1098, %get3A_1082 : vector<16xf32>
    %eq3A_1100 = arith.cmpf oeq, %get3A_1007, %min3A_1099 : vector<16xf32>
    %select_n3A_1101 = arith.select %eq3A_1100, %broadcast_in_dim3A_7, %broadcast_in_dim3A_5 : vector<16xi1>, vector<16xf32>
    %add3A_1102 = arith.addf %broadcast_in_dim3A_5, %select_n3A_1101 : vector<16xf32>
    %eq3A_1103 = arith.cmpf oeq, %get3A_1012, %min3A_1099 : vector<16xf32>
    %select_n3A_1104 = arith.select %eq3A_1103, %broadcast_in_dim3A_7, %broadcast_in_dim3A_5 : vector<16xi1>, vector<16xf32>
    %add3A_1105 = arith.addf %add3A_1102, %select_n3A_1104 : vector<16xf32>
    %eq3A_1106 = arith.cmpf oeq, %get3A_1017, %min3A_1099 : vector<16xf32>
    %select_n3A_1107 = arith.select %eq3A_1106, %broadcast_in_dim3A_7, %broadcast_in_dim3A_5 : vector<16xi1>, vector<16xf32>
    %add3A_1108 = arith.addf %add3A_1105, %select_n3A_1107 : vector<16xf32>
    %eq3A_1109 = arith.cmpf oeq, %get3A_1022, %min3A_1099 : vector<16xf32>
    %select_n3A_1110 = arith.select %eq3A_1109, %broadcast_in_dim3A_7, %broadcast_in_dim3A_5 : vector<16xi1>, vector<16xf32>
    %add3A_1111 = arith.addf %add3A_1108, %select_n3A_1110 : vector<16xf32>
    %eq3A_1112 = arith.cmpf oeq, %get3A_1027, %min3A_1099 : vector<16xf32>
    %select_n3A_1113 = arith.select %eq3A_1112, %broadcast_in_dim3A_7, %broadcast_in_dim3A_5 : vector<16xi1>, vector<16xf32>
    %add3A_1114 = arith.addf %add3A_1111, %select_n3A_1113 : vector<16xf32>
    %eq3A_1115 = arith.cmpf oeq, %get3A_1032, %min3A_1099 : vector<16xf32>
    %select_n3A_1116 = arith.select %eq3A_1115, %broadcast_in_dim3A_7, %broadcast_in_dim3A_5 : vector<16xi1>, vector<16xf32>
    %add3A_1117 = arith.addf %add3A_1114, %select_n3A_1116 : vector<16xf32>
    %eq3A_1118 = arith.cmpf oeq, %get3A_1037, %min3A_1099 : vector<16xf32>
    %select_n3A_1119 = arith.select %eq3A_1118, %broadcast_in_dim3A_7, %broadcast_in_dim3A_5 : vector<16xi1>, vector<16xf32>
    %add3A_1120 = arith.addf %add3A_1117, %select_n3A_1119 : vector<16xf32>
    %eq3A_1121 = arith.cmpf oeq, %get3A_1042, %min3A_1099 : vector<16xf32>
    %select_n3A_1122 = arith.select %eq3A_1121, %broadcast_in_dim3A_7, %broadcast_in_dim3A_5 : vector<16xi1>, vector<16xf32>
    %add3A_1123 = arith.addf %add3A_1120, %select_n3A_1122 : vector<16xf32>
    %eq3A_1124 = arith.cmpf oeq, %get3A_1047, %min3A_1099 : vector<16xf32>
    %select_n3A_1125 = arith.select %eq3A_1124, %broadcast_in_dim3A_7, %broadcast_in_dim3A_5 : vector<16xi1>, vector<16xf32>
    %add3A_1126 = arith.addf %add3A_1123, %select_n3A_1125 : vector<16xf32>
    %eq3A_1127 = arith.cmpf oeq, %get3A_1052, %min3A_1099 : vector<16xf32>
    %select_n3A_1128 = arith.select %eq3A_1127, %broadcast_in_dim3A_7, %broadcast_in_dim3A_5 : vector<16xi1>, vector<16xf32>
    %add3A_1129 = arith.addf %add3A_1126, %select_n3A_1128 : vector<16xf32>
    %eq3A_1130 = arith.cmpf oeq, %get3A_1057, %min3A_1099 : vector<16xf32>
    %select_n3A_1131 = arith.select %eq3A_1130, %broadcast_in_dim3A_7, %broadcast_in_dim3A_5 : vector<16xi1>, vector<16xf32>
    %add3A_1132 = arith.addf %add3A_1129, %select_n3A_1131 : vector<16xf32>
    %eq3A_1133 = arith.cmpf oeq, %get3A_1062, %min3A_1099 : vector<16xf32>
    %select_n3A_1134 = arith.select %eq3A_1133, %broadcast_in_dim3A_7, %broadcast_in_dim3A_5 : vector<16xi1>, vector<16xf32>
    %add3A_1135 = arith.addf %add3A_1132, %select_n3A_1134 : vector<16xf32>
    %eq3A_1136 = arith.cmpf oeq, %get3A_1067, %min3A_1099 : vector<16xf32>
    %select_n3A_1137 = arith.select %eq3A_1136, %broadcast_in_dim3A_7, %broadcast_in_dim3A_5 : vector<16xi1>, vector<16xf32>
    %add3A_1138 = arith.addf %add3A_1135, %select_n3A_1137 : vector<16xf32>
    %eq3A_1139 = arith.cmpf oeq, %get3A_1072, %min3A_1099 : vector<16xf32>
    %select_n3A_1140 = arith.select %eq3A_1139, %broadcast_in_dim3A_7, %broadcast_in_dim3A_5 : vector<16xi1>, vector<16xf32>
    %add3A_1141 = arith.addf %add3A_1138, %select_n3A_1140 : vector<16xf32>
    %eq3A_1142 = arith.cmpf oeq, %get3A_1077, %min3A_1099 : vector<16xf32>
    %select_n3A_1143 = arith.select %eq3A_1142, %broadcast_in_dim3A_7, %broadcast_in_dim3A_5 : vector<16xi1>, vector<16xf32>
    %add3A_1144 = arith.addf %add3A_1141, %select_n3A_1143 : vector<16xf32>
    %eq3A_1145 = arith.cmpf oeq, %get3A_1082, %min3A_1099 : vector<16xf32>
    %select_n3A_1146 = arith.select %eq3A_1145, %broadcast_in_dim3A_7, %broadcast_in_dim3A_5 : vector<16xi1>, vector<16xf32>
    %add3A_1147 = arith.addf %add3A_1144, %select_n3A_1146 : vector<16xf32>
    %min3A_1148 = arith.minimumf %add3A_1147, %broadcast_in_dim3A_1084 : vector<16xf32>
    %gt3A_1149 = arith.constant 0.000000e+00 : f32
    %gt3A_1150 = vector.broadcast %gt3A_1149 : f32 to vector<16xf32>
    %gt3A_1151 = arith.cmpf ogt, %min3A_1148, %gt3A_1150 : vector<16xf32>
    %mul3A_1152 = arith.mulf %min3A_1148, %min3A_1099 : vector<16xf32>
    %select_n3A_1153 = arith.select %gt3A_1151, %mul3A_1152, %broadcast_in_dim3A_5 : vector<16xi1>, vector<16xf32>
    %add3A_1154 = arith.addf %broadcast_in_dim3A_5, %select_n3A_1153 : vector<16xf32>
    %sub3A_1155 = arith.subf %broadcast_in_dim3A_1084, %min3A_1148 : vector<16xf32>
    %eq3A_1156 = arith.cmpf oeq, %get3A_1007, %min3A_1099 : vector<16xf32>
    %select_n3A_1157 = arith.select %eq3A_1156, %broadcast_in_dim3A_3, %get3A_1007 : vector<16xi1>, vector<16xf32>
    %eq3A_1158 = arith.cmpf oeq, %get3A_1012, %min3A_1099 : vector<16xf32>
    %select_n3A_1159 = arith.select %eq3A_1158, %broadcast_in_dim3A_3, %get3A_1012 : vector<16xi1>, vector<16xf32>
    %eq3A_1160 = arith.cmpf oeq, %get3A_1017, %min3A_1099 : vector<16xf32>
    %select_n3A_1161 = arith.select %eq3A_1160, %broadcast_in_dim3A_3, %get3A_1017 : vector<16xi1>, vector<16xf32>
    %eq3A_1162 = arith.cmpf oeq, %get3A_1022, %min3A_1099 : vector<16xf32>
    %select_n3A_1163 = arith.select %eq3A_1162, %broadcast_in_dim3A_3, %get3A_1022 : vector<16xi1>, vector<16xf32>
    %eq3A_1164 = arith.cmpf oeq, %get3A_1027, %min3A_1099 : vector<16xf32>
    %select_n3A_1165 = arith.select %eq3A_1164, %broadcast_in_dim3A_3, %get3A_1027 : vector<16xi1>, vector<16xf32>
    %eq3A_1166 = arith.cmpf oeq, %get3A_1032, %min3A_1099 : vector<16xf32>
    %select_n3A_1167 = arith.select %eq3A_1166, %broadcast_in_dim3A_3, %get3A_1032 : vector<16xi1>, vector<16xf32>
    %eq3A_1168 = arith.cmpf oeq, %get3A_1037, %min3A_1099 : vector<16xf32>
    %select_n3A_1169 = arith.select %eq3A_1168, %broadcast_in_dim3A_3, %get3A_1037 : vector<16xi1>, vector<16xf32>
    %eq3A_1170 = arith.cmpf oeq, %get3A_1042, %min3A_1099 : vector<16xf32>
    %select_n3A_1171 = arith.select %eq3A_1170, %broadcast_in_dim3A_3, %get3A_1042 : vector<16xi1>, vector<16xf32>
    %eq3A_1172 = arith.cmpf oeq, %get3A_1047, %min3A_1099 : vector<16xf32>
    %select_n3A_1173 = arith.select %eq3A_1172, %broadcast_in_dim3A_3, %get3A_1047 : vector<16xi1>, vector<16xf32>
    %eq3A_1174 = arith.cmpf oeq, %get3A_1052, %min3A_1099 : vector<16xf32>
    %select_n3A_1175 = arith.select %eq3A_1174, %broadcast_in_dim3A_3, %get3A_1052 : vector<16xi1>, vector<16xf32>
    %eq3A_1176 = arith.cmpf oeq, %get3A_1057, %min3A_1099 : vector<16xf32>
    %select_n3A_1177 = arith.select %eq3A_1176, %broadcast_in_dim3A_3, %get3A_1057 : vector<16xi1>, vector<16xf32>
    %eq3A_1178 = arith.cmpf oeq, %get3A_1062, %min3A_1099 : vector<16xf32>
    %select_n3A_1179 = arith.select %eq3A_1178, %broadcast_in_dim3A_3, %get3A_1062 : vector<16xi1>, vector<16xf32>
    %eq3A_1180 = arith.cmpf oeq, %get3A_1067, %min3A_1099 : vector<16xf32>
    %select_n3A_1181 = arith.select %eq3A_1180, %broadcast_in_dim3A_3, %get3A_1067 : vector<16xi1>, vector<16xf32>
    %eq3A_1182 = arith.cmpf oeq, %get3A_1072, %min3A_1099 : vector<16xf32>
    %select_n3A_1183 = arith.select %eq3A_1182, %broadcast_in_dim3A_3, %get3A_1072 : vector<16xi1>, vector<16xf32>
    %eq3A_1184 = arith.cmpf oeq, %get3A_1077, %min3A_1099 : vector<16xf32>
    %select_n3A_1185 = arith.select %eq3A_1184, %broadcast_in_dim3A_3, %get3A_1077 : vector<16xi1>, vector<16xf32>
    %eq3A_1186 = arith.cmpf oeq, %get3A_1082, %min3A_1099 : vector<16xf32>
    %select_n3A_1187 = arith.select %eq3A_1186, %broadcast_in_dim3A_3, %get3A_1082 : vector<16xi1>, vector<16xf32>
    %min3A_1188 = arith.minimumf %select_n3A_1157, %select_n3A_1159 : vector<16xf32>
    %min3A_1189 = arith.minimumf %min3A_1188, %select_n3A_1161 : vector<16xf32>
    %min3A_1190 = arith.minimumf %min3A_1189, %select_n3A_1163 : vector<16xf32>
    %min3A_1191 = arith.minimumf %min3A_1190, %select_n3A_1165 : vector<16xf32>
    %min3A_1192 = arith.minimumf %min3A_1191, %select_n3A_1167 : vector<16xf32>
    %min3A_1193 = arith.minimumf %min3A_1192, %select_n3A_1169 : vector<16xf32>
    %min3A_1194 = arith.minimumf %min3A_1193, %select_n3A_1171 : vector<16xf32>
    %min3A_1195 = arith.minimumf %min3A_1194, %select_n3A_1173 : vector<16xf32>
    %min3A_1196 = arith.minimumf %min3A_1195, %select_n3A_1175 : vector<16xf32>
    %min3A_1197 = arith.minimumf %min3A_1196, %select_n3A_1177 : vector<16xf32>
    %min3A_1198 = arith.minimumf %min3A_1197, %select_n3A_1179 : vector<16xf32>
    %min3A_1199 = arith.minimumf %min3A_1198, %select_n3A_1181 : vector<16xf32>
    %min3A_1200 = arith.minimumf %min3A_1199, %select_n3A_1183 : vector<16xf32>
    %min3A_1201 = arith.minimumf %min3A_1200, %select_n3A_1185 : vector<16xf32>
    %min3A_1202 = arith.minimumf %min3A_1201, %select_n3A_1187 : vector<16xf32>
    %eq3A_1203 = arith.cmpf oeq, %select_n3A_1157, %min3A_1202 : vector<16xf32>
    %select_n3A_1204 = arith.select %eq3A_1203, %broadcast_in_dim3A_7, %broadcast_in_dim3A_5 : vector<16xi1>, vector<16xf32>
    %add3A_1205 = arith.addf %broadcast_in_dim3A_5, %select_n3A_1204 : vector<16xf32>
    %eq3A_1206 = arith.cmpf oeq, %select_n3A_1159, %min3A_1202 : vector<16xf32>
    %select_n3A_1207 = arith.select %eq3A_1206, %broadcast_in_dim3A_7, %broadcast_in_dim3A_5 : vector<16xi1>, vector<16xf32>
    %add3A_1208 = arith.addf %add3A_1205, %select_n3A_1207 : vector<16xf32>
    %eq3A_1209 = arith.cmpf oeq, %select_n3A_1161, %min3A_1202 : vector<16xf32>
    %select_n3A_1210 = arith.select %eq3A_1209, %broadcast_in_dim3A_7, %broadcast_in_dim3A_5 : vector<16xi1>, vector<16xf32>
    %add3A_1211 = arith.addf %add3A_1208, %select_n3A_1210 : vector<16xf32>
    %eq3A_1212 = arith.cmpf oeq, %select_n3A_1163, %min3A_1202 : vector<16xf32>
    %select_n3A_1213 = arith.select %eq3A_1212, %broadcast_in_dim3A_7, %broadcast_in_dim3A_5 : vector<16xi1>, vector<16xf32>
    %add3A_1214 = arith.addf %add3A_1211, %select_n3A_1213 : vector<16xf32>
    %eq3A_1215 = arith.cmpf oeq, %select_n3A_1165, %min3A_1202 : vector<16xf32>
    %select_n3A_1216 = arith.select %eq3A_1215, %broadcast_in_dim3A_7, %broadcast_in_dim3A_5 : vector<16xi1>, vector<16xf32>
    %add3A_1217 = arith.addf %add3A_1214, %select_n3A_1216 : vector<16xf32>
    %eq3A_1218 = arith.cmpf oeq, %select_n3A_1167, %min3A_1202 : vector<16xf32>
    %select_n3A_1219 = arith.select %eq3A_1218, %broadcast_in_dim3A_7, %broadcast_in_dim3A_5 : vector<16xi1>, vector<16xf32>
    %add3A_1220 = arith.addf %add3A_1217, %select_n3A_1219 : vector<16xf32>
    %eq3A_1221 = arith.cmpf oeq, %select_n3A_1169, %min3A_1202 : vector<16xf32>
    %select_n3A_1222 = arith.select %eq3A_1221, %broadcast_in_dim3A_7, %broadcast_in_dim3A_5 : vector<16xi1>, vector<16xf32>
    %add3A_1223 = arith.addf %add3A_1220, %select_n3A_1222 : vector<16xf32>
    %eq3A_1224 = arith.cmpf oeq, %select_n3A_1171, %min3A_1202 : vector<16xf32>
    %select_n3A_1225 = arith.select %eq3A_1224, %broadcast_in_dim3A_7, %broadcast_in_dim3A_5 : vector<16xi1>, vector<16xf32>
    %add3A_1226 = arith.addf %add3A_1223, %select_n3A_1225 : vector<16xf32>
    %eq3A_1227 = arith.cmpf oeq, %select_n3A_1173, %min3A_1202 : vector<16xf32>
    %select_n3A_1228 = arith.select %eq3A_1227, %broadcast_in_dim3A_7, %broadcast_in_dim3A_5 : vector<16xi1>, vector<16xf32>
    %add3A_1229 = arith.addf %add3A_1226, %select_n3A_1228 : vector<16xf32>
    %eq3A_1230 = arith.cmpf oeq, %select_n3A_1175, %min3A_1202 : vector<16xf32>
    %select_n3A_1231 = arith.select %eq3A_1230, %broadcast_in_dim3A_7, %broadcast_in_dim3A_5 : vector<16xi1>, vector<16xf32>
    %add3A_1232 = arith.addf %add3A_1229, %select_n3A_1231 : vector<16xf32>
    %eq3A_1233 = arith.cmpf oeq, %select_n3A_1177, %min3A_1202 : vector<16xf32>
    %select_n3A_1234 = arith.select %eq3A_1233, %broadcast_in_dim3A_7, %broadcast_in_dim3A_5 : vector<16xi1>, vector<16xf32>
    %add3A_1235 = arith.addf %add3A_1232, %select_n3A_1234 : vector<16xf32>
    %eq3A_1236 = arith.cmpf oeq, %select_n3A_1179, %min3A_1202 : vector<16xf32>
    %select_n3A_1237 = arith.select %eq3A_1236, %broadcast_in_dim3A_7, %broadcast_in_dim3A_5 : vector<16xi1>, vector<16xf32>
    %add3A_1238 = arith.addf %add3A_1235, %select_n3A_1237 : vector<16xf32>
    %eq3A_1239 = arith.cmpf oeq, %select_n3A_1181, %min3A_1202 : vector<16xf32>
    %select_n3A_1240 = arith.select %eq3A_1239, %broadcast_in_dim3A_7, %broadcast_in_dim3A_5 : vector<16xi1>, vector<16xf32>
    %add3A_1241 = arith.addf %add3A_1238, %select_n3A_1240 : vector<16xf32>
    %eq3A_1242 = arith.cmpf oeq, %select_n3A_1183, %min3A_1202 : vector<16xf32>
    %select_n3A_1243 = arith.select %eq3A_1242, %broadcast_in_dim3A_7, %broadcast_in_dim3A_5 : vector<16xi1>, vector<16xf32>
    %add3A_1244 = arith.addf %add3A_1241, %select_n3A_1243 : vector<16xf32>
    %eq3A_1245 = arith.cmpf oeq, %select_n3A_1185, %min3A_1202 : vector<16xf32>
    %select_n3A_1246 = arith.select %eq3A_1245, %broadcast_in_dim3A_7, %broadcast_in_dim3A_5 : vector<16xi1>, vector<16xf32>
    %add3A_1247 = arith.addf %add3A_1244, %select_n3A_1246 : vector<16xf32>
    %eq3A_1248 = arith.cmpf oeq, %select_n3A_1187, %min3A_1202 : vector<16xf32>
    %select_n3A_1249 = arith.select %eq3A_1248, %broadcast_in_dim3A_7, %broadcast_in_dim3A_5 : vector<16xi1>, vector<16xf32>
    %add3A_1250 = arith.addf %add3A_1247, %select_n3A_1249 : vector<16xf32>
    %min3A_1251 = arith.minimumf %add3A_1250, %sub3A_1155 : vector<16xf32>
    %gt3A_1252 = arith.constant 0.000000e+00 : f32
    %gt3A_1253 = vector.broadcast %gt3A_1252 : f32 to vector<16xf32>
    %gt3A_1254 = arith.cmpf ogt, %min3A_1251, %gt3A_1253 : vector<16xf32>
    %mul3A_1255 = arith.mulf %min3A_1251, %min3A_1202 : vector<16xf32>
    %select_n3A_1256 = arith.select %gt3A_1254, %mul3A_1255, %broadcast_in_dim3A_5 : vector<16xi1>, vector<16xf32>
    %add3A_1257 = arith.addf %add3A_1154, %select_n3A_1256 : vector<16xf32>
    %sub3A_1258 = arith.subf %sub3A_1155, %min3A_1251 : vector<16xf32>
    %eq3A_1259 = arith.cmpf oeq, %select_n3A_1157, %min3A_1202 : vector<16xf32>
    %select_n3A_1260 = arith.select %eq3A_1259, %broadcast_in_dim3A_3, %select_n3A_1157 : vector<16xi1>, vector<16xf32>
    %eq3A_1261 = arith.cmpf oeq, %select_n3A_1159, %min3A_1202 : vector<16xf32>
    %select_n3A_1262 = arith.select %eq3A_1261, %broadcast_in_dim3A_3, %select_n3A_1159 : vector<16xi1>, vector<16xf32>
    %eq3A_1263 = arith.cmpf oeq, %select_n3A_1161, %min3A_1202 : vector<16xf32>
    %select_n3A_1264 = arith.select %eq3A_1263, %broadcast_in_dim3A_3, %select_n3A_1161 : vector<16xi1>, vector<16xf32>
    %eq3A_1265 = arith.cmpf oeq, %select_n3A_1163, %min3A_1202 : vector<16xf32>
    %select_n3A_1266 = arith.select %eq3A_1265, %broadcast_in_dim3A_3, %select_n3A_1163 : vector<16xi1>, vector<16xf32>
    %eq3A_1267 = arith.cmpf oeq, %select_n3A_1165, %min3A_1202 : vector<16xf32>
    %select_n3A_1268 = arith.select %eq3A_1267, %broadcast_in_dim3A_3, %select_n3A_1165 : vector<16xi1>, vector<16xf32>
    %eq3A_1269 = arith.cmpf oeq, %select_n3A_1167, %min3A_1202 : vector<16xf32>
    %select_n3A_1270 = arith.select %eq3A_1269, %broadcast_in_dim3A_3, %select_n3A_1167 : vector<16xi1>, vector<16xf32>
    %eq3A_1271 = arith.cmpf oeq, %select_n3A_1169, %min3A_1202 : vector<16xf32>
    %select_n3A_1272 = arith.select %eq3A_1271, %broadcast_in_dim3A_3, %select_n3A_1169 : vector<16xi1>, vector<16xf32>
    %eq3A_1273 = arith.cmpf oeq, %select_n3A_1171, %min3A_1202 : vector<16xf32>
    %select_n3A_1274 = arith.select %eq3A_1273, %broadcast_in_dim3A_3, %select_n3A_1171 : vector<16xi1>, vector<16xf32>
    %eq3A_1275 = arith.cmpf oeq, %select_n3A_1173, %min3A_1202 : vector<16xf32>
    %select_n3A_1276 = arith.select %eq3A_1275, %broadcast_in_dim3A_3, %select_n3A_1173 : vector<16xi1>, vector<16xf32>
    %eq3A_1277 = arith.cmpf oeq, %select_n3A_1175, %min3A_1202 : vector<16xf32>
    %select_n3A_1278 = arith.select %eq3A_1277, %broadcast_in_dim3A_3, %select_n3A_1175 : vector<16xi1>, vector<16xf32>
    %eq3A_1279 = arith.cmpf oeq, %select_n3A_1177, %min3A_1202 : vector<16xf32>
    %select_n3A_1280 = arith.select %eq3A_1279, %broadcast_in_dim3A_3, %select_n3A_1177 : vector<16xi1>, vector<16xf32>
    %eq3A_1281 = arith.cmpf oeq, %select_n3A_1179, %min3A_1202 : vector<16xf32>
    %select_n3A_1282 = arith.select %eq3A_1281, %broadcast_in_dim3A_3, %select_n3A_1179 : vector<16xi1>, vector<16xf32>
    %eq3A_1283 = arith.cmpf oeq, %select_n3A_1181, %min3A_1202 : vector<16xf32>
    %select_n3A_1284 = arith.select %eq3A_1283, %broadcast_in_dim3A_3, %select_n3A_1181 : vector<16xi1>, vector<16xf32>
    %eq3A_1285 = arith.cmpf oeq, %select_n3A_1183, %min3A_1202 : vector<16xf32>
    %select_n3A_1286 = arith.select %eq3A_1285, %broadcast_in_dim3A_3, %select_n3A_1183 : vector<16xi1>, vector<16xf32>
    %eq3A_1287 = arith.cmpf oeq, %select_n3A_1185, %min3A_1202 : vector<16xf32>
    %select_n3A_1288 = arith.select %eq3A_1287, %broadcast_in_dim3A_3, %select_n3A_1185 : vector<16xi1>, vector<16xf32>
    %eq3A_1289 = arith.cmpf oeq, %select_n3A_1187, %min3A_1202 : vector<16xf32>
    %select_n3A_1290 = arith.select %eq3A_1289, %broadcast_in_dim3A_3, %select_n3A_1187 : vector<16xi1>, vector<16xf32>
    %min3A_1291 = arith.minimumf %select_n3A_1260, %select_n3A_1262 : vector<16xf32>
    %min3A_1292 = arith.minimumf %min3A_1291, %select_n3A_1264 : vector<16xf32>
    %min3A_1293 = arith.minimumf %min3A_1292, %select_n3A_1266 : vector<16xf32>
    %min3A_1294 = arith.minimumf %min3A_1293, %select_n3A_1268 : vector<16xf32>
    %min3A_1295 = arith.minimumf %min3A_1294, %select_n3A_1270 : vector<16xf32>
    %min3A_1296 = arith.minimumf %min3A_1295, %select_n3A_1272 : vector<16xf32>
    %min3A_1297 = arith.minimumf %min3A_1296, %select_n3A_1274 : vector<16xf32>
    %min3A_1298 = arith.minimumf %min3A_1297, %select_n3A_1276 : vector<16xf32>
    %min3A_1299 = arith.minimumf %min3A_1298, %select_n3A_1278 : vector<16xf32>
    %min3A_1300 = arith.minimumf %min3A_1299, %select_n3A_1280 : vector<16xf32>
    %min3A_1301 = arith.minimumf %min3A_1300, %select_n3A_1282 : vector<16xf32>
    %min3A_1302 = arith.minimumf %min3A_1301, %select_n3A_1284 : vector<16xf32>
    %min3A_1303 = arith.minimumf %min3A_1302, %select_n3A_1286 : vector<16xf32>
    %min3A_1304 = arith.minimumf %min3A_1303, %select_n3A_1288 : vector<16xf32>
    %min3A_1305 = arith.minimumf %min3A_1304, %select_n3A_1290 : vector<16xf32>
    %eq3A_1306 = arith.cmpf oeq, %select_n3A_1260, %min3A_1305 : vector<16xf32>
    %select_n3A_1307 = arith.select %eq3A_1306, %broadcast_in_dim3A_7, %broadcast_in_dim3A_5 : vector<16xi1>, vector<16xf32>
    %add3A_1308 = arith.addf %broadcast_in_dim3A_5, %select_n3A_1307 : vector<16xf32>
    %eq3A_1309 = arith.cmpf oeq, %select_n3A_1262, %min3A_1305 : vector<16xf32>
    %select_n3A_1310 = arith.select %eq3A_1309, %broadcast_in_dim3A_7, %broadcast_in_dim3A_5 : vector<16xi1>, vector<16xf32>
    %add3A_1311 = arith.addf %add3A_1308, %select_n3A_1310 : vector<16xf32>
    %eq3A_1312 = arith.cmpf oeq, %select_n3A_1264, %min3A_1305 : vector<16xf32>
    %select_n3A_1313 = arith.select %eq3A_1312, %broadcast_in_dim3A_7, %broadcast_in_dim3A_5 : vector<16xi1>, vector<16xf32>
    %add3A_1314 = arith.addf %add3A_1311, %select_n3A_1313 : vector<16xf32>
    %eq3A_1315 = arith.cmpf oeq, %select_n3A_1266, %min3A_1305 : vector<16xf32>
    %select_n3A_1316 = arith.select %eq3A_1315, %broadcast_in_dim3A_7, %broadcast_in_dim3A_5 : vector<16xi1>, vector<16xf32>
    %add3A_1317 = arith.addf %add3A_1314, %select_n3A_1316 : vector<16xf32>
    %eq3A_1318 = arith.cmpf oeq, %select_n3A_1268, %min3A_1305 : vector<16xf32>
    %select_n3A_1319 = arith.select %eq3A_1318, %broadcast_in_dim3A_7, %broadcast_in_dim3A_5 : vector<16xi1>, vector<16xf32>
    %add3A_1320 = arith.addf %add3A_1317, %select_n3A_1319 : vector<16xf32>
    %eq3A_1321 = arith.cmpf oeq, %select_n3A_1270, %min3A_1305 : vector<16xf32>
    %select_n3A_1322 = arith.select %eq3A_1321, %broadcast_in_dim3A_7, %broadcast_in_dim3A_5 : vector<16xi1>, vector<16xf32>
    %add3A_1323 = arith.addf %add3A_1320, %select_n3A_1322 : vector<16xf32>
    %eq3A_1324 = arith.cmpf oeq, %select_n3A_1272, %min3A_1305 : vector<16xf32>
    %select_n3A_1325 = arith.select %eq3A_1324, %broadcast_in_dim3A_7, %broadcast_in_dim3A_5 : vector<16xi1>, vector<16xf32>
    %add3A_1326 = arith.addf %add3A_1323, %select_n3A_1325 : vector<16xf32>
    %eq3A_1327 = arith.cmpf oeq, %select_n3A_1274, %min3A_1305 : vector<16xf32>
    %select_n3A_1328 = arith.select %eq3A_1327, %broadcast_in_dim3A_7, %broadcast_in_dim3A_5 : vector<16xi1>, vector<16xf32>
    %add3A_1329 = arith.addf %add3A_1326, %select_n3A_1328 : vector<16xf32>
    %eq3A_1330 = arith.cmpf oeq, %select_n3A_1276, %min3A_1305 : vector<16xf32>
    %select_n3A_1331 = arith.select %eq3A_1330, %broadcast_in_dim3A_7, %broadcast_in_dim3A_5 : vector<16xi1>, vector<16xf32>
    %add3A_1332 = arith.addf %add3A_1329, %select_n3A_1331 : vector<16xf32>
    %eq3A_1333 = arith.cmpf oeq, %select_n3A_1278, %min3A_1305 : vector<16xf32>
    %select_n3A_1334 = arith.select %eq3A_1333, %broadcast_in_dim3A_7, %broadcast_in_dim3A_5 : vector<16xi1>, vector<16xf32>
    %add3A_1335 = arith.addf %add3A_1332, %select_n3A_1334 : vector<16xf32>
    %eq3A_1336 = arith.cmpf oeq, %select_n3A_1280, %min3A_1305 : vector<16xf32>
    %select_n3A_1337 = arith.select %eq3A_1336, %broadcast_in_dim3A_7, %broadcast_in_dim3A_5 : vector<16xi1>, vector<16xf32>
    %add3A_1338 = arith.addf %add3A_1335, %select_n3A_1337 : vector<16xf32>
    %eq3A_1339 = arith.cmpf oeq, %select_n3A_1282, %min3A_1305 : vector<16xf32>
    %select_n3A_1340 = arith.select %eq3A_1339, %broadcast_in_dim3A_7, %broadcast_in_dim3A_5 : vector<16xi1>, vector<16xf32>
    %add3A_1341 = arith.addf %add3A_1338, %select_n3A_1340 : vector<16xf32>
    %eq3A_1342 = arith.cmpf oeq, %select_n3A_1284, %min3A_1305 : vector<16xf32>
    %select_n3A_1343 = arith.select %eq3A_1342, %broadcast_in_dim3A_7, %broadcast_in_dim3A_5 : vector<16xi1>, vector<16xf32>
    %add3A_1344 = arith.addf %add3A_1341, %select_n3A_1343 : vector<16xf32>
    %eq3A_1345 = arith.cmpf oeq, %select_n3A_1286, %min3A_1305 : vector<16xf32>
    %select_n3A_1346 = arith.select %eq3A_1345, %broadcast_in_dim3A_7, %broadcast_in_dim3A_5 : vector<16xi1>, vector<16xf32>
    %add3A_1347 = arith.addf %add3A_1344, %select_n3A_1346 : vector<16xf32>
    %eq3A_1348 = arith.cmpf oeq, %select_n3A_1288, %min3A_1305 : vector<16xf32>
    %select_n3A_1349 = arith.select %eq3A_1348, %broadcast_in_dim3A_7, %broadcast_in_dim3A_5 : vector<16xi1>, vector<16xf32>
    %add3A_1350 = arith.addf %add3A_1347, %select_n3A_1349 : vector<16xf32>
    %eq3A_1351 = arith.cmpf oeq, %select_n3A_1290, %min3A_1305 : vector<16xf32>
    %select_n3A_1352 = arith.select %eq3A_1351, %broadcast_in_dim3A_7, %broadcast_in_dim3A_5 : vector<16xi1>, vector<16xf32>
    %add3A_1353 = arith.addf %add3A_1350, %select_n3A_1352 : vector<16xf32>
    %min3A_1354 = arith.minimumf %add3A_1353, %sub3A_1258 : vector<16xf32>
    %gt3A_1355 = arith.constant 0.000000e+00 : f32
    %gt3A_1356 = vector.broadcast %gt3A_1355 : f32 to vector<16xf32>
    %gt3A_1357 = arith.cmpf ogt, %min3A_1354, %gt3A_1356 : vector<16xf32>
    %mul3A_1358 = arith.mulf %min3A_1354, %min3A_1305 : vector<16xf32>
    %select_n3A_1359 = arith.select %gt3A_1357, %mul3A_1358, %broadcast_in_dim3A_5 : vector<16xi1>, vector<16xf32>
    %add3A_1360 = arith.addf %add3A_1257, %select_n3A_1359 : vector<16xf32>
    %sub3A_1361 = arith.subf %sub3A_1258, %min3A_1354 : vector<16xf32>
    %eq3A_1362 = arith.cmpf oeq, %select_n3A_1260, %min3A_1305 : vector<16xf32>
    %select_n3A_1363 = arith.select %eq3A_1362, %broadcast_in_dim3A_3, %select_n3A_1260 : vector<16xi1>, vector<16xf32>
    %eq3A_1364 = arith.cmpf oeq, %select_n3A_1262, %min3A_1305 : vector<16xf32>
    %select_n3A_1365 = arith.select %eq3A_1364, %broadcast_in_dim3A_3, %select_n3A_1262 : vector<16xi1>, vector<16xf32>
    %eq3A_1366 = arith.cmpf oeq, %select_n3A_1264, %min3A_1305 : vector<16xf32>
    %select_n3A_1367 = arith.select %eq3A_1366, %broadcast_in_dim3A_3, %select_n3A_1264 : vector<16xi1>, vector<16xf32>
    %eq3A_1368 = arith.cmpf oeq, %select_n3A_1266, %min3A_1305 : vector<16xf32>
    %select_n3A_1369 = arith.select %eq3A_1368, %broadcast_in_dim3A_3, %select_n3A_1266 : vector<16xi1>, vector<16xf32>
    %eq3A_1370 = arith.cmpf oeq, %select_n3A_1268, %min3A_1305 : vector<16xf32>
    %select_n3A_1371 = arith.select %eq3A_1370, %broadcast_in_dim3A_3, %select_n3A_1268 : vector<16xi1>, vector<16xf32>
    %eq3A_1372 = arith.cmpf oeq, %select_n3A_1270, %min3A_1305 : vector<16xf32>
    %select_n3A_1373 = arith.select %eq3A_1372, %broadcast_in_dim3A_3, %select_n3A_1270 : vector<16xi1>, vector<16xf32>
    %eq3A_1374 = arith.cmpf oeq, %select_n3A_1272, %min3A_1305 : vector<16xf32>
    %select_n3A_1375 = arith.select %eq3A_1374, %broadcast_in_dim3A_3, %select_n3A_1272 : vector<16xi1>, vector<16xf32>
    %eq3A_1376 = arith.cmpf oeq, %select_n3A_1274, %min3A_1305 : vector<16xf32>
    %select_n3A_1377 = arith.select %eq3A_1376, %broadcast_in_dim3A_3, %select_n3A_1274 : vector<16xi1>, vector<16xf32>
    %eq3A_1378 = arith.cmpf oeq, %select_n3A_1276, %min3A_1305 : vector<16xf32>
    %select_n3A_1379 = arith.select %eq3A_1378, %broadcast_in_dim3A_3, %select_n3A_1276 : vector<16xi1>, vector<16xf32>
    %eq3A_1380 = arith.cmpf oeq, %select_n3A_1278, %min3A_1305 : vector<16xf32>
    %select_n3A_1381 = arith.select %eq3A_1380, %broadcast_in_dim3A_3, %select_n3A_1278 : vector<16xi1>, vector<16xf32>
    %eq3A_1382 = arith.cmpf oeq, %select_n3A_1280, %min3A_1305 : vector<16xf32>
    %select_n3A_1383 = arith.select %eq3A_1382, %broadcast_in_dim3A_3, %select_n3A_1280 : vector<16xi1>, vector<16xf32>
    %eq3A_1384 = arith.cmpf oeq, %select_n3A_1282, %min3A_1305 : vector<16xf32>
    %select_n3A_1385 = arith.select %eq3A_1384, %broadcast_in_dim3A_3, %select_n3A_1282 : vector<16xi1>, vector<16xf32>
    %eq3A_1386 = arith.cmpf oeq, %select_n3A_1284, %min3A_1305 : vector<16xf32>
    %select_n3A_1387 = arith.select %eq3A_1386, %broadcast_in_dim3A_3, %select_n3A_1284 : vector<16xi1>, vector<16xf32>
    %eq3A_1388 = arith.cmpf oeq, %select_n3A_1286, %min3A_1305 : vector<16xf32>
    %select_n3A_1389 = arith.select %eq3A_1388, %broadcast_in_dim3A_3, %select_n3A_1286 : vector<16xi1>, vector<16xf32>
    %eq3A_1390 = arith.cmpf oeq, %select_n3A_1288, %min3A_1305 : vector<16xf32>
    %select_n3A_1391 = arith.select %eq3A_1390, %broadcast_in_dim3A_3, %select_n3A_1288 : vector<16xi1>, vector<16xf32>
    %eq3A_1392 = arith.cmpf oeq, %select_n3A_1290, %min3A_1305 : vector<16xf32>
    %select_n3A_1393 = arith.select %eq3A_1392, %broadcast_in_dim3A_3, %select_n3A_1290 : vector<16xi1>, vector<16xf32>
    %min3A_1394 = arith.minimumf %select_n3A_1363, %select_n3A_1365 : vector<16xf32>
    %min3A_1395 = arith.minimumf %min3A_1394, %select_n3A_1367 : vector<16xf32>
    %min3A_1396 = arith.minimumf %min3A_1395, %select_n3A_1369 : vector<16xf32>
    %min3A_1397 = arith.minimumf %min3A_1396, %select_n3A_1371 : vector<16xf32>
    %min3A_1398 = arith.minimumf %min3A_1397, %select_n3A_1373 : vector<16xf32>
    %min3A_1399 = arith.minimumf %min3A_1398, %select_n3A_1375 : vector<16xf32>
    %min3A_1400 = arith.minimumf %min3A_1399, %select_n3A_1377 : vector<16xf32>
    %min3A_1401 = arith.minimumf %min3A_1400, %select_n3A_1379 : vector<16xf32>
    %min3A_1402 = arith.minimumf %min3A_1401, %select_n3A_1381 : vector<16xf32>
    %min3A_1403 = arith.minimumf %min3A_1402, %select_n3A_1383 : vector<16xf32>
    %min3A_1404 = arith.minimumf %min3A_1403, %select_n3A_1385 : vector<16xf32>
    %min3A_1405 = arith.minimumf %min3A_1404, %select_n3A_1387 : vector<16xf32>
    %min3A_1406 = arith.minimumf %min3A_1405, %select_n3A_1389 : vector<16xf32>
    %min3A_1407 = arith.minimumf %min3A_1406, %select_n3A_1391 : vector<16xf32>
    %min3A_1408 = arith.minimumf %min3A_1407, %select_n3A_1393 : vector<16xf32>
    %eq3A_1409 = arith.cmpf oeq, %select_n3A_1363, %min3A_1408 : vector<16xf32>
    %select_n3A_1410 = arith.select %eq3A_1409, %broadcast_in_dim3A_7, %broadcast_in_dim3A_5 : vector<16xi1>, vector<16xf32>
    %add3A_1411 = arith.addf %broadcast_in_dim3A_5, %select_n3A_1410 : vector<16xf32>
    %eq3A_1412 = arith.cmpf oeq, %select_n3A_1365, %min3A_1408 : vector<16xf32>
    %select_n3A_1413 = arith.select %eq3A_1412, %broadcast_in_dim3A_7, %broadcast_in_dim3A_5 : vector<16xi1>, vector<16xf32>
    %add3A_1414 = arith.addf %add3A_1411, %select_n3A_1413 : vector<16xf32>
    %eq3A_1415 = arith.cmpf oeq, %select_n3A_1367, %min3A_1408 : vector<16xf32>
    %select_n3A_1416 = arith.select %eq3A_1415, %broadcast_in_dim3A_7, %broadcast_in_dim3A_5 : vector<16xi1>, vector<16xf32>
    %add3A_1417 = arith.addf %add3A_1414, %select_n3A_1416 : vector<16xf32>
    %eq3A_1418 = arith.cmpf oeq, %select_n3A_1369, %min3A_1408 : vector<16xf32>
    %select_n3A_1419 = arith.select %eq3A_1418, %broadcast_in_dim3A_7, %broadcast_in_dim3A_5 : vector<16xi1>, vector<16xf32>
    %add3A_1420 = arith.addf %add3A_1417, %select_n3A_1419 : vector<16xf32>
    %eq3A_1421 = arith.cmpf oeq, %select_n3A_1371, %min3A_1408 : vector<16xf32>
    %select_n3A_1422 = arith.select %eq3A_1421, %broadcast_in_dim3A_7, %broadcast_in_dim3A_5 : vector<16xi1>, vector<16xf32>
    %add3A_1423 = arith.addf %add3A_1420, %select_n3A_1422 : vector<16xf32>
    %eq3A_1424 = arith.cmpf oeq, %select_n3A_1373, %min3A_1408 : vector<16xf32>
    %select_n3A_1425 = arith.select %eq3A_1424, %broadcast_in_dim3A_7, %broadcast_in_dim3A_5 : vector<16xi1>, vector<16xf32>
    %add3A_1426 = arith.addf %add3A_1423, %select_n3A_1425 : vector<16xf32>
    %eq3A_1427 = arith.cmpf oeq, %select_n3A_1375, %min3A_1408 : vector<16xf32>
    %select_n3A_1428 = arith.select %eq3A_1427, %broadcast_in_dim3A_7, %broadcast_in_dim3A_5 : vector<16xi1>, vector<16xf32>
    %add3A_1429 = arith.addf %add3A_1426, %select_n3A_1428 : vector<16xf32>
    %eq3A_1430 = arith.cmpf oeq, %select_n3A_1377, %min3A_1408 : vector<16xf32>
    %select_n3A_1431 = arith.select %eq3A_1430, %broadcast_in_dim3A_7, %broadcast_in_dim3A_5 : vector<16xi1>, vector<16xf32>
    %add3A_1432 = arith.addf %add3A_1429, %select_n3A_1431 : vector<16xf32>
    %eq3A_1433 = arith.cmpf oeq, %select_n3A_1379, %min3A_1408 : vector<16xf32>
    %select_n3A_1434 = arith.select %eq3A_1433, %broadcast_in_dim3A_7, %broadcast_in_dim3A_5 : vector<16xi1>, vector<16xf32>
    %add3A_1435 = arith.addf %add3A_1432, %select_n3A_1434 : vector<16xf32>
    %eq3A_1436 = arith.cmpf oeq, %select_n3A_1381, %min3A_1408 : vector<16xf32>
    %select_n3A_1437 = arith.select %eq3A_1436, %broadcast_in_dim3A_7, %broadcast_in_dim3A_5 : vector<16xi1>, vector<16xf32>
    %add3A_1438 = arith.addf %add3A_1435, %select_n3A_1437 : vector<16xf32>
    %eq3A_1439 = arith.cmpf oeq, %select_n3A_1383, %min3A_1408 : vector<16xf32>
    %select_n3A_1440 = arith.select %eq3A_1439, %broadcast_in_dim3A_7, %broadcast_in_dim3A_5 : vector<16xi1>, vector<16xf32>
    %add3A_1441 = arith.addf %add3A_1438, %select_n3A_1440 : vector<16xf32>
    %eq3A_1442 = arith.cmpf oeq, %select_n3A_1385, %min3A_1408 : vector<16xf32>
    %select_n3A_1443 = arith.select %eq3A_1442, %broadcast_in_dim3A_7, %broadcast_in_dim3A_5 : vector<16xi1>, vector<16xf32>
    %add3A_1444 = arith.addf %add3A_1441, %select_n3A_1443 : vector<16xf32>
    %eq3A_1445 = arith.cmpf oeq, %select_n3A_1387, %min3A_1408 : vector<16xf32>
    %select_n3A_1446 = arith.select %eq3A_1445, %broadcast_in_dim3A_7, %broadcast_in_dim3A_5 : vector<16xi1>, vector<16xf32>
    %add3A_1447 = arith.addf %add3A_1444, %select_n3A_1446 : vector<16xf32>
    %eq3A_1448 = arith.cmpf oeq, %select_n3A_1389, %min3A_1408 : vector<16xf32>
    %select_n3A_1449 = arith.select %eq3A_1448, %broadcast_in_dim3A_7, %broadcast_in_dim3A_5 : vector<16xi1>, vector<16xf32>
    %add3A_1450 = arith.addf %add3A_1447, %select_n3A_1449 : vector<16xf32>
    %eq3A_1451 = arith.cmpf oeq, %select_n3A_1391, %min3A_1408 : vector<16xf32>
    %select_n3A_1452 = arith.select %eq3A_1451, %broadcast_in_dim3A_7, %broadcast_in_dim3A_5 : vector<16xi1>, vector<16xf32>
    %add3A_1453 = arith.addf %add3A_1450, %select_n3A_1452 : vector<16xf32>
    %eq3A_1454 = arith.cmpf oeq, %select_n3A_1393, %min3A_1408 : vector<16xf32>
    %select_n3A_1455 = arith.select %eq3A_1454, %broadcast_in_dim3A_7, %broadcast_in_dim3A_5 : vector<16xi1>, vector<16xf32>
    %add3A_1456 = arith.addf %add3A_1453, %select_n3A_1455 : vector<16xf32>
    %min3A_1457 = arith.minimumf %add3A_1456, %sub3A_1361 : vector<16xf32>
    %gt3A_1458 = arith.constant 0.000000e+00 : f32
    %gt3A_1459 = vector.broadcast %gt3A_1458 : f32 to vector<16xf32>
    %gt3A_1460 = arith.cmpf ogt, %min3A_1457, %gt3A_1459 : vector<16xf32>
    %mul3A_1461 = arith.mulf %min3A_1457, %min3A_1408 : vector<16xf32>
    %select_n3A_1462 = arith.select %gt3A_1460, %mul3A_1461, %broadcast_in_dim3A_5 : vector<16xi1>, vector<16xf32>
    %add3A_1463 = arith.addf %add3A_1360, %select_n3A_1462 : vector<16xf32>
    %sub3A_1464 = arith.subf %sub3A_1361, %min3A_1457 : vector<16xf32>
    %eq3A_1465 = arith.cmpf oeq, %select_n3A_1363, %min3A_1408 : vector<16xf32>
    %select_n3A_1466 = arith.select %eq3A_1465, %broadcast_in_dim3A_3, %select_n3A_1363 : vector<16xi1>, vector<16xf32>
    %eq3A_1467 = arith.cmpf oeq, %select_n3A_1365, %min3A_1408 : vector<16xf32>
    %select_n3A_1468 = arith.select %eq3A_1467, %broadcast_in_dim3A_3, %select_n3A_1365 : vector<16xi1>, vector<16xf32>
    %eq3A_1469 = arith.cmpf oeq, %select_n3A_1367, %min3A_1408 : vector<16xf32>
    %select_n3A_1470 = arith.select %eq3A_1469, %broadcast_in_dim3A_3, %select_n3A_1367 : vector<16xi1>, vector<16xf32>
    %eq3A_1471 = arith.cmpf oeq, %select_n3A_1369, %min3A_1408 : vector<16xf32>
    %select_n3A_1472 = arith.select %eq3A_1471, %broadcast_in_dim3A_3, %select_n3A_1369 : vector<16xi1>, vector<16xf32>
    %eq3A_1473 = arith.cmpf oeq, %select_n3A_1371, %min3A_1408 : vector<16xf32>
    %select_n3A_1474 = arith.select %eq3A_1473, %broadcast_in_dim3A_3, %select_n3A_1371 : vector<16xi1>, vector<16xf32>
    %eq3A_1475 = arith.cmpf oeq, %select_n3A_1373, %min3A_1408 : vector<16xf32>
    %select_n3A_1476 = arith.select %eq3A_1475, %broadcast_in_dim3A_3, %select_n3A_1373 : vector<16xi1>, vector<16xf32>
    %eq3A_1477 = arith.cmpf oeq, %select_n3A_1375, %min3A_1408 : vector<16xf32>
    %select_n3A_1478 = arith.select %eq3A_1477, %broadcast_in_dim3A_3, %select_n3A_1375 : vector<16xi1>, vector<16xf32>
    %eq3A_1479 = arith.cmpf oeq, %select_n3A_1377, %min3A_1408 : vector<16xf32>
    %select_n3A_1480 = arith.select %eq3A_1479, %broadcast_in_dim3A_3, %select_n3A_1377 : vector<16xi1>, vector<16xf32>
    %eq3A_1481 = arith.cmpf oeq, %select_n3A_1379, %min3A_1408 : vector<16xf32>
    %select_n3A_1482 = arith.select %eq3A_1481, %broadcast_in_dim3A_3, %select_n3A_1379 : vector<16xi1>, vector<16xf32>
    %eq3A_1483 = arith.cmpf oeq, %select_n3A_1381, %min3A_1408 : vector<16xf32>
    %select_n3A_1484 = arith.select %eq3A_1483, %broadcast_in_dim3A_3, %select_n3A_1381 : vector<16xi1>, vector<16xf32>
    %eq3A_1485 = arith.cmpf oeq, %select_n3A_1383, %min3A_1408 : vector<16xf32>
    %select_n3A_1486 = arith.select %eq3A_1485, %broadcast_in_dim3A_3, %select_n3A_1383 : vector<16xi1>, vector<16xf32>
    %eq3A_1487 = arith.cmpf oeq, %select_n3A_1385, %min3A_1408 : vector<16xf32>
    %select_n3A_1488 = arith.select %eq3A_1487, %broadcast_in_dim3A_3, %select_n3A_1385 : vector<16xi1>, vector<16xf32>
    %eq3A_1489 = arith.cmpf oeq, %select_n3A_1387, %min3A_1408 : vector<16xf32>
    %select_n3A_1490 = arith.select %eq3A_1489, %broadcast_in_dim3A_3, %select_n3A_1387 : vector<16xi1>, vector<16xf32>
    %eq3A_1491 = arith.cmpf oeq, %select_n3A_1389, %min3A_1408 : vector<16xf32>
    %select_n3A_1492 = arith.select %eq3A_1491, %broadcast_in_dim3A_3, %select_n3A_1389 : vector<16xi1>, vector<16xf32>
    %eq3A_1493 = arith.cmpf oeq, %select_n3A_1391, %min3A_1408 : vector<16xf32>
    %select_n3A_1494 = arith.select %eq3A_1493, %broadcast_in_dim3A_3, %select_n3A_1391 : vector<16xi1>, vector<16xf32>
    %eq3A_1495 = arith.cmpf oeq, %select_n3A_1393, %min3A_1408 : vector<16xf32>
    %select_n3A_1496 = arith.select %eq3A_1495, %broadcast_in_dim3A_3, %select_n3A_1393 : vector<16xi1>, vector<16xf32>
    %mul3A_1497 = arith.constant 2.500000e-01 : f32
    %mul3A_1498 = vector.broadcast %mul3A_1497 : f32 to vector<16xf32>
    %mul3A_1499 = arith.mulf %add3A_1463, %mul3A_1498 : vector<16xf32>
    %swap3A_1500 = arith.constant 32 : index
    %swap3A_1501 = tpu.vector_load %arg5[%swap3A_1500] {strides = array<i32>} : memref<128xf32, #tpu.memory_space<vmem>>, vector<16xf32>,
    %swap3A_1502 = vector.shape_cast %swap3A_1501 : vector<16xf32> to vector<16xf32>
    %swap3A_1503 = vector.shape_cast %mul3A_1499 : vector<16xf32> to vector<16xf32>
    tpu.vector_store %arg5[%swap3A_1500], %swap3A_1503 {strides = array<i32>} : memref<128xf32, #tpu.memory_space<vmem>>, vector<16xf32>,
    %get3A_1504 = arith.constant 0 : i32
    %get3A_1505 = arith.index_cast %get3A_1504 : i32 to index
    %get3A_1506 = arith.constant 48 : index
    %get3A_1507 = tpu.vector_load %arg4[%get3A_1505, %get3A_1506] {strides = array<i32>} : memref<16x128xf32, #tpu.memory_space<vmem>>, vector<1x16xf32>,
    %get3A_1508 = vector.shape_cast %get3A_1507 : vector<1x16xf32> to vector<16xf32>
    %get3A_1509 = arith.constant 1 : i32
    %get3A_1510 = arith.index_cast %get3A_1509 : i32 to index
    %get3A_1511 = arith.constant 48 : index
    %get3A_1512 = tpu.vector_load %arg4[%get3A_1510, %get3A_1511] {strides = array<i32>} : memref<16x128xf32, #tpu.memory_space<vmem>>, vector<1x16xf32>,
    %get3A_1513 = vector.shape_cast %get3A_1512 : vector<1x16xf32> to vector<16xf32>
    %get3A_1514 = arith.constant 2 : i32
    %get3A_1515 = arith.index_cast %get3A_1514 : i32 to index
    %get3A_1516 = arith.constant 48 : index
    %get3A_1517 = tpu.vector_load %arg4[%get3A_1515, %get3A_1516] {strides = array<i32>} : memref<16x128xf32, #tpu.memory_space<vmem>>, vector<1x16xf32>,
    %get3A_1518 = vector.shape_cast %get3A_1517 : vector<1x16xf32> to vector<16xf32>
    %get3A_1519 = arith.constant 3 : i32
    %get3A_1520 = arith.index_cast %get3A_1519 : i32 to index
    %get3A_1521 = arith.constant 48 : index
    %get3A_1522 = tpu.vector_load %arg4[%get3A_1520, %get3A_1521] {strides = array<i32>} : memref<16x128xf32, #tpu.memory_space<vmem>>, vector<1x16xf32>,
    %get3A_1523 = vector.shape_cast %get3A_1522 : vector<1x16xf32> to vector<16xf32>
    %get3A_1524 = arith.constant 4 : i32
    %get3A_1525 = arith.index_cast %get3A_1524 : i32 to index
    %get3A_1526 = arith.constant 48 : index
    %get3A_1527 = tpu.vector_load %arg4[%get3A_1525, %get3A_1526] {strides = array<i32>} : memref<16x128xf32, #tpu.memory_space<vmem>>, vector<1x16xf32>,
    %get3A_1528 = vector.shape_cast %get3A_1527 : vector<1x16xf32> to vector<16xf32>
    %get3A_1529 = arith.constant 5 : i32
    %get3A_1530 = arith.index_cast %get3A_1529 : i32 to index
    %get3A_1531 = arith.constant 48 : index
    %get3A_1532 = tpu.vector_load %arg4[%get3A_1530, %get3A_1531] {strides = array<i32>} : memref<16x128xf32, #tpu.memory_space<vmem>>, vector<1x16xf32>,
    %get3A_1533 = vector.shape_cast %get3A_1532 : vector<1x16xf32> to vector<16xf32>
    %get3A_1534 = arith.constant 6 : i32
    %get3A_1535 = arith.index_cast %get3A_1534 : i32 to index
    %get3A_1536 = arith.constant 48 : index
    %get3A_1537 = tpu.vector_load %arg4[%get3A_1535, %get3A_1536] {strides = array<i32>} : memref<16x128xf32, #tpu.memory_space<vmem>>, vector<1x16xf32>,
    %get3A_1538 = vector.shape_cast %get3A_1537 : vector<1x16xf32> to vector<16xf32>
    %get3A_1539 = arith.constant 7 : i32
    %get3A_1540 = arith.index_cast %get3A_1539 : i32 to index
    %get3A_1541 = arith.constant 48 : index
    %get3A_1542 = tpu.vector_load %arg4[%get3A_1540, %get3A_1541] {strides = array<i32>} : memref<16x128xf32, #tpu.memory_space<vmem>>, vector<1x16xf32>,
    %get3A_1543 = vector.shape_cast %get3A_1542 : vector<1x16xf32> to vector<16xf32>
    %get3A_1544 = arith.constant 8 : i32
    %get3A_1545 = arith.index_cast %get3A_1544 : i32 to index
    %get3A_1546 = arith.constant 48 : index
    %get3A_1547 = tpu.vector_load %arg4[%get3A_1545, %get3A_1546] {strides = array<i32>} : memref<16x128xf32, #tpu.memory_space<vmem>>, vector<1x16xf32>,
    %get3A_1548 = vector.shape_cast %get3A_1547 : vector<1x16xf32> to vector<16xf32>
    %get3A_1549 = arith.constant 9 : i32
    %get3A_1550 = arith.index_cast %get3A_1549 : i32 to index
    %get3A_1551 = arith.constant 48 : index
    %get3A_1552 = tpu.vector_load %arg4[%get3A_1550, %get3A_1551] {strides = array<i32>} : memref<16x128xf32, #tpu.memory_space<vmem>>, vector<1x16xf32>,
    %get3A_1553 = vector.shape_cast %get3A_1552 : vector<1x16xf32> to vector<16xf32>
    %get3A_1554 = arith.constant 10 : i32
    %get3A_1555 = arith.index_cast %get3A_1554 : i32 to index
    %get3A_1556 = arith.constant 48 : index
    %get3A_1557 = tpu.vector_load %arg4[%get3A_1555, %get3A_1556] {strides = array<i32>} : memref<16x128xf32, #tpu.memory_space<vmem>>, vector<1x16xf32>,
    %get3A_1558 = vector.shape_cast %get3A_1557 : vector<1x16xf32> to vector<16xf32>
    %get3A_1559 = arith.constant 11 : i32
    %get3A_1560 = arith.index_cast %get3A_1559 : i32 to index
    %get3A_1561 = arith.constant 48 : index
    %get3A_1562 = tpu.vector_load %arg4[%get3A_1560, %get3A_1561] {strides = array<i32>} : memref<16x128xf32, #tpu.memory_space<vmem>>, vector<1x16xf32>,
    %get3A_1563 = vector.shape_cast %get3A_1562 : vector<1x16xf32> to vector<16xf32>
    %get3A_1564 = arith.constant 12 : i32
    %get3A_1565 = arith.index_cast %get3A_1564 : i32 to index
    %get3A_1566 = arith.constant 48 : index
    %get3A_1567 = tpu.vector_load %arg4[%get3A_1565, %get3A_1566] {strides = array<i32>} : memref<16x128xf32, #tpu.memory_space<vmem>>, vector<1x16xf32>,
    %get3A_1568 = vector.shape_cast %get3A_1567 : vector<1x16xf32> to vector<16xf32>
    %get3A_1569 = arith.constant 13 : i32
    %get3A_1570 = arith.index_cast %get3A_1569 : i32 to index
    %get3A_1571 = arith.constant 48 : index
    %get3A_1572 = tpu.vector_load %arg4[%get3A_1570, %get3A_1571] {strides = array<i32>} : memref<16x128xf32, #tpu.memory_space<vmem>>, vector<1x16xf32>,
    %get3A_1573 = vector.shape_cast %get3A_1572 : vector<1x16xf32> to vector<16xf32>
    %get3A_1574 = arith.constant 14 : i32
    %get3A_1575 = arith.index_cast %get3A_1574 : i32 to index
    %get3A_1576 = arith.constant 48 : index
    %get3A_1577 = tpu.vector_load %arg4[%get3A_1575, %get3A_1576] {strides = array<i32>} : memref<16x128xf32, #tpu.memory_space<vmem>>, vector<1x16xf32>,
    %get3A_1578 = vector.shape_cast %get3A_1577 : vector<1x16xf32> to vector<16xf32>
    %get3A_1579 = arith.constant 15 : i32
    %get3A_1580 = arith.index_cast %get3A_1579 : i32 to index
    %get3A_1581 = arith.constant 48 : index
    %get3A_1582 = tpu.vector_load %arg4[%get3A_1580, %get3A_1581] {strides = array<i32>} : memref<16x128xf32, #tpu.memory_space<vmem>>, vector<1x16xf32>,
    %get3A_1583 = vector.shape_cast %get3A_1582 : vector<1x16xf32> to vector<16xf32>
    %broadcast_in_dim3A_1584 = arith.constant 4.000000e+00 : f32
    %broadcast_in_dim3A_1585 = vector.broadcast %broadcast_in_dim3A_1584 : f32 to vector<16xf32>
    %min3A_1586 = arith.minimumf %get3A_1508, %get3A_1513 : vector<16xf32>
    %min3A_1587 = arith.minimumf %min3A_1586, %get3A_1518 : vector<16xf32>
    %min3A_1588 = arith.minimumf %min3A_1587, %get3A_1523 : vector<16xf32>
    %min3A_1589 = arith.minimumf %min3A_1588, %get3A_1528 : vector<16xf32>
    %min3A_1590 = arith.minimumf %min3A_1589, %get3A_1533 : vector<16xf32>
    %min3A_1591 = arith.minimumf %min3A_1590, %get3A_1538 : vector<16xf32>
    %min3A_1592 = arith.minimumf %min3A_1591, %get3A_1543 : vector<16xf32>
    %min3A_1593 = arith.minimumf %min3A_1592, %get3A_1548 : vector<16xf32>
    %min3A_1594 = arith.minimumf %min3A_1593, %get3A_1553 : vector<16xf32>
    %min3A_1595 = arith.minimumf %min3A_1594, %get3A_1558 : vector<16xf32>
    %min3A_1596 = arith.minimumf %min3A_1595, %get3A_1563 : vector<16xf32>
    %min3A_1597 = arith.minimumf %min3A_1596, %get3A_1568 : vector<16xf32>
    %min3A_1598 = arith.minimumf %min3A_1597, %get3A_1573 : vector<16xf32>
    %min3A_1599 = arith.minimumf %min3A_1598, %get3A_1578 : vector<16xf32>
    %min3A_1600 = arith.minimumf %min3A_1599, %get3A_1583 : vector<16xf32>
    %eq3A_1601 = arith.cmpf oeq, %get3A_1508, %min3A_1600 : vector<16xf32>
    %select_n3A_1602 = arith.select %eq3A_1601, %broadcast_in_dim3A_7, %broadcast_in_dim3A_5 : vector<16xi1>, vector<16xf32>
    %add3A_1603 = arith.addf %broadcast_in_dim3A_5, %select_n3A_1602 : vector<16xf32>
    %eq3A_1604 = arith.cmpf oeq, %get3A_1513, %min3A_1600 : vector<16xf32>
    %select_n3A_1605 = arith.select %eq3A_1604, %broadcast_in_dim3A_7, %broadcast_in_dim3A_5 : vector<16xi1>, vector<16xf32>
    %add3A_1606 = arith.addf %add3A_1603, %select_n3A_1605 : vector<16xf32>
    %eq3A_1607 = arith.cmpf oeq, %get3A_1518, %min3A_1600 : vector<16xf32>
    %select_n3A_1608 = arith.select %eq3A_1607, %broadcast_in_dim3A_7, %broadcast_in_dim3A_5 : vector<16xi1>, vector<16xf32>
    %add3A_1609 = arith.addf %add3A_1606, %select_n3A_1608 : vector<16xf32>
    %eq3A_1610 = arith.cmpf oeq, %get3A_1523, %min3A_1600 : vector<16xf32>
    %select_n3A_1611 = arith.select %eq3A_1610, %broadcast_in_dim3A_7, %broadcast_in_dim3A_5 : vector<16xi1>, vector<16xf32>
    %add3A_1612 = arith.addf %add3A_1609, %select_n3A_1611 : vector<16xf32>
    %eq3A_1613 = arith.cmpf oeq, %get3A_1528, %min3A_1600 : vector<16xf32>
    %select_n3A_1614 = arith.select %eq3A_1613, %broadcast_in_dim3A_7, %broadcast_in_dim3A_5 : vector<16xi1>, vector<16xf32>
    %add3A_1615 = arith.addf %add3A_1612, %select_n3A_1614 : vector<16xf32>
    %eq3A_1616 = arith.cmpf oeq, %get3A_1533, %min3A_1600 : vector<16xf32>
    %select_n3A_1617 = arith.select %eq3A_1616, %broadcast_in_dim3A_7, %broadcast_in_dim3A_5 : vector<16xi1>, vector<16xf32>
    %add3A_1618 = arith.addf %add3A_1615, %select_n3A_1617 : vector<16xf32>
    %eq3A_1619 = arith.cmpf oeq, %get3A_1538, %min3A_1600 : vector<16xf32>
    %select_n3A_1620 = arith.select %eq3A_1619, %broadcast_in_dim3A_7, %broadcast_in_dim3A_5 : vector<16xi1>, vector<16xf32>
    %add3A_1621 = arith.addf %add3A_1618, %select_n3A_1620 : vector<16xf32>
    %eq3A_1622 = arith.cmpf oeq, %get3A_1543, %min3A_1600 : vector<16xf32>
    %select_n3A_1623 = arith.select %eq3A_1622, %broadcast_in_dim3A_7, %broadcast_in_dim3A_5 : vector<16xi1>, vector<16xf32>
    %add3A_1624 = arith.addf %add3A_1621, %select_n3A_1623 : vector<16xf32>
    %eq3A_1625 = arith.cmpf oeq, %get3A_1548, %min3A_1600 : vector<16xf32>
    %select_n3A_1626 = arith.select %eq3A_1625, %broadcast_in_dim3A_7, %broadcast_in_dim3A_5 : vector<16xi1>, vector<16xf32>
    %add3A_1627 = arith.addf %add3A_1624, %select_n3A_1626 : vector<16xf32>
    %eq3A_1628 = arith.cmpf oeq, %get3A_1553, %min3A_1600 : vector<16xf32>
    %select_n3A_1629 = arith.select %eq3A_1628, %broadcast_in_dim3A_7, %broadcast_in_dim3A_5 : vector<16xi1>, vector<16xf32>
    %add3A_1630 = arith.addf %add3A_1627, %select_n3A_1629 : vector<16xf32>
    %eq3A_1631 = arith.cmpf oeq, %get3A_1558, %min3A_1600 : vector<16xf32>
    %select_n3A_1632 = arith.select %eq3A_1631, %broadcast_in_dim3A_7, %broadcast_in_dim3A_5 : vector<16xi1>, vector<16xf32>
    %add3A_1633 = arith.addf %add3A_1630, %select_n3A_1632 : vector<16xf32>
    %eq3A_1634 = arith.cmpf oeq, %get3A_1563, %min3A_1600 : vector<16xf32>
    %select_n3A_1635 = arith.select %eq3A_1634, %broadcast_in_dim3A_7, %broadcast_in_dim3A_5 : vector<16xi1>, vector<16xf32>
    %add3A_1636 = arith.addf %add3A_1633, %select_n3A_1635 : vector<16xf32>
    %eq3A_1637 = arith.cmpf oeq, %get3A_1568, %min3A_1600 : vector<16xf32>
    %select_n3A_1638 = arith.select %eq3A_1637, %broadcast_in_dim3A_7, %broadcast_in_dim3A_5 : vector<16xi1>, vector<16xf32>
    %add3A_1639 = arith.addf %add3A_1636, %select_n3A_1638 : vector<16xf32>
    %eq3A_1640 = arith.cmpf oeq, %get3A_1573, %min3A_1600 : vector<16xf32>
    %select_n3A_1641 = arith.select %eq3A_1640, %broadcast_in_dim3A_7, %broadcast_in_dim3A_5 : vector<16xi1>, vector<16xf32>
    %add3A_1642 = arith.addf %add3A_1639, %select_n3A_1641 : vector<16xf32>
    %eq3A_1643 = arith.cmpf oeq, %get3A_1578, %min3A_1600 : vector<16xf32>
    %select_n3A_1644 = arith.select %eq3A_1643, %broadcast_in_dim3A_7, %broadcast_in_dim3A_5 : vector<16xi1>, vector<16xf32>
    %add3A_1645 = arith.addf %add3A_1642, %select_n3A_1644 : vector<16xf32>
    %eq3A_1646 = arith.cmpf oeq, %get3A_1583, %min3A_1600 : vector<16xf32>
    %select_n3A_1647 = arith.select %eq3A_1646, %broadcast_in_dim3A_7, %broadcast_in_dim3A_5 : vector<16xi1>, vector<16xf32>
    %add3A_1648 = arith.addf %add3A_1645, %select_n3A_1647 : vector<16xf32>
    %min3A_1649 = arith.minimumf %add3A_1648, %broadcast_in_dim3A_1585 : vector<16xf32>
    %gt3A_1650 = arith.constant 0.000000e+00 : f32
    %gt3A_1651 = vector.broadcast %gt3A_1650 : f32 to vector<16xf32>
    %gt3A_1652 = arith.cmpf ogt, %min3A_1649, %gt3A_1651 : vector<16xf32>
    %mul3A_1653 = arith.mulf %min3A_1649, %min3A_1600 : vector<16xf32>
    %select_n3A_1654 = arith.select %gt3A_1652, %mul3A_1653, %broadcast_in_dim3A_5 : vector<16xi1>, vector<16xf32>
    %add3A_1655 = arith.addf %broadcast_in_dim3A_5, %select_n3A_1654 : vector<16xf32>
    %sub3A_1656 = arith.subf %broadcast_in_dim3A_1585, %min3A_1649 : vector<16xf32>
    %eq3A_1657 = arith.cmpf oeq, %get3A_1508, %min3A_1600 : vector<16xf32>
    %select_n3A_1658 = arith.select %eq3A_1657, %broadcast_in_dim3A_3, %get3A_1508 : vector<16xi1>, vector<16xf32>
    %eq3A_1659 = arith.cmpf oeq, %get3A_1513, %min3A_1600 : vector<16xf32>
    %select_n3A_1660 = arith.select %eq3A_1659, %broadcast_in_dim3A_3, %get3A_1513 : vector<16xi1>, vector<16xf32>
    %eq3A_1661 = arith.cmpf oeq, %get3A_1518, %min3A_1600 : vector<16xf32>
    %select_n3A_1662 = arith.select %eq3A_1661, %broadcast_in_dim3A_3, %get3A_1518 : vector<16xi1>, vector<16xf32>
    %eq3A_1663 = arith.cmpf oeq, %get3A_1523, %min3A_1600 : vector<16xf32>
    %select_n3A_1664 = arith.select %eq3A_1663, %broadcast_in_dim3A_3, %get3A_1523 : vector<16xi1>, vector<16xf32>
    %eq3A_1665 = arith.cmpf oeq, %get3A_1528, %min3A_1600 : vector<16xf32>
    %select_n3A_1666 = arith.select %eq3A_1665, %broadcast_in_dim3A_3, %get3A_1528 : vector<16xi1>, vector<16xf32>
    %eq3A_1667 = arith.cmpf oeq, %get3A_1533, %min3A_1600 : vector<16xf32>
    %select_n3A_1668 = arith.select %eq3A_1667, %broadcast_in_dim3A_3, %get3A_1533 : vector<16xi1>, vector<16xf32>
    %eq3A_1669 = arith.cmpf oeq, %get3A_1538, %min3A_1600 : vector<16xf32>
    %select_n3A_1670 = arith.select %eq3A_1669, %broadcast_in_dim3A_3, %get3A_1538 : vector<16xi1>, vector<16xf32>
    %eq3A_1671 = arith.cmpf oeq, %get3A_1543, %min3A_1600 : vector<16xf32>
    %select_n3A_1672 = arith.select %eq3A_1671, %broadcast_in_dim3A_3, %get3A_1543 : vector<16xi1>, vector<16xf32>
    %eq3A_1673 = arith.cmpf oeq, %get3A_1548, %min3A_1600 : vector<16xf32>
    %select_n3A_1674 = arith.select %eq3A_1673, %broadcast_in_dim3A_3, %get3A_1548 : vector<16xi1>, vector<16xf32>
    %eq3A_1675 = arith.cmpf oeq, %get3A_1553, %min3A_1600 : vector<16xf32>
    %select_n3A_1676 = arith.select %eq3A_1675, %broadcast_in_dim3A_3, %get3A_1553 : vector<16xi1>, vector<16xf32>
    %eq3A_1677 = arith.cmpf oeq, %get3A_1558, %min3A_1600 : vector<16xf32>
    %select_n3A_1678 = arith.select %eq3A_1677, %broadcast_in_dim3A_3, %get3A_1558 : vector<16xi1>, vector<16xf32>
    %eq3A_1679 = arith.cmpf oeq, %get3A_1563, %min3A_1600 : vector<16xf32>
    %select_n3A_1680 = arith.select %eq3A_1679, %broadcast_in_dim3A_3, %get3A_1563 : vector<16xi1>, vector<16xf32>
    %eq3A_1681 = arith.cmpf oeq, %get3A_1568, %min3A_1600 : vector<16xf32>
    %select_n3A_1682 = arith.select %eq3A_1681, %broadcast_in_dim3A_3, %get3A_1568 : vector<16xi1>, vector<16xf32>
    %eq3A_1683 = arith.cmpf oeq, %get3A_1573, %min3A_1600 : vector<16xf32>
    %select_n3A_1684 = arith.select %eq3A_1683, %broadcast_in_dim3A_3, %get3A_1573 : vector<16xi1>, vector<16xf32>
    %eq3A_1685 = arith.cmpf oeq, %get3A_1578, %min3A_1600 : vector<16xf32>
    %select_n3A_1686 = arith.select %eq3A_1685, %broadcast_in_dim3A_3, %get3A_1578 : vector<16xi1>, vector<16xf32>
    %eq3A_1687 = arith.cmpf oeq, %get3A_1583, %min3A_1600 : vector<16xf32>
    %select_n3A_1688 = arith.select %eq3A_1687, %broadcast_in_dim3A_3, %get3A_1583 : vector<16xi1>, vector<16xf32>
    %min3A_1689 = arith.minimumf %select_n3A_1658, %select_n3A_1660 : vector<16xf32>
    %min3A_1690 = arith.minimumf %min3A_1689, %select_n3A_1662 : vector<16xf32>
    %min3A_1691 = arith.minimumf %min3A_1690, %select_n3A_1664 : vector<16xf32>
    %min3A_1692 = arith.minimumf %min3A_1691, %select_n3A_1666 : vector<16xf32>
    %min3A_1693 = arith.minimumf %min3A_1692, %select_n3A_1668 : vector<16xf32>
    %min3A_1694 = arith.minimumf %min3A_1693, %select_n3A_1670 : vector<16xf32>
    %min3A_1695 = arith.minimumf %min3A_1694, %select_n3A_1672 : vector<16xf32>
    %min3A_1696 = arith.minimumf %min3A_1695, %select_n3A_1674 : vector<16xf32>
    %min3A_1697 = arith.minimumf %min3A_1696, %select_n3A_1676 : vector<16xf32>
    %min3A_1698 = arith.minimumf %min3A_1697, %select_n3A_1678 : vector<16xf32>
    %min3A_1699 = arith.minimumf %min3A_1698, %select_n3A_1680 : vector<16xf32>
    %min3A_1700 = arith.minimumf %min3A_1699, %select_n3A_1682 : vector<16xf32>
    %min3A_1701 = arith.minimumf %min3A_1700, %select_n3A_1684 : vector<16xf32>
    %min3A_1702 = arith.minimumf %min3A_1701, %select_n3A_1686 : vector<16xf32>
    %min3A_1703 = arith.minimumf %min3A_1702, %select_n3A_1688 : vector<16xf32>
    %eq3A_1704 = arith.cmpf oeq, %select_n3A_1658, %min3A_1703 : vector<16xf32>
    %select_n3A_1705 = arith.select %eq3A_1704, %broadcast_in_dim3A_7, %broadcast_in_dim3A_5 : vector<16xi1>, vector<16xf32>
    %add3A_1706 = arith.addf %broadcast_in_dim3A_5, %select_n3A_1705 : vector<16xf32>
    %eq3A_1707 = arith.cmpf oeq, %select_n3A_1660, %min3A_1703 : vector<16xf32>
    %select_n3A_1708 = arith.select %eq3A_1707, %broadcast_in_dim3A_7, %broadcast_in_dim3A_5 : vector<16xi1>, vector<16xf32>
    %add3A_1709 = arith.addf %add3A_1706, %select_n3A_1708 : vector<16xf32>
    %eq3A_1710 = arith.cmpf oeq, %select_n3A_1662, %min3A_1703 : vector<16xf32>
    %select_n3A_1711 = arith.select %eq3A_1710, %broadcast_in_dim3A_7, %broadcast_in_dim3A_5 : vector<16xi1>, vector<16xf32>
    %add3A_1712 = arith.addf %add3A_1709, %select_n3A_1711 : vector<16xf32>
    %eq3A_1713 = arith.cmpf oeq, %select_n3A_1664, %min3A_1703 : vector<16xf32>
    %select_n3A_1714 = arith.select %eq3A_1713, %broadcast_in_dim3A_7, %broadcast_in_dim3A_5 : vector<16xi1>, vector<16xf32>
    %add3A_1715 = arith.addf %add3A_1712, %select_n3A_1714 : vector<16xf32>
    %eq3A_1716 = arith.cmpf oeq, %select_n3A_1666, %min3A_1703 : vector<16xf32>
    %select_n3A_1717 = arith.select %eq3A_1716, %broadcast_in_dim3A_7, %broadcast_in_dim3A_5 : vector<16xi1>, vector<16xf32>
    %add3A_1718 = arith.addf %add3A_1715, %select_n3A_1717 : vector<16xf32>
    %eq3A_1719 = arith.cmpf oeq, %select_n3A_1668, %min3A_1703 : vector<16xf32>
    %select_n3A_1720 = arith.select %eq3A_1719, %broadcast_in_dim3A_7, %broadcast_in_dim3A_5 : vector<16xi1>, vector<16xf32>
    %add3A_1721 = arith.addf %add3A_1718, %select_n3A_1720 : vector<16xf32>
    %eq3A_1722 = arith.cmpf oeq, %select_n3A_1670, %min3A_1703 : vector<16xf32>
    %select_n3A_1723 = arith.select %eq3A_1722, %broadcast_in_dim3A_7, %broadcast_in_dim3A_5 : vector<16xi1>, vector<16xf32>
    %add3A_1724 = arith.addf %add3A_1721, %select_n3A_1723 : vector<16xf32>
    %eq3A_1725 = arith.cmpf oeq, %select_n3A_1672, %min3A_1703 : vector<16xf32>
    %select_n3A_1726 = arith.select %eq3A_1725, %broadcast_in_dim3A_7, %broadcast_in_dim3A_5 : vector<16xi1>, vector<16xf32>
    %add3A_1727 = arith.addf %add3A_1724, %select_n3A_1726 : vector<16xf32>
    %eq3A_1728 = arith.cmpf oeq, %select_n3A_1674, %min3A_1703 : vector<16xf32>
    %select_n3A_1729 = arith.select %eq3A_1728, %broadcast_in_dim3A_7, %broadcast_in_dim3A_5 : vector<16xi1>, vector<16xf32>
    %add3A_1730 = arith.addf %add3A_1727, %select_n3A_1729 : vector<16xf32>
    %eq3A_1731 = arith.cmpf oeq, %select_n3A_1676, %min3A_1703 : vector<16xf32>
    %select_n3A_1732 = arith.select %eq3A_1731, %broadcast_in_dim3A_7, %broadcast_in_dim3A_5 : vector<16xi1>, vector<16xf32>
    %add3A_1733 = arith.addf %add3A_1730, %select_n3A_1732 : vector<16xf32>
    %eq3A_1734 = arith.cmpf oeq, %select_n3A_1678, %min3A_1703 : vector<16xf32>
    %select_n3A_1735 = arith.select %eq3A_1734, %broadcast_in_dim3A_7, %broadcast_in_dim3A_5 : vector<16xi1>, vector<16xf32>
    %add3A_1736 = arith.addf %add3A_1733, %select_n3A_1735 : vector<16xf32>
    %eq3A_1737 = arith.cmpf oeq, %select_n3A_1680, %min3A_1703 : vector<16xf32>
    %select_n3A_1738 = arith.select %eq3A_1737, %broadcast_in_dim3A_7, %broadcast_in_dim3A_5 : vector<16xi1>, vector<16xf32>
    %add3A_1739 = arith.addf %add3A_1736, %select_n3A_1738 : vector<16xf32>
    %eq3A_1740 = arith.cmpf oeq, %select_n3A_1682, %min3A_1703 : vector<16xf32>
    %select_n3A_1741 = arith.select %eq3A_1740, %broadcast_in_dim3A_7, %broadcast_in_dim3A_5 : vector<16xi1>, vector<16xf32>
    %add3A_1742 = arith.addf %add3A_1739, %select_n3A_1741 : vector<16xf32>
    %eq3A_1743 = arith.cmpf oeq, %select_n3A_1684, %min3A_1703 : vector<16xf32>
    %select_n3A_1744 = arith.select %eq3A_1743, %broadcast_in_dim3A_7, %broadcast_in_dim3A_5 : vector<16xi1>, vector<16xf32>
    %add3A_1745 = arith.addf %add3A_1742, %select_n3A_1744 : vector<16xf32>
    %eq3A_1746 = arith.cmpf oeq, %select_n3A_1686, %min3A_1703 : vector<16xf32>
    %select_n3A_1747 = arith.select %eq3A_1746, %broadcast_in_dim3A_7, %broadcast_in_dim3A_5 : vector<16xi1>, vector<16xf32>
    %add3A_1748 = arith.addf %add3A_1745, %select_n3A_1747 : vector<16xf32>
    %eq3A_1749 = arith.cmpf oeq, %select_n3A_1688, %min3A_1703 : vector<16xf32>
    %select_n3A_1750 = arith.select %eq3A_1749, %broadcast_in_dim3A_7, %broadcast_in_dim3A_5 : vector<16xi1>, vector<16xf32>
    %add3A_1751 = arith.addf %add3A_1748, %select_n3A_1750 : vector<16xf32>
    %min3A_1752 = arith.minimumf %add3A_1751, %sub3A_1656 : vector<16xf32>
    %gt3A_1753 = arith.constant 0.000000e+00 : f32
    %gt3A_1754 = vector.broadcast %gt3A_1753 : f32 to vector<16xf32>
    %gt3A_1755 = arith.cmpf ogt, %min3A_1752, %gt3A_1754 : vector<16xf32>
    %mul3A_1756 = arith.mulf %min3A_1752, %min3A_1703 : vector<16xf32>
    %select_n3A_1757 = arith.select %gt3A_1755, %mul3A_1756, %broadcast_in_dim3A_5 : vector<16xi1>, vector<16xf32>
    %add3A_1758 = arith.addf %add3A_1655, %select_n3A_1757 : vector<16xf32>
    %sub3A_1759 = arith.subf %sub3A_1656, %min3A_1752 : vector<16xf32>
    %eq3A_1760 = arith.cmpf oeq, %select_n3A_1658, %min3A_1703 : vector<16xf32>
    %select_n3A_1761 = arith.select %eq3A_1760, %broadcast_in_dim3A_3, %select_n3A_1658 : vector<16xi1>, vector<16xf32>
    %eq3A_1762 = arith.cmpf oeq, %select_n3A_1660, %min3A_1703 : vector<16xf32>
    %select_n3A_1763 = arith.select %eq3A_1762, %broadcast_in_dim3A_3, %select_n3A_1660 : vector<16xi1>, vector<16xf32>
    %eq3A_1764 = arith.cmpf oeq, %select_n3A_1662, %min3A_1703 : vector<16xf32>
    %select_n3A_1765 = arith.select %eq3A_1764, %broadcast_in_dim3A_3, %select_n3A_1662 : vector<16xi1>, vector<16xf32>
    %eq3A_1766 = arith.cmpf oeq, %select_n3A_1664, %min3A_1703 : vector<16xf32>
    %select_n3A_1767 = arith.select %eq3A_1766, %broadcast_in_dim3A_3, %select_n3A_1664 : vector<16xi1>, vector<16xf32>
    %eq3A_1768 = arith.cmpf oeq, %select_n3A_1666, %min3A_1703 : vector<16xf32>
    %select_n3A_1769 = arith.select %eq3A_1768, %broadcast_in_dim3A_3, %select_n3A_1666 : vector<16xi1>, vector<16xf32>
    %eq3A_1770 = arith.cmpf oeq, %select_n3A_1668, %min3A_1703 : vector<16xf32>
    %select_n3A_1771 = arith.select %eq3A_1770, %broadcast_in_dim3A_3, %select_n3A_1668 : vector<16xi1>, vector<16xf32>
    %eq3A_1772 = arith.cmpf oeq, %select_n3A_1670, %min3A_1703 : vector<16xf32>
    %select_n3A_1773 = arith.select %eq3A_1772, %broadcast_in_dim3A_3, %select_n3A_1670 : vector<16xi1>, vector<16xf32>
    %eq3A_1774 = arith.cmpf oeq, %select_n3A_1672, %min3A_1703 : vector<16xf32>
    %select_n3A_1775 = arith.select %eq3A_1774, %broadcast_in_dim3A_3, %select_n3A_1672 : vector<16xi1>, vector<16xf32>
    %eq3A_1776 = arith.cmpf oeq, %select_n3A_1674, %min3A_1703 : vector<16xf32>
    %select_n3A_1777 = arith.select %eq3A_1776, %broadcast_in_dim3A_3, %select_n3A_1674 : vector<16xi1>, vector<16xf32>
    %eq3A_1778 = arith.cmpf oeq, %select_n3A_1676, %min3A_1703 : vector<16xf32>
    %select_n3A_1779 = arith.select %eq3A_1778, %broadcast_in_dim3A_3, %select_n3A_1676 : vector<16xi1>, vector<16xf32>
    %eq3A_1780 = arith.cmpf oeq, %select_n3A_1678, %min3A_1703 : vector<16xf32>
    %select_n3A_1781 = arith.select %eq3A_1780, %broadcast_in_dim3A_3, %select_n3A_1678 : vector<16xi1>, vector<16xf32>
    %eq3A_1782 = arith.cmpf oeq, %select_n3A_1680, %min3A_1703 : vector<16xf32>
    %select_n3A_1783 = arith.select %eq3A_1782, %broadcast_in_dim3A_3, %select_n3A_1680 : vector<16xi1>, vector<16xf32>
    %eq3A_1784 = arith.cmpf oeq, %select_n3A_1682, %min3A_1703 : vector<16xf32>
    %select_n3A_1785 = arith.select %eq3A_1784, %broadcast_in_dim3A_3, %select_n3A_1682 : vector<16xi1>, vector<16xf32>
    %eq3A_1786 = arith.cmpf oeq, %select_n3A_1684, %min3A_1703 : vector<16xf32>
    %select_n3A_1787 = arith.select %eq3A_1786, %broadcast_in_dim3A_3, %select_n3A_1684 : vector<16xi1>, vector<16xf32>
    %eq3A_1788 = arith.cmpf oeq, %select_n3A_1686, %min3A_1703 : vector<16xf32>
    %select_n3A_1789 = arith.select %eq3A_1788, %broadcast_in_dim3A_3, %select_n3A_1686 : vector<16xi1>, vector<16xf32>
    %eq3A_1790 = arith.cmpf oeq, %select_n3A_1688, %min3A_1703 : vector<16xf32>
    %select_n3A_1791 = arith.select %eq3A_1790, %broadcast_in_dim3A_3, %select_n3A_1688 : vector<16xi1>, vector<16xf32>
    %min3A_1792 = arith.minimumf %select_n3A_1761, %select_n3A_1763 : vector<16xf32>
    %min3A_1793 = arith.minimumf %min3A_1792, %select_n3A_1765 : vector<16xf32>
    %min3A_1794 = arith.minimumf %min3A_1793, %select_n3A_1767 : vector<16xf32>
    %min3A_1795 = arith.minimumf %min3A_1794, %select_n3A_1769 : vector<16xf32>
    %min3A_1796 = arith.minimumf %min3A_1795, %select_n3A_1771 : vector<16xf32>
    %min3A_1797 = arith.minimumf %min3A_1796, %select_n3A_1773 : vector<16xf32>
    %min3A_1798 = arith.minimumf %min3A_1797, %select_n3A_1775 : vector<16xf32>
    %min3A_1799 = arith.minimumf %min3A_1798, %select_n3A_1777 : vector<16xf32>
    %min3A_1800 = arith.minimumf %min3A_1799, %select_n3A_1779 : vector<16xf32>
    %min3A_1801 = arith.minimumf %min3A_1800, %select_n3A_1781 : vector<16xf32>
    %min3A_1802 = arith.minimumf %min3A_1801, %select_n3A_1783 : vector<16xf32>
    %min3A_1803 = arith.minimumf %min3A_1802, %select_n3A_1785 : vector<16xf32>
    %min3A_1804 = arith.minimumf %min3A_1803, %select_n3A_1787 : vector<16xf32>
    %min3A_1805 = arith.minimumf %min3A_1804, %select_n3A_1789 : vector<16xf32>
    %min3A_1806 = arith.minimumf %min3A_1805, %select_n3A_1791 : vector<16xf32>
    %eq3A_1807 = arith.cmpf oeq, %select_n3A_1761, %min3A_1806 : vector<16xf32>
    %select_n3A_1808 = arith.select %eq3A_1807, %broadcast_in_dim3A_7, %broadcast_in_dim3A_5 : vector<16xi1>, vector<16xf32>
    %add3A_1809 = arith.addf %broadcast_in_dim3A_5, %select_n3A_1808 : vector<16xf32>
    %eq3A_1810 = arith.cmpf oeq, %select_n3A_1763, %min3A_1806 : vector<16xf32>
    %select_n3A_1811 = arith.select %eq3A_1810, %broadcast_in_dim3A_7, %broadcast_in_dim3A_5 : vector<16xi1>, vector<16xf32>
    %add3A_1812 = arith.addf %add3A_1809, %select_n3A_1811 : vector<16xf32>
    %eq3A_1813 = arith.cmpf oeq, %select_n3A_1765, %min3A_1806 : vector<16xf32>
    %select_n3A_1814 = arith.select %eq3A_1813, %broadcast_in_dim3A_7, %broadcast_in_dim3A_5 : vector<16xi1>, vector<16xf32>
    %add3A_1815 = arith.addf %add3A_1812, %select_n3A_1814 : vector<16xf32>
    %eq3A_1816 = arith.cmpf oeq, %select_n3A_1767, %min3A_1806 : vector<16xf32>
    %select_n3A_1817 = arith.select %eq3A_1816, %broadcast_in_dim3A_7, %broadcast_in_dim3A_5 : vector<16xi1>, vector<16xf32>
    %add3A_1818 = arith.addf %add3A_1815, %select_n3A_1817 : vector<16xf32>
    %eq3A_1819 = arith.cmpf oeq, %select_n3A_1769, %min3A_1806 : vector<16xf32>
    %select_n3A_1820 = arith.select %eq3A_1819, %broadcast_in_dim3A_7, %broadcast_in_dim3A_5 : vector<16xi1>, vector<16xf32>
    %add3A_1821 = arith.addf %add3A_1818, %select_n3A_1820 : vector<16xf32>
    %eq3A_1822 = arith.cmpf oeq, %select_n3A_1771, %min3A_1806 : vector<16xf32>
    %select_n3A_1823 = arith.select %eq3A_1822, %broadcast_in_dim3A_7, %broadcast_in_dim3A_5 : vector<16xi1>, vector<16xf32>
    %add3A_1824 = arith.addf %add3A_1821, %select_n3A_1823 : vector<16xf32>
    %eq3A_1825 = arith.cmpf oeq, %select_n3A_1773, %min3A_1806 : vector<16xf32>
    %select_n3A_1826 = arith.select %eq3A_1825, %broadcast_in_dim3A_7, %broadcast_in_dim3A_5 : vector<16xi1>, vector<16xf32>
    %add3A_1827 = arith.addf %add3A_1824, %select_n3A_1826 : vector<16xf32>
    %eq3A_1828 = arith.cmpf oeq, %select_n3A_1775, %min3A_1806 : vector<16xf32>
    %select_n3A_1829 = arith.select %eq3A_1828, %broadcast_in_dim3A_7, %broadcast_in_dim3A_5 : vector<16xi1>, vector<16xf32>
    %add3A_1830 = arith.addf %add3A_1827, %select_n3A_1829 : vector<16xf32>
    %eq3A_1831 = arith.cmpf oeq, %select_n3A_1777, %min3A_1806 : vector<16xf32>
    %select_n3A_1832 = arith.select %eq3A_1831, %broadcast_in_dim3A_7, %broadcast_in_dim3A_5 : vector<16xi1>, vector<16xf32>
    %add3A_1833 = arith.addf %add3A_1830, %select_n3A_1832 : vector<16xf32>
    %eq3A_1834 = arith.cmpf oeq, %select_n3A_1779, %min3A_1806 : vector<16xf32>
    %select_n3A_1835 = arith.select %eq3A_1834, %broadcast_in_dim3A_7, %broadcast_in_dim3A_5 : vector<16xi1>, vector<16xf32>
    %add3A_1836 = arith.addf %add3A_1833, %select_n3A_1835 : vector<16xf32>
    %eq3A_1837 = arith.cmpf oeq, %select_n3A_1781, %min3A_1806 : vector<16xf32>
    %select_n3A_1838 = arith.select %eq3A_1837, %broadcast_in_dim3A_7, %broadcast_in_dim3A_5 : vector<16xi1>, vector<16xf32>
    %add3A_1839 = arith.addf %add3A_1836, %select_n3A_1838 : vector<16xf32>
    %eq3A_1840 = arith.cmpf oeq, %select_n3A_1783, %min3A_1806 : vector<16xf32>
    %select_n3A_1841 = arith.select %eq3A_1840, %broadcast_in_dim3A_7, %broadcast_in_dim3A_5 : vector<16xi1>, vector<16xf32>
    %add3A_1842 = arith.addf %add3A_1839, %select_n3A_1841 : vector<16xf32>
    %eq3A_1843 = arith.cmpf oeq, %select_n3A_1785, %min3A_1806 : vector<16xf32>
    %select_n3A_1844 = arith.select %eq3A_1843, %broadcast_in_dim3A_7, %broadcast_in_dim3A_5 : vector<16xi1>, vector<16xf32>
    %add3A_1845 = arith.addf %add3A_1842, %select_n3A_1844 : vector<16xf32>
    %eq3A_1846 = arith.cmpf oeq, %select_n3A_1787, %min3A_1806 : vector<16xf32>
    %select_n3A_1847 = arith.select %eq3A_1846, %broadcast_in_dim3A_7, %broadcast_in_dim3A_5 : vector<16xi1>, vector<16xf32>
    %add3A_1848 = arith.addf %add3A_1845, %select_n3A_1847 : vector<16xf32>
    %eq3A_1849 = arith.cmpf oeq, %select_n3A_1789, %min3A_1806 : vector<16xf32>
    %select_n3A_1850 = arith.select %eq3A_1849, %broadcast_in_dim3A_7, %broadcast_in_dim3A_5 : vector<16xi1>, vector<16xf32>
    %add3A_1851 = arith.addf %add3A_1848, %select_n3A_1850 : vector<16xf32>
    %eq3A_1852 = arith.cmpf oeq, %select_n3A_1791, %min3A_1806 : vector<16xf32>
    %select_n3A_1853 = arith.select %eq3A_1852, %broadcast_in_dim3A_7, %broadcast_in_dim3A_5 : vector<16xi1>, vector<16xf32>
    %add3A_1854 = arith.addf %add3A_1851, %select_n3A_1853 : vector<16xf32>
    %min3A_1855 = arith.minimumf %add3A_1854, %sub3A_1759 : vector<16xf32>
    %gt3A_1856 = arith.constant 0.000000e+00 : f32
    %gt3A_1857 = vector.broadcast %gt3A_1856 : f32 to vector<16xf32>
    %gt3A_1858 = arith.cmpf ogt, %min3A_1855, %gt3A_1857 : vector<16xf32>
    %mul3A_1859 = arith.mulf %min3A_1855, %min3A_1806 : vector<16xf32>
    %select_n3A_1860 = arith.select %gt3A_1858, %mul3A_1859, %broadcast_in_dim3A_5 : vector<16xi1>, vector<16xf32>
    %add3A_1861 = arith.addf %add3A_1758, %select_n3A_1860 : vector<16xf32>
    %sub3A_1862 = arith.subf %sub3A_1759, %min3A_1855 : vector<16xf32>
    %eq3A_1863 = arith.cmpf oeq, %select_n3A_1761, %min3A_1806 : vector<16xf32>
    %select_n3A_1864 = arith.select %eq3A_1863, %broadcast_in_dim3A_3, %select_n3A_1761 : vector<16xi1>, vector<16xf32>
    %eq3A_1865 = arith.cmpf oeq, %select_n3A_1763, %min3A_1806 : vector<16xf32>
    %select_n3A_1866 = arith.select %eq3A_1865, %broadcast_in_dim3A_3, %select_n3A_1763 : vector<16xi1>, vector<16xf32>
    %eq3A_1867 = arith.cmpf oeq, %select_n3A_1765, %min3A_1806 : vector<16xf32>
    %select_n3A_1868 = arith.select %eq3A_1867, %broadcast_in_dim3A_3, %select_n3A_1765 : vector<16xi1>, vector<16xf32>
    %eq3A_1869 = arith.cmpf oeq, %select_n3A_1767, %min3A_1806 : vector<16xf32>
    %select_n3A_1870 = arith.select %eq3A_1869, %broadcast_in_dim3A_3, %select_n3A_1767 : vector<16xi1>, vector<16xf32>
    %eq3A_1871 = arith.cmpf oeq, %select_n3A_1769, %min3A_1806 : vector<16xf32>
    %select_n3A_1872 = arith.select %eq3A_1871, %broadcast_in_dim3A_3, %select_n3A_1769 : vector<16xi1>, vector<16xf32>
    %eq3A_1873 = arith.cmpf oeq, %select_n3A_1771, %min3A_1806 : vector<16xf32>
    %select_n3A_1874 = arith.select %eq3A_1873, %broadcast_in_dim3A_3, %select_n3A_1771 : vector<16xi1>, vector<16xf32>
    %eq3A_1875 = arith.cmpf oeq, %select_n3A_1773, %min3A_1806 : vector<16xf32>
    %select_n3A_1876 = arith.select %eq3A_1875, %broadcast_in_dim3A_3, %select_n3A_1773 : vector<16xi1>, vector<16xf32>
    %eq3A_1877 = arith.cmpf oeq, %select_n3A_1775, %min3A_1806 : vector<16xf32>
    %select_n3A_1878 = arith.select %eq3A_1877, %broadcast_in_dim3A_3, %select_n3A_1775 : vector<16xi1>, vector<16xf32>
    %eq3A_1879 = arith.cmpf oeq, %select_n3A_1777, %min3A_1806 : vector<16xf32>
    %select_n3A_1880 = arith.select %eq3A_1879, %broadcast_in_dim3A_3, %select_n3A_1777 : vector<16xi1>, vector<16xf32>
    %eq3A_1881 = arith.cmpf oeq, %select_n3A_1779, %min3A_1806 : vector<16xf32>
    %select_n3A_1882 = arith.select %eq3A_1881, %broadcast_in_dim3A_3, %select_n3A_1779 : vector<16xi1>, vector<16xf32>
    %eq3A_1883 = arith.cmpf oeq, %select_n3A_1781, %min3A_1806 : vector<16xf32>
    %select_n3A_1884 = arith.select %eq3A_1883, %broadcast_in_dim3A_3, %select_n3A_1781 : vector<16xi1>, vector<16xf32>
    %eq3A_1885 = arith.cmpf oeq, %select_n3A_1783, %min3A_1806 : vector<16xf32>
    %select_n3A_1886 = arith.select %eq3A_1885, %broadcast_in_dim3A_3, %select_n3A_1783 : vector<16xi1>, vector<16xf32>
    %eq3A_1887 = arith.cmpf oeq, %select_n3A_1785, %min3A_1806 : vector<16xf32>
    %select_n3A_1888 = arith.select %eq3A_1887, %broadcast_in_dim3A_3, %select_n3A_1785 : vector<16xi1>, vector<16xf32>
    %eq3A_1889 = arith.cmpf oeq, %select_n3A_1787, %min3A_1806 : vector<16xf32>
    %select_n3A_1890 = arith.select %eq3A_1889, %broadcast_in_dim3A_3, %select_n3A_1787 : vector<16xi1>, vector<16xf32>
    %eq3A_1891 = arith.cmpf oeq, %select_n3A_1789, %min3A_1806 : vector<16xf32>
    %select_n3A_1892 = arith.select %eq3A_1891, %broadcast_in_dim3A_3, %select_n3A_1789 : vector<16xi1>, vector<16xf32>
    %eq3A_1893 = arith.cmpf oeq, %select_n3A_1791, %min3A_1806 : vector<16xf32>
    %select_n3A_1894 = arith.select %eq3A_1893, %broadcast_in_dim3A_3, %select_n3A_1791 : vector<16xi1>, vector<16xf32>
    %min3A_1895 = arith.minimumf %select_n3A_1864, %select_n3A_1866 : vector<16xf32>
    %min3A_1896 = arith.minimumf %min3A_1895, %select_n3A_1868 : vector<16xf32>
    %min3A_1897 = arith.minimumf %min3A_1896, %select_n3A_1870 : vector<16xf32>
    %min3A_1898 = arith.minimumf %min3A_1897, %select_n3A_1872 : vector<16xf32>
    %min3A_1899 = arith.minimumf %min3A_1898, %select_n3A_1874 : vector<16xf32>
    %min3A_1900 = arith.minimumf %min3A_1899, %select_n3A_1876 : vector<16xf32>
    %min3A_1901 = arith.minimumf %min3A_1900, %select_n3A_1878 : vector<16xf32>
    %min3A_1902 = arith.minimumf %min3A_1901, %select_n3A_1880 : vector<16xf32>
    %min3A_1903 = arith.minimumf %min3A_1902, %select_n3A_1882 : vector<16xf32>
    %min3A_1904 = arith.minimumf %min3A_1903, %select_n3A_1884 : vector<16xf32>
    %min3A_1905 = arith.minimumf %min3A_1904, %select_n3A_1886 : vector<16xf32>
    %min3A_1906 = arith.minimumf %min3A_1905, %select_n3A_1888 : vector<16xf32>
    %min3A_1907 = arith.minimumf %min3A_1906, %select_n3A_1890 : vector<16xf32>
    %min3A_1908 = arith.minimumf %min3A_1907, %select_n3A_1892 : vector<16xf32>
    %min3A_1909 = arith.minimumf %min3A_1908, %select_n3A_1894 : vector<16xf32>
    %eq3A_1910 = arith.cmpf oeq, %select_n3A_1864, %min3A_1909 : vector<16xf32>
    %select_n3A_1911 = arith.select %eq3A_1910, %broadcast_in_dim3A_7, %broadcast_in_dim3A_5 : vector<16xi1>, vector<16xf32>
    %add3A_1912 = arith.addf %broadcast_in_dim3A_5, %select_n3A_1911 : vector<16xf32>
    %eq3A_1913 = arith.cmpf oeq, %select_n3A_1866, %min3A_1909 : vector<16xf32>
    %select_n3A_1914 = arith.select %eq3A_1913, %broadcast_in_dim3A_7, %broadcast_in_dim3A_5 : vector<16xi1>, vector<16xf32>
    %add3A_1915 = arith.addf %add3A_1912, %select_n3A_1914 : vector<16xf32>
    %eq3A_1916 = arith.cmpf oeq, %select_n3A_1868, %min3A_1909 : vector<16xf32>
    %select_n3A_1917 = arith.select %eq3A_1916, %broadcast_in_dim3A_7, %broadcast_in_dim3A_5 : vector<16xi1>, vector<16xf32>
    %add3A_1918 = arith.addf %add3A_1915, %select_n3A_1917 : vector<16xf32>
    %eq3A_1919 = arith.cmpf oeq, %select_n3A_1870, %min3A_1909 : vector<16xf32>
    %select_n3A_1920 = arith.select %eq3A_1919, %broadcast_in_dim3A_7, %broadcast_in_dim3A_5 : vector<16xi1>, vector<16xf32>
    %add3A_1921 = arith.addf %add3A_1918, %select_n3A_1920 : vector<16xf32>
    %eq3A_1922 = arith.cmpf oeq, %select_n3A_1872, %min3A_1909 : vector<16xf32>
    %select_n3A_1923 = arith.select %eq3A_1922, %broadcast_in_dim3A_7, %broadcast_in_dim3A_5 : vector<16xi1>, vector<16xf32>
    %add3A_1924 = arith.addf %add3A_1921, %select_n3A_1923 : vector<16xf32>
    %eq3A_1925 = arith.cmpf oeq, %select_n3A_1874, %min3A_1909 : vector<16xf32>
    %select_n3A_1926 = arith.select %eq3A_1925, %broadcast_in_dim3A_7, %broadcast_in_dim3A_5 : vector<16xi1>, vector<16xf32>
    %add3A_1927 = arith.addf %add3A_1924, %select_n3A_1926 : vector<16xf32>
    %eq3A_1928 = arith.cmpf oeq, %select_n3A_1876, %min3A_1909 : vector<16xf32>
    %select_n3A_1929 = arith.select %eq3A_1928, %broadcast_in_dim3A_7, %broadcast_in_dim3A_5 : vector<16xi1>, vector<16xf32>
    %add3A_1930 = arith.addf %add3A_1927, %select_n3A_1929 : vector<16xf32>
    %eq3A_1931 = arith.cmpf oeq, %select_n3A_1878, %min3A_1909 : vector<16xf32>
    %select_n3A_1932 = arith.select %eq3A_1931, %broadcast_in_dim3A_7, %broadcast_in_dim3A_5 : vector<16xi1>, vector<16xf32>
    %add3A_1933 = arith.addf %add3A_1930, %select_n3A_1932 : vector<16xf32>
    %eq3A_1934 = arith.cmpf oeq, %select_n3A_1880, %min3A_1909 : vector<16xf32>
    %select_n3A_1935 = arith.select %eq3A_1934, %broadcast_in_dim3A_7, %broadcast_in_dim3A_5 : vector<16xi1>, vector<16xf32>
    %add3A_1936 = arith.addf %add3A_1933, %select_n3A_1935 : vector<16xf32>
    %eq3A_1937 = arith.cmpf oeq, %select_n3A_1882, %min3A_1909 : vector<16xf32>
    %select_n3A_1938 = arith.select %eq3A_1937, %broadcast_in_dim3A_7, %broadcast_in_dim3A_5 : vector<16xi1>, vector<16xf32>
    %add3A_1939 = arith.addf %add3A_1936, %select_n3A_1938 : vector<16xf32>
    %eq3A_1940 = arith.cmpf oeq, %select_n3A_1884, %min3A_1909 : vector<16xf32>
    %select_n3A_1941 = arith.select %eq3A_1940, %broadcast_in_dim3A_7, %broadcast_in_dim3A_5 : vector<16xi1>, vector<16xf32>
    %add3A_1942 = arith.addf %add3A_1939, %select_n3A_1941 : vector<16xf32>
    %eq3A_1943 = arith.cmpf oeq, %select_n3A_1886, %min3A_1909 : vector<16xf32>
    %select_n3A_1944 = arith.select %eq3A_1943, %broadcast_in_dim3A_7, %broadcast_in_dim3A_5 : vector<16xi1>, vector<16xf32>
    %add3A_1945 = arith.addf %add3A_1942, %select_n3A_1944 : vector<16xf32>
    %eq3A_1946 = arith.cmpf oeq, %select_n3A_1888, %min3A_1909 : vector<16xf32>
    %select_n3A_1947 = arith.select %eq3A_1946, %broadcast_in_dim3A_7, %broadcast_in_dim3A_5 : vector<16xi1>, vector<16xf32>
    %add3A_1948 = arith.addf %add3A_1945, %select_n3A_1947 : vector<16xf32>
    %eq3A_1949 = arith.cmpf oeq, %select_n3A_1890, %min3A_1909 : vector<16xf32>
    %select_n3A_1950 = arith.select %eq3A_1949, %broadcast_in_dim3A_7, %broadcast_in_dim3A_5 : vector<16xi1>, vector<16xf32>
    %add3A_1951 = arith.addf %add3A_1948, %select_n3A_1950 : vector<16xf32>
    %eq3A_1952 = arith.cmpf oeq, %select_n3A_1892, %min3A_1909 : vector<16xf32>
    %select_n3A_1953 = arith.select %eq3A_1952, %broadcast_in_dim3A_7, %broadcast_in_dim3A_5 : vector<16xi1>, vector<16xf32>
    %add3A_1954 = arith.addf %add3A_1951, %select_n3A_1953 : vector<16xf32>
    %eq3A_1955 = arith.cmpf oeq, %select_n3A_1894, %min3A_1909 : vector<16xf32>
    %select_n3A_1956 = arith.select %eq3A_1955, %broadcast_in_dim3A_7, %broadcast_in_dim3A_5 : vector<16xi1>, vector<16xf32>
    %add3A_1957 = arith.addf %add3A_1954, %select_n3A_1956 : vector<16xf32>
    %min3A_1958 = arith.minimumf %add3A_1957, %sub3A_1862 : vector<16xf32>
    %gt3A_1959 = arith.constant 0.000000e+00 : f32
    %gt3A_1960 = vector.broadcast %gt3A_1959 : f32 to vector<16xf32>
    %gt3A_1961 = arith.cmpf ogt, %min3A_1958, %gt3A_1960 : vector<16xf32>
    %mul3A_1962 = arith.mulf %min3A_1958, %min3A_1909 : vector<16xf32>
    %select_n3A_1963 = arith.select %gt3A_1961, %mul3A_1962, %broadcast_in_dim3A_5 : vector<16xi1>, vector<16xf32>
    %add3A_1964 = arith.addf %add3A_1861, %select_n3A_1963 : vector<16xf32>
    %sub3A_1965 = arith.subf %sub3A_1862, %min3A_1958 : vector<16xf32>
    %eq3A_1966 = arith.cmpf oeq, %select_n3A_1864, %min3A_1909 : vector<16xf32>
    %select_n3A_1967 = arith.select %eq3A_1966, %broadcast_in_dim3A_3, %select_n3A_1864 : vector<16xi1>, vector<16xf32>
    %eq3A_1968 = arith.cmpf oeq, %select_n3A_1866, %min3A_1909 : vector<16xf32>
    %select_n3A_1969 = arith.select %eq3A_1968, %broadcast_in_dim3A_3, %select_n3A_1866 : vector<16xi1>, vector<16xf32>
    %eq3A_1970 = arith.cmpf oeq, %select_n3A_1868, %min3A_1909 : vector<16xf32>
    %select_n3A_1971 = arith.select %eq3A_1970, %broadcast_in_dim3A_3, %select_n3A_1868 : vector<16xi1>, vector<16xf32>
    %eq3A_1972 = arith.cmpf oeq, %select_n3A_1870, %min3A_1909 : vector<16xf32>
    %select_n3A_1973 = arith.select %eq3A_1972, %broadcast_in_dim3A_3, %select_n3A_1870 : vector<16xi1>, vector<16xf32>
    %eq3A_1974 = arith.cmpf oeq, %select_n3A_1872, %min3A_1909 : vector<16xf32>
    %select_n3A_1975 = arith.select %eq3A_1974, %broadcast_in_dim3A_3, %select_n3A_1872 : vector<16xi1>, vector<16xf32>
    %eq3A_1976 = arith.cmpf oeq, %select_n3A_1874, %min3A_1909 : vector<16xf32>
    %select_n3A_1977 = arith.select %eq3A_1976, %broadcast_in_dim3A_3, %select_n3A_1874 : vector<16xi1>, vector<16xf32>
    %eq3A_1978 = arith.cmpf oeq, %select_n3A_1876, %min3A_1909 : vector<16xf32>
    %select_n3A_1979 = arith.select %eq3A_1978, %broadcast_in_dim3A_3, %select_n3A_1876 : vector<16xi1>, vector<16xf32>
    %eq3A_1980 = arith.cmpf oeq, %select_n3A_1878, %min3A_1909 : vector<16xf32>
    %select_n3A_1981 = arith.select %eq3A_1980, %broadcast_in_dim3A_3, %select_n3A_1878 : vector<16xi1>, vector<16xf32>
    %eq3A_1982 = arith.cmpf oeq, %select_n3A_1880, %min3A_1909 : vector<16xf32>
    %select_n3A_1983 = arith.select %eq3A_1982, %broadcast_in_dim3A_3, %select_n3A_1880 : vector<16xi1>, vector<16xf32>
    %eq3A_1984 = arith.cmpf oeq, %select_n3A_1882, %min3A_1909 : vector<16xf32>
    %select_n3A_1985 = arith.select %eq3A_1984, %broadcast_in_dim3A_3, %select_n3A_1882 : vector<16xi1>, vector<16xf32>
    %eq3A_1986 = arith.cmpf oeq, %select_n3A_1884, %min3A_1909 : vector<16xf32>
    %select_n3A_1987 = arith.select %eq3A_1986, %broadcast_in_dim3A_3, %select_n3A_1884 : vector<16xi1>, vector<16xf32>
    %eq3A_1988 = arith.cmpf oeq, %select_n3A_1886, %min3A_1909 : vector<16xf32>
    %select_n3A_1989 = arith.select %eq3A_1988, %broadcast_in_dim3A_3, %select_n3A_1886 : vector<16xi1>, vector<16xf32>
    %eq3A_1990 = arith.cmpf oeq, %select_n3A_1888, %min3A_1909 : vector<16xf32>
    %select_n3A_1991 = arith.select %eq3A_1990, %broadcast_in_dim3A_3, %select_n3A_1888 : vector<16xi1>, vector<16xf32>
    %eq3A_1992 = arith.cmpf oeq, %select_n3A_1890, %min3A_1909 : vector<16xf32>
    %select_n3A_1993 = arith.select %eq3A_1992, %broadcast_in_dim3A_3, %select_n3A_1890 : vector<16xi1>, vector<16xf32>
    %eq3A_1994 = arith.cmpf oeq, %select_n3A_1892, %min3A_1909 : vector<16xf32>
    %select_n3A_1995 = arith.select %eq3A_1994, %broadcast_in_dim3A_3, %select_n3A_1892 : vector<16xi1>, vector<16xf32>
    %eq3A_1996 = arith.cmpf oeq, %select_n3A_1894, %min3A_1909 : vector<16xf32>
    %select_n3A_1997 = arith.select %eq3A_1996, %broadcast_in_dim3A_3, %select_n3A_1894 : vector<16xi1>, vector<16xf32>
    %mul3A_1998 = arith.constant 2.500000e-01 : f32
    %mul3A_1999 = vector.broadcast %mul3A_1998 : f32 to vector<16xf32>
    %mul3A_2000 = arith.mulf %add3A_1964, %mul3A_1999 : vector<16xf32>
    %swap3A_2001 = arith.constant 48 : index
    %swap3A_2002 = tpu.vector_load %arg5[%swap3A_2001] {strides = array<i32>} : memref<128xf32, #tpu.memory_space<vmem>>, vector<16xf32>,
    %swap3A_2003 = vector.shape_cast %swap3A_2002 : vector<16xf32> to vector<16xf32>
    %swap3A_2004 = vector.shape_cast %mul3A_2000 : vector<16xf32> to vector<16xf32>
    tpu.vector_store %arg5[%swap3A_2001], %swap3A_2004 {strides = array<i32>} : memref<128xf32, #tpu.memory_space<vmem>>, vector<16xf32>,
    %get3A_2005 = arith.constant 0 : i32
    %get3A_2006 = arith.index_cast %get3A_2005 : i32 to index
    %get3A_2007 = arith.constant 64 : index
    %get3A_2008 = tpu.vector_load %arg4[%get3A_2006, %get3A_2007] {strides = array<i32>} : memref<16x128xf32, #tpu.memory_space<vmem>>, vector<1x16xf32>,
    %get3A_2009 = vector.shape_cast %get3A_2008 : vector<1x16xf32> to vector<16xf32>
    %get3A_2010 = arith.constant 1 : i32
    %get3A_2011 = arith.index_cast %get3A_2010 : i32 to index
    %get3A_2012 = arith.constant 64 : index
    %get3A_2013 = tpu.vector_load %arg4[%get3A_2011, %get3A_2012] {strides = array<i32>} : memref<16x128xf32, #tpu.memory_space<vmem>>, vector<1x16xf32>,
    %get3A_2014 = vector.shape_cast %get3A_2013 : vector<1x16xf32> to vector<16xf32>
    %get3A_2015 = arith.constant 2 : i32
    %get3A_2016 = arith.index_cast %get3A_2015 : i32 to index
    %get3A_2017 = arith.constant 64 : index
    %get3A_2018 = tpu.vector_load %arg4[%get3A_2016, %get3A_2017] {strides = array<i32>} : memref<16x128xf32, #tpu.memory_space<vmem>>, vector<1x16xf32>,
    %get3A_2019 = vector.shape_cast %get3A_2018 : vector<1x16xf32> to vector<16xf32>
    %get3A_2020 = arith.constant 3 : i32
    %get3A_2021 = arith.index_cast %get3A_2020 : i32 to index
    %get3A_2022 = arith.constant 64 : index
    %get3A_2023 = tpu.vector_load %arg4[%get3A_2021, %get3A_2022] {strides = array<i32>} : memref<16x128xf32, #tpu.memory_space<vmem>>, vector<1x16xf32>,
    %get3A_2024 = vector.shape_cast %get3A_2023 : vector<1x16xf32> to vector<16xf32>
    %get3A_2025 = arith.constant 4 : i32
    %get3A_2026 = arith.index_cast %get3A_2025 : i32 to index
    %get3A_2027 = arith.constant 64 : index
    %get3A_2028 = tpu.vector_load %arg4[%get3A_2026, %get3A_2027] {strides = array<i32>} : memref<16x128xf32, #tpu.memory_space<vmem>>, vector<1x16xf32>,
    %get3A_2029 = vector.shape_cast %get3A_2028 : vector<1x16xf32> to vector<16xf32>
    %get3A_2030 = arith.constant 5 : i32
    %get3A_2031 = arith.index_cast %get3A_2030 : i32 to index
    %get3A_2032 = arith.constant 64 : index
    %get3A_2033 = tpu.vector_load %arg4[%get3A_2031, %get3A_2032] {strides = array<i32>} : memref<16x128xf32, #tpu.memory_space<vmem>>, vector<1x16xf32>,
    %get3A_2034 = vector.shape_cast %get3A_2033 : vector<1x16xf32> to vector<16xf32>
    %get3A_2035 = arith.constant 6 : i32
    %get3A_2036 = arith.index_cast %get3A_2035 : i32 to index
    %get3A_2037 = arith.constant 64 : index
    %get3A_2038 = tpu.vector_load %arg4[%get3A_2036, %get3A_2037] {strides = array<i32>} : memref<16x128xf32, #tpu.memory_space<vmem>>, vector<1x16xf32>,
    %get3A_2039 = vector.shape_cast %get3A_2038 : vector<1x16xf32> to vector<16xf32>
    %get3A_2040 = arith.constant 7 : i32
    %get3A_2041 = arith.index_cast %get3A_2040 : i32 to index
    %get3A_2042 = arith.constant 64 : index
    %get3A_2043 = tpu.vector_load %arg4[%get3A_2041, %get3A_2042] {strides = array<i32>} : memref<16x128xf32, #tpu.memory_space<vmem>>, vector<1x16xf32>,
    %get3A_2044 = vector.shape_cast %get3A_2043 : vector<1x16xf32> to vector<16xf32>
    %get3A_2045 = arith.constant 8 : i32
    %get3A_2046 = arith.index_cast %get3A_2045 : i32 to index
    %get3A_2047 = arith.constant 64 : index
    %get3A_2048 = tpu.vector_load %arg4[%get3A_2046, %get3A_2047] {strides = array<i32>} : memref<16x128xf32, #tpu.memory_space<vmem>>, vector<1x16xf32>,
    %get3A_2049 = vector.shape_cast %get3A_2048 : vector<1x16xf32> to vector<16xf32>
    %get3A_2050 = arith.constant 9 : i32
    %get3A_2051 = arith.index_cast %get3A_2050 : i32 to index
    %get3A_2052 = arith.constant 64 : index
    %get3A_2053 = tpu.vector_load %arg4[%get3A_2051, %get3A_2052] {strides = array<i32>} : memref<16x128xf32, #tpu.memory_space<vmem>>, vector<1x16xf32>,
    %get3A_2054 = vector.shape_cast %get3A_2053 : vector<1x16xf32> to vector<16xf32>
    %get3A_2055 = arith.constant 10 : i32
    %get3A_2056 = arith.index_cast %get3A_2055 : i32 to index
    %get3A_2057 = arith.constant 64 : index
    %get3A_2058 = tpu.vector_load %arg4[%get3A_2056, %get3A_2057] {strides = array<i32>} : memref<16x128xf32, #tpu.memory_space<vmem>>, vector<1x16xf32>,
    %get3A_2059 = vector.shape_cast %get3A_2058 : vector<1x16xf32> to vector<16xf32>
    %get3A_2060 = arith.constant 11 : i32
    %get3A_2061 = arith.index_cast %get3A_2060 : i32 to index
    %get3A_2062 = arith.constant 64 : index
    %get3A_2063 = tpu.vector_load %arg4[%get3A_2061, %get3A_2062] {strides = array<i32>} : memref<16x128xf32, #tpu.memory_space<vmem>>, vector<1x16xf32>,
    %get3A_2064 = vector.shape_cast %get3A_2063 : vector<1x16xf32> to vector<16xf32>
    %get3A_2065 = arith.constant 12 : i32
    %get3A_2066 = arith.index_cast %get3A_2065 : i32 to index
    %get3A_2067 = arith.constant 64 : index
    %get3A_2068 = tpu.vector_load %arg4[%get3A_2066, %get3A_2067] {strides = array<i32>} : memref<16x128xf32, #tpu.memory_space<vmem>>, vector<1x16xf32>,
    %get3A_2069 = vector.shape_cast %get3A_2068 : vector<1x16xf32> to vector<16xf32>
    %get3A_2070 = arith.constant 13 : i32
    %get3A_2071 = arith.index_cast %get3A_2070 : i32 to index
    %get3A_2072 = arith.constant 64 : index
    %get3A_2073 = tpu.vector_load %arg4[%get3A_2071, %get3A_2072] {strides = array<i32>} : memref<16x128xf32, #tpu.memory_space<vmem>>, vector<1x16xf32>,
    %get3A_2074 = vector.shape_cast %get3A_2073 : vector<1x16xf32> to vector<16xf32>
    %get3A_2075 = arith.constant 14 : i32
    %get3A_2076 = arith.index_cast %get3A_2075 : i32 to index
    %get3A_2077 = arith.constant 64 : index
    %get3A_2078 = tpu.vector_load %arg4[%get3A_2076, %get3A_2077] {strides = array<i32>} : memref<16x128xf32, #tpu.memory_space<vmem>>, vector<1x16xf32>,
    %get3A_2079 = vector.shape_cast %get3A_2078 : vector<1x16xf32> to vector<16xf32>
    %get3A_2080 = arith.constant 15 : i32
    %get3A_2081 = arith.index_cast %get3A_2080 : i32 to index
    %get3A_2082 = arith.constant 64 : index
    %get3A_2083 = tpu.vector_load %arg4[%get3A_2081, %get3A_2082] {strides = array<i32>} : memref<16x128xf32, #tpu.memory_space<vmem>>, vector<1x16xf32>,
    %get3A_2084 = vector.shape_cast %get3A_2083 : vector<1x16xf32> to vector<16xf32>
    %broadcast_in_dim3A_2085 = arith.constant 4.000000e+00 : f32
    %broadcast_in_dim3A_2086 = vector.broadcast %broadcast_in_dim3A_2085 : f32 to vector<16xf32>
    %min3A_2087 = arith.minimumf %get3A_2009, %get3A_2014 : vector<16xf32>
    %min3A_2088 = arith.minimumf %min3A_2087, %get3A_2019 : vector<16xf32>
    %min3A_2089 = arith.minimumf %min3A_2088, %get3A_2024 : vector<16xf32>
    %min3A_2090 = arith.minimumf %min3A_2089, %get3A_2029 : vector<16xf32>
    %min3A_2091 = arith.minimumf %min3A_2090, %get3A_2034 : vector<16xf32>
    %min3A_2092 = arith.minimumf %min3A_2091, %get3A_2039 : vector<16xf32>
    %min3A_2093 = arith.minimumf %min3A_2092, %get3A_2044 : vector<16xf32>
    %min3A_2094 = arith.minimumf %min3A_2093, %get3A_2049 : vector<16xf32>
    %min3A_2095 = arith.minimumf %min3A_2094, %get3A_2054 : vector<16xf32>
    %min3A_2096 = arith.minimumf %min3A_2095, %get3A_2059 : vector<16xf32>
    %min3A_2097 = arith.minimumf %min3A_2096, %get3A_2064 : vector<16xf32>
    %min3A_2098 = arith.minimumf %min3A_2097, %get3A_2069 : vector<16xf32>
    %min3A_2099 = arith.minimumf %min3A_2098, %get3A_2074 : vector<16xf32>
    %min3A_2100 = arith.minimumf %min3A_2099, %get3A_2079 : vector<16xf32>
    %min3A_2101 = arith.minimumf %min3A_2100, %get3A_2084 : vector<16xf32>
    %eq3A_2102 = arith.cmpf oeq, %get3A_2009, %min3A_2101 : vector<16xf32>
    %select_n3A_2103 = arith.select %eq3A_2102, %broadcast_in_dim3A_7, %broadcast_in_dim3A_5 : vector<16xi1>, vector<16xf32>
    %add3A_2104 = arith.addf %broadcast_in_dim3A_5, %select_n3A_2103 : vector<16xf32>
    %eq3A_2105 = arith.cmpf oeq, %get3A_2014, %min3A_2101 : vector<16xf32>
    %select_n3A_2106 = arith.select %eq3A_2105, %broadcast_in_dim3A_7, %broadcast_in_dim3A_5 : vector<16xi1>, vector<16xf32>
    %add3A_2107 = arith.addf %add3A_2104, %select_n3A_2106 : vector<16xf32>
    %eq3A_2108 = arith.cmpf oeq, %get3A_2019, %min3A_2101 : vector<16xf32>
    %select_n3A_2109 = arith.select %eq3A_2108, %broadcast_in_dim3A_7, %broadcast_in_dim3A_5 : vector<16xi1>, vector<16xf32>
    %add3A_2110 = arith.addf %add3A_2107, %select_n3A_2109 : vector<16xf32>
    %eq3A_2111 = arith.cmpf oeq, %get3A_2024, %min3A_2101 : vector<16xf32>
    %select_n3A_2112 = arith.select %eq3A_2111, %broadcast_in_dim3A_7, %broadcast_in_dim3A_5 : vector<16xi1>, vector<16xf32>
    %add3A_2113 = arith.addf %add3A_2110, %select_n3A_2112 : vector<16xf32>
    %eq3A_2114 = arith.cmpf oeq, %get3A_2029, %min3A_2101 : vector<16xf32>
    %select_n3A_2115 = arith.select %eq3A_2114, %broadcast_in_dim3A_7, %broadcast_in_dim3A_5 : vector<16xi1>, vector<16xf32>
    %add3A_2116 = arith.addf %add3A_2113, %select_n3A_2115 : vector<16xf32>
    %eq3A_2117 = arith.cmpf oeq, %get3A_2034, %min3A_2101 : vector<16xf32>
    %select_n3A_2118 = arith.select %eq3A_2117, %broadcast_in_dim3A_7, %broadcast_in_dim3A_5 : vector<16xi1>, vector<16xf32>
    %add3A_2119 = arith.addf %add3A_2116, %select_n3A_2118 : vector<16xf32>
    %eq3A_2120 = arith.cmpf oeq, %get3A_2039, %min3A_2101 : vector<16xf32>
    %select_n3A_2121 = arith.select %eq3A_2120, %broadcast_in_dim3A_7, %broadcast_in_dim3A_5 : vector<16xi1>, vector<16xf32>
    %add3A_2122 = arith.addf %add3A_2119, %select_n3A_2121 : vector<16xf32>
    %eq3A_2123 = arith.cmpf oeq, %get3A_2044, %min3A_2101 : vector<16xf32>
    %select_n3A_2124 = arith.select %eq3A_2123, %broadcast_in_dim3A_7, %broadcast_in_dim3A_5 : vector<16xi1>, vector<16xf32>
    %add3A_2125 = arith.addf %add3A_2122, %select_n3A_2124 : vector<16xf32>
    %eq3A_2126 = arith.cmpf oeq, %get3A_2049, %min3A_2101 : vector<16xf32>
    %select_n3A_2127 = arith.select %eq3A_2126, %broadcast_in_dim3A_7, %broadcast_in_dim3A_5 : vector<16xi1>, vector<16xf32>
    %add3A_2128 = arith.addf %add3A_2125, %select_n3A_2127 : vector<16xf32>
    %eq3A_2129 = arith.cmpf oeq, %get3A_2054, %min3A_2101 : vector<16xf32>
    %select_n3A_2130 = arith.select %eq3A_2129, %broadcast_in_dim3A_7, %broadcast_in_dim3A_5 : vector<16xi1>, vector<16xf32>
    %add3A_2131 = arith.addf %add3A_2128, %select_n3A_2130 : vector<16xf32>
    %eq3A_2132 = arith.cmpf oeq, %get3A_2059, %min3A_2101 : vector<16xf32>
    %select_n3A_2133 = arith.select %eq3A_2132, %broadcast_in_dim3A_7, %broadcast_in_dim3A_5 : vector<16xi1>, vector<16xf32>
    %add3A_2134 = arith.addf %add3A_2131, %select_n3A_2133 : vector<16xf32>
    %eq3A_2135 = arith.cmpf oeq, %get3A_2064, %min3A_2101 : vector<16xf32>
    %select_n3A_2136 = arith.select %eq3A_2135, %broadcast_in_dim3A_7, %broadcast_in_dim3A_5 : vector<16xi1>, vector<16xf32>
    %add3A_2137 = arith.addf %add3A_2134, %select_n3A_2136 : vector<16xf32>
    %eq3A_2138 = arith.cmpf oeq, %get3A_2069, %min3A_2101 : vector<16xf32>
    %select_n3A_2139 = arith.select %eq3A_2138, %broadcast_in_dim3A_7, %broadcast_in_dim3A_5 : vector<16xi1>, vector<16xf32>
    %add3A_2140 = arith.addf %add3A_2137, %select_n3A_2139 : vector<16xf32>
    %eq3A_2141 = arith.cmpf oeq, %get3A_2074, %min3A_2101 : vector<16xf32>
    %select_n3A_2142 = arith.select %eq3A_2141, %broadcast_in_dim3A_7, %broadcast_in_dim3A_5 : vector<16xi1>, vector<16xf32>
    %add3A_2143 = arith.addf %add3A_2140, %select_n3A_2142 : vector<16xf32>
    %eq3A_2144 = arith.cmpf oeq, %get3A_2079, %min3A_2101 : vector<16xf32>
    %select_n3A_2145 = arith.select %eq3A_2144, %broadcast_in_dim3A_7, %broadcast_in_dim3A_5 : vector<16xi1>, vector<16xf32>
    %add3A_2146 = arith.addf %add3A_2143, %select_n3A_2145 : vector<16xf32>
    %eq3A_2147 = arith.cmpf oeq, %get3A_2084, %min3A_2101 : vector<16xf32>
    %select_n3A_2148 = arith.select %eq3A_2147, %broadcast_in_dim3A_7, %broadcast_in_dim3A_5 : vector<16xi1>, vector<16xf32>
    %add3A_2149 = arith.addf %add3A_2146, %select_n3A_2148 : vector<16xf32>
    %min3A_2150 = arith.minimumf %add3A_2149, %broadcast_in_dim3A_2086 : vector<16xf32>
    %gt3A_2151 = arith.constant 0.000000e+00 : f32
    %gt3A_2152 = vector.broadcast %gt3A_2151 : f32 to vector<16xf32>
    %gt3A_2153 = arith.cmpf ogt, %min3A_2150, %gt3A_2152 : vector<16xf32>
    %mul3A_2154 = arith.mulf %min3A_2150, %min3A_2101 : vector<16xf32>
    %select_n3A_2155 = arith.select %gt3A_2153, %mul3A_2154, %broadcast_in_dim3A_5 : vector<16xi1>, vector<16xf32>
    %add3A_2156 = arith.addf %broadcast_in_dim3A_5, %select_n3A_2155 : vector<16xf32>
    %sub3A_2157 = arith.subf %broadcast_in_dim3A_2086, %min3A_2150 : vector<16xf32>
    %eq3A_2158 = arith.cmpf oeq, %get3A_2009, %min3A_2101 : vector<16xf32>
    %select_n3A_2159 = arith.select %eq3A_2158, %broadcast_in_dim3A_3, %get3A_2009 : vector<16xi1>, vector<16xf32>
    %eq3A_2160 = arith.cmpf oeq, %get3A_2014, %min3A_2101 : vector<16xf32>
    %select_n3A_2161 = arith.select %eq3A_2160, %broadcast_in_dim3A_3, %get3A_2014 : vector<16xi1>, vector<16xf32>
    %eq3A_2162 = arith.cmpf oeq, %get3A_2019, %min3A_2101 : vector<16xf32>
    %select_n3A_2163 = arith.select %eq3A_2162, %broadcast_in_dim3A_3, %get3A_2019 : vector<16xi1>, vector<16xf32>
    %eq3A_2164 = arith.cmpf oeq, %get3A_2024, %min3A_2101 : vector<16xf32>
    %select_n3A_2165 = arith.select %eq3A_2164, %broadcast_in_dim3A_3, %get3A_2024 : vector<16xi1>, vector<16xf32>
    %eq3A_2166 = arith.cmpf oeq, %get3A_2029, %min3A_2101 : vector<16xf32>
    %select_n3A_2167 = arith.select %eq3A_2166, %broadcast_in_dim3A_3, %get3A_2029 : vector<16xi1>, vector<16xf32>
    %eq3A_2168 = arith.cmpf oeq, %get3A_2034, %min3A_2101 : vector<16xf32>
    %select_n3A_2169 = arith.select %eq3A_2168, %broadcast_in_dim3A_3, %get3A_2034 : vector<16xi1>, vector<16xf32>
    %eq3A_2170 = arith.cmpf oeq, %get3A_2039, %min3A_2101 : vector<16xf32>
    %select_n3A_2171 = arith.select %eq3A_2170, %broadcast_in_dim3A_3, %get3A_2039 : vector<16xi1>, vector<16xf32>
    %eq3A_2172 = arith.cmpf oeq, %get3A_2044, %min3A_2101 : vector<16xf32>
    %select_n3A_2173 = arith.select %eq3A_2172, %broadcast_in_dim3A_3, %get3A_2044 : vector<16xi1>, vector<16xf32>
    %eq3A_2174 = arith.cmpf oeq, %get3A_2049, %min3A_2101 : vector<16xf32>
    %select_n3A_2175 = arith.select %eq3A_2174, %broadcast_in_dim3A_3, %get3A_2049 : vector<16xi1>, vector<16xf32>
    %eq3A_2176 = arith.cmpf oeq, %get3A_2054, %min3A_2101 : vector<16xf32>
    %select_n3A_2177 = arith.select %eq3A_2176, %broadcast_in_dim3A_3, %get3A_2054 : vector<16xi1>, vector<16xf32>
    %eq3A_2178 = arith.cmpf oeq, %get3A_2059, %min3A_2101 : vector<16xf32>
    %select_n3A_2179 = arith.select %eq3A_2178, %broadcast_in_dim3A_3, %get3A_2059 : vector<16xi1>, vector<16xf32>
    %eq3A_2180 = arith.cmpf oeq, %get3A_2064, %min3A_2101 : vector<16xf32>
    %select_n3A_2181 = arith.select %eq3A_2180, %broadcast_in_dim3A_3, %get3A_2064 : vector<16xi1>, vector<16xf32>
    %eq3A_2182 = arith.cmpf oeq, %get3A_2069, %min3A_2101 : vector<16xf32>
    %select_n3A_2183 = arith.select %eq3A_2182, %broadcast_in_dim3A_3, %get3A_2069 : vector<16xi1>, vector<16xf32>
    %eq3A_2184 = arith.cmpf oeq, %get3A_2074, %min3A_2101 : vector<16xf32>
    %select_n3A_2185 = arith.select %eq3A_2184, %broadcast_in_dim3A_3, %get3A_2074 : vector<16xi1>, vector<16xf32>
    %eq3A_2186 = arith.cmpf oeq, %get3A_2079, %min3A_2101 : vector<16xf32>
    %select_n3A_2187 = arith.select %eq3A_2186, %broadcast_in_dim3A_3, %get3A_2079 : vector<16xi1>, vector<16xf32>
    %eq3A_2188 = arith.cmpf oeq, %get3A_2084, %min3A_2101 : vector<16xf32>
    %select_n3A_2189 = arith.select %eq3A_2188, %broadcast_in_dim3A_3, %get3A_2084 : vector<16xi1>, vector<16xf32>
    %min3A_2190 = arith.minimumf %select_n3A_2159, %select_n3A_2161 : vector<16xf32>
    %min3A_2191 = arith.minimumf %min3A_2190, %select_n3A_2163 : vector<16xf32>
    %min3A_2192 = arith.minimumf %min3A_2191, %select_n3A_2165 : vector<16xf32>
    %min3A_2193 = arith.minimumf %min3A_2192, %select_n3A_2167 : vector<16xf32>
    %min3A_2194 = arith.minimumf %min3A_2193, %select_n3A_2169 : vector<16xf32>
    %min3A_2195 = arith.minimumf %min3A_2194, %select_n3A_2171 : vector<16xf32>
    %min3A_2196 = arith.minimumf %min3A_2195, %select_n3A_2173 : vector<16xf32>
    %min3A_2197 = arith.minimumf %min3A_2196, %select_n3A_2175 : vector<16xf32>
    %min3A_2198 = arith.minimumf %min3A_2197, %select_n3A_2177 : vector<16xf32>
    %min3A_2199 = arith.minimumf %min3A_2198, %select_n3A_2179 : vector<16xf32>
    %min3A_2200 = arith.minimumf %min3A_2199, %select_n3A_2181 : vector<16xf32>
    %min3A_2201 = arith.minimumf %min3A_2200, %select_n3A_2183 : vector<16xf32>
    %min3A_2202 = arith.minimumf %min3A_2201, %select_n3A_2185 : vector<16xf32>
    %min3A_2203 = arith.minimumf %min3A_2202, %select_n3A_2187 : vector<16xf32>
    %min3A_2204 = arith.minimumf %min3A_2203, %select_n3A_2189 : vector<16xf32>
    %eq3A_2205 = arith.cmpf oeq, %select_n3A_2159, %min3A_2204 : vector<16xf32>
    %select_n3A_2206 = arith.select %eq3A_2205, %broadcast_in_dim3A_7, %broadcast_in_dim3A_5 : vector<16xi1>, vector<16xf32>
    %add3A_2207 = arith.addf %broadcast_in_dim3A_5, %select_n3A_2206 : vector<16xf32>
    %eq3A_2208 = arith.cmpf oeq, %select_n3A_2161, %min3A_2204 : vector<16xf32>
    %select_n3A_2209 = arith.select %eq3A_2208, %broadcast_in_dim3A_7, %broadcast_in_dim3A_5 : vector<16xi1>, vector<16xf32>
    %add3A_2210 = arith.addf %add3A_2207, %select_n3A_2209 : vector<16xf32>
    %eq3A_2211 = arith.cmpf oeq, %select_n3A_2163, %min3A_2204 : vector<16xf32>
    %select_n3A_2212 = arith.select %eq3A_2211, %broadcast_in_dim3A_7, %broadcast_in_dim3A_5 : vector<16xi1>, vector<16xf32>
    %add3A_2213 = arith.addf %add3A_2210, %select_n3A_2212 : vector<16xf32>
    %eq3A_2214 = arith.cmpf oeq, %select_n3A_2165, %min3A_2204 : vector<16xf32>
    %select_n3A_2215 = arith.select %eq3A_2214, %broadcast_in_dim3A_7, %broadcast_in_dim3A_5 : vector<16xi1>, vector<16xf32>
    %add3A_2216 = arith.addf %add3A_2213, %select_n3A_2215 : vector<16xf32>
    %eq3A_2217 = arith.cmpf oeq, %select_n3A_2167, %min3A_2204 : vector<16xf32>
    %select_n3A_2218 = arith.select %eq3A_2217, %broadcast_in_dim3A_7, %broadcast_in_dim3A_5 : vector<16xi1>, vector<16xf32>
    %add3A_2219 = arith.addf %add3A_2216, %select_n3A_2218 : vector<16xf32>
    %eq3A_2220 = arith.cmpf oeq, %select_n3A_2169, %min3A_2204 : vector<16xf32>
    %select_n3A_2221 = arith.select %eq3A_2220, %broadcast_in_dim3A_7, %broadcast_in_dim3A_5 : vector<16xi1>, vector<16xf32>
    %add3A_2222 = arith.addf %add3A_2219, %select_n3A_2221 : vector<16xf32>
    %eq3A_2223 = arith.cmpf oeq, %select_n3A_2171, %min3A_2204 : vector<16xf32>
    %select_n3A_2224 = arith.select %eq3A_2223, %broadcast_in_dim3A_7, %broadcast_in_dim3A_5 : vector<16xi1>, vector<16xf32>
    %add3A_2225 = arith.addf %add3A_2222, %select_n3A_2224 : vector<16xf32>
    %eq3A_2226 = arith.cmpf oeq, %select_n3A_2173, %min3A_2204 : vector<16xf32>
    %select_n3A_2227 = arith.select %eq3A_2226, %broadcast_in_dim3A_7, %broadcast_in_dim3A_5 : vector<16xi1>, vector<16xf32>
    %add3A_2228 = arith.addf %add3A_2225, %select_n3A_2227 : vector<16xf32>
    %eq3A_2229 = arith.cmpf oeq, %select_n3A_2175, %min3A_2204 : vector<16xf32>
    %select_n3A_2230 = arith.select %eq3A_2229, %broadcast_in_dim3A_7, %broadcast_in_dim3A_5 : vector<16xi1>, vector<16xf32>
    %add3A_2231 = arith.addf %add3A_2228, %select_n3A_2230 : vector<16xf32>
    %eq3A_2232 = arith.cmpf oeq, %select_n3A_2177, %min3A_2204 : vector<16xf32>
    %select_n3A_2233 = arith.select %eq3A_2232, %broadcast_in_dim3A_7, %broadcast_in_dim3A_5 : vector<16xi1>, vector<16xf32>
    %add3A_2234 = arith.addf %add3A_2231, %select_n3A_2233 : vector<16xf32>
    %eq3A_2235 = arith.cmpf oeq, %select_n3A_2179, %min3A_2204 : vector<16xf32>
    %select_n3A_2236 = arith.select %eq3A_2235, %broadcast_in_dim3A_7, %broadcast_in_dim3A_5 : vector<16xi1>, vector<16xf32>
    %add3A_2237 = arith.addf %add3A_2234, %select_n3A_2236 : vector<16xf32>
    %eq3A_2238 = arith.cmpf oeq, %select_n3A_2181, %min3A_2204 : vector<16xf32>
    %select_n3A_2239 = arith.select %eq3A_2238, %broadcast_in_dim3A_7, %broadcast_in_dim3A_5 : vector<16xi1>, vector<16xf32>
    %add3A_2240 = arith.addf %add3A_2237, %select_n3A_2239 : vector<16xf32>
    %eq3A_2241 = arith.cmpf oeq, %select_n3A_2183, %min3A_2204 : vector<16xf32>
    %select_n3A_2242 = arith.select %eq3A_2241, %broadcast_in_dim3A_7, %broadcast_in_dim3A_5 : vector<16xi1>, vector<16xf32>
    %add3A_2243 = arith.addf %add3A_2240, %select_n3A_2242 : vector<16xf32>
    %eq3A_2244 = arith.cmpf oeq, %select_n3A_2185, %min3A_2204 : vector<16xf32>
    %select_n3A_2245 = arith.select %eq3A_2244, %broadcast_in_dim3A_7, %broadcast_in_dim3A_5 : vector<16xi1>, vector<16xf32>
    %add3A_2246 = arith.addf %add3A_2243, %select_n3A_2245 : vector<16xf32>
    %eq3A_2247 = arith.cmpf oeq, %select_n3A_2187, %min3A_2204 : vector<16xf32>
    %select_n3A_2248 = arith.select %eq3A_2247, %broadcast_in_dim3A_7, %broadcast_in_dim3A_5 : vector<16xi1>, vector<16xf32>
    %add3A_2249 = arith.addf %add3A_2246, %select_n3A_2248 : vector<16xf32>
    %eq3A_2250 = arith.cmpf oeq, %select_n3A_2189, %min3A_2204 : vector<16xf32>
    %select_n3A_2251 = arith.select %eq3A_2250, %broadcast_in_dim3A_7, %broadcast_in_dim3A_5 : vector<16xi1>, vector<16xf32>
    %add3A_2252 = arith.addf %add3A_2249, %select_n3A_2251 : vector<16xf32>
    %min3A_2253 = arith.minimumf %add3A_2252, %sub3A_2157 : vector<16xf32>
    %gt3A_2254 = arith.constant 0.000000e+00 : f32
    %gt3A_2255 = vector.broadcast %gt3A_2254 : f32 to vector<16xf32>
    %gt3A_2256 = arith.cmpf ogt, %min3A_2253, %gt3A_2255 : vector<16xf32>
    %mul3A_2257 = arith.mulf %min3A_2253, %min3A_2204 : vector<16xf32>
    %select_n3A_2258 = arith.select %gt3A_2256, %mul3A_2257, %broadcast_in_dim3A_5 : vector<16xi1>, vector<16xf32>
    %add3A_2259 = arith.addf %add3A_2156, %select_n3A_2258 : vector<16xf32>
    %sub3A_2260 = arith.subf %sub3A_2157, %min3A_2253 : vector<16xf32>
    %eq3A_2261 = arith.cmpf oeq, %select_n3A_2159, %min3A_2204 : vector<16xf32>
    %select_n3A_2262 = arith.select %eq3A_2261, %broadcast_in_dim3A_3, %select_n3A_2159 : vector<16xi1>, vector<16xf32>
    %eq3A_2263 = arith.cmpf oeq, %select_n3A_2161, %min3A_2204 : vector<16xf32>
    %select_n3A_2264 = arith.select %eq3A_2263, %broadcast_in_dim3A_3, %select_n3A_2161 : vector<16xi1>, vector<16xf32>
    %eq3A_2265 = arith.cmpf oeq, %select_n3A_2163, %min3A_2204 : vector<16xf32>
    %select_n3A_2266 = arith.select %eq3A_2265, %broadcast_in_dim3A_3, %select_n3A_2163 : vector<16xi1>, vector<16xf32>
    %eq3A_2267 = arith.cmpf oeq, %select_n3A_2165, %min3A_2204 : vector<16xf32>
    %select_n3A_2268 = arith.select %eq3A_2267, %broadcast_in_dim3A_3, %select_n3A_2165 : vector<16xi1>, vector<16xf32>
    %eq3A_2269 = arith.cmpf oeq, %select_n3A_2167, %min3A_2204 : vector<16xf32>
    %select_n3A_2270 = arith.select %eq3A_2269, %broadcast_in_dim3A_3, %select_n3A_2167 : vector<16xi1>, vector<16xf32>
    %eq3A_2271 = arith.cmpf oeq, %select_n3A_2169, %min3A_2204 : vector<16xf32>
    %select_n3A_2272 = arith.select %eq3A_2271, %broadcast_in_dim3A_3, %select_n3A_2169 : vector<16xi1>, vector<16xf32>
    %eq3A_2273 = arith.cmpf oeq, %select_n3A_2171, %min3A_2204 : vector<16xf32>
    %select_n3A_2274 = arith.select %eq3A_2273, %broadcast_in_dim3A_3, %select_n3A_2171 : vector<16xi1>, vector<16xf32>
    %eq3A_2275 = arith.cmpf oeq, %select_n3A_2173, %min3A_2204 : vector<16xf32>
    %select_n3A_2276 = arith.select %eq3A_2275, %broadcast_in_dim3A_3, %select_n3A_2173 : vector<16xi1>, vector<16xf32>
    %eq3A_2277 = arith.cmpf oeq, %select_n3A_2175, %min3A_2204 : vector<16xf32>
    %select_n3A_2278 = arith.select %eq3A_2277, %broadcast_in_dim3A_3, %select_n3A_2175 : vector<16xi1>, vector<16xf32>
    %eq3A_2279 = arith.cmpf oeq, %select_n3A_2177, %min3A_2204 : vector<16xf32>
    %select_n3A_2280 = arith.select %eq3A_2279, %broadcast_in_dim3A_3, %select_n3A_2177 : vector<16xi1>, vector<16xf32>
    %eq3A_2281 = arith.cmpf oeq, %select_n3A_2179, %min3A_2204 : vector<16xf32>
    %select_n3A_2282 = arith.select %eq3A_2281, %broadcast_in_dim3A_3, %select_n3A_2179 : vector<16xi1>, vector<16xf32>
    %eq3A_2283 = arith.cmpf oeq, %select_n3A_2181, %min3A_2204 : vector<16xf32>
    %select_n3A_2284 = arith.select %eq3A_2283, %broadcast_in_dim3A_3, %select_n3A_2181 : vector<16xi1>, vector<16xf32>
    %eq3A_2285 = arith.cmpf oeq, %select_n3A_2183, %min3A_2204 : vector<16xf32>
    %select_n3A_2286 = arith.select %eq3A_2285, %broadcast_in_dim3A_3, %select_n3A_2183 : vector<16xi1>, vector<16xf32>
    %eq3A_2287 = arith.cmpf oeq, %select_n3A_2185, %min3A_2204 : vector<16xf32>
    %select_n3A_2288 = arith.select %eq3A_2287, %broadcast_in_dim3A_3, %select_n3A_2185 : vector<16xi1>, vector<16xf32>
    %eq3A_2289 = arith.cmpf oeq, %select_n3A_2187, %min3A_2204 : vector<16xf32>
    %select_n3A_2290 = arith.select %eq3A_2289, %broadcast_in_dim3A_3, %select_n3A_2187 : vector<16xi1>, vector<16xf32>
    %eq3A_2291 = arith.cmpf oeq, %select_n3A_2189, %min3A_2204 : vector<16xf32>
    %select_n3A_2292 = arith.select %eq3A_2291, %broadcast_in_dim3A_3, %select_n3A_2189 : vector<16xi1>, vector<16xf32>
    %min3A_2293 = arith.minimumf %select_n3A_2262, %select_n3A_2264 : vector<16xf32>
    %min3A_2294 = arith.minimumf %min3A_2293, %select_n3A_2266 : vector<16xf32>
    %min3A_2295 = arith.minimumf %min3A_2294, %select_n3A_2268 : vector<16xf32>
    %min3A_2296 = arith.minimumf %min3A_2295, %select_n3A_2270 : vector<16xf32>
    %min3A_2297 = arith.minimumf %min3A_2296, %select_n3A_2272 : vector<16xf32>
    %min3A_2298 = arith.minimumf %min3A_2297, %select_n3A_2274 : vector<16xf32>
    %min3A_2299 = arith.minimumf %min3A_2298, %select_n3A_2276 : vector<16xf32>
    %min3A_2300 = arith.minimumf %min3A_2299, %select_n3A_2278 : vector<16xf32>
    %min3A_2301 = arith.minimumf %min3A_2300, %select_n3A_2280 : vector<16xf32>
    %min3A_2302 = arith.minimumf %min3A_2301, %select_n3A_2282 : vector<16xf32>
    %min3A_2303 = arith.minimumf %min3A_2302, %select_n3A_2284 : vector<16xf32>
    %min3A_2304 = arith.minimumf %min3A_2303, %select_n3A_2286 : vector<16xf32>
    %min3A_2305 = arith.minimumf %min3A_2304, %select_n3A_2288 : vector<16xf32>
    %min3A_2306 = arith.minimumf %min3A_2305, %select_n3A_2290 : vector<16xf32>
    %min3A_2307 = arith.minimumf %min3A_2306, %select_n3A_2292 : vector<16xf32>
    %eq3A_2308 = arith.cmpf oeq, %select_n3A_2262, %min3A_2307 : vector<16xf32>
    %select_n3A_2309 = arith.select %eq3A_2308, %broadcast_in_dim3A_7, %broadcast_in_dim3A_5 : vector<16xi1>, vector<16xf32>
    %add3A_2310 = arith.addf %broadcast_in_dim3A_5, %select_n3A_2309 : vector<16xf32>
    %eq3A_2311 = arith.cmpf oeq, %select_n3A_2264, %min3A_2307 : vector<16xf32>
    %select_n3A_2312 = arith.select %eq3A_2311, %broadcast_in_dim3A_7, %broadcast_in_dim3A_5 : vector<16xi1>, vector<16xf32>
    %add3A_2313 = arith.addf %add3A_2310, %select_n3A_2312 : vector<16xf32>
    %eq3A_2314 = arith.cmpf oeq, %select_n3A_2266, %min3A_2307 : vector<16xf32>
    %select_n3A_2315 = arith.select %eq3A_2314, %broadcast_in_dim3A_7, %broadcast_in_dim3A_5 : vector<16xi1>, vector<16xf32>
    %add3A_2316 = arith.addf %add3A_2313, %select_n3A_2315 : vector<16xf32>
    %eq3A_2317 = arith.cmpf oeq, %select_n3A_2268, %min3A_2307 : vector<16xf32>
    %select_n3A_2318 = arith.select %eq3A_2317, %broadcast_in_dim3A_7, %broadcast_in_dim3A_5 : vector<16xi1>, vector<16xf32>
    %add3A_2319 = arith.addf %add3A_2316, %select_n3A_2318 : vector<16xf32>
    %eq3A_2320 = arith.cmpf oeq, %select_n3A_2270, %min3A_2307 : vector<16xf32>
    %select_n3A_2321 = arith.select %eq3A_2320, %broadcast_in_dim3A_7, %broadcast_in_dim3A_5 : vector<16xi1>, vector<16xf32>
    %add3A_2322 = arith.addf %add3A_2319, %select_n3A_2321 : vector<16xf32>
    %eq3A_2323 = arith.cmpf oeq, %select_n3A_2272, %min3A_2307 : vector<16xf32>
    %select_n3A_2324 = arith.select %eq3A_2323, %broadcast_in_dim3A_7, %broadcast_in_dim3A_5 : vector<16xi1>, vector<16xf32>
    %add3A_2325 = arith.addf %add3A_2322, %select_n3A_2324 : vector<16xf32>
    %eq3A_2326 = arith.cmpf oeq, %select_n3A_2274, %min3A_2307 : vector<16xf32>
    %select_n3A_2327 = arith.select %eq3A_2326, %broadcast_in_dim3A_7, %broadcast_in_dim3A_5 : vector<16xi1>, vector<16xf32>
    %add3A_2328 = arith.addf %add3A_2325, %select_n3A_2327 : vector<16xf32>
    %eq3A_2329 = arith.cmpf oeq, %select_n3A_2276, %min3A_2307 : vector<16xf32>
    %select_n3A_2330 = arith.select %eq3A_2329, %broadcast_in_dim3A_7, %broadcast_in_dim3A_5 : vector<16xi1>, vector<16xf32>
    %add3A_2331 = arith.addf %add3A_2328, %select_n3A_2330 : vector<16xf32>
    %eq3A_2332 = arith.cmpf oeq, %select_n3A_2278, %min3A_2307 : vector<16xf32>
    %select_n3A_2333 = arith.select %eq3A_2332, %broadcast_in_dim3A_7, %broadcast_in_dim3A_5 : vector<16xi1>, vector<16xf32>
    %add3A_2334 = arith.addf %add3A_2331, %select_n3A_2333 : vector<16xf32>
    %eq3A_2335 = arith.cmpf oeq, %select_n3A_2280, %min3A_2307 : vector<16xf32>
    %select_n3A_2336 = arith.select %eq3A_2335, %broadcast_in_dim3A_7, %broadcast_in_dim3A_5 : vector<16xi1>, vector<16xf32>
    %add3A_2337 = arith.addf %add3A_2334, %select_n3A_2336 : vector<16xf32>
    %eq3A_2338 = arith.cmpf oeq, %select_n3A_2282, %min3A_2307 : vector<16xf32>
    %select_n3A_2339 = arith.select %eq3A_2338, %broadcast_in_dim3A_7, %broadcast_in_dim3A_5 : vector<16xi1>, vector<16xf32>
    %add3A_2340 = arith.addf %add3A_2337, %select_n3A_2339 : vector<16xf32>
    %eq3A_2341 = arith.cmpf oeq, %select_n3A_2284, %min3A_2307 : vector<16xf32>
    %select_n3A_2342 = arith.select %eq3A_2341, %broadcast_in_dim3A_7, %broadcast_in_dim3A_5 : vector<16xi1>, vector<16xf32>
    %add3A_2343 = arith.addf %add3A_2340, %select_n3A_2342 : vector<16xf32>
    %eq3A_2344 = arith.cmpf oeq, %select_n3A_2286, %min3A_2307 : vector<16xf32>
    %select_n3A_2345 = arith.select %eq3A_2344, %broadcast_in_dim3A_7, %broadcast_in_dim3A_5 : vector<16xi1>, vector<16xf32>
    %add3A_2346 = arith.addf %add3A_2343, %select_n3A_2345 : vector<16xf32>
    %eq3A_2347 = arith.cmpf oeq, %select_n3A_2288, %min3A_2307 : vector<16xf32>
    %select_n3A_2348 = arith.select %eq3A_2347, %broadcast_in_dim3A_7, %broadcast_in_dim3A_5 : vector<16xi1>, vector<16xf32>
    %add3A_2349 = arith.addf %add3A_2346, %select_n3A_2348 : vector<16xf32>
    %eq3A_2350 = arith.cmpf oeq, %select_n3A_2290, %min3A_2307 : vector<16xf32>
    %select_n3A_2351 = arith.select %eq3A_2350, %broadcast_in_dim3A_7, %broadcast_in_dim3A_5 : vector<16xi1>, vector<16xf32>
    %add3A_2352 = arith.addf %add3A_2349, %select_n3A_2351 : vector<16xf32>
    %eq3A_2353 = arith.cmpf oeq, %select_n3A_2292, %min3A_2307 : vector<16xf32>
    %select_n3A_2354 = arith.select %eq3A_2353, %broadcast_in_dim3A_7, %broadcast_in_dim3A_5 : vector<16xi1>, vector<16xf32>
    %add3A_2355 = arith.addf %add3A_2352, %select_n3A_2354 : vector<16xf32>
    %min3A_2356 = arith.minimumf %add3A_2355, %sub3A_2260 : vector<16xf32>
    %gt3A_2357 = arith.constant 0.000000e+00 : f32
    %gt3A_2358 = vector.broadcast %gt3A_2357 : f32 to vector<16xf32>
    %gt3A_2359 = arith.cmpf ogt, %min3A_2356, %gt3A_2358 : vector<16xf32>
    %mul3A_2360 = arith.mulf %min3A_2356, %min3A_2307 : vector<16xf32>
    %select_n3A_2361 = arith.select %gt3A_2359, %mul3A_2360, %broadcast_in_dim3A_5 : vector<16xi1>, vector<16xf32>
    %add3A_2362 = arith.addf %add3A_2259, %select_n3A_2361 : vector<16xf32>
    %sub3A_2363 = arith.subf %sub3A_2260, %min3A_2356 : vector<16xf32>
    %eq3A_2364 = arith.cmpf oeq, %select_n3A_2262, %min3A_2307 : vector<16xf32>
    %select_n3A_2365 = arith.select %eq3A_2364, %broadcast_in_dim3A_3, %select_n3A_2262 : vector<16xi1>, vector<16xf32>
    %eq3A_2366 = arith.cmpf oeq, %select_n3A_2264, %min3A_2307 : vector<16xf32>
    %select_n3A_2367 = arith.select %eq3A_2366, %broadcast_in_dim3A_3, %select_n3A_2264 : vector<16xi1>, vector<16xf32>
    %eq3A_2368 = arith.cmpf oeq, %select_n3A_2266, %min3A_2307 : vector<16xf32>
    %select_n3A_2369 = arith.select %eq3A_2368, %broadcast_in_dim3A_3, %select_n3A_2266 : vector<16xi1>, vector<16xf32>
    %eq3A_2370 = arith.cmpf oeq, %select_n3A_2268, %min3A_2307 : vector<16xf32>
    %select_n3A_2371 = arith.select %eq3A_2370, %broadcast_in_dim3A_3, %select_n3A_2268 : vector<16xi1>, vector<16xf32>
    %eq3A_2372 = arith.cmpf oeq, %select_n3A_2270, %min3A_2307 : vector<16xf32>
    %select_n3A_2373 = arith.select %eq3A_2372, %broadcast_in_dim3A_3, %select_n3A_2270 : vector<16xi1>, vector<16xf32>
    %eq3A_2374 = arith.cmpf oeq, %select_n3A_2272, %min3A_2307 : vector<16xf32>
    %select_n3A_2375 = arith.select %eq3A_2374, %broadcast_in_dim3A_3, %select_n3A_2272 : vector<16xi1>, vector<16xf32>
    %eq3A_2376 = arith.cmpf oeq, %select_n3A_2274, %min3A_2307 : vector<16xf32>
    %select_n3A_2377 = arith.select %eq3A_2376, %broadcast_in_dim3A_3, %select_n3A_2274 : vector<16xi1>, vector<16xf32>
    %eq3A_2378 = arith.cmpf oeq, %select_n3A_2276, %min3A_2307 : vector<16xf32>
    %select_n3A_2379 = arith.select %eq3A_2378, %broadcast_in_dim3A_3, %select_n3A_2276 : vector<16xi1>, vector<16xf32>
    %eq3A_2380 = arith.cmpf oeq, %select_n3A_2278, %min3A_2307 : vector<16xf32>
    %select_n3A_2381 = arith.select %eq3A_2380, %broadcast_in_dim3A_3, %select_n3A_2278 : vector<16xi1>, vector<16xf32>
    %eq3A_2382 = arith.cmpf oeq, %select_n3A_2280, %min3A_2307 : vector<16xf32>
    %select_n3A_2383 = arith.select %eq3A_2382, %broadcast_in_dim3A_3, %select_n3A_2280 : vector<16xi1>, vector<16xf32>
    %eq3A_2384 = arith.cmpf oeq, %select_n3A_2282, %min3A_2307 : vector<16xf32>
    %select_n3A_2385 = arith.select %eq3A_2384, %broadcast_in_dim3A_3, %select_n3A_2282 : vector<16xi1>, vector<16xf32>
    %eq3A_2386 = arith.cmpf oeq, %select_n3A_2284, %min3A_2307 : vector<16xf32>
    %select_n3A_2387 = arith.select %eq3A_2386, %broadcast_in_dim3A_3, %select_n3A_2284 : vector<16xi1>, vector<16xf32>
    %eq3A_2388 = arith.cmpf oeq, %select_n3A_2286, %min3A_2307 : vector<16xf32>
    %select_n3A_2389 = arith.select %eq3A_2388, %broadcast_in_dim3A_3, %select_n3A_2286 : vector<16xi1>, vector<16xf32>
    %eq3A_2390 = arith.cmpf oeq, %select_n3A_2288, %min3A_2307 : vector<16xf32>
    %select_n3A_2391 = arith.select %eq3A_2390, %broadcast_in_dim3A_3, %select_n3A_2288 : vector<16xi1>, vector<16xf32>
    %eq3A_2392 = arith.cmpf oeq, %select_n3A_2290, %min3A_2307 : vector<16xf32>
    %select_n3A_2393 = arith.select %eq3A_2392, %broadcast_in_dim3A_3, %select_n3A_2290 : vector<16xi1>, vector<16xf32>
    %eq3A_2394 = arith.cmpf oeq, %select_n3A_2292, %min3A_2307 : vector<16xf32>
    %select_n3A_2395 = arith.select %eq3A_2394, %broadcast_in_dim3A_3, %select_n3A_2292 : vector<16xi1>, vector<16xf32>
    %min3A_2396 = arith.minimumf %select_n3A_2365, %select_n3A_2367 : vector<16xf32>
    %min3A_2397 = arith.minimumf %min3A_2396, %select_n3A_2369 : vector<16xf32>
    %min3A_2398 = arith.minimumf %min3A_2397, %select_n3A_2371 : vector<16xf32>
    %min3A_2399 = arith.minimumf %min3A_2398, %select_n3A_2373 : vector<16xf32>
    %min3A_2400 = arith.minimumf %min3A_2399, %select_n3A_2375 : vector<16xf32>
    %min3A_2401 = arith.minimumf %min3A_2400, %select_n3A_2377 : vector<16xf32>
    %min3A_2402 = arith.minimumf %min3A_2401, %select_n3A_2379 : vector<16xf32>
    %min3A_2403 = arith.minimumf %min3A_2402, %select_n3A_2381 : vector<16xf32>
    %min3A_2404 = arith.minimumf %min3A_2403, %select_n3A_2383 : vector<16xf32>
    %min3A_2405 = arith.minimumf %min3A_2404, %select_n3A_2385 : vector<16xf32>
    %min3A_2406 = arith.minimumf %min3A_2405, %select_n3A_2387 : vector<16xf32>
    %min3A_2407 = arith.minimumf %min3A_2406, %select_n3A_2389 : vector<16xf32>
    %min3A_2408 = arith.minimumf %min3A_2407, %select_n3A_2391 : vector<16xf32>
    %min3A_2409 = arith.minimumf %min3A_2408, %select_n3A_2393 : vector<16xf32>
    %min3A_2410 = arith.minimumf %min3A_2409, %select_n3A_2395 : vector<16xf32>
    %eq3A_2411 = arith.cmpf oeq, %select_n3A_2365, %min3A_2410 : vector<16xf32>
    %select_n3A_2412 = arith.select %eq3A_2411, %broadcast_in_dim3A_7, %broadcast_in_dim3A_5 : vector<16xi1>, vector<16xf32>
    %add3A_2413 = arith.addf %broadcast_in_dim3A_5, %select_n3A_2412 : vector<16xf32>
    %eq3A_2414 = arith.cmpf oeq, %select_n3A_2367, %min3A_2410 : vector<16xf32>
    %select_n3A_2415 = arith.select %eq3A_2414, %broadcast_in_dim3A_7, %broadcast_in_dim3A_5 : vector<16xi1>, vector<16xf32>
    %add3A_2416 = arith.addf %add3A_2413, %select_n3A_2415 : vector<16xf32>
    %eq3A_2417 = arith.cmpf oeq, %select_n3A_2369, %min3A_2410 : vector<16xf32>
    %select_n3A_2418 = arith.select %eq3A_2417, %broadcast_in_dim3A_7, %broadcast_in_dim3A_5 : vector<16xi1>, vector<16xf32>
    %add3A_2419 = arith.addf %add3A_2416, %select_n3A_2418 : vector<16xf32>
    %eq3A_2420 = arith.cmpf oeq, %select_n3A_2371, %min3A_2410 : vector<16xf32>
    %select_n3A_2421 = arith.select %eq3A_2420, %broadcast_in_dim3A_7, %broadcast_in_dim3A_5 : vector<16xi1>, vector<16xf32>
    %add3A_2422 = arith.addf %add3A_2419, %select_n3A_2421 : vector<16xf32>
    %eq3A_2423 = arith.cmpf oeq, %select_n3A_2373, %min3A_2410 : vector<16xf32>
    %select_n3A_2424 = arith.select %eq3A_2423, %broadcast_in_dim3A_7, %broadcast_in_dim3A_5 : vector<16xi1>, vector<16xf32>
    %add3A_2425 = arith.addf %add3A_2422, %select_n3A_2424 : vector<16xf32>
    %eq3A_2426 = arith.cmpf oeq, %select_n3A_2375, %min3A_2410 : vector<16xf32>
    %select_n3A_2427 = arith.select %eq3A_2426, %broadcast_in_dim3A_7, %broadcast_in_dim3A_5 : vector<16xi1>, vector<16xf32>
    %add3A_2428 = arith.addf %add3A_2425, %select_n3A_2427 : vector<16xf32>
    %eq3A_2429 = arith.cmpf oeq, %select_n3A_2377, %min3A_2410 : vector<16xf32>
    %select_n3A_2430 = arith.select %eq3A_2429, %broadcast_in_dim3A_7, %broadcast_in_dim3A_5 : vector<16xi1>, vector<16xf32>
    %add3A_2431 = arith.addf %add3A_2428, %select_n3A_2430 : vector<16xf32>
    %eq3A_2432 = arith.cmpf oeq, %select_n3A_2379, %min3A_2410 : vector<16xf32>
    %select_n3A_2433 = arith.select %eq3A_2432, %broadcast_in_dim3A_7, %broadcast_in_dim3A_5 : vector<16xi1>, vector<16xf32>
    %add3A_2434 = arith.addf %add3A_2431, %select_n3A_2433 : vector<16xf32>
    %eq3A_2435 = arith.cmpf oeq, %select_n3A_2381, %min3A_2410 : vector<16xf32>
    %select_n3A_2436 = arith.select %eq3A_2435, %broadcast_in_dim3A_7, %broadcast_in_dim3A_5 : vector<16xi1>, vector<16xf32>
    %add3A_2437 = arith.addf %add3A_2434, %select_n3A_2436 : vector<16xf32>
    %eq3A_2438 = arith.cmpf oeq, %select_n3A_2383, %min3A_2410 : vector<16xf32>
    %select_n3A_2439 = arith.select %eq3A_2438, %broadcast_in_dim3A_7, %broadcast_in_dim3A_5 : vector<16xi1>, vector<16xf32>
    %add3A_2440 = arith.addf %add3A_2437, %select_n3A_2439 : vector<16xf32>
    %eq3A_2441 = arith.cmpf oeq, %select_n3A_2385, %min3A_2410 : vector<16xf32>
    %select_n3A_2442 = arith.select %eq3A_2441, %broadcast_in_dim3A_7, %broadcast_in_dim3A_5 : vector<16xi1>, vector<16xf32>
    %add3A_2443 = arith.addf %add3A_2440, %select_n3A_2442 : vector<16xf32>
    %eq3A_2444 = arith.cmpf oeq, %select_n3A_2387, %min3A_2410 : vector<16xf32>
    %select_n3A_2445 = arith.select %eq3A_2444, %broadcast_in_dim3A_7, %broadcast_in_dim3A_5 : vector<16xi1>, vector<16xf32>
    %add3A_2446 = arith.addf %add3A_2443, %select_n3A_2445 : vector<16xf32>
    %eq3A_2447 = arith.cmpf oeq, %select_n3A_2389, %min3A_2410 : vector<16xf32>
    %select_n3A_2448 = arith.select %eq3A_2447, %broadcast_in_dim3A_7, %broadcast_in_dim3A_5 : vector<16xi1>, vector<16xf32>
    %add3A_2449 = arith.addf %add3A_2446, %select_n3A_2448 : vector<16xf32>
    %eq3A_2450 = arith.cmpf oeq, %select_n3A_2391, %min3A_2410 : vector<16xf32>
    %select_n3A_2451 = arith.select %eq3A_2450, %broadcast_in_dim3A_7, %broadcast_in_dim3A_5 : vector<16xi1>, vector<16xf32>
    %add3A_2452 = arith.addf %add3A_2449, %select_n3A_2451 : vector<16xf32>
    %eq3A_2453 = arith.cmpf oeq, %select_n3A_2393, %min3A_2410 : vector<16xf32>
    %select_n3A_2454 = arith.select %eq3A_2453, %broadcast_in_dim3A_7, %broadcast_in_dim3A_5 : vector<16xi1>, vector<16xf32>
    %add3A_2455 = arith.addf %add3A_2452, %select_n3A_2454 : vector<16xf32>
    %eq3A_2456 = arith.cmpf oeq, %select_n3A_2395, %min3A_2410 : vector<16xf32>
    %select_n3A_2457 = arith.select %eq3A_2456, %broadcast_in_dim3A_7, %broadcast_in_dim3A_5 : vector<16xi1>, vector<16xf32>
    %add3A_2458 = arith.addf %add3A_2455, %select_n3A_2457 : vector<16xf32>
    %min3A_2459 = arith.minimumf %add3A_2458, %sub3A_2363 : vector<16xf32>
    %gt3A_2460 = arith.constant 0.000000e+00 : f32
    %gt3A_2461 = vector.broadcast %gt3A_2460 : f32 to vector<16xf32>
    %gt3A_2462 = arith.cmpf ogt, %min3A_2459, %gt3A_2461 : vector<16xf32>
    %mul3A_2463 = arith.mulf %min3A_2459, %min3A_2410 : vector<16xf32>
    %select_n3A_2464 = arith.select %gt3A_2462, %mul3A_2463, %broadcast_in_dim3A_5 : vector<16xi1>, vector<16xf32>
    %add3A_2465 = arith.addf %add3A_2362, %select_n3A_2464 : vector<16xf32>
    %sub3A_2466 = arith.subf %sub3A_2363, %min3A_2459 : vector<16xf32>
    %eq3A_2467 = arith.cmpf oeq, %select_n3A_2365, %min3A_2410 : vector<16xf32>
    %select_n3A_2468 = arith.select %eq3A_2467, %broadcast_in_dim3A_3, %select_n3A_2365 : vector<16xi1>, vector<16xf32>
    %eq3A_2469 = arith.cmpf oeq, %select_n3A_2367, %min3A_2410 : vector<16xf32>
    %select_n3A_2470 = arith.select %eq3A_2469, %broadcast_in_dim3A_3, %select_n3A_2367 : vector<16xi1>, vector<16xf32>
    %eq3A_2471 = arith.cmpf oeq, %select_n3A_2369, %min3A_2410 : vector<16xf32>
    %select_n3A_2472 = arith.select %eq3A_2471, %broadcast_in_dim3A_3, %select_n3A_2369 : vector<16xi1>, vector<16xf32>
    %eq3A_2473 = arith.cmpf oeq, %select_n3A_2371, %min3A_2410 : vector<16xf32>
    %select_n3A_2474 = arith.select %eq3A_2473, %broadcast_in_dim3A_3, %select_n3A_2371 : vector<16xi1>, vector<16xf32>
    %eq3A_2475 = arith.cmpf oeq, %select_n3A_2373, %min3A_2410 : vector<16xf32>
    %select_n3A_2476 = arith.select %eq3A_2475, %broadcast_in_dim3A_3, %select_n3A_2373 : vector<16xi1>, vector<16xf32>
    %eq3A_2477 = arith.cmpf oeq, %select_n3A_2375, %min3A_2410 : vector<16xf32>
    %select_n3A_2478 = arith.select %eq3A_2477, %broadcast_in_dim3A_3, %select_n3A_2375 : vector<16xi1>, vector<16xf32>
    %eq3A_2479 = arith.cmpf oeq, %select_n3A_2377, %min3A_2410 : vector<16xf32>
    %select_n3A_2480 = arith.select %eq3A_2479, %broadcast_in_dim3A_3, %select_n3A_2377 : vector<16xi1>, vector<16xf32>
    %eq3A_2481 = arith.cmpf oeq, %select_n3A_2379, %min3A_2410 : vector<16xf32>
    %select_n3A_2482 = arith.select %eq3A_2481, %broadcast_in_dim3A_3, %select_n3A_2379 : vector<16xi1>, vector<16xf32>
    %eq3A_2483 = arith.cmpf oeq, %select_n3A_2381, %min3A_2410 : vector<16xf32>
    %select_n3A_2484 = arith.select %eq3A_2483, %broadcast_in_dim3A_3, %select_n3A_2381 : vector<16xi1>, vector<16xf32>
    %eq3A_2485 = arith.cmpf oeq, %select_n3A_2383, %min3A_2410 : vector<16xf32>
    %select_n3A_2486 = arith.select %eq3A_2485, %broadcast_in_dim3A_3, %select_n3A_2383 : vector<16xi1>, vector<16xf32>
    %eq3A_2487 = arith.cmpf oeq, %select_n3A_2385, %min3A_2410 : vector<16xf32>
    %select_n3A_2488 = arith.select %eq3A_2487, %broadcast_in_dim3A_3, %select_n3A_2385 : vector<16xi1>, vector<16xf32>
    %eq3A_2489 = arith.cmpf oeq, %select_n3A_2387, %min3A_2410 : vector<16xf32>
    %select_n3A_2490 = arith.select %eq3A_2489, %broadcast_in_dim3A_3, %select_n3A_2387 : vector<16xi1>, vector<16xf32>
    %eq3A_2491 = arith.cmpf oeq, %select_n3A_2389, %min3A_2410 : vector<16xf32>
    %select_n3A_2492 = arith.select %eq3A_2491, %broadcast_in_dim3A_3, %select_n3A_2389 : vector<16xi1>, vector<16xf32>
    %eq3A_2493 = arith.cmpf oeq, %select_n3A_2391, %min3A_2410 : vector<16xf32>
    %select_n3A_2494 = arith.select %eq3A_2493, %broadcast_in_dim3A_3, %select_n3A_2391 : vector<16xi1>, vector<16xf32>
    %eq3A_2495 = arith.cmpf oeq, %select_n3A_2393, %min3A_2410 : vector<16xf32>
    %select_n3A_2496 = arith.select %eq3A_2495, %broadcast_in_dim3A_3, %select_n3A_2393 : vector<16xi1>, vector<16xf32>
    %eq3A_2497 = arith.cmpf oeq, %select_n3A_2395, %min3A_2410 : vector<16xf32>
    %select_n3A_2498 = arith.select %eq3A_2497, %broadcast_in_dim3A_3, %select_n3A_2395 : vector<16xi1>, vector<16xf32>
    %mul3A_2499 = arith.constant 2.500000e-01 : f32
    %mul3A_2500 = vector.broadcast %mul3A_2499 : f32 to vector<16xf32>
    %mul3A_2501 = arith.mulf %add3A_2465, %mul3A_2500 : vector<16xf32>
    %swap3A_2502 = arith.constant 64 : index
    %swap3A_2503 = tpu.vector_load %arg5[%swap3A_2502] {strides = array<i32>} : memref<128xf32, #tpu.memory_space<vmem>>, vector<16xf32>,
    %swap3A_2504 = vector.shape_cast %swap3A_2503 : vector<16xf32> to vector<16xf32>
    %swap3A_2505 = vector.shape_cast %mul3A_2501 : vector<16xf32> to vector<16xf32>
    tpu.vector_store %arg5[%swap3A_2502], %swap3A_2505 {strides = array<i32>} : memref<128xf32, #tpu.memory_space<vmem>>, vector<16xf32>,
    %get3A_2506 = arith.constant 0 : i32
    %get3A_2507 = arith.index_cast %get3A_2506 : i32 to index
    %get3A_2508 = arith.constant 80 : index
    %get3A_2509 = tpu.vector_load %arg4[%get3A_2507, %get3A_2508] {strides = array<i32>} : memref<16x128xf32, #tpu.memory_space<vmem>>, vector<1x16xf32>,
    %get3A_2510 = vector.shape_cast %get3A_2509 : vector<1x16xf32> to vector<16xf32>
    %get3A_2511 = arith.constant 1 : i32
    %get3A_2512 = arith.index_cast %get3A_2511 : i32 to index
    %get3A_2513 = arith.constant 80 : index
    %get3A_2514 = tpu.vector_load %arg4[%get3A_2512, %get3A_2513] {strides = array<i32>} : memref<16x128xf32, #tpu.memory_space<vmem>>, vector<1x16xf32>,
    %get3A_2515 = vector.shape_cast %get3A_2514 : vector<1x16xf32> to vector<16xf32>
    %get3A_2516 = arith.constant 2 : i32
    %get3A_2517 = arith.index_cast %get3A_2516 : i32 to index
    %get3A_2518 = arith.constant 80 : index
    %get3A_2519 = tpu.vector_load %arg4[%get3A_2517, %get3A_2518] {strides = array<i32>} : memref<16x128xf32, #tpu.memory_space<vmem>>, vector<1x16xf32>,
    %get3A_2520 = vector.shape_cast %get3A_2519 : vector<1x16xf32> to vector<16xf32>
    %get3A_2521 = arith.constant 3 : i32
    %get3A_2522 = arith.index_cast %get3A_2521 : i32 to index
    %get3A_2523 = arith.constant 80 : index
    %get3A_2524 = tpu.vector_load %arg4[%get3A_2522, %get3A_2523] {strides = array<i32>} : memref<16x128xf32, #tpu.memory_space<vmem>>, vector<1x16xf32>,
    %get3A_2525 = vector.shape_cast %get3A_2524 : vector<1x16xf32> to vector<16xf32>
    %get3A_2526 = arith.constant 4 : i32
    %get3A_2527 = arith.index_cast %get3A_2526 : i32 to index
    %get3A_2528 = arith.constant 80 : index
    %get3A_2529 = tpu.vector_load %arg4[%get3A_2527, %get3A_2528] {strides = array<i32>} : memref<16x128xf32, #tpu.memory_space<vmem>>, vector<1x16xf32>,
    %get3A_2530 = vector.shape_cast %get3A_2529 : vector<1x16xf32> to vector<16xf32>
    %get3A_2531 = arith.constant 5 : i32
    %get3A_2532 = arith.index_cast %get3A_2531 : i32 to index
    %get3A_2533 = arith.constant 80 : index
    %get3A_2534 = tpu.vector_load %arg4[%get3A_2532, %get3A_2533] {strides = array<i32>} : memref<16x128xf32, #tpu.memory_space<vmem>>, vector<1x16xf32>,
    %get3A_2535 = vector.shape_cast %get3A_2534 : vector<1x16xf32> to vector<16xf32>
    %get3A_2536 = arith.constant 6 : i32
    %get3A_2537 = arith.index_cast %get3A_2536 : i32 to index
    %get3A_2538 = arith.constant 80 : index
    %get3A_2539 = tpu.vector_load %arg4[%get3A_2537, %get3A_2538] {strides = array<i32>} : memref<16x128xf32, #tpu.memory_space<vmem>>, vector<1x16xf32>,
    %get3A_2540 = vector.shape_cast %get3A_2539 : vector<1x16xf32> to vector<16xf32>
    %get3A_2541 = arith.constant 7 : i32
    %get3A_2542 = arith.index_cast %get3A_2541 : i32 to index
    %get3A_2543 = arith.constant 80 : index
    %get3A_2544 = tpu.vector_load %arg4[%get3A_2542, %get3A_2543] {strides = array<i32>} : memref<16x128xf32, #tpu.memory_space<vmem>>, vector<1x16xf32>,
    %get3A_2545 = vector.shape_cast %get3A_2544 : vector<1x16xf32> to vector<16xf32>
    %get3A_2546 = arith.constant 8 : i32
    %get3A_2547 = arith.index_cast %get3A_2546 : i32 to index
    %get3A_2548 = arith.constant 80 : index
    %get3A_2549 = tpu.vector_load %arg4[%get3A_2547, %get3A_2548] {strides = array<i32>} : memref<16x128xf32, #tpu.memory_space<vmem>>, vector<1x16xf32>,
    %get3A_2550 = vector.shape_cast %get3A_2549 : vector<1x16xf32> to vector<16xf32>
    %get3A_2551 = arith.constant 9 : i32
    %get3A_2552 = arith.index_cast %get3A_2551 : i32 to index
    %get3A_2553 = arith.constant 80 : index
    %get3A_2554 = tpu.vector_load %arg4[%get3A_2552, %get3A_2553] {strides = array<i32>} : memref<16x128xf32, #tpu.memory_space<vmem>>, vector<1x16xf32>,
    %get3A_2555 = vector.shape_cast %get3A_2554 : vector<1x16xf32> to vector<16xf32>
    %get3A_2556 = arith.constant 10 : i32
    %get3A_2557 = arith.index_cast %get3A_2556 : i32 to index
    %get3A_2558 = arith.constant 80 : index
    %get3A_2559 = tpu.vector_load %arg4[%get3A_2557, %get3A_2558] {strides = array<i32>} : memref<16x128xf32, #tpu.memory_space<vmem>>, vector<1x16xf32>,
    %get3A_2560 = vector.shape_cast %get3A_2559 : vector<1x16xf32> to vector<16xf32>
    %get3A_2561 = arith.constant 11 : i32
    %get3A_2562 = arith.index_cast %get3A_2561 : i32 to index
    %get3A_2563 = arith.constant 80 : index
    %get3A_2564 = tpu.vector_load %arg4[%get3A_2562, %get3A_2563] {strides = array<i32>} : memref<16x128xf32, #tpu.memory_space<vmem>>, vector<1x16xf32>,
    %get3A_2565 = vector.shape_cast %get3A_2564 : vector<1x16xf32> to vector<16xf32>
    %get3A_2566 = arith.constant 12 : i32
    %get3A_2567 = arith.index_cast %get3A_2566 : i32 to index
    %get3A_2568 = arith.constant 80 : index
    %get3A_2569 = tpu.vector_load %arg4[%get3A_2567, %get3A_2568] {strides = array<i32>} : memref<16x128xf32, #tpu.memory_space<vmem>>, vector<1x16xf32>,
    %get3A_2570 = vector.shape_cast %get3A_2569 : vector<1x16xf32> to vector<16xf32>
    %get3A_2571 = arith.constant 13 : i32
    %get3A_2572 = arith.index_cast %get3A_2571 : i32 to index
    %get3A_2573 = arith.constant 80 : index
    %get3A_2574 = tpu.vector_load %arg4[%get3A_2572, %get3A_2573] {strides = array<i32>} : memref<16x128xf32, #tpu.memory_space<vmem>>, vector<1x16xf32>,
    %get3A_2575 = vector.shape_cast %get3A_2574 : vector<1x16xf32> to vector<16xf32>
    %get3A_2576 = arith.constant 14 : i32
    %get3A_2577 = arith.index_cast %get3A_2576 : i32 to index
    %get3A_2578 = arith.constant 80 : index
    %get3A_2579 = tpu.vector_load %arg4[%get3A_2577, %get3A_2578] {strides = array<i32>} : memref<16x128xf32, #tpu.memory_space<vmem>>, vector<1x16xf32>,
    %get3A_2580 = vector.shape_cast %get3A_2579 : vector<1x16xf32> to vector<16xf32>
    %get3A_2581 = arith.constant 15 : i32
    %get3A_2582 = arith.index_cast %get3A_2581 : i32 to index
    %get3A_2583 = arith.constant 80 : index
    %get3A_2584 = tpu.vector_load %arg4[%get3A_2582, %get3A_2583] {strides = array<i32>} : memref<16x128xf32, #tpu.memory_space<vmem>>, vector<1x16xf32>,
    %get3A_2585 = vector.shape_cast %get3A_2584 : vector<1x16xf32> to vector<16xf32>
    %broadcast_in_dim3A_2586 = arith.constant 4.000000e+00 : f32
    %broadcast_in_dim3A_2587 = vector.broadcast %broadcast_in_dim3A_2586 : f32 to vector<16xf32>
    %min3A_2588 = arith.minimumf %get3A_2510, %get3A_2515 : vector<16xf32>
    %min3A_2589 = arith.minimumf %min3A_2588, %get3A_2520 : vector<16xf32>
    %min3A_2590 = arith.minimumf %min3A_2589, %get3A_2525 : vector<16xf32>
    %min3A_2591 = arith.minimumf %min3A_2590, %get3A_2530 : vector<16xf32>
    %min3A_2592 = arith.minimumf %min3A_2591, %get3A_2535 : vector<16xf32>
    %min3A_2593 = arith.minimumf %min3A_2592, %get3A_2540 : vector<16xf32>
    %min3A_2594 = arith.minimumf %min3A_2593, %get3A_2545 : vector<16xf32>
    %min3A_2595 = arith.minimumf %min3A_2594, %get3A_2550 : vector<16xf32>
    %min3A_2596 = arith.minimumf %min3A_2595, %get3A_2555 : vector<16xf32>
    %min3A_2597 = arith.minimumf %min3A_2596, %get3A_2560 : vector<16xf32>
    %min3A_2598 = arith.minimumf %min3A_2597, %get3A_2565 : vector<16xf32>
    %min3A_2599 = arith.minimumf %min3A_2598, %get3A_2570 : vector<16xf32>
    %min3A_2600 = arith.minimumf %min3A_2599, %get3A_2575 : vector<16xf32>
    %min3A_2601 = arith.minimumf %min3A_2600, %get3A_2580 : vector<16xf32>
    %min3A_2602 = arith.minimumf %min3A_2601, %get3A_2585 : vector<16xf32>
    %eq3A_2603 = arith.cmpf oeq, %get3A_2510, %min3A_2602 : vector<16xf32>
    %select_n3A_2604 = arith.select %eq3A_2603, %broadcast_in_dim3A_7, %broadcast_in_dim3A_5 : vector<16xi1>, vector<16xf32>
    %add3A_2605 = arith.addf %broadcast_in_dim3A_5, %select_n3A_2604 : vector<16xf32>
    %eq3A_2606 = arith.cmpf oeq, %get3A_2515, %min3A_2602 : vector<16xf32>
    %select_n3A_2607 = arith.select %eq3A_2606, %broadcast_in_dim3A_7, %broadcast_in_dim3A_5 : vector<16xi1>, vector<16xf32>
    %add3A_2608 = arith.addf %add3A_2605, %select_n3A_2607 : vector<16xf32>
    %eq3A_2609 = arith.cmpf oeq, %get3A_2520, %min3A_2602 : vector<16xf32>
    %select_n3A_2610 = arith.select %eq3A_2609, %broadcast_in_dim3A_7, %broadcast_in_dim3A_5 : vector<16xi1>, vector<16xf32>
    %add3A_2611 = arith.addf %add3A_2608, %select_n3A_2610 : vector<16xf32>
    %eq3A_2612 = arith.cmpf oeq, %get3A_2525, %min3A_2602 : vector<16xf32>
    %select_n3A_2613 = arith.select %eq3A_2612, %broadcast_in_dim3A_7, %broadcast_in_dim3A_5 : vector<16xi1>, vector<16xf32>
    %add3A_2614 = arith.addf %add3A_2611, %select_n3A_2613 : vector<16xf32>
    %eq3A_2615 = arith.cmpf oeq, %get3A_2530, %min3A_2602 : vector<16xf32>
    %select_n3A_2616 = arith.select %eq3A_2615, %broadcast_in_dim3A_7, %broadcast_in_dim3A_5 : vector<16xi1>, vector<16xf32>
    %add3A_2617 = arith.addf %add3A_2614, %select_n3A_2616 : vector<16xf32>
    %eq3A_2618 = arith.cmpf oeq, %get3A_2535, %min3A_2602 : vector<16xf32>
    %select_n3A_2619 = arith.select %eq3A_2618, %broadcast_in_dim3A_7, %broadcast_in_dim3A_5 : vector<16xi1>, vector<16xf32>
    %add3A_2620 = arith.addf %add3A_2617, %select_n3A_2619 : vector<16xf32>
    %eq3A_2621 = arith.cmpf oeq, %get3A_2540, %min3A_2602 : vector<16xf32>
    %select_n3A_2622 = arith.select %eq3A_2621, %broadcast_in_dim3A_7, %broadcast_in_dim3A_5 : vector<16xi1>, vector<16xf32>
    %add3A_2623 = arith.addf %add3A_2620, %select_n3A_2622 : vector<16xf32>
    %eq3A_2624 = arith.cmpf oeq, %get3A_2545, %min3A_2602 : vector<16xf32>
    %select_n3A_2625 = arith.select %eq3A_2624, %broadcast_in_dim3A_7, %broadcast_in_dim3A_5 : vector<16xi1>, vector<16xf32>
    %add3A_2626 = arith.addf %add3A_2623, %select_n3A_2625 : vector<16xf32>
    %eq3A_2627 = arith.cmpf oeq, %get3A_2550, %min3A_2602 : vector<16xf32>
    %select_n3A_2628 = arith.select %eq3A_2627, %broadcast_in_dim3A_7, %broadcast_in_dim3A_5 : vector<16xi1>, vector<16xf32>
    %add3A_2629 = arith.addf %add3A_2626, %select_n3A_2628 : vector<16xf32>
    %eq3A_2630 = arith.cmpf oeq, %get3A_2555, %min3A_2602 : vector<16xf32>
    %select_n3A_2631 = arith.select %eq3A_2630, %broadcast_in_dim3A_7, %broadcast_in_dim3A_5 : vector<16xi1>, vector<16xf32>
    %add3A_2632 = arith.addf %add3A_2629, %select_n3A_2631 : vector<16xf32>
    %eq3A_2633 = arith.cmpf oeq, %get3A_2560, %min3A_2602 : vector<16xf32>
    %select_n3A_2634 = arith.select %eq3A_2633, %broadcast_in_dim3A_7, %broadcast_in_dim3A_5 : vector<16xi1>, vector<16xf32>
    %add3A_2635 = arith.addf %add3A_2632, %select_n3A_2634 : vector<16xf32>
    %eq3A_2636 = arith.cmpf oeq, %get3A_2565, %min3A_2602 : vector<16xf32>
    %select_n3A_2637 = arith.select %eq3A_2636, %broadcast_in_dim3A_7, %broadcast_in_dim3A_5 : vector<16xi1>, vector<16xf32>
    %add3A_2638 = arith.addf %add3A_2635, %select_n3A_2637 : vector<16xf32>
    %eq3A_2639 = arith.cmpf oeq, %get3A_2570, %min3A_2602 : vector<16xf32>
    %select_n3A_2640 = arith.select %eq3A_2639, %broadcast_in_dim3A_7, %broadcast_in_dim3A_5 : vector<16xi1>, vector<16xf32>
    %add3A_2641 = arith.addf %add3A_2638, %select_n3A_2640 : vector<16xf32>
    %eq3A_2642 = arith.cmpf oeq, %get3A_2575, %min3A_2602 : vector<16xf32>
    %select_n3A_2643 = arith.select %eq3A_2642, %broadcast_in_dim3A_7, %broadcast_in_dim3A_5 : vector<16xi1>, vector<16xf32>
    %add3A_2644 = arith.addf %add3A_2641, %select_n3A_2643 : vector<16xf32>
    %eq3A_2645 = arith.cmpf oeq, %get3A_2580, %min3A_2602 : vector<16xf32>
    %select_n3A_2646 = arith.select %eq3A_2645, %broadcast_in_dim3A_7, %broadcast_in_dim3A_5 : vector<16xi1>, vector<16xf32>
    %add3A_2647 = arith.addf %add3A_2644, %select_n3A_2646 : vector<16xf32>
    %eq3A_2648 = arith.cmpf oeq, %get3A_2585, %min3A_2602 : vector<16xf32>
    %select_n3A_2649 = arith.select %eq3A_2648, %broadcast_in_dim3A_7, %broadcast_in_dim3A_5 : vector<16xi1>, vector<16xf32>
    %add3A_2650 = arith.addf %add3A_2647, %select_n3A_2649 : vector<16xf32>
    %min3A_2651 = arith.minimumf %add3A_2650, %broadcast_in_dim3A_2587 : vector<16xf32>
    %gt3A_2652 = arith.constant 0.000000e+00 : f32
    %gt3A_2653 = vector.broadcast %gt3A_2652 : f32 to vector<16xf32>
    %gt3A_2654 = arith.cmpf ogt, %min3A_2651, %gt3A_2653 : vector<16xf32>
    %mul3A_2655 = arith.mulf %min3A_2651, %min3A_2602 : vector<16xf32>
    %select_n3A_2656 = arith.select %gt3A_2654, %mul3A_2655, %broadcast_in_dim3A_5 : vector<16xi1>, vector<16xf32>
    %add3A_2657 = arith.addf %broadcast_in_dim3A_5, %select_n3A_2656 : vector<16xf32>
    %sub3A_2658 = arith.subf %broadcast_in_dim3A_2587, %min3A_2651 : vector<16xf32>
    %eq3A_2659 = arith.cmpf oeq, %get3A_2510, %min3A_2602 : vector<16xf32>
    %select_n3A_2660 = arith.select %eq3A_2659, %broadcast_in_dim3A_3, %get3A_2510 : vector<16xi1>, vector<16xf32>
    %eq3A_2661 = arith.cmpf oeq, %get3A_2515, %min3A_2602 : vector<16xf32>
    %select_n3A_2662 = arith.select %eq3A_2661, %broadcast_in_dim3A_3, %get3A_2515 : vector<16xi1>, vector<16xf32>
    %eq3A_2663 = arith.cmpf oeq, %get3A_2520, %min3A_2602 : vector<16xf32>
    %select_n3A_2664 = arith.select %eq3A_2663, %broadcast_in_dim3A_3, %get3A_2520 : vector<16xi1>, vector<16xf32>
    %eq3A_2665 = arith.cmpf oeq, %get3A_2525, %min3A_2602 : vector<16xf32>
    %select_n3A_2666 = arith.select %eq3A_2665, %broadcast_in_dim3A_3, %get3A_2525 : vector<16xi1>, vector<16xf32>
    %eq3A_2667 = arith.cmpf oeq, %get3A_2530, %min3A_2602 : vector<16xf32>
    %select_n3A_2668 = arith.select %eq3A_2667, %broadcast_in_dim3A_3, %get3A_2530 : vector<16xi1>, vector<16xf32>
    %eq3A_2669 = arith.cmpf oeq, %get3A_2535, %min3A_2602 : vector<16xf32>
    %select_n3A_2670 = arith.select %eq3A_2669, %broadcast_in_dim3A_3, %get3A_2535 : vector<16xi1>, vector<16xf32>
    %eq3A_2671 = arith.cmpf oeq, %get3A_2540, %min3A_2602 : vector<16xf32>
    %select_n3A_2672 = arith.select %eq3A_2671, %broadcast_in_dim3A_3, %get3A_2540 : vector<16xi1>, vector<16xf32>
    %eq3A_2673 = arith.cmpf oeq, %get3A_2545, %min3A_2602 : vector<16xf32>
    %select_n3A_2674 = arith.select %eq3A_2673, %broadcast_in_dim3A_3, %get3A_2545 : vector<16xi1>, vector<16xf32>
    %eq3A_2675 = arith.cmpf oeq, %get3A_2550, %min3A_2602 : vector<16xf32>
    %select_n3A_2676 = arith.select %eq3A_2675, %broadcast_in_dim3A_3, %get3A_2550 : vector<16xi1>, vector<16xf32>
    %eq3A_2677 = arith.cmpf oeq, %get3A_2555, %min3A_2602 : vector<16xf32>
    %select_n3A_2678 = arith.select %eq3A_2677, %broadcast_in_dim3A_3, %get3A_2555 : vector<16xi1>, vector<16xf32>
    %eq3A_2679 = arith.cmpf oeq, %get3A_2560, %min3A_2602 : vector<16xf32>
    %select_n3A_2680 = arith.select %eq3A_2679, %broadcast_in_dim3A_3, %get3A_2560 : vector<16xi1>, vector<16xf32>
    %eq3A_2681 = arith.cmpf oeq, %get3A_2565, %min3A_2602 : vector<16xf32>
    %select_n3A_2682 = arith.select %eq3A_2681, %broadcast_in_dim3A_3, %get3A_2565 : vector<16xi1>, vector<16xf32>
    %eq3A_2683 = arith.cmpf oeq, %get3A_2570, %min3A_2602 : vector<16xf32>
    %select_n3A_2684 = arith.select %eq3A_2683, %broadcast_in_dim3A_3, %get3A_2570 : vector<16xi1>, vector<16xf32>
    %eq3A_2685 = arith.cmpf oeq, %get3A_2575, %min3A_2602 : vector<16xf32>
    %select_n3A_2686 = arith.select %eq3A_2685, %broadcast_in_dim3A_3, %get3A_2575 : vector<16xi1>, vector<16xf32>
    %eq3A_2687 = arith.cmpf oeq, %get3A_2580, %min3A_2602 : vector<16xf32>
    %select_n3A_2688 = arith.select %eq3A_2687, %broadcast_in_dim3A_3, %get3A_2580 : vector<16xi1>, vector<16xf32>
    %eq3A_2689 = arith.cmpf oeq, %get3A_2585, %min3A_2602 : vector<16xf32>
    %select_n3A_2690 = arith.select %eq3A_2689, %broadcast_in_dim3A_3, %get3A_2585 : vector<16xi1>, vector<16xf32>
    %min3A_2691 = arith.minimumf %select_n3A_2660, %select_n3A_2662 : vector<16xf32>
    %min3A_2692 = arith.minimumf %min3A_2691, %select_n3A_2664 : vector<16xf32>
    %min3A_2693 = arith.minimumf %min3A_2692, %select_n3A_2666 : vector<16xf32>
    %min3A_2694 = arith.minimumf %min3A_2693, %select_n3A_2668 : vector<16xf32>
    %min3A_2695 = arith.minimumf %min3A_2694, %select_n3A_2670 : vector<16xf32>
    %min3A_2696 = arith.minimumf %min3A_2695, %select_n3A_2672 : vector<16xf32>
    %min3A_2697 = arith.minimumf %min3A_2696, %select_n3A_2674 : vector<16xf32>
    %min3A_2698 = arith.minimumf %min3A_2697, %select_n3A_2676 : vector<16xf32>
    %min3A_2699 = arith.minimumf %min3A_2698, %select_n3A_2678 : vector<16xf32>
    %min3A_2700 = arith.minimumf %min3A_2699, %select_n3A_2680 : vector<16xf32>
    %min3A_2701 = arith.minimumf %min3A_2700, %select_n3A_2682 : vector<16xf32>
    %min3A_2702 = arith.minimumf %min3A_2701, %select_n3A_2684 : vector<16xf32>
    %min3A_2703 = arith.minimumf %min3A_2702, %select_n3A_2686 : vector<16xf32>
    %min3A_2704 = arith.minimumf %min3A_2703, %select_n3A_2688 : vector<16xf32>
    %min3A_2705 = arith.minimumf %min3A_2704, %select_n3A_2690 : vector<16xf32>
    %eq3A_2706 = arith.cmpf oeq, %select_n3A_2660, %min3A_2705 : vector<16xf32>
    %select_n3A_2707 = arith.select %eq3A_2706, %broadcast_in_dim3A_7, %broadcast_in_dim3A_5 : vector<16xi1>, vector<16xf32>
    %add3A_2708 = arith.addf %broadcast_in_dim3A_5, %select_n3A_2707 : vector<16xf32>
    %eq3A_2709 = arith.cmpf oeq, %select_n3A_2662, %min3A_2705 : vector<16xf32>
    %select_n3A_2710 = arith.select %eq3A_2709, %broadcast_in_dim3A_7, %broadcast_in_dim3A_5 : vector<16xi1>, vector<16xf32>
    %add3A_2711 = arith.addf %add3A_2708, %select_n3A_2710 : vector<16xf32>
    %eq3A_2712 = arith.cmpf oeq, %select_n3A_2664, %min3A_2705 : vector<16xf32>
    %select_n3A_2713 = arith.select %eq3A_2712, %broadcast_in_dim3A_7, %broadcast_in_dim3A_5 : vector<16xi1>, vector<16xf32>
    %add3A_2714 = arith.addf %add3A_2711, %select_n3A_2713 : vector<16xf32>
    %eq3A_2715 = arith.cmpf oeq, %select_n3A_2666, %min3A_2705 : vector<16xf32>
    %select_n3A_2716 = arith.select %eq3A_2715, %broadcast_in_dim3A_7, %broadcast_in_dim3A_5 : vector<16xi1>, vector<16xf32>
    %add3A_2717 = arith.addf %add3A_2714, %select_n3A_2716 : vector<16xf32>
    %eq3A_2718 = arith.cmpf oeq, %select_n3A_2668, %min3A_2705 : vector<16xf32>
    %select_n3A_2719 = arith.select %eq3A_2718, %broadcast_in_dim3A_7, %broadcast_in_dim3A_5 : vector<16xi1>, vector<16xf32>
    %add3A_2720 = arith.addf %add3A_2717, %select_n3A_2719 : vector<16xf32>
    %eq3A_2721 = arith.cmpf oeq, %select_n3A_2670, %min3A_2705 : vector<16xf32>
    %select_n3A_2722 = arith.select %eq3A_2721, %broadcast_in_dim3A_7, %broadcast_in_dim3A_5 : vector<16xi1>, vector<16xf32>
    %add3A_2723 = arith.addf %add3A_2720, %select_n3A_2722 : vector<16xf32>
    %eq3A_2724 = arith.cmpf oeq, %select_n3A_2672, %min3A_2705 : vector<16xf32>
    %select_n3A_2725 = arith.select %eq3A_2724, %broadcast_in_dim3A_7, %broadcast_in_dim3A_5 : vector<16xi1>, vector<16xf32>
    %add3A_2726 = arith.addf %add3A_2723, %select_n3A_2725 : vector<16xf32>
    %eq3A_2727 = arith.cmpf oeq, %select_n3A_2674, %min3A_2705 : vector<16xf32>
    %select_n3A_2728 = arith.select %eq3A_2727, %broadcast_in_dim3A_7, %broadcast_in_dim3A_5 : vector<16xi1>, vector<16xf32>
    %add3A_2729 = arith.addf %add3A_2726, %select_n3A_2728 : vector<16xf32>
    %eq3A_2730 = arith.cmpf oeq, %select_n3A_2676, %min3A_2705 : vector<16xf32>
    %select_n3A_2731 = arith.select %eq3A_2730, %broadcast_in_dim3A_7, %broadcast_in_dim3A_5 : vector<16xi1>, vector<16xf32>
    %add3A_2732 = arith.addf %add3A_2729, %select_n3A_2731 : vector<16xf32>
    %eq3A_2733 = arith.cmpf oeq, %select_n3A_2678, %min3A_2705 : vector<16xf32>
    %select_n3A_2734 = arith.select %eq3A_2733, %broadcast_in_dim3A_7, %broadcast_in_dim3A_5 : vector<16xi1>, vector<16xf32>
    %add3A_2735 = arith.addf %add3A_2732, %select_n3A_2734 : vector<16xf32>
    %eq3A_2736 = arith.cmpf oeq, %select_n3A_2680, %min3A_2705 : vector<16xf32>
    %select_n3A_2737 = arith.select %eq3A_2736, %broadcast_in_dim3A_7, %broadcast_in_dim3A_5 : vector<16xi1>, vector<16xf32>
    %add3A_2738 = arith.addf %add3A_2735, %select_n3A_2737 : vector<16xf32>
    %eq3A_2739 = arith.cmpf oeq, %select_n3A_2682, %min3A_2705 : vector<16xf32>
    %select_n3A_2740 = arith.select %eq3A_2739, %broadcast_in_dim3A_7, %broadcast_in_dim3A_5 : vector<16xi1>, vector<16xf32>
    %add3A_2741 = arith.addf %add3A_2738, %select_n3A_2740 : vector<16xf32>
    %eq3A_2742 = arith.cmpf oeq, %select_n3A_2684, %min3A_2705 : vector<16xf32>
    %select_n3A_2743 = arith.select %eq3A_2742, %broadcast_in_dim3A_7, %broadcast_in_dim3A_5 : vector<16xi1>, vector<16xf32>
    %add3A_2744 = arith.addf %add3A_2741, %select_n3A_2743 : vector<16xf32>
    %eq3A_2745 = arith.cmpf oeq, %select_n3A_2686, %min3A_2705 : vector<16xf32>
    %select_n3A_2746 = arith.select %eq3A_2745, %broadcast_in_dim3A_7, %broadcast_in_dim3A_5 : vector<16xi1>, vector<16xf32>
    %add3A_2747 = arith.addf %add3A_2744, %select_n3A_2746 : vector<16xf32>
    %eq3A_2748 = arith.cmpf oeq, %select_n3A_2688, %min3A_2705 : vector<16xf32>
    %select_n3A_2749 = arith.select %eq3A_2748, %broadcast_in_dim3A_7, %broadcast_in_dim3A_5 : vector<16xi1>, vector<16xf32>
    %add3A_2750 = arith.addf %add3A_2747, %select_n3A_2749 : vector<16xf32>
    %eq3A_2751 = arith.cmpf oeq, %select_n3A_2690, %min3A_2705 : vector<16xf32>
    %select_n3A_2752 = arith.select %eq3A_2751, %broadcast_in_dim3A_7, %broadcast_in_dim3A_5 : vector<16xi1>, vector<16xf32>
    %add3A_2753 = arith.addf %add3A_2750, %select_n3A_2752 : vector<16xf32>
    %min3A_2754 = arith.minimumf %add3A_2753, %sub3A_2658 : vector<16xf32>
    %gt3A_2755 = arith.constant 0.000000e+00 : f32
    %gt3A_2756 = vector.broadcast %gt3A_2755 : f32 to vector<16xf32>
    %gt3A_2757 = arith.cmpf ogt, %min3A_2754, %gt3A_2756 : vector<16xf32>
    %mul3A_2758 = arith.mulf %min3A_2754, %min3A_2705 : vector<16xf32>
    %select_n3A_2759 = arith.select %gt3A_2757, %mul3A_2758, %broadcast_in_dim3A_5 : vector<16xi1>, vector<16xf32>
    %add3A_2760 = arith.addf %add3A_2657, %select_n3A_2759 : vector<16xf32>
    %sub3A_2761 = arith.subf %sub3A_2658, %min3A_2754 : vector<16xf32>
    %eq3A_2762 = arith.cmpf oeq, %select_n3A_2660, %min3A_2705 : vector<16xf32>
    %select_n3A_2763 = arith.select %eq3A_2762, %broadcast_in_dim3A_3, %select_n3A_2660 : vector<16xi1>, vector<16xf32>
    %eq3A_2764 = arith.cmpf oeq, %select_n3A_2662, %min3A_2705 : vector<16xf32>
    %select_n3A_2765 = arith.select %eq3A_2764, %broadcast_in_dim3A_3, %select_n3A_2662 : vector<16xi1>, vector<16xf32>
    %eq3A_2766 = arith.cmpf oeq, %select_n3A_2664, %min3A_2705 : vector<16xf32>
    %select_n3A_2767 = arith.select %eq3A_2766, %broadcast_in_dim3A_3, %select_n3A_2664 : vector<16xi1>, vector<16xf32>
    %eq3A_2768 = arith.cmpf oeq, %select_n3A_2666, %min3A_2705 : vector<16xf32>
    %select_n3A_2769 = arith.select %eq3A_2768, %broadcast_in_dim3A_3, %select_n3A_2666 : vector<16xi1>, vector<16xf32>
    %eq3A_2770 = arith.cmpf oeq, %select_n3A_2668, %min3A_2705 : vector<16xf32>
    %select_n3A_2771 = arith.select %eq3A_2770, %broadcast_in_dim3A_3, %select_n3A_2668 : vector<16xi1>, vector<16xf32>
    %eq3A_2772 = arith.cmpf oeq, %select_n3A_2670, %min3A_2705 : vector<16xf32>
    %select_n3A_2773 = arith.select %eq3A_2772, %broadcast_in_dim3A_3, %select_n3A_2670 : vector<16xi1>, vector<16xf32>
    %eq3A_2774 = arith.cmpf oeq, %select_n3A_2672, %min3A_2705 : vector<16xf32>
    %select_n3A_2775 = arith.select %eq3A_2774, %broadcast_in_dim3A_3, %select_n3A_2672 : vector<16xi1>, vector<16xf32>
    %eq3A_2776 = arith.cmpf oeq, %select_n3A_2674, %min3A_2705 : vector<16xf32>
    %select_n3A_2777 = arith.select %eq3A_2776, %broadcast_in_dim3A_3, %select_n3A_2674 : vector<16xi1>, vector<16xf32>
    %eq3A_2778 = arith.cmpf oeq, %select_n3A_2676, %min3A_2705 : vector<16xf32>
    %select_n3A_2779 = arith.select %eq3A_2778, %broadcast_in_dim3A_3, %select_n3A_2676 : vector<16xi1>, vector<16xf32>
    %eq3A_2780 = arith.cmpf oeq, %select_n3A_2678, %min3A_2705 : vector<16xf32>
    %select_n3A_2781 = arith.select %eq3A_2780, %broadcast_in_dim3A_3, %select_n3A_2678 : vector<16xi1>, vector<16xf32>
    %eq3A_2782 = arith.cmpf oeq, %select_n3A_2680, %min3A_2705 : vector<16xf32>
    %select_n3A_2783 = arith.select %eq3A_2782, %broadcast_in_dim3A_3, %select_n3A_2680 : vector<16xi1>, vector<16xf32>
    %eq3A_2784 = arith.cmpf oeq, %select_n3A_2682, %min3A_2705 : vector<16xf32>
    %select_n3A_2785 = arith.select %eq3A_2784, %broadcast_in_dim3A_3, %select_n3A_2682 : vector<16xi1>, vector<16xf32>
    %eq3A_2786 = arith.cmpf oeq, %select_n3A_2684, %min3A_2705 : vector<16xf32>
    %select_n3A_2787 = arith.select %eq3A_2786, %broadcast_in_dim3A_3, %select_n3A_2684 : vector<16xi1>, vector<16xf32>
    %eq3A_2788 = arith.cmpf oeq, %select_n3A_2686, %min3A_2705 : vector<16xf32>
    %select_n3A_2789 = arith.select %eq3A_2788, %broadcast_in_dim3A_3, %select_n3A_2686 : vector<16xi1>, vector<16xf32>
    %eq3A_2790 = arith.cmpf oeq, %select_n3A_2688, %min3A_2705 : vector<16xf32>
    %select_n3A_2791 = arith.select %eq3A_2790, %broadcast_in_dim3A_3, %select_n3A_2688 : vector<16xi1>, vector<16xf32>
    %eq3A_2792 = arith.cmpf oeq, %select_n3A_2690, %min3A_2705 : vector<16xf32>
    %select_n3A_2793 = arith.select %eq3A_2792, %broadcast_in_dim3A_3, %select_n3A_2690 : vector<16xi1>, vector<16xf32>
    %min3A_2794 = arith.minimumf %select_n3A_2763, %select_n3A_2765 : vector<16xf32>
    %min3A_2795 = arith.minimumf %min3A_2794, %select_n3A_2767 : vector<16xf32>
    %min3A_2796 = arith.minimumf %min3A_2795, %select_n3A_2769 : vector<16xf32>
    %min3A_2797 = arith.minimumf %min3A_2796, %select_n3A_2771 : vector<16xf32>
    %min3A_2798 = arith.minimumf %min3A_2797, %select_n3A_2773 : vector<16xf32>
    %min3A_2799 = arith.minimumf %min3A_2798, %select_n3A_2775 : vector<16xf32>
    %min3A_2800 = arith.minimumf %min3A_2799, %select_n3A_2777 : vector<16xf32>
    %min3A_2801 = arith.minimumf %min3A_2800, %select_n3A_2779 : vector<16xf32>
    %min3A_2802 = arith.minimumf %min3A_2801, %select_n3A_2781 : vector<16xf32>
    %min3A_2803 = arith.minimumf %min3A_2802, %select_n3A_2783 : vector<16xf32>
    %min3A_2804 = arith.minimumf %min3A_2803, %select_n3A_2785 : vector<16xf32>
    %min3A_2805 = arith.minimumf %min3A_2804, %select_n3A_2787 : vector<16xf32>
    %min3A_2806 = arith.minimumf %min3A_2805, %select_n3A_2789 : vector<16xf32>
    %min3A_2807 = arith.minimumf %min3A_2806, %select_n3A_2791 : vector<16xf32>
    %min3A_2808 = arith.minimumf %min3A_2807, %select_n3A_2793 : vector<16xf32>
    %eq3A_2809 = arith.cmpf oeq, %select_n3A_2763, %min3A_2808 : vector<16xf32>
    %select_n3A_2810 = arith.select %eq3A_2809, %broadcast_in_dim3A_7, %broadcast_in_dim3A_5 : vector<16xi1>, vector<16xf32>
    %add3A_2811 = arith.addf %broadcast_in_dim3A_5, %select_n3A_2810 : vector<16xf32>
    %eq3A_2812 = arith.cmpf oeq, %select_n3A_2765, %min3A_2808 : vector<16xf32>
    %select_n3A_2813 = arith.select %eq3A_2812, %broadcast_in_dim3A_7, %broadcast_in_dim3A_5 : vector<16xi1>, vector<16xf32>
    %add3A_2814 = arith.addf %add3A_2811, %select_n3A_2813 : vector<16xf32>
    %eq3A_2815 = arith.cmpf oeq, %select_n3A_2767, %min3A_2808 : vector<16xf32>
    %select_n3A_2816 = arith.select %eq3A_2815, %broadcast_in_dim3A_7, %broadcast_in_dim3A_5 : vector<16xi1>, vector<16xf32>
    %add3A_2817 = arith.addf %add3A_2814, %select_n3A_2816 : vector<16xf32>
    %eq3A_2818 = arith.cmpf oeq, %select_n3A_2769, %min3A_2808 : vector<16xf32>
    %select_n3A_2819 = arith.select %eq3A_2818, %broadcast_in_dim3A_7, %broadcast_in_dim3A_5 : vector<16xi1>, vector<16xf32>
    %add3A_2820 = arith.addf %add3A_2817, %select_n3A_2819 : vector<16xf32>
    %eq3A_2821 = arith.cmpf oeq, %select_n3A_2771, %min3A_2808 : vector<16xf32>
    %select_n3A_2822 = arith.select %eq3A_2821, %broadcast_in_dim3A_7, %broadcast_in_dim3A_5 : vector<16xi1>, vector<16xf32>
    %add3A_2823 = arith.addf %add3A_2820, %select_n3A_2822 : vector<16xf32>
    %eq3A_2824 = arith.cmpf oeq, %select_n3A_2773, %min3A_2808 : vector<16xf32>
    %select_n3A_2825 = arith.select %eq3A_2824, %broadcast_in_dim3A_7, %broadcast_in_dim3A_5 : vector<16xi1>, vector<16xf32>
    %add3A_2826 = arith.addf %add3A_2823, %select_n3A_2825 : vector<16xf32>
    %eq3A_2827 = arith.cmpf oeq, %select_n3A_2775, %min3A_2808 : vector<16xf32>
    %select_n3A_2828 = arith.select %eq3A_2827, %broadcast_in_dim3A_7, %broadcast_in_dim3A_5 : vector<16xi1>, vector<16xf32>
    %add3A_2829 = arith.addf %add3A_2826, %select_n3A_2828 : vector<16xf32>
    %eq3A_2830 = arith.cmpf oeq, %select_n3A_2777, %min3A_2808 : vector<16xf32>
    %select_n3A_2831 = arith.select %eq3A_2830, %broadcast_in_dim3A_7, %broadcast_in_dim3A_5 : vector<16xi1>, vector<16xf32>
    %add3A_2832 = arith.addf %add3A_2829, %select_n3A_2831 : vector<16xf32>
    %eq3A_2833 = arith.cmpf oeq, %select_n3A_2779, %min3A_2808 : vector<16xf32>
    %select_n3A_2834 = arith.select %eq3A_2833, %broadcast_in_dim3A_7, %broadcast_in_dim3A_5 : vector<16xi1>, vector<16xf32>
    %add3A_2835 = arith.addf %add3A_2832, %select_n3A_2834 : vector<16xf32>
    %eq3A_2836 = arith.cmpf oeq, %select_n3A_2781, %min3A_2808 : vector<16xf32>
    %select_n3A_2837 = arith.select %eq3A_2836, %broadcast_in_dim3A_7, %broadcast_in_dim3A_5 : vector<16xi1>, vector<16xf32>
    %add3A_2838 = arith.addf %add3A_2835, %select_n3A_2837 : vector<16xf32>
    %eq3A_2839 = arith.cmpf oeq, %select_n3A_2783, %min3A_2808 : vector<16xf32>
    %select_n3A_2840 = arith.select %eq3A_2839, %broadcast_in_dim3A_7, %broadcast_in_dim3A_5 : vector<16xi1>, vector<16xf32>
    %add3A_2841 = arith.addf %add3A_2838, %select_n3A_2840 : vector<16xf32>
    %eq3A_2842 = arith.cmpf oeq, %select_n3A_2785, %min3A_2808 : vector<16xf32>
    %select_n3A_2843 = arith.select %eq3A_2842, %broadcast_in_dim3A_7, %broadcast_in_dim3A_5 : vector<16xi1>, vector<16xf32>
    %add3A_2844 = arith.addf %add3A_2841, %select_n3A_2843 : vector<16xf32>
    %eq3A_2845 = arith.cmpf oeq, %select_n3A_2787, %min3A_2808 : vector<16xf32>
    %select_n3A_2846 = arith.select %eq3A_2845, %broadcast_in_dim3A_7, %broadcast_in_dim3A_5 : vector<16xi1>, vector<16xf32>
    %add3A_2847 = arith.addf %add3A_2844, %select_n3A_2846 : vector<16xf32>
    %eq3A_2848 = arith.cmpf oeq, %select_n3A_2789, %min3A_2808 : vector<16xf32>
    %select_n3A_2849 = arith.select %eq3A_2848, %broadcast_in_dim3A_7, %broadcast_in_dim3A_5 : vector<16xi1>, vector<16xf32>
    %add3A_2850 = arith.addf %add3A_2847, %select_n3A_2849 : vector<16xf32>
    %eq3A_2851 = arith.cmpf oeq, %select_n3A_2791, %min3A_2808 : vector<16xf32>
    %select_n3A_2852 = arith.select %eq3A_2851, %broadcast_in_dim3A_7, %broadcast_in_dim3A_5 : vector<16xi1>, vector<16xf32>
    %add3A_2853 = arith.addf %add3A_2850, %select_n3A_2852 : vector<16xf32>
    %eq3A_2854 = arith.cmpf oeq, %select_n3A_2793, %min3A_2808 : vector<16xf32>
    %select_n3A_2855 = arith.select %eq3A_2854, %broadcast_in_dim3A_7, %broadcast_in_dim3A_5 : vector<16xi1>, vector<16xf32>
    %add3A_2856 = arith.addf %add3A_2853, %select_n3A_2855 : vector<16xf32>
    %min3A_2857 = arith.minimumf %add3A_2856, %sub3A_2761 : vector<16xf32>
    %gt3A_2858 = arith.constant 0.000000e+00 : f32
    %gt3A_2859 = vector.broadcast %gt3A_2858 : f32 to vector<16xf32>
    %gt3A_2860 = arith.cmpf ogt, %min3A_2857, %gt3A_2859 : vector<16xf32>
    %mul3A_2861 = arith.mulf %min3A_2857, %min3A_2808 : vector<16xf32>
    %select_n3A_2862 = arith.select %gt3A_2860, %mul3A_2861, %broadcast_in_dim3A_5 : vector<16xi1>, vector<16xf32>
    %add3A_2863 = arith.addf %add3A_2760, %select_n3A_2862 : vector<16xf32>
    %sub3A_2864 = arith.subf %sub3A_2761, %min3A_2857 : vector<16xf32>
    %eq3A_2865 = arith.cmpf oeq, %select_n3A_2763, %min3A_2808 : vector<16xf32>
    %select_n3A_2866 = arith.select %eq3A_2865, %broadcast_in_dim3A_3, %select_n3A_2763 : vector<16xi1>, vector<16xf32>
    %eq3A_2867 = arith.cmpf oeq, %select_n3A_2765, %min3A_2808 : vector<16xf32>
    %select_n3A_2868 = arith.select %eq3A_2867, %broadcast_in_dim3A_3, %select_n3A_2765 : vector<16xi1>, vector<16xf32>
    %eq3A_2869 = arith.cmpf oeq, %select_n3A_2767, %min3A_2808 : vector<16xf32>
    %select_n3A_2870 = arith.select %eq3A_2869, %broadcast_in_dim3A_3, %select_n3A_2767 : vector<16xi1>, vector<16xf32>
    %eq3A_2871 = arith.cmpf oeq, %select_n3A_2769, %min3A_2808 : vector<16xf32>
    %select_n3A_2872 = arith.select %eq3A_2871, %broadcast_in_dim3A_3, %select_n3A_2769 : vector<16xi1>, vector<16xf32>
    %eq3A_2873 = arith.cmpf oeq, %select_n3A_2771, %min3A_2808 : vector<16xf32>
    %select_n3A_2874 = arith.select %eq3A_2873, %broadcast_in_dim3A_3, %select_n3A_2771 : vector<16xi1>, vector<16xf32>
    %eq3A_2875 = arith.cmpf oeq, %select_n3A_2773, %min3A_2808 : vector<16xf32>
    %select_n3A_2876 = arith.select %eq3A_2875, %broadcast_in_dim3A_3, %select_n3A_2773 : vector<16xi1>, vector<16xf32>
    %eq3A_2877 = arith.cmpf oeq, %select_n3A_2775, %min3A_2808 : vector<16xf32>
    %select_n3A_2878 = arith.select %eq3A_2877, %broadcast_in_dim3A_3, %select_n3A_2775 : vector<16xi1>, vector<16xf32>
    %eq3A_2879 = arith.cmpf oeq, %select_n3A_2777, %min3A_2808 : vector<16xf32>
    %select_n3A_2880 = arith.select %eq3A_2879, %broadcast_in_dim3A_3, %select_n3A_2777 : vector<16xi1>, vector<16xf32>
    %eq3A_2881 = arith.cmpf oeq, %select_n3A_2779, %min3A_2808 : vector<16xf32>
    %select_n3A_2882 = arith.select %eq3A_2881, %broadcast_in_dim3A_3, %select_n3A_2779 : vector<16xi1>, vector<16xf32>
    %eq3A_2883 = arith.cmpf oeq, %select_n3A_2781, %min3A_2808 : vector<16xf32>
    %select_n3A_2884 = arith.select %eq3A_2883, %broadcast_in_dim3A_3, %select_n3A_2781 : vector<16xi1>, vector<16xf32>
    %eq3A_2885 = arith.cmpf oeq, %select_n3A_2783, %min3A_2808 : vector<16xf32>
    %select_n3A_2886 = arith.select %eq3A_2885, %broadcast_in_dim3A_3, %select_n3A_2783 : vector<16xi1>, vector<16xf32>
    %eq3A_2887 = arith.cmpf oeq, %select_n3A_2785, %min3A_2808 : vector<16xf32>
    %select_n3A_2888 = arith.select %eq3A_2887, %broadcast_in_dim3A_3, %select_n3A_2785 : vector<16xi1>, vector<16xf32>
    %eq3A_2889 = arith.cmpf oeq, %select_n3A_2787, %min3A_2808 : vector<16xf32>
    %select_n3A_2890 = arith.select %eq3A_2889, %broadcast_in_dim3A_3, %select_n3A_2787 : vector<16xi1>, vector<16xf32>
    %eq3A_2891 = arith.cmpf oeq, %select_n3A_2789, %min3A_2808 : vector<16xf32>
    %select_n3A_2892 = arith.select %eq3A_2891, %broadcast_in_dim3A_3, %select_n3A_2789 : vector<16xi1>, vector<16xf32>
    %eq3A_2893 = arith.cmpf oeq, %select_n3A_2791, %min3A_2808 : vector<16xf32>
    %select_n3A_2894 = arith.select %eq3A_2893, %broadcast_in_dim3A_3, %select_n3A_2791 : vector<16xi1>, vector<16xf32>
    %eq3A_2895 = arith.cmpf oeq, %select_n3A_2793, %min3A_2808 : vector<16xf32>
    %select_n3A_2896 = arith.select %eq3A_2895, %broadcast_in_dim3A_3, %select_n3A_2793 : vector<16xi1>, vector<16xf32>
    %min3A_2897 = arith.minimumf %select_n3A_2866, %select_n3A_2868 : vector<16xf32>
    %min3A_2898 = arith.minimumf %min3A_2897, %select_n3A_2870 : vector<16xf32>
    %min3A_2899 = arith.minimumf %min3A_2898, %select_n3A_2872 : vector<16xf32>
    %min3A_2900 = arith.minimumf %min3A_2899, %select_n3A_2874 : vector<16xf32>
    %min3A_2901 = arith.minimumf %min3A_2900, %select_n3A_2876 : vector<16xf32>
    %min3A_2902 = arith.minimumf %min3A_2901, %select_n3A_2878 : vector<16xf32>
    %min3A_2903 = arith.minimumf %min3A_2902, %select_n3A_2880 : vector<16xf32>
    %min3A_2904 = arith.minimumf %min3A_2903, %select_n3A_2882 : vector<16xf32>
    %min3A_2905 = arith.minimumf %min3A_2904, %select_n3A_2884 : vector<16xf32>
    %min3A_2906 = arith.minimumf %min3A_2905, %select_n3A_2886 : vector<16xf32>
    %min3A_2907 = arith.minimumf %min3A_2906, %select_n3A_2888 : vector<16xf32>
    %min3A_2908 = arith.minimumf %min3A_2907, %select_n3A_2890 : vector<16xf32>
    %min3A_2909 = arith.minimumf %min3A_2908, %select_n3A_2892 : vector<16xf32>
    %min3A_2910 = arith.minimumf %min3A_2909, %select_n3A_2894 : vector<16xf32>
    %min3A_2911 = arith.minimumf %min3A_2910, %select_n3A_2896 : vector<16xf32>
    %eq3A_2912 = arith.cmpf oeq, %select_n3A_2866, %min3A_2911 : vector<16xf32>
    %select_n3A_2913 = arith.select %eq3A_2912, %broadcast_in_dim3A_7, %broadcast_in_dim3A_5 : vector<16xi1>, vector<16xf32>
    %add3A_2914 = arith.addf %broadcast_in_dim3A_5, %select_n3A_2913 : vector<16xf32>
    %eq3A_2915 = arith.cmpf oeq, %select_n3A_2868, %min3A_2911 : vector<16xf32>
    %select_n3A_2916 = arith.select %eq3A_2915, %broadcast_in_dim3A_7, %broadcast_in_dim3A_5 : vector<16xi1>, vector<16xf32>
    %add3A_2917 = arith.addf %add3A_2914, %select_n3A_2916 : vector<16xf32>
    %eq3A_2918 = arith.cmpf oeq, %select_n3A_2870, %min3A_2911 : vector<16xf32>
    %select_n3A_2919 = arith.select %eq3A_2918, %broadcast_in_dim3A_7, %broadcast_in_dim3A_5 : vector<16xi1>, vector<16xf32>
    %add3A_2920 = arith.addf %add3A_2917, %select_n3A_2919 : vector<16xf32>
    %eq3A_2921 = arith.cmpf oeq, %select_n3A_2872, %min3A_2911 : vector<16xf32>
    %select_n3A_2922 = arith.select %eq3A_2921, %broadcast_in_dim3A_7, %broadcast_in_dim3A_5 : vector<16xi1>, vector<16xf32>
    %add3A_2923 = arith.addf %add3A_2920, %select_n3A_2922 : vector<16xf32>
    %eq3A_2924 = arith.cmpf oeq, %select_n3A_2874, %min3A_2911 : vector<16xf32>
    %select_n3A_2925 = arith.select %eq3A_2924, %broadcast_in_dim3A_7, %broadcast_in_dim3A_5 : vector<16xi1>, vector<16xf32>
    %add3A_2926 = arith.addf %add3A_2923, %select_n3A_2925 : vector<16xf32>
    %eq3A_2927 = arith.cmpf oeq, %select_n3A_2876, %min3A_2911 : vector<16xf32>
    %select_n3A_2928 = arith.select %eq3A_2927, %broadcast_in_dim3A_7, %broadcast_in_dim3A_5 : vector<16xi1>, vector<16xf32>
    %add3A_2929 = arith.addf %add3A_2926, %select_n3A_2928 : vector<16xf32>
    %eq3A_2930 = arith.cmpf oeq, %select_n3A_2878, %min3A_2911 : vector<16xf32>
    %select_n3A_2931 = arith.select %eq3A_2930, %broadcast_in_dim3A_7, %broadcast_in_dim3A_5 : vector<16xi1>, vector<16xf32>
    %add3A_2932 = arith.addf %add3A_2929, %select_n3A_2931 : vector<16xf32>
    %eq3A_2933 = arith.cmpf oeq, %select_n3A_2880, %min3A_2911 : vector<16xf32>
    %select_n3A_2934 = arith.select %eq3A_2933, %broadcast_in_dim3A_7, %broadcast_in_dim3A_5 : vector<16xi1>, vector<16xf32>
    %add3A_2935 = arith.addf %add3A_2932, %select_n3A_2934 : vector<16xf32>
    %eq3A_2936 = arith.cmpf oeq, %select_n3A_2882, %min3A_2911 : vector<16xf32>
    %select_n3A_2937 = arith.select %eq3A_2936, %broadcast_in_dim3A_7, %broadcast_in_dim3A_5 : vector<16xi1>, vector<16xf32>
    %add3A_2938 = arith.addf %add3A_2935, %select_n3A_2937 : vector<16xf32>
    %eq3A_2939 = arith.cmpf oeq, %select_n3A_2884, %min3A_2911 : vector<16xf32>
    %select_n3A_2940 = arith.select %eq3A_2939, %broadcast_in_dim3A_7, %broadcast_in_dim3A_5 : vector<16xi1>, vector<16xf32>
    %add3A_2941 = arith.addf %add3A_2938, %select_n3A_2940 : vector<16xf32>
    %eq3A_2942 = arith.cmpf oeq, %select_n3A_2886, %min3A_2911 : vector<16xf32>
    %select_n3A_2943 = arith.select %eq3A_2942, %broadcast_in_dim3A_7, %broadcast_in_dim3A_5 : vector<16xi1>, vector<16xf32>
    %add3A_2944 = arith.addf %add3A_2941, %select_n3A_2943 : vector<16xf32>
    %eq3A_2945 = arith.cmpf oeq, %select_n3A_2888, %min3A_2911 : vector<16xf32>
    %select_n3A_2946 = arith.select %eq3A_2945, %broadcast_in_dim3A_7, %broadcast_in_dim3A_5 : vector<16xi1>, vector<16xf32>
    %add3A_2947 = arith.addf %add3A_2944, %select_n3A_2946 : vector<16xf32>
    %eq3A_2948 = arith.cmpf oeq, %select_n3A_2890, %min3A_2911 : vector<16xf32>
    %select_n3A_2949 = arith.select %eq3A_2948, %broadcast_in_dim3A_7, %broadcast_in_dim3A_5 : vector<16xi1>, vector<16xf32>
    %add3A_2950 = arith.addf %add3A_2947, %select_n3A_2949 : vector<16xf32>
    %eq3A_2951 = arith.cmpf oeq, %select_n3A_2892, %min3A_2911 : vector<16xf32>
    %select_n3A_2952 = arith.select %eq3A_2951, %broadcast_in_dim3A_7, %broadcast_in_dim3A_5 : vector<16xi1>, vector<16xf32>
    %add3A_2953 = arith.addf %add3A_2950, %select_n3A_2952 : vector<16xf32>
    %eq3A_2954 = arith.cmpf oeq, %select_n3A_2894, %min3A_2911 : vector<16xf32>
    %select_n3A_2955 = arith.select %eq3A_2954, %broadcast_in_dim3A_7, %broadcast_in_dim3A_5 : vector<16xi1>, vector<16xf32>
    %add3A_2956 = arith.addf %add3A_2953, %select_n3A_2955 : vector<16xf32>
    %eq3A_2957 = arith.cmpf oeq, %select_n3A_2896, %min3A_2911 : vector<16xf32>
    %select_n3A_2958 = arith.select %eq3A_2957, %broadcast_in_dim3A_7, %broadcast_in_dim3A_5 : vector<16xi1>, vector<16xf32>
    %add3A_2959 = arith.addf %add3A_2956, %select_n3A_2958 : vector<16xf32>
    %min3A_2960 = arith.minimumf %add3A_2959, %sub3A_2864 : vector<16xf32>
    %gt3A_2961 = arith.constant 0.000000e+00 : f32
    %gt3A_2962 = vector.broadcast %gt3A_2961 : f32 to vector<16xf32>
    %gt3A_2963 = arith.cmpf ogt, %min3A_2960, %gt3A_2962 : vector<16xf32>
    %mul3A_2964 = arith.mulf %min3A_2960, %min3A_2911 : vector<16xf32>
    %select_n3A_2965 = arith.select %gt3A_2963, %mul3A_2964, %broadcast_in_dim3A_5 : vector<16xi1>, vector<16xf32>
    %add3A_2966 = arith.addf %add3A_2863, %select_n3A_2965 : vector<16xf32>
    %sub3A_2967 = arith.subf %sub3A_2864, %min3A_2960 : vector<16xf32>
    %eq3A_2968 = arith.cmpf oeq, %select_n3A_2866, %min3A_2911 : vector<16xf32>
    %select_n3A_2969 = arith.select %eq3A_2968, %broadcast_in_dim3A_3, %select_n3A_2866 : vector<16xi1>, vector<16xf32>
    %eq3A_2970 = arith.cmpf oeq, %select_n3A_2868, %min3A_2911 : vector<16xf32>
    %select_n3A_2971 = arith.select %eq3A_2970, %broadcast_in_dim3A_3, %select_n3A_2868 : vector<16xi1>, vector<16xf32>
    %eq3A_2972 = arith.cmpf oeq, %select_n3A_2870, %min3A_2911 : vector<16xf32>
    %select_n3A_2973 = arith.select %eq3A_2972, %broadcast_in_dim3A_3, %select_n3A_2870 : vector<16xi1>, vector<16xf32>
    %eq3A_2974 = arith.cmpf oeq, %select_n3A_2872, %min3A_2911 : vector<16xf32>
    %select_n3A_2975 = arith.select %eq3A_2974, %broadcast_in_dim3A_3, %select_n3A_2872 : vector<16xi1>, vector<16xf32>
    %eq3A_2976 = arith.cmpf oeq, %select_n3A_2874, %min3A_2911 : vector<16xf32>
    %select_n3A_2977 = arith.select %eq3A_2976, %broadcast_in_dim3A_3, %select_n3A_2874 : vector<16xi1>, vector<16xf32>
    %eq3A_2978 = arith.cmpf oeq, %select_n3A_2876, %min3A_2911 : vector<16xf32>
    %select_n3A_2979 = arith.select %eq3A_2978, %broadcast_in_dim3A_3, %select_n3A_2876 : vector<16xi1>, vector<16xf32>
    %eq3A_2980 = arith.cmpf oeq, %select_n3A_2878, %min3A_2911 : vector<16xf32>
    %select_n3A_2981 = arith.select %eq3A_2980, %broadcast_in_dim3A_3, %select_n3A_2878 : vector<16xi1>, vector<16xf32>
    %eq3A_2982 = arith.cmpf oeq, %select_n3A_2880, %min3A_2911 : vector<16xf32>
    %select_n3A_2983 = arith.select %eq3A_2982, %broadcast_in_dim3A_3, %select_n3A_2880 : vector<16xi1>, vector<16xf32>
    %eq3A_2984 = arith.cmpf oeq, %select_n3A_2882, %min3A_2911 : vector<16xf32>
    %select_n3A_2985 = arith.select %eq3A_2984, %broadcast_in_dim3A_3, %select_n3A_2882 : vector<16xi1>, vector<16xf32>
    %eq3A_2986 = arith.cmpf oeq, %select_n3A_2884, %min3A_2911 : vector<16xf32>
    %select_n3A_2987 = arith.select %eq3A_2986, %broadcast_in_dim3A_3, %select_n3A_2884 : vector<16xi1>, vector<16xf32>
    %eq3A_2988 = arith.cmpf oeq, %select_n3A_2886, %min3A_2911 : vector<16xf32>
    %select_n3A_2989 = arith.select %eq3A_2988, %broadcast_in_dim3A_3, %select_n3A_2886 : vector<16xi1>, vector<16xf32>
    %eq3A_2990 = arith.cmpf oeq, %select_n3A_2888, %min3A_2911 : vector<16xf32>
    %select_n3A_2991 = arith.select %eq3A_2990, %broadcast_in_dim3A_3, %select_n3A_2888 : vector<16xi1>, vector<16xf32>
    %eq3A_2992 = arith.cmpf oeq, %select_n3A_2890, %min3A_2911 : vector<16xf32>
    %select_n3A_2993 = arith.select %eq3A_2992, %broadcast_in_dim3A_3, %select_n3A_2890 : vector<16xi1>, vector<16xf32>
    %eq3A_2994 = arith.cmpf oeq, %select_n3A_2892, %min3A_2911 : vector<16xf32>
    %select_n3A_2995 = arith.select %eq3A_2994, %broadcast_in_dim3A_3, %select_n3A_2892 : vector<16xi1>, vector<16xf32>
    %eq3A_2996 = arith.cmpf oeq, %select_n3A_2894, %min3A_2911 : vector<16xf32>
    %select_n3A_2997 = arith.select %eq3A_2996, %broadcast_in_dim3A_3, %select_n3A_2894 : vector<16xi1>, vector<16xf32>
    %eq3A_2998 = arith.cmpf oeq, %select_n3A_2896, %min3A_2911 : vector<16xf32>
    %select_n3A_2999 = arith.select %eq3A_2998, %broadcast_in_dim3A_3, %select_n3A_2896 : vector<16xi1>, vector<16xf32>
    %mul3A_3000 = arith.constant 2.500000e-01 : f32
    %mul3A_3001 = vector.broadcast %mul3A_3000 : f32 to vector<16xf32>
    %mul3A_3002 = arith.mulf %add3A_2966, %mul3A_3001 : vector<16xf32>
    %swap3A_3003 = arith.constant 80 : index
    %swap3A_3004 = tpu.vector_load %arg5[%swap3A_3003] {strides = array<i32>} : memref<128xf32, #tpu.memory_space<vmem>>, vector<16xf32>,
    %swap3A_3005 = vector.shape_cast %swap3A_3004 : vector<16xf32> to vector<16xf32>
    %swap3A_3006 = vector.shape_cast %mul3A_3002 : vector<16xf32> to vector<16xf32>
    tpu.vector_store %arg5[%swap3A_3003], %swap3A_3006 {strides = array<i32>} : memref<128xf32, #tpu.memory_space<vmem>>, vector<16xf32>,
    %get3A_3007 = arith.constant 0 : i32
    %get3A_3008 = arith.index_cast %get3A_3007 : i32 to index
    %get3A_3009 = arith.constant 96 : index
    %get3A_3010 = tpu.vector_load %arg4[%get3A_3008, %get3A_3009] {strides = array<i32>} : memref<16x128xf32, #tpu.memory_space<vmem>>, vector<1x16xf32>,
    %get3A_3011 = vector.shape_cast %get3A_3010 : vector<1x16xf32> to vector<16xf32>
    %get3A_3012 = arith.constant 1 : i32
    %get3A_3013 = arith.index_cast %get3A_3012 : i32 to index
    %get3A_3014 = arith.constant 96 : index
    %get3A_3015 = tpu.vector_load %arg4[%get3A_3013, %get3A_3014] {strides = array<i32>} : memref<16x128xf32, #tpu.memory_space<vmem>>, vector<1x16xf32>,
    %get3A_3016 = vector.shape_cast %get3A_3015 : vector<1x16xf32> to vector<16xf32>
    %get3A_3017 = arith.constant 2 : i32
    %get3A_3018 = arith.index_cast %get3A_3017 : i32 to index
    %get3A_3019 = arith.constant 96 : index
    %get3A_3020 = tpu.vector_load %arg4[%get3A_3018, %get3A_3019] {strides = array<i32>} : memref<16x128xf32, #tpu.memory_space<vmem>>, vector<1x16xf32>,
    %get3A_3021 = vector.shape_cast %get3A_3020 : vector<1x16xf32> to vector<16xf32>
    %get3A_3022 = arith.constant 3 : i32
    %get3A_3023 = arith.index_cast %get3A_3022 : i32 to index
    %get3A_3024 = arith.constant 96 : index
    %get3A_3025 = tpu.vector_load %arg4[%get3A_3023, %get3A_3024] {strides = array<i32>} : memref<16x128xf32, #tpu.memory_space<vmem>>, vector<1x16xf32>,
    %get3A_3026 = vector.shape_cast %get3A_3025 : vector<1x16xf32> to vector<16xf32>
    %get3A_3027 = arith.constant 4 : i32
    %get3A_3028 = arith.index_cast %get3A_3027 : i32 to index
    %get3A_3029 = arith.constant 96 : index
    %get3A_3030 = tpu.vector_load %arg4[%get3A_3028, %get3A_3029] {strides = array<i32>} : memref<16x128xf32, #tpu.memory_space<vmem>>, vector<1x16xf32>,
    %get3A_3031 = vector.shape_cast %get3A_3030 : vector<1x16xf32> to vector<16xf32>
    %get3A_3032 = arith.constant 5 : i32
    %get3A_3033 = arith.index_cast %get3A_3032 : i32 to index
    %get3A_3034 = arith.constant 96 : index
    %get3A_3035 = tpu.vector_load %arg4[%get3A_3033, %get3A_3034] {strides = array<i32>} : memref<16x128xf32, #tpu.memory_space<vmem>>, vector<1x16xf32>,
    %get3A_3036 = vector.shape_cast %get3A_3035 : vector<1x16xf32> to vector<16xf32>
    %get3A_3037 = arith.constant 6 : i32
    %get3A_3038 = arith.index_cast %get3A_3037 : i32 to index
    %get3A_3039 = arith.constant 96 : index
    %get3A_3040 = tpu.vector_load %arg4[%get3A_3038, %get3A_3039] {strides = array<i32>} : memref<16x128xf32, #tpu.memory_space<vmem>>, vector<1x16xf32>,
    %get3A_3041 = vector.shape_cast %get3A_3040 : vector<1x16xf32> to vector<16xf32>
    %get3A_3042 = arith.constant 7 : i32
    %get3A_3043 = arith.index_cast %get3A_3042 : i32 to index
    %get3A_3044 = arith.constant 96 : index
    %get3A_3045 = tpu.vector_load %arg4[%get3A_3043, %get3A_3044] {strides = array<i32>} : memref<16x128xf32, #tpu.memory_space<vmem>>, vector<1x16xf32>,
    %get3A_3046 = vector.shape_cast %get3A_3045 : vector<1x16xf32> to vector<16xf32>
    %get3A_3047 = arith.constant 8 : i32
    %get3A_3048 = arith.index_cast %get3A_3047 : i32 to index
    %get3A_3049 = arith.constant 96 : index
    %get3A_3050 = tpu.vector_load %arg4[%get3A_3048, %get3A_3049] {strides = array<i32>} : memref<16x128xf32, #tpu.memory_space<vmem>>, vector<1x16xf32>,
    %get3A_3051 = vector.shape_cast %get3A_3050 : vector<1x16xf32> to vector<16xf32>
    %get3A_3052 = arith.constant 9 : i32
    %get3A_3053 = arith.index_cast %get3A_3052 : i32 to index
    %get3A_3054 = arith.constant 96 : index
    %get3A_3055 = tpu.vector_load %arg4[%get3A_3053, %get3A_3054] {strides = array<i32>} : memref<16x128xf32, #tpu.memory_space<vmem>>, vector<1x16xf32>,
    %get3A_3056 = vector.shape_cast %get3A_3055 : vector<1x16xf32> to vector<16xf32>
    %get3A_3057 = arith.constant 10 : i32
    %get3A_3058 = arith.index_cast %get3A_3057 : i32 to index
    %get3A_3059 = arith.constant 96 : index
    %get3A_3060 = tpu.vector_load %arg4[%get3A_3058, %get3A_3059] {strides = array<i32>} : memref<16x128xf32, #tpu.memory_space<vmem>>, vector<1x16xf32>,
    %get3A_3061 = vector.shape_cast %get3A_3060 : vector<1x16xf32> to vector<16xf32>
    %get3A_3062 = arith.constant 11 : i32
    %get3A_3063 = arith.index_cast %get3A_3062 : i32 to index
    %get3A_3064 = arith.constant 96 : index
    %get3A_3065 = tpu.vector_load %arg4[%get3A_3063, %get3A_3064] {strides = array<i32>} : memref<16x128xf32, #tpu.memory_space<vmem>>, vector<1x16xf32>,
    %get3A_3066 = vector.shape_cast %get3A_3065 : vector<1x16xf32> to vector<16xf32>
    %get3A_3067 = arith.constant 12 : i32
    %get3A_3068 = arith.index_cast %get3A_3067 : i32 to index
    %get3A_3069 = arith.constant 96 : index
    %get3A_3070 = tpu.vector_load %arg4[%get3A_3068, %get3A_3069] {strides = array<i32>} : memref<16x128xf32, #tpu.memory_space<vmem>>, vector<1x16xf32>,
    %get3A_3071 = vector.shape_cast %get3A_3070 : vector<1x16xf32> to vector<16xf32>
    %get3A_3072 = arith.constant 13 : i32
    %get3A_3073 = arith.index_cast %get3A_3072 : i32 to index
    %get3A_3074 = arith.constant 96 : index
    %get3A_3075 = tpu.vector_load %arg4[%get3A_3073, %get3A_3074] {strides = array<i32>} : memref<16x128xf32, #tpu.memory_space<vmem>>, vector<1x16xf32>,
    %get3A_3076 = vector.shape_cast %get3A_3075 : vector<1x16xf32> to vector<16xf32>
    %get3A_3077 = arith.constant 14 : i32
    %get3A_3078 = arith.index_cast %get3A_3077 : i32 to index
    %get3A_3079 = arith.constant 96 : index
    %get3A_3080 = tpu.vector_load %arg4[%get3A_3078, %get3A_3079] {strides = array<i32>} : memref<16x128xf32, #tpu.memory_space<vmem>>, vector<1x16xf32>,
    %get3A_3081 = vector.shape_cast %get3A_3080 : vector<1x16xf32> to vector<16xf32>
    %get3A_3082 = arith.constant 15 : i32
    %get3A_3083 = arith.index_cast %get3A_3082 : i32 to index
    %get3A_3084 = arith.constant 96 : index
    %get3A_3085 = tpu.vector_load %arg4[%get3A_3083, %get3A_3084] {strides = array<i32>} : memref<16x128xf32, #tpu.memory_space<vmem>>, vector<1x16xf32>,
    %get3A_3086 = vector.shape_cast %get3A_3085 : vector<1x16xf32> to vector<16xf32>
    %broadcast_in_dim3A_3087 = arith.constant 4.000000e+00 : f32
    %broadcast_in_dim3A_3088 = vector.broadcast %broadcast_in_dim3A_3087 : f32 to vector<16xf32>
    %min3A_3089 = arith.minimumf %get3A_3011, %get3A_3016 : vector<16xf32>
    %min3A_3090 = arith.minimumf %min3A_3089, %get3A_3021 : vector<16xf32>
    %min3A_3091 = arith.minimumf %min3A_3090, %get3A_3026 : vector<16xf32>
    %min3A_3092 = arith.minimumf %min3A_3091, %get3A_3031 : vector<16xf32>
    %min3A_3093 = arith.minimumf %min3A_3092, %get3A_3036 : vector<16xf32>
    %min3A_3094 = arith.minimumf %min3A_3093, %get3A_3041 : vector<16xf32>
    %min3A_3095 = arith.minimumf %min3A_3094, %get3A_3046 : vector<16xf32>
    %min3A_3096 = arith.minimumf %min3A_3095, %get3A_3051 : vector<16xf32>
    %min3A_3097 = arith.minimumf %min3A_3096, %get3A_3056 : vector<16xf32>
    %min3A_3098 = arith.minimumf %min3A_3097, %get3A_3061 : vector<16xf32>
    %min3A_3099 = arith.minimumf %min3A_3098, %get3A_3066 : vector<16xf32>
    %min3A_3100 = arith.minimumf %min3A_3099, %get3A_3071 : vector<16xf32>
    %min3A_3101 = arith.minimumf %min3A_3100, %get3A_3076 : vector<16xf32>
    %min3A_3102 = arith.minimumf %min3A_3101, %get3A_3081 : vector<16xf32>
    %min3A_3103 = arith.minimumf %min3A_3102, %get3A_3086 : vector<16xf32>
    %eq3A_3104 = arith.cmpf oeq, %get3A_3011, %min3A_3103 : vector<16xf32>
    %select_n3A_3105 = arith.select %eq3A_3104, %broadcast_in_dim3A_7, %broadcast_in_dim3A_5 : vector<16xi1>, vector<16xf32>
    %add3A_3106 = arith.addf %broadcast_in_dim3A_5, %select_n3A_3105 : vector<16xf32>
    %eq3A_3107 = arith.cmpf oeq, %get3A_3016, %min3A_3103 : vector<16xf32>
    %select_n3A_3108 = arith.select %eq3A_3107, %broadcast_in_dim3A_7, %broadcast_in_dim3A_5 : vector<16xi1>, vector<16xf32>
    %add3A_3109 = arith.addf %add3A_3106, %select_n3A_3108 : vector<16xf32>
    %eq3A_3110 = arith.cmpf oeq, %get3A_3021, %min3A_3103 : vector<16xf32>
    %select_n3A_3111 = arith.select %eq3A_3110, %broadcast_in_dim3A_7, %broadcast_in_dim3A_5 : vector<16xi1>, vector<16xf32>
    %add3A_3112 = arith.addf %add3A_3109, %select_n3A_3111 : vector<16xf32>
    %eq3A_3113 = arith.cmpf oeq, %get3A_3026, %min3A_3103 : vector<16xf32>
    %select_n3A_3114 = arith.select %eq3A_3113, %broadcast_in_dim3A_7, %broadcast_in_dim3A_5 : vector<16xi1>, vector<16xf32>
    %add3A_3115 = arith.addf %add3A_3112, %select_n3A_3114 : vector<16xf32>
    %eq3A_3116 = arith.cmpf oeq, %get3A_3031, %min3A_3103 : vector<16xf32>
    %select_n3A_3117 = arith.select %eq3A_3116, %broadcast_in_dim3A_7, %broadcast_in_dim3A_5 : vector<16xi1>, vector<16xf32>
    %add3A_3118 = arith.addf %add3A_3115, %select_n3A_3117 : vector<16xf32>
    %eq3A_3119 = arith.cmpf oeq, %get3A_3036, %min3A_3103 : vector<16xf32>
    %select_n3A_3120 = arith.select %eq3A_3119, %broadcast_in_dim3A_7, %broadcast_in_dim3A_5 : vector<16xi1>, vector<16xf32>
    %add3A_3121 = arith.addf %add3A_3118, %select_n3A_3120 : vector<16xf32>
    %eq3A_3122 = arith.cmpf oeq, %get3A_3041, %min3A_3103 : vector<16xf32>
    %select_n3A_3123 = arith.select %eq3A_3122, %broadcast_in_dim3A_7, %broadcast_in_dim3A_5 : vector<16xi1>, vector<16xf32>
    %add3A_3124 = arith.addf %add3A_3121, %select_n3A_3123 : vector<16xf32>
    %eq3A_3125 = arith.cmpf oeq, %get3A_3046, %min3A_3103 : vector<16xf32>
    %select_n3A_3126 = arith.select %eq3A_3125, %broadcast_in_dim3A_7, %broadcast_in_dim3A_5 : vector<16xi1>, vector<16xf32>
    %add3A_3127 = arith.addf %add3A_3124, %select_n3A_3126 : vector<16xf32>
    %eq3A_3128 = arith.cmpf oeq, %get3A_3051, %min3A_3103 : vector<16xf32>
    %select_n3A_3129 = arith.select %eq3A_3128, %broadcast_in_dim3A_7, %broadcast_in_dim3A_5 : vector<16xi1>, vector<16xf32>
    %add3A_3130 = arith.addf %add3A_3127, %select_n3A_3129 : vector<16xf32>
    %eq3A_3131 = arith.cmpf oeq, %get3A_3056, %min3A_3103 : vector<16xf32>
    %select_n3A_3132 = arith.select %eq3A_3131, %broadcast_in_dim3A_7, %broadcast_in_dim3A_5 : vector<16xi1>, vector<16xf32>
    %add3A_3133 = arith.addf %add3A_3130, %select_n3A_3132 : vector<16xf32>
    %eq3A_3134 = arith.cmpf oeq, %get3A_3061, %min3A_3103 : vector<16xf32>
    %select_n3A_3135 = arith.select %eq3A_3134, %broadcast_in_dim3A_7, %broadcast_in_dim3A_5 : vector<16xi1>, vector<16xf32>
    %add3A_3136 = arith.addf %add3A_3133, %select_n3A_3135 : vector<16xf32>
    %eq3A_3137 = arith.cmpf oeq, %get3A_3066, %min3A_3103 : vector<16xf32>
    %select_n3A_3138 = arith.select %eq3A_3137, %broadcast_in_dim3A_7, %broadcast_in_dim3A_5 : vector<16xi1>, vector<16xf32>
    %add3A_3139 = arith.addf %add3A_3136, %select_n3A_3138 : vector<16xf32>
    %eq3A_3140 = arith.cmpf oeq, %get3A_3071, %min3A_3103 : vector<16xf32>
    %select_n3A_3141 = arith.select %eq3A_3140, %broadcast_in_dim3A_7, %broadcast_in_dim3A_5 : vector<16xi1>, vector<16xf32>
    %add3A_3142 = arith.addf %add3A_3139, %select_n3A_3141 : vector<16xf32>
    %eq3A_3143 = arith.cmpf oeq, %get3A_3076, %min3A_3103 : vector<16xf32>
    %select_n3A_3144 = arith.select %eq3A_3143, %broadcast_in_dim3A_7, %broadcast_in_dim3A_5 : vector<16xi1>, vector<16xf32>
    %add3A_3145 = arith.addf %add3A_3142, %select_n3A_3144 : vector<16xf32>
    %eq3A_3146 = arith.cmpf oeq, %get3A_3081, %min3A_3103 : vector<16xf32>
    %select_n3A_3147 = arith.select %eq3A_3146, %broadcast_in_dim3A_7, %broadcast_in_dim3A_5 : vector<16xi1>, vector<16xf32>
    %add3A_3148 = arith.addf %add3A_3145, %select_n3A_3147 : vector<16xf32>
    %eq3A_3149 = arith.cmpf oeq, %get3A_3086, %min3A_3103 : vector<16xf32>
    %select_n3A_3150 = arith.select %eq3A_3149, %broadcast_in_dim3A_7, %broadcast_in_dim3A_5 : vector<16xi1>, vector<16xf32>
    %add3A_3151 = arith.addf %add3A_3148, %select_n3A_3150 : vector<16xf32>
    %min3A_3152 = arith.minimumf %add3A_3151, %broadcast_in_dim3A_3088 : vector<16xf32>
    %gt3A_3153 = arith.constant 0.000000e+00 : f32
    %gt3A_3154 = vector.broadcast %gt3A_3153 : f32 to vector<16xf32>
    %gt3A_3155 = arith.cmpf ogt, %min3A_3152, %gt3A_3154 : vector<16xf32>
    %mul3A_3156 = arith.mulf %min3A_3152, %min3A_3103 : vector<16xf32>
    %select_n3A_3157 = arith.select %gt3A_3155, %mul3A_3156, %broadcast_in_dim3A_5 : vector<16xi1>, vector<16xf32>
    %add3A_3158 = arith.addf %broadcast_in_dim3A_5, %select_n3A_3157 : vector<16xf32>
    %sub3A_3159 = arith.subf %broadcast_in_dim3A_3088, %min3A_3152 : vector<16xf32>
    %eq3A_3160 = arith.cmpf oeq, %get3A_3011, %min3A_3103 : vector<16xf32>
    %select_n3A_3161 = arith.select %eq3A_3160, %broadcast_in_dim3A_3, %get3A_3011 : vector<16xi1>, vector<16xf32>
    %eq3A_3162 = arith.cmpf oeq, %get3A_3016, %min3A_3103 : vector<16xf32>
    %select_n3A_3163 = arith.select %eq3A_3162, %broadcast_in_dim3A_3, %get3A_3016 : vector<16xi1>, vector<16xf32>
    %eq3A_3164 = arith.cmpf oeq, %get3A_3021, %min3A_3103 : vector<16xf32>
    %select_n3A_3165 = arith.select %eq3A_3164, %broadcast_in_dim3A_3, %get3A_3021 : vector<16xi1>, vector<16xf32>
    %eq3A_3166 = arith.cmpf oeq, %get3A_3026, %min3A_3103 : vector<16xf32>
    %select_n3A_3167 = arith.select %eq3A_3166, %broadcast_in_dim3A_3, %get3A_3026 : vector<16xi1>, vector<16xf32>
    %eq3A_3168 = arith.cmpf oeq, %get3A_3031, %min3A_3103 : vector<16xf32>
    %select_n3A_3169 = arith.select %eq3A_3168, %broadcast_in_dim3A_3, %get3A_3031 : vector<16xi1>, vector<16xf32>
    %eq3A_3170 = arith.cmpf oeq, %get3A_3036, %min3A_3103 : vector<16xf32>
    %select_n3A_3171 = arith.select %eq3A_3170, %broadcast_in_dim3A_3, %get3A_3036 : vector<16xi1>, vector<16xf32>
    %eq3A_3172 = arith.cmpf oeq, %get3A_3041, %min3A_3103 : vector<16xf32>
    %select_n3A_3173 = arith.select %eq3A_3172, %broadcast_in_dim3A_3, %get3A_3041 : vector<16xi1>, vector<16xf32>
    %eq3A_3174 = arith.cmpf oeq, %get3A_3046, %min3A_3103 : vector<16xf32>
    %select_n3A_3175 = arith.select %eq3A_3174, %broadcast_in_dim3A_3, %get3A_3046 : vector<16xi1>, vector<16xf32>
    %eq3A_3176 = arith.cmpf oeq, %get3A_3051, %min3A_3103 : vector<16xf32>
    %select_n3A_3177 = arith.select %eq3A_3176, %broadcast_in_dim3A_3, %get3A_3051 : vector<16xi1>, vector<16xf32>
    %eq3A_3178 = arith.cmpf oeq, %get3A_3056, %min3A_3103 : vector<16xf32>
    %select_n3A_3179 = arith.select %eq3A_3178, %broadcast_in_dim3A_3, %get3A_3056 : vector<16xi1>, vector<16xf32>
    %eq3A_3180 = arith.cmpf oeq, %get3A_3061, %min3A_3103 : vector<16xf32>
    %select_n3A_3181 = arith.select %eq3A_3180, %broadcast_in_dim3A_3, %get3A_3061 : vector<16xi1>, vector<16xf32>
    %eq3A_3182 = arith.cmpf oeq, %get3A_3066, %min3A_3103 : vector<16xf32>
    %select_n3A_3183 = arith.select %eq3A_3182, %broadcast_in_dim3A_3, %get3A_3066 : vector<16xi1>, vector<16xf32>
    %eq3A_3184 = arith.cmpf oeq, %get3A_3071, %min3A_3103 : vector<16xf32>
    %select_n3A_3185 = arith.select %eq3A_3184, %broadcast_in_dim3A_3, %get3A_3071 : vector<16xi1>, vector<16xf32>
    %eq3A_3186 = arith.cmpf oeq, %get3A_3076, %min3A_3103 : vector<16xf32>
    %select_n3A_3187 = arith.select %eq3A_3186, %broadcast_in_dim3A_3, %get3A_3076 : vector<16xi1>, vector<16xf32>
    %eq3A_3188 = arith.cmpf oeq, %get3A_3081, %min3A_3103 : vector<16xf32>
    %select_n3A_3189 = arith.select %eq3A_3188, %broadcast_in_dim3A_3, %get3A_3081 : vector<16xi1>, vector<16xf32>
    %eq3A_3190 = arith.cmpf oeq, %get3A_3086, %min3A_3103 : vector<16xf32>
    %select_n3A_3191 = arith.select %eq3A_3190, %broadcast_in_dim3A_3, %get3A_3086 : vector<16xi1>, vector<16xf32>
    %min3A_3192 = arith.minimumf %select_n3A_3161, %select_n3A_3163 : vector<16xf32>
    %min3A_3193 = arith.minimumf %min3A_3192, %select_n3A_3165 : vector<16xf32>
    %min3A_3194 = arith.minimumf %min3A_3193, %select_n3A_3167 : vector<16xf32>
    %min3A_3195 = arith.minimumf %min3A_3194, %select_n3A_3169 : vector<16xf32>
    %min3A_3196 = arith.minimumf %min3A_3195, %select_n3A_3171 : vector<16xf32>
    %min3A_3197 = arith.minimumf %min3A_3196, %select_n3A_3173 : vector<16xf32>
    %min3A_3198 = arith.minimumf %min3A_3197, %select_n3A_3175 : vector<16xf32>
    %min3A_3199 = arith.minimumf %min3A_3198, %select_n3A_3177 : vector<16xf32>
    %min3A_3200 = arith.minimumf %min3A_3199, %select_n3A_3179 : vector<16xf32>
    %min3A_3201 = arith.minimumf %min3A_3200, %select_n3A_3181 : vector<16xf32>
    %min3A_3202 = arith.minimumf %min3A_3201, %select_n3A_3183 : vector<16xf32>
    %min3A_3203 = arith.minimumf %min3A_3202, %select_n3A_3185 : vector<16xf32>
    %min3A_3204 = arith.minimumf %min3A_3203, %select_n3A_3187 : vector<16xf32>
    %min3A_3205 = arith.minimumf %min3A_3204, %select_n3A_3189 : vector<16xf32>
    %min3A_3206 = arith.minimumf %min3A_3205, %select_n3A_3191 : vector<16xf32>
    %eq3A_3207 = arith.cmpf oeq, %select_n3A_3161, %min3A_3206 : vector<16xf32>
    %select_n3A_3208 = arith.select %eq3A_3207, %broadcast_in_dim3A_7, %broadcast_in_dim3A_5 : vector<16xi1>, vector<16xf32>
    %add3A_3209 = arith.addf %broadcast_in_dim3A_5, %select_n3A_3208 : vector<16xf32>
    %eq3A_3210 = arith.cmpf oeq, %select_n3A_3163, %min3A_3206 : vector<16xf32>
    %select_n3A_3211 = arith.select %eq3A_3210, %broadcast_in_dim3A_7, %broadcast_in_dim3A_5 : vector<16xi1>, vector<16xf32>
    %add3A_3212 = arith.addf %add3A_3209, %select_n3A_3211 : vector<16xf32>
    %eq3A_3213 = arith.cmpf oeq, %select_n3A_3165, %min3A_3206 : vector<16xf32>
    %select_n3A_3214 = arith.select %eq3A_3213, %broadcast_in_dim3A_7, %broadcast_in_dim3A_5 : vector<16xi1>, vector<16xf32>
    %add3A_3215 = arith.addf %add3A_3212, %select_n3A_3214 : vector<16xf32>
    %eq3A_3216 = arith.cmpf oeq, %select_n3A_3167, %min3A_3206 : vector<16xf32>
    %select_n3A_3217 = arith.select %eq3A_3216, %broadcast_in_dim3A_7, %broadcast_in_dim3A_5 : vector<16xi1>, vector<16xf32>
    %add3A_3218 = arith.addf %add3A_3215, %select_n3A_3217 : vector<16xf32>
    %eq3A_3219 = arith.cmpf oeq, %select_n3A_3169, %min3A_3206 : vector<16xf32>
    %select_n3A_3220 = arith.select %eq3A_3219, %broadcast_in_dim3A_7, %broadcast_in_dim3A_5 : vector<16xi1>, vector<16xf32>
    %add3A_3221 = arith.addf %add3A_3218, %select_n3A_3220 : vector<16xf32>
    %eq3A_3222 = arith.cmpf oeq, %select_n3A_3171, %min3A_3206 : vector<16xf32>
    %select_n3A_3223 = arith.select %eq3A_3222, %broadcast_in_dim3A_7, %broadcast_in_dim3A_5 : vector<16xi1>, vector<16xf32>
    %add3A_3224 = arith.addf %add3A_3221, %select_n3A_3223 : vector<16xf32>
    %eq3A_3225 = arith.cmpf oeq, %select_n3A_3173, %min3A_3206 : vector<16xf32>
    %select_n3A_3226 = arith.select %eq3A_3225, %broadcast_in_dim3A_7, %broadcast_in_dim3A_5 : vector<16xi1>, vector<16xf32>
    %add3A_3227 = arith.addf %add3A_3224, %select_n3A_3226 : vector<16xf32>
    %eq3A_3228 = arith.cmpf oeq, %select_n3A_3175, %min3A_3206 : vector<16xf32>
    %select_n3A_3229 = arith.select %eq3A_3228, %broadcast_in_dim3A_7, %broadcast_in_dim3A_5 : vector<16xi1>, vector<16xf32>
    %add3A_3230 = arith.addf %add3A_3227, %select_n3A_3229 : vector<16xf32>
    %eq3A_3231 = arith.cmpf oeq, %select_n3A_3177, %min3A_3206 : vector<16xf32>
    %select_n3A_3232 = arith.select %eq3A_3231, %broadcast_in_dim3A_7, %broadcast_in_dim3A_5 : vector<16xi1>, vector<16xf32>
    %add3A_3233 = arith.addf %add3A_3230, %select_n3A_3232 : vector<16xf32>
    %eq3A_3234 = arith.cmpf oeq, %select_n3A_3179, %min3A_3206 : vector<16xf32>
    %select_n3A_3235 = arith.select %eq3A_3234, %broadcast_in_dim3A_7, %broadcast_in_dim3A_5 : vector<16xi1>, vector<16xf32>
    %add3A_3236 = arith.addf %add3A_3233, %select_n3A_3235 : vector<16xf32>
    %eq3A_3237 = arith.cmpf oeq, %select_n3A_3181, %min3A_3206 : vector<16xf32>
    %select_n3A_3238 = arith.select %eq3A_3237, %broadcast_in_dim3A_7, %broadcast_in_dim3A_5 : vector<16xi1>, vector<16xf32>
    %add3A_3239 = arith.addf %add3A_3236, %select_n3A_3238 : vector<16xf32>
    %eq3A_3240 = arith.cmpf oeq, %select_n3A_3183, %min3A_3206 : vector<16xf32>
    %select_n3A_3241 = arith.select %eq3A_3240, %broadcast_in_dim3A_7, %broadcast_in_dim3A_5 : vector<16xi1>, vector<16xf32>
    %add3A_3242 = arith.addf %add3A_3239, %select_n3A_3241 : vector<16xf32>
    %eq3A_3243 = arith.cmpf oeq, %select_n3A_3185, %min3A_3206 : vector<16xf32>
    %select_n3A_3244 = arith.select %eq3A_3243, %broadcast_in_dim3A_7, %broadcast_in_dim3A_5 : vector<16xi1>, vector<16xf32>
    %add3A_3245 = arith.addf %add3A_3242, %select_n3A_3244 : vector<16xf32>
    %eq3A_3246 = arith.cmpf oeq, %select_n3A_3187, %min3A_3206 : vector<16xf32>
    %select_n3A_3247 = arith.select %eq3A_3246, %broadcast_in_dim3A_7, %broadcast_in_dim3A_5 : vector<16xi1>, vector<16xf32>
    %add3A_3248 = arith.addf %add3A_3245, %select_n3A_3247 : vector<16xf32>
    %eq3A_3249 = arith.cmpf oeq, %select_n3A_3189, %min3A_3206 : vector<16xf32>
    %select_n3A_3250 = arith.select %eq3A_3249, %broadcast_in_dim3A_7, %broadcast_in_dim3A_5 : vector<16xi1>, vector<16xf32>
    %add3A_3251 = arith.addf %add3A_3248, %select_n3A_3250 : vector<16xf32>
    %eq3A_3252 = arith.cmpf oeq, %select_n3A_3191, %min3A_3206 : vector<16xf32>
    %select_n3A_3253 = arith.select %eq3A_3252, %broadcast_in_dim3A_7, %broadcast_in_dim3A_5 : vector<16xi1>, vector<16xf32>
    %add3A_3254 = arith.addf %add3A_3251, %select_n3A_3253 : vector<16xf32>
    %min3A_3255 = arith.minimumf %add3A_3254, %sub3A_3159 : vector<16xf32>
    %gt3A_3256 = arith.constant 0.000000e+00 : f32
    %gt3A_3257 = vector.broadcast %gt3A_3256 : f32 to vector<16xf32>
    %gt3A_3258 = arith.cmpf ogt, %min3A_3255, %gt3A_3257 : vector<16xf32>
    %mul3A_3259 = arith.mulf %min3A_3255, %min3A_3206 : vector<16xf32>
    %select_n3A_3260 = arith.select %gt3A_3258, %mul3A_3259, %broadcast_in_dim3A_5 : vector<16xi1>, vector<16xf32>
    %add3A_3261 = arith.addf %add3A_3158, %select_n3A_3260 : vector<16xf32>
    %sub3A_3262 = arith.subf %sub3A_3159, %min3A_3255 : vector<16xf32>
    %eq3A_3263 = arith.cmpf oeq, %select_n3A_3161, %min3A_3206 : vector<16xf32>
    %select_n3A_3264 = arith.select %eq3A_3263, %broadcast_in_dim3A_3, %select_n3A_3161 : vector<16xi1>, vector<16xf32>
    %eq3A_3265 = arith.cmpf oeq, %select_n3A_3163, %min3A_3206 : vector<16xf32>
    %select_n3A_3266 = arith.select %eq3A_3265, %broadcast_in_dim3A_3, %select_n3A_3163 : vector<16xi1>, vector<16xf32>
    %eq3A_3267 = arith.cmpf oeq, %select_n3A_3165, %min3A_3206 : vector<16xf32>
    %select_n3A_3268 = arith.select %eq3A_3267, %broadcast_in_dim3A_3, %select_n3A_3165 : vector<16xi1>, vector<16xf32>
    %eq3A_3269 = arith.cmpf oeq, %select_n3A_3167, %min3A_3206 : vector<16xf32>
    %select_n3A_3270 = arith.select %eq3A_3269, %broadcast_in_dim3A_3, %select_n3A_3167 : vector<16xi1>, vector<16xf32>
    %eq3A_3271 = arith.cmpf oeq, %select_n3A_3169, %min3A_3206 : vector<16xf32>
    %select_n3A_3272 = arith.select %eq3A_3271, %broadcast_in_dim3A_3, %select_n3A_3169 : vector<16xi1>, vector<16xf32>
    %eq3A_3273 = arith.cmpf oeq, %select_n3A_3171, %min3A_3206 : vector<16xf32>
    %select_n3A_3274 = arith.select %eq3A_3273, %broadcast_in_dim3A_3, %select_n3A_3171 : vector<16xi1>, vector<16xf32>
    %eq3A_3275 = arith.cmpf oeq, %select_n3A_3173, %min3A_3206 : vector<16xf32>
    %select_n3A_3276 = arith.select %eq3A_3275, %broadcast_in_dim3A_3, %select_n3A_3173 : vector<16xi1>, vector<16xf32>
    %eq3A_3277 = arith.cmpf oeq, %select_n3A_3175, %min3A_3206 : vector<16xf32>
    %select_n3A_3278 = arith.select %eq3A_3277, %broadcast_in_dim3A_3, %select_n3A_3175 : vector<16xi1>, vector<16xf32>
    %eq3A_3279 = arith.cmpf oeq, %select_n3A_3177, %min3A_3206 : vector<16xf32>
    %select_n3A_3280 = arith.select %eq3A_3279, %broadcast_in_dim3A_3, %select_n3A_3177 : vector<16xi1>, vector<16xf32>
    %eq3A_3281 = arith.cmpf oeq, %select_n3A_3179, %min3A_3206 : vector<16xf32>
    %select_n3A_3282 = arith.select %eq3A_3281, %broadcast_in_dim3A_3, %select_n3A_3179 : vector<16xi1>, vector<16xf32>
    %eq3A_3283 = arith.cmpf oeq, %select_n3A_3181, %min3A_3206 : vector<16xf32>
    %select_n3A_3284 = arith.select %eq3A_3283, %broadcast_in_dim3A_3, %select_n3A_3181 : vector<16xi1>, vector<16xf32>
    %eq3A_3285 = arith.cmpf oeq, %select_n3A_3183, %min3A_3206 : vector<16xf32>
    %select_n3A_3286 = arith.select %eq3A_3285, %broadcast_in_dim3A_3, %select_n3A_3183 : vector<16xi1>, vector<16xf32>
    %eq3A_3287 = arith.cmpf oeq, %select_n3A_3185, %min3A_3206 : vector<16xf32>
    %select_n3A_3288 = arith.select %eq3A_3287, %broadcast_in_dim3A_3, %select_n3A_3185 : vector<16xi1>, vector<16xf32>
    %eq3A_3289 = arith.cmpf oeq, %select_n3A_3187, %min3A_3206 : vector<16xf32>
    %select_n3A_3290 = arith.select %eq3A_3289, %broadcast_in_dim3A_3, %select_n3A_3187 : vector<16xi1>, vector<16xf32>
    %eq3A_3291 = arith.cmpf oeq, %select_n3A_3189, %min3A_3206 : vector<16xf32>
    %select_n3A_3292 = arith.select %eq3A_3291, %broadcast_in_dim3A_3, %select_n3A_3189 : vector<16xi1>, vector<16xf32>
    %eq3A_3293 = arith.cmpf oeq, %select_n3A_3191, %min3A_3206 : vector<16xf32>
    %select_n3A_3294 = arith.select %eq3A_3293, %broadcast_in_dim3A_3, %select_n3A_3191 : vector<16xi1>, vector<16xf32>
    %min3A_3295 = arith.minimumf %select_n3A_3264, %select_n3A_3266 : vector<16xf32>
    %min3A_3296 = arith.minimumf %min3A_3295, %select_n3A_3268 : vector<16xf32>
    %min3A_3297 = arith.minimumf %min3A_3296, %select_n3A_3270 : vector<16xf32>
    %min3A_3298 = arith.minimumf %min3A_3297, %select_n3A_3272 : vector<16xf32>
    %min3A_3299 = arith.minimumf %min3A_3298, %select_n3A_3274 : vector<16xf32>
    %min3A_3300 = arith.minimumf %min3A_3299, %select_n3A_3276 : vector<16xf32>
    %min3A_3301 = arith.minimumf %min3A_3300, %select_n3A_3278 : vector<16xf32>
    %min3A_3302 = arith.minimumf %min3A_3301, %select_n3A_3280 : vector<16xf32>
    %min3A_3303 = arith.minimumf %min3A_3302, %select_n3A_3282 : vector<16xf32>
    %min3A_3304 = arith.minimumf %min3A_3303, %select_n3A_3284 : vector<16xf32>
    %min3A_3305 = arith.minimumf %min3A_3304, %select_n3A_3286 : vector<16xf32>
    %min3A_3306 = arith.minimumf %min3A_3305, %select_n3A_3288 : vector<16xf32>
    %min3A_3307 = arith.minimumf %min3A_3306, %select_n3A_3290 : vector<16xf32>
    %min3A_3308 = arith.minimumf %min3A_3307, %select_n3A_3292 : vector<16xf32>
    %min3A_3309 = arith.minimumf %min3A_3308, %select_n3A_3294 : vector<16xf32>
    %eq3A_3310 = arith.cmpf oeq, %select_n3A_3264, %min3A_3309 : vector<16xf32>
    %select_n3A_3311 = arith.select %eq3A_3310, %broadcast_in_dim3A_7, %broadcast_in_dim3A_5 : vector<16xi1>, vector<16xf32>
    %add3A_3312 = arith.addf %broadcast_in_dim3A_5, %select_n3A_3311 : vector<16xf32>
    %eq3A_3313 = arith.cmpf oeq, %select_n3A_3266, %min3A_3309 : vector<16xf32>
    %select_n3A_3314 = arith.select %eq3A_3313, %broadcast_in_dim3A_7, %broadcast_in_dim3A_5 : vector<16xi1>, vector<16xf32>
    %add3A_3315 = arith.addf %add3A_3312, %select_n3A_3314 : vector<16xf32>
    %eq3A_3316 = arith.cmpf oeq, %select_n3A_3268, %min3A_3309 : vector<16xf32>
    %select_n3A_3317 = arith.select %eq3A_3316, %broadcast_in_dim3A_7, %broadcast_in_dim3A_5 : vector<16xi1>, vector<16xf32>
    %add3A_3318 = arith.addf %add3A_3315, %select_n3A_3317 : vector<16xf32>
    %eq3A_3319 = arith.cmpf oeq, %select_n3A_3270, %min3A_3309 : vector<16xf32>
    %select_n3A_3320 = arith.select %eq3A_3319, %broadcast_in_dim3A_7, %broadcast_in_dim3A_5 : vector<16xi1>, vector<16xf32>
    %add3A_3321 = arith.addf %add3A_3318, %select_n3A_3320 : vector<16xf32>
    %eq3A_3322 = arith.cmpf oeq, %select_n3A_3272, %min3A_3309 : vector<16xf32>
    %select_n3A_3323 = arith.select %eq3A_3322, %broadcast_in_dim3A_7, %broadcast_in_dim3A_5 : vector<16xi1>, vector<16xf32>
    %add3A_3324 = arith.addf %add3A_3321, %select_n3A_3323 : vector<16xf32>
    %eq3A_3325 = arith.cmpf oeq, %select_n3A_3274, %min3A_3309 : vector<16xf32>
    %select_n3A_3326 = arith.select %eq3A_3325, %broadcast_in_dim3A_7, %broadcast_in_dim3A_5 : vector<16xi1>, vector<16xf32>
    %add3A_3327 = arith.addf %add3A_3324, %select_n3A_3326 : vector<16xf32>
    %eq3A_3328 = arith.cmpf oeq, %select_n3A_3276, %min3A_3309 : vector<16xf32>
    %select_n3A_3329 = arith.select %eq3A_3328, %broadcast_in_dim3A_7, %broadcast_in_dim3A_5 : vector<16xi1>, vector<16xf32>
    %add3A_3330 = arith.addf %add3A_3327, %select_n3A_3329 : vector<16xf32>
    %eq3A_3331 = arith.cmpf oeq, %select_n3A_3278, %min3A_3309 : vector<16xf32>
    %select_n3A_3332 = arith.select %eq3A_3331, %broadcast_in_dim3A_7, %broadcast_in_dim3A_5 : vector<16xi1>, vector<16xf32>
    %add3A_3333 = arith.addf %add3A_3330, %select_n3A_3332 : vector<16xf32>
    %eq3A_3334 = arith.cmpf oeq, %select_n3A_3280, %min3A_3309 : vector<16xf32>
    %select_n3A_3335 = arith.select %eq3A_3334, %broadcast_in_dim3A_7, %broadcast_in_dim3A_5 : vector<16xi1>, vector<16xf32>
    %add3A_3336 = arith.addf %add3A_3333, %select_n3A_3335 : vector<16xf32>
    %eq3A_3337 = arith.cmpf oeq, %select_n3A_3282, %min3A_3309 : vector<16xf32>
    %select_n3A_3338 = arith.select %eq3A_3337, %broadcast_in_dim3A_7, %broadcast_in_dim3A_5 : vector<16xi1>, vector<16xf32>
    %add3A_3339 = arith.addf %add3A_3336, %select_n3A_3338 : vector<16xf32>
    %eq3A_3340 = arith.cmpf oeq, %select_n3A_3284, %min3A_3309 : vector<16xf32>
    %select_n3A_3341 = arith.select %eq3A_3340, %broadcast_in_dim3A_7, %broadcast_in_dim3A_5 : vector<16xi1>, vector<16xf32>
    %add3A_3342 = arith.addf %add3A_3339, %select_n3A_3341 : vector<16xf32>
    %eq3A_3343 = arith.cmpf oeq, %select_n3A_3286, %min3A_3309 : vector<16xf32>
    %select_n3A_3344 = arith.select %eq3A_3343, %broadcast_in_dim3A_7, %broadcast_in_dim3A_5 : vector<16xi1>, vector<16xf32>
    %add3A_3345 = arith.addf %add3A_3342, %select_n3A_3344 : vector<16xf32>
    %eq3A_3346 = arith.cmpf oeq, %select_n3A_3288, %min3A_3309 : vector<16xf32>
    %select_n3A_3347 = arith.select %eq3A_3346, %broadcast_in_dim3A_7, %broadcast_in_dim3A_5 : vector<16xi1>, vector<16xf32>
    %add3A_3348 = arith.addf %add3A_3345, %select_n3A_3347 : vector<16xf32>
    %eq3A_3349 = arith.cmpf oeq, %select_n3A_3290, %min3A_3309 : vector<16xf32>
    %select_n3A_3350 = arith.select %eq3A_3349, %broadcast_in_dim3A_7, %broadcast_in_dim3A_5 : vector<16xi1>, vector<16xf32>
    %add3A_3351 = arith.addf %add3A_3348, %select_n3A_3350 : vector<16xf32>
    %eq3A_3352 = arith.cmpf oeq, %select_n3A_3292, %min3A_3309 : vector<16xf32>
    %select_n3A_3353 = arith.select %eq3A_3352, %broadcast_in_dim3A_7, %broadcast_in_dim3A_5 : vector<16xi1>, vector<16xf32>
    %add3A_3354 = arith.addf %add3A_3351, %select_n3A_3353 : vector<16xf32>
    %eq3A_3355 = arith.cmpf oeq, %select_n3A_3294, %min3A_3309 : vector<16xf32>
    %select_n3A_3356 = arith.select %eq3A_3355, %broadcast_in_dim3A_7, %broadcast_in_dim3A_5 : vector<16xi1>, vector<16xf32>
    %add3A_3357 = arith.addf %add3A_3354, %select_n3A_3356 : vector<16xf32>
    %min3A_3358 = arith.minimumf %add3A_3357, %sub3A_3262 : vector<16xf32>
    %gt3A_3359 = arith.constant 0.000000e+00 : f32
    %gt3A_3360 = vector.broadcast %gt3A_3359 : f32 to vector<16xf32>
    %gt3A_3361 = arith.cmpf ogt, %min3A_3358, %gt3A_3360 : vector<16xf32>
    %mul3A_3362 = arith.mulf %min3A_3358, %min3A_3309 : vector<16xf32>
    %select_n3A_3363 = arith.select %gt3A_3361, %mul3A_3362, %broadcast_in_dim3A_5 : vector<16xi1>, vector<16xf32>
    %add3A_3364 = arith.addf %add3A_3261, %select_n3A_3363 : vector<16xf32>
    %sub3A_3365 = arith.subf %sub3A_3262, %min3A_3358 : vector<16xf32>
    %eq3A_3366 = arith.cmpf oeq, %select_n3A_3264, %min3A_3309 : vector<16xf32>
    %select_n3A_3367 = arith.select %eq3A_3366, %broadcast_in_dim3A_3, %select_n3A_3264 : vector<16xi1>, vector<16xf32>
    %eq3A_3368 = arith.cmpf oeq, %select_n3A_3266, %min3A_3309 : vector<16xf32>
    %select_n3A_3369 = arith.select %eq3A_3368, %broadcast_in_dim3A_3, %select_n3A_3266 : vector<16xi1>, vector<16xf32>
    %eq3A_3370 = arith.cmpf oeq, %select_n3A_3268, %min3A_3309 : vector<16xf32>
    %select_n3A_3371 = arith.select %eq3A_3370, %broadcast_in_dim3A_3, %select_n3A_3268 : vector<16xi1>, vector<16xf32>
    %eq3A_3372 = arith.cmpf oeq, %select_n3A_3270, %min3A_3309 : vector<16xf32>
    %select_n3A_3373 = arith.select %eq3A_3372, %broadcast_in_dim3A_3, %select_n3A_3270 : vector<16xi1>, vector<16xf32>
    %eq3A_3374 = arith.cmpf oeq, %select_n3A_3272, %min3A_3309 : vector<16xf32>
    %select_n3A_3375 = arith.select %eq3A_3374, %broadcast_in_dim3A_3, %select_n3A_3272 : vector<16xi1>, vector<16xf32>
    %eq3A_3376 = arith.cmpf oeq, %select_n3A_3274, %min3A_3309 : vector<16xf32>
    %select_n3A_3377 = arith.select %eq3A_3376, %broadcast_in_dim3A_3, %select_n3A_3274 : vector<16xi1>, vector<16xf32>
    %eq3A_3378 = arith.cmpf oeq, %select_n3A_3276, %min3A_3309 : vector<16xf32>
    %select_n3A_3379 = arith.select %eq3A_3378, %broadcast_in_dim3A_3, %select_n3A_3276 : vector<16xi1>, vector<16xf32>
    %eq3A_3380 = arith.cmpf oeq, %select_n3A_3278, %min3A_3309 : vector<16xf32>
    %select_n3A_3381 = arith.select %eq3A_3380, %broadcast_in_dim3A_3, %select_n3A_3278 : vector<16xi1>, vector<16xf32>
    %eq3A_3382 = arith.cmpf oeq, %select_n3A_3280, %min3A_3309 : vector<16xf32>
    %select_n3A_3383 = arith.select %eq3A_3382, %broadcast_in_dim3A_3, %select_n3A_3280 : vector<16xi1>, vector<16xf32>
    %eq3A_3384 = arith.cmpf oeq, %select_n3A_3282, %min3A_3309 : vector<16xf32>
    %select_n3A_3385 = arith.select %eq3A_3384, %broadcast_in_dim3A_3, %select_n3A_3282 : vector<16xi1>, vector<16xf32>
    %eq3A_3386 = arith.cmpf oeq, %select_n3A_3284, %min3A_3309 : vector<16xf32>
    %select_n3A_3387 = arith.select %eq3A_3386, %broadcast_in_dim3A_3, %select_n3A_3284 : vector<16xi1>, vector<16xf32>
    %eq3A_3388 = arith.cmpf oeq, %select_n3A_3286, %min3A_3309 : vector<16xf32>
    %select_n3A_3389 = arith.select %eq3A_3388, %broadcast_in_dim3A_3, %select_n3A_3286 : vector<16xi1>, vector<16xf32>
    %eq3A_3390 = arith.cmpf oeq, %select_n3A_3288, %min3A_3309 : vector<16xf32>
    %select_n3A_3391 = arith.select %eq3A_3390, %broadcast_in_dim3A_3, %select_n3A_3288 : vector<16xi1>, vector<16xf32>
    %eq3A_3392 = arith.cmpf oeq, %select_n3A_3290, %min3A_3309 : vector<16xf32>
    %select_n3A_3393 = arith.select %eq3A_3392, %broadcast_in_dim3A_3, %select_n3A_3290 : vector<16xi1>, vector<16xf32>
    %eq3A_3394 = arith.cmpf oeq, %select_n3A_3292, %min3A_3309 : vector<16xf32>
    %select_n3A_3395 = arith.select %eq3A_3394, %broadcast_in_dim3A_3, %select_n3A_3292 : vector<16xi1>, vector<16xf32>
    %eq3A_3396 = arith.cmpf oeq, %select_n3A_3294, %min3A_3309 : vector<16xf32>
    %select_n3A_3397 = arith.select %eq3A_3396, %broadcast_in_dim3A_3, %select_n3A_3294 : vector<16xi1>, vector<16xf32>
    %min3A_3398 = arith.minimumf %select_n3A_3367, %select_n3A_3369 : vector<16xf32>
    %min3A_3399 = arith.minimumf %min3A_3398, %select_n3A_3371 : vector<16xf32>
    %min3A_3400 = arith.minimumf %min3A_3399, %select_n3A_3373 : vector<16xf32>
    %min3A_3401 = arith.minimumf %min3A_3400, %select_n3A_3375 : vector<16xf32>
    %min3A_3402 = arith.minimumf %min3A_3401, %select_n3A_3377 : vector<16xf32>
    %min3A_3403 = arith.minimumf %min3A_3402, %select_n3A_3379 : vector<16xf32>
    %min3A_3404 = arith.minimumf %min3A_3403, %select_n3A_3381 : vector<16xf32>
    %min3A_3405 = arith.minimumf %min3A_3404, %select_n3A_3383 : vector<16xf32>
    %min3A_3406 = arith.minimumf %min3A_3405, %select_n3A_3385 : vector<16xf32>
    %min3A_3407 = arith.minimumf %min3A_3406, %select_n3A_3387 : vector<16xf32>
    %min3A_3408 = arith.minimumf %min3A_3407, %select_n3A_3389 : vector<16xf32>
    %min3A_3409 = arith.minimumf %min3A_3408, %select_n3A_3391 : vector<16xf32>
    %min3A_3410 = arith.minimumf %min3A_3409, %select_n3A_3393 : vector<16xf32>
    %min3A_3411 = arith.minimumf %min3A_3410, %select_n3A_3395 : vector<16xf32>
    %min3A_3412 = arith.minimumf %min3A_3411, %select_n3A_3397 : vector<16xf32>
    %eq3A_3413 = arith.cmpf oeq, %select_n3A_3367, %min3A_3412 : vector<16xf32>
    %select_n3A_3414 = arith.select %eq3A_3413, %broadcast_in_dim3A_7, %broadcast_in_dim3A_5 : vector<16xi1>, vector<16xf32>
    %add3A_3415 = arith.addf %broadcast_in_dim3A_5, %select_n3A_3414 : vector<16xf32>
    %eq3A_3416 = arith.cmpf oeq, %select_n3A_3369, %min3A_3412 : vector<16xf32>
    %select_n3A_3417 = arith.select %eq3A_3416, %broadcast_in_dim3A_7, %broadcast_in_dim3A_5 : vector<16xi1>, vector<16xf32>
    %add3A_3418 = arith.addf %add3A_3415, %select_n3A_3417 : vector<16xf32>
    %eq3A_3419 = arith.cmpf oeq, %select_n3A_3371, %min3A_3412 : vector<16xf32>
    %select_n3A_3420 = arith.select %eq3A_3419, %broadcast_in_dim3A_7, %broadcast_in_dim3A_5 : vector<16xi1>, vector<16xf32>
    %add3A_3421 = arith.addf %add3A_3418, %select_n3A_3420 : vector<16xf32>
    %eq3A_3422 = arith.cmpf oeq, %select_n3A_3373, %min3A_3412 : vector<16xf32>
    %select_n3A_3423 = arith.select %eq3A_3422, %broadcast_in_dim3A_7, %broadcast_in_dim3A_5 : vector<16xi1>, vector<16xf32>
    %add3A_3424 = arith.addf %add3A_3421, %select_n3A_3423 : vector<16xf32>
    %eq3A_3425 = arith.cmpf oeq, %select_n3A_3375, %min3A_3412 : vector<16xf32>
    %select_n3A_3426 = arith.select %eq3A_3425, %broadcast_in_dim3A_7, %broadcast_in_dim3A_5 : vector<16xi1>, vector<16xf32>
    %add3A_3427 = arith.addf %add3A_3424, %select_n3A_3426 : vector<16xf32>
    %eq3A_3428 = arith.cmpf oeq, %select_n3A_3377, %min3A_3412 : vector<16xf32>
    %select_n3A_3429 = arith.select %eq3A_3428, %broadcast_in_dim3A_7, %broadcast_in_dim3A_5 : vector<16xi1>, vector<16xf32>
    %add3A_3430 = arith.addf %add3A_3427, %select_n3A_3429 : vector<16xf32>
    %eq3A_3431 = arith.cmpf oeq, %select_n3A_3379, %min3A_3412 : vector<16xf32>
    %select_n3A_3432 = arith.select %eq3A_3431, %broadcast_in_dim3A_7, %broadcast_in_dim3A_5 : vector<16xi1>, vector<16xf32>
    %add3A_3433 = arith.addf %add3A_3430, %select_n3A_3432 : vector<16xf32>
    %eq3A_3434 = arith.cmpf oeq, %select_n3A_3381, %min3A_3412 : vector<16xf32>
    %select_n3A_3435 = arith.select %eq3A_3434, %broadcast_in_dim3A_7, %broadcast_in_dim3A_5 : vector<16xi1>, vector<16xf32>
    %add3A_3436 = arith.addf %add3A_3433, %select_n3A_3435 : vector<16xf32>
    %eq3A_3437 = arith.cmpf oeq, %select_n3A_3383, %min3A_3412 : vector<16xf32>
    %select_n3A_3438 = arith.select %eq3A_3437, %broadcast_in_dim3A_7, %broadcast_in_dim3A_5 : vector<16xi1>, vector<16xf32>
    %add3A_3439 = arith.addf %add3A_3436, %select_n3A_3438 : vector<16xf32>
    %eq3A_3440 = arith.cmpf oeq, %select_n3A_3385, %min3A_3412 : vector<16xf32>
    %select_n3A_3441 = arith.select %eq3A_3440, %broadcast_in_dim3A_7, %broadcast_in_dim3A_5 : vector<16xi1>, vector<16xf32>
    %add3A_3442 = arith.addf %add3A_3439, %select_n3A_3441 : vector<16xf32>
    %eq3A_3443 = arith.cmpf oeq, %select_n3A_3387, %min3A_3412 : vector<16xf32>
    %select_n3A_3444 = arith.select %eq3A_3443, %broadcast_in_dim3A_7, %broadcast_in_dim3A_5 : vector<16xi1>, vector<16xf32>
    %add3A_3445 = arith.addf %add3A_3442, %select_n3A_3444 : vector<16xf32>
    %eq3A_3446 = arith.cmpf oeq, %select_n3A_3389, %min3A_3412 : vector<16xf32>
    %select_n3A_3447 = arith.select %eq3A_3446, %broadcast_in_dim3A_7, %broadcast_in_dim3A_5 : vector<16xi1>, vector<16xf32>
    %add3A_3448 = arith.addf %add3A_3445, %select_n3A_3447 : vector<16xf32>
    %eq3A_3449 = arith.cmpf oeq, %select_n3A_3391, %min3A_3412 : vector<16xf32>
    %select_n3A_3450 = arith.select %eq3A_3449, %broadcast_in_dim3A_7, %broadcast_in_dim3A_5 : vector<16xi1>, vector<16xf32>
    %add3A_3451 = arith.addf %add3A_3448, %select_n3A_3450 : vector<16xf32>
    %eq3A_3452 = arith.cmpf oeq, %select_n3A_3393, %min3A_3412 : vector<16xf32>
    %select_n3A_3453 = arith.select %eq3A_3452, %broadcast_in_dim3A_7, %broadcast_in_dim3A_5 : vector<16xi1>, vector<16xf32>
    %add3A_3454 = arith.addf %add3A_3451, %select_n3A_3453 : vector<16xf32>
    %eq3A_3455 = arith.cmpf oeq, %select_n3A_3395, %min3A_3412 : vector<16xf32>
    %select_n3A_3456 = arith.select %eq3A_3455, %broadcast_in_dim3A_7, %broadcast_in_dim3A_5 : vector<16xi1>, vector<16xf32>
    %add3A_3457 = arith.addf %add3A_3454, %select_n3A_3456 : vector<16xf32>
    %eq3A_3458 = arith.cmpf oeq, %select_n3A_3397, %min3A_3412 : vector<16xf32>
    %select_n3A_3459 = arith.select %eq3A_3458, %broadcast_in_dim3A_7, %broadcast_in_dim3A_5 : vector<16xi1>, vector<16xf32>
    %add3A_3460 = arith.addf %add3A_3457, %select_n3A_3459 : vector<16xf32>
    %min3A_3461 = arith.minimumf %add3A_3460, %sub3A_3365 : vector<16xf32>
    %gt3A_3462 = arith.constant 0.000000e+00 : f32
    %gt3A_3463 = vector.broadcast %gt3A_3462 : f32 to vector<16xf32>
    %gt3A_3464 = arith.cmpf ogt, %min3A_3461, %gt3A_3463 : vector<16xf32>
    %mul3A_3465 = arith.mulf %min3A_3461, %min3A_3412 : vector<16xf32>
    %select_n3A_3466 = arith.select %gt3A_3464, %mul3A_3465, %broadcast_in_dim3A_5 : vector<16xi1>, vector<16xf32>
    %add3A_3467 = arith.addf %add3A_3364, %select_n3A_3466 : vector<16xf32>
    %sub3A_3468 = arith.subf %sub3A_3365, %min3A_3461 : vector<16xf32>
    %eq3A_3469 = arith.cmpf oeq, %select_n3A_3367, %min3A_3412 : vector<16xf32>
    %select_n3A_3470 = arith.select %eq3A_3469, %broadcast_in_dim3A_3, %select_n3A_3367 : vector<16xi1>, vector<16xf32>
    %eq3A_3471 = arith.cmpf oeq, %select_n3A_3369, %min3A_3412 : vector<16xf32>
    %select_n3A_3472 = arith.select %eq3A_3471, %broadcast_in_dim3A_3, %select_n3A_3369 : vector<16xi1>, vector<16xf32>
    %eq3A_3473 = arith.cmpf oeq, %select_n3A_3371, %min3A_3412 : vector<16xf32>
    %select_n3A_3474 = arith.select %eq3A_3473, %broadcast_in_dim3A_3, %select_n3A_3371 : vector<16xi1>, vector<16xf32>
    %eq3A_3475 = arith.cmpf oeq, %select_n3A_3373, %min3A_3412 : vector<16xf32>
    %select_n3A_3476 = arith.select %eq3A_3475, %broadcast_in_dim3A_3, %select_n3A_3373 : vector<16xi1>, vector<16xf32>
    %eq3A_3477 = arith.cmpf oeq, %select_n3A_3375, %min3A_3412 : vector<16xf32>
    %select_n3A_3478 = arith.select %eq3A_3477, %broadcast_in_dim3A_3, %select_n3A_3375 : vector<16xi1>, vector<16xf32>
    %eq3A_3479 = arith.cmpf oeq, %select_n3A_3377, %min3A_3412 : vector<16xf32>
    %select_n3A_3480 = arith.select %eq3A_3479, %broadcast_in_dim3A_3, %select_n3A_3377 : vector<16xi1>, vector<16xf32>
    %eq3A_3481 = arith.cmpf oeq, %select_n3A_3379, %min3A_3412 : vector<16xf32>
    %select_n3A_3482 = arith.select %eq3A_3481, %broadcast_in_dim3A_3, %select_n3A_3379 : vector<16xi1>, vector<16xf32>
    %eq3A_3483 = arith.cmpf oeq, %select_n3A_3381, %min3A_3412 : vector<16xf32>
    %select_n3A_3484 = arith.select %eq3A_3483, %broadcast_in_dim3A_3, %select_n3A_3381 : vector<16xi1>, vector<16xf32>
    %eq3A_3485 = arith.cmpf oeq, %select_n3A_3383, %min3A_3412 : vector<16xf32>
    %select_n3A_3486 = arith.select %eq3A_3485, %broadcast_in_dim3A_3, %select_n3A_3383 : vector<16xi1>, vector<16xf32>
    %eq3A_3487 = arith.cmpf oeq, %select_n3A_3385, %min3A_3412 : vector<16xf32>
    %select_n3A_3488 = arith.select %eq3A_3487, %broadcast_in_dim3A_3, %select_n3A_3385 : vector<16xi1>, vector<16xf32>
    %eq3A_3489 = arith.cmpf oeq, %select_n3A_3387, %min3A_3412 : vector<16xf32>
    %select_n3A_3490 = arith.select %eq3A_3489, %broadcast_in_dim3A_3, %select_n3A_3387 : vector<16xi1>, vector<16xf32>
    %eq3A_3491 = arith.cmpf oeq, %select_n3A_3389, %min3A_3412 : vector<16xf32>
    %select_n3A_3492 = arith.select %eq3A_3491, %broadcast_in_dim3A_3, %select_n3A_3389 : vector<16xi1>, vector<16xf32>
    %eq3A_3493 = arith.cmpf oeq, %select_n3A_3391, %min3A_3412 : vector<16xf32>
    %select_n3A_3494 = arith.select %eq3A_3493, %broadcast_in_dim3A_3, %select_n3A_3391 : vector<16xi1>, vector<16xf32>
    %eq3A_3495 = arith.cmpf oeq, %select_n3A_3393, %min3A_3412 : vector<16xf32>
    %select_n3A_3496 = arith.select %eq3A_3495, %broadcast_in_dim3A_3, %select_n3A_3393 : vector<16xi1>, vector<16xf32>
    %eq3A_3497 = arith.cmpf oeq, %select_n3A_3395, %min3A_3412 : vector<16xf32>
    %select_n3A_3498 = arith.select %eq3A_3497, %broadcast_in_dim3A_3, %select_n3A_3395 : vector<16xi1>, vector<16xf32>
    %eq3A_3499 = arith.cmpf oeq, %select_n3A_3397, %min3A_3412 : vector<16xf32>
    %select_n3A_3500 = arith.select %eq3A_3499, %broadcast_in_dim3A_3, %select_n3A_3397 : vector<16xi1>, vector<16xf32>
    %mul3A_3501 = arith.constant 2.500000e-01 : f32
    %mul3A_3502 = vector.broadcast %mul3A_3501 : f32 to vector<16xf32>
    %mul3A_3503 = arith.mulf %add3A_3467, %mul3A_3502 : vector<16xf32>
    %swap3A_3504 = arith.constant 96 : index
    %swap3A_3505 = tpu.vector_load %arg5[%swap3A_3504] {strides = array<i32>} : memref<128xf32, #tpu.memory_space<vmem>>, vector<16xf32>,
    %swap3A_3506 = vector.shape_cast %swap3A_3505 : vector<16xf32> to vector<16xf32>
    %swap3A_3507 = vector.shape_cast %mul3A_3503 : vector<16xf32> to vector<16xf32>
    tpu.vector_store %arg5[%swap3A_3504], %swap3A_3507 {strides = array<i32>} : memref<128xf32, #tpu.memory_space<vmem>>, vector<16xf32>,
    %get3A_3508 = arith.constant 0 : i32
    %get3A_3509 = arith.index_cast %get3A_3508 : i32 to index
    %get3A_3510 = arith.constant 112 : index
    %get3A_3511 = tpu.vector_load %arg4[%get3A_3509, %get3A_3510] {strides = array<i32>} : memref<16x128xf32, #tpu.memory_space<vmem>>, vector<1x16xf32>,
    %get3A_3512 = vector.shape_cast %get3A_3511 : vector<1x16xf32> to vector<16xf32>
    %get3A_3513 = arith.constant 1 : i32
    %get3A_3514 = arith.index_cast %get3A_3513 : i32 to index
    %get3A_3515 = arith.constant 112 : index
    %get3A_3516 = tpu.vector_load %arg4[%get3A_3514, %get3A_3515] {strides = array<i32>} : memref<16x128xf32, #tpu.memory_space<vmem>>, vector<1x16xf32>,
    %get3A_3517 = vector.shape_cast %get3A_3516 : vector<1x16xf32> to vector<16xf32>
    %get3A_3518 = arith.constant 2 : i32
    %get3A_3519 = arith.index_cast %get3A_3518 : i32 to index
    %get3A_3520 = arith.constant 112 : index
    %get3A_3521 = tpu.vector_load %arg4[%get3A_3519, %get3A_3520] {strides = array<i32>} : memref<16x128xf32, #tpu.memory_space<vmem>>, vector<1x16xf32>,
    %get3A_3522 = vector.shape_cast %get3A_3521 : vector<1x16xf32> to vector<16xf32>
    %get3A_3523 = arith.constant 3 : i32
    %get3A_3524 = arith.index_cast %get3A_3523 : i32 to index
    %get3A_3525 = arith.constant 112 : index
    %get3A_3526 = tpu.vector_load %arg4[%get3A_3524, %get3A_3525] {strides = array<i32>} : memref<16x128xf32, #tpu.memory_space<vmem>>, vector<1x16xf32>,
    %get3A_3527 = vector.shape_cast %get3A_3526 : vector<1x16xf32> to vector<16xf32>
    %get3A_3528 = arith.constant 4 : i32
    %get3A_3529 = arith.index_cast %get3A_3528 : i32 to index
    %get3A_3530 = arith.constant 112 : index
    %get3A_3531 = tpu.vector_load %arg4[%get3A_3529, %get3A_3530] {strides = array<i32>} : memref<16x128xf32, #tpu.memory_space<vmem>>, vector<1x16xf32>,
    %get3A_3532 = vector.shape_cast %get3A_3531 : vector<1x16xf32> to vector<16xf32>
    %get3A_3533 = arith.constant 5 : i32
    %get3A_3534 = arith.index_cast %get3A_3533 : i32 to index
    %get3A_3535 = arith.constant 112 : index
    %get3A_3536 = tpu.vector_load %arg4[%get3A_3534, %get3A_3535] {strides = array<i32>} : memref<16x128xf32, #tpu.memory_space<vmem>>, vector<1x16xf32>,
    %get3A_3537 = vector.shape_cast %get3A_3536 : vector<1x16xf32> to vector<16xf32>
    %get3A_3538 = arith.constant 6 : i32
    %get3A_3539 = arith.index_cast %get3A_3538 : i32 to index
    %get3A_3540 = arith.constant 112 : index
    %get3A_3541 = tpu.vector_load %arg4[%get3A_3539, %get3A_3540] {strides = array<i32>} : memref<16x128xf32, #tpu.memory_space<vmem>>, vector<1x16xf32>,
    %get3A_3542 = vector.shape_cast %get3A_3541 : vector<1x16xf32> to vector<16xf32>
    %get3A_3543 = arith.constant 7 : i32
    %get3A_3544 = arith.index_cast %get3A_3543 : i32 to index
    %get3A_3545 = arith.constant 112 : index
    %get3A_3546 = tpu.vector_load %arg4[%get3A_3544, %get3A_3545] {strides = array<i32>} : memref<16x128xf32, #tpu.memory_space<vmem>>, vector<1x16xf32>,
    %get3A_3547 = vector.shape_cast %get3A_3546 : vector<1x16xf32> to vector<16xf32>
    %get3A_3548 = arith.constant 8 : i32
    %get3A_3549 = arith.index_cast %get3A_3548 : i32 to index
    %get3A_3550 = arith.constant 112 : index
    %get3A_3551 = tpu.vector_load %arg4[%get3A_3549, %get3A_3550] {strides = array<i32>} : memref<16x128xf32, #tpu.memory_space<vmem>>, vector<1x16xf32>,
    %get3A_3552 = vector.shape_cast %get3A_3551 : vector<1x16xf32> to vector<16xf32>
    %get3A_3553 = arith.constant 9 : i32
    %get3A_3554 = arith.index_cast %get3A_3553 : i32 to index
    %get3A_3555 = arith.constant 112 : index
    %get3A_3556 = tpu.vector_load %arg4[%get3A_3554, %get3A_3555] {strides = array<i32>} : memref<16x128xf32, #tpu.memory_space<vmem>>, vector<1x16xf32>,
    %get3A_3557 = vector.shape_cast %get3A_3556 : vector<1x16xf32> to vector<16xf32>
    %get3A_3558 = arith.constant 10 : i32
    %get3A_3559 = arith.index_cast %get3A_3558 : i32 to index
    %get3A_3560 = arith.constant 112 : index
    %get3A_3561 = tpu.vector_load %arg4[%get3A_3559, %get3A_3560] {strides = array<i32>} : memref<16x128xf32, #tpu.memory_space<vmem>>, vector<1x16xf32>,
    %get3A_3562 = vector.shape_cast %get3A_3561 : vector<1x16xf32> to vector<16xf32>
    %get3A_3563 = arith.constant 11 : i32
    %get3A_3564 = arith.index_cast %get3A_3563 : i32 to index
    %get3A_3565 = arith.constant 112 : index
    %get3A_3566 = tpu.vector_load %arg4[%get3A_3564, %get3A_3565] {strides = array<i32>} : memref<16x128xf32, #tpu.memory_space<vmem>>, vector<1x16xf32>,
    %get3A_3567 = vector.shape_cast %get3A_3566 : vector<1x16xf32> to vector<16xf32>
    %get3A_3568 = arith.constant 12 : i32
    %get3A_3569 = arith.index_cast %get3A_3568 : i32 to index
    %get3A_3570 = arith.constant 112 : index
    %get3A_3571 = tpu.vector_load %arg4[%get3A_3569, %get3A_3570] {strides = array<i32>} : memref<16x128xf32, #tpu.memory_space<vmem>>, vector<1x16xf32>,
    %get3A_3572 = vector.shape_cast %get3A_3571 : vector<1x16xf32> to vector<16xf32>
    %get3A_3573 = arith.constant 13 : i32
    %get3A_3574 = arith.index_cast %get3A_3573 : i32 to index
    %get3A_3575 = arith.constant 112 : index
    %get3A_3576 = tpu.vector_load %arg4[%get3A_3574, %get3A_3575] {strides = array<i32>} : memref<16x128xf32, #tpu.memory_space<vmem>>, vector<1x16xf32>,
    %get3A_3577 = vector.shape_cast %get3A_3576 : vector<1x16xf32> to vector<16xf32>
    %get3A_3578 = arith.constant 14 : i32
    %get3A_3579 = arith.index_cast %get3A_3578 : i32 to index
    %get3A_3580 = arith.constant 112 : index
    %get3A_3581 = tpu.vector_load %arg4[%get3A_3579, %get3A_3580] {strides = array<i32>} : memref<16x128xf32, #tpu.memory_space<vmem>>, vector<1x16xf32>,
    %get3A_3582 = vector.shape_cast %get3A_3581 : vector<1x16xf32> to vector<16xf32>
    %get3A_3583 = arith.constant 15 : i32
    %get3A_3584 = arith.index_cast %get3A_3583 : i32 to index
    %get3A_3585 = arith.constant 112 : index
    %get3A_3586 = tpu.vector_load %arg4[%get3A_3584, %get3A_3585] {strides = array<i32>} : memref<16x128xf32, #tpu.memory_space<vmem>>, vector<1x16xf32>,
    %get3A_3587 = vector.shape_cast %get3A_3586 : vector<1x16xf32> to vector<16xf32>
    %broadcast_in_dim3A_3588 = arith.constant 4.000000e+00 : f32
    %broadcast_in_dim3A_3589 = vector.broadcast %broadcast_in_dim3A_3588 : f32 to vector<16xf32>
    %min3A_3590 = arith.minimumf %get3A_3512, %get3A_3517 : vector<16xf32>
    %min3A_3591 = arith.minimumf %min3A_3590, %get3A_3522 : vector<16xf32>
    %min3A_3592 = arith.minimumf %min3A_3591, %get3A_3527 : vector<16xf32>
    %min3A_3593 = arith.minimumf %min3A_3592, %get3A_3532 : vector<16xf32>
    %min3A_3594 = arith.minimumf %min3A_3593, %get3A_3537 : vector<16xf32>
    %min3A_3595 = arith.minimumf %min3A_3594, %get3A_3542 : vector<16xf32>
    %min3A_3596 = arith.minimumf %min3A_3595, %get3A_3547 : vector<16xf32>
    %min3A_3597 = arith.minimumf %min3A_3596, %get3A_3552 : vector<16xf32>
    %min3A_3598 = arith.minimumf %min3A_3597, %get3A_3557 : vector<16xf32>
    %min3A_3599 = arith.minimumf %min3A_3598, %get3A_3562 : vector<16xf32>
    %min3A_3600 = arith.minimumf %min3A_3599, %get3A_3567 : vector<16xf32>
    %min3A_3601 = arith.minimumf %min3A_3600, %get3A_3572 : vector<16xf32>
    %min3A_3602 = arith.minimumf %min3A_3601, %get3A_3577 : vector<16xf32>
    %min3A_3603 = arith.minimumf %min3A_3602, %get3A_3582 : vector<16xf32>
    %min3A_3604 = arith.minimumf %min3A_3603, %get3A_3587 : vector<16xf32>
    %eq3A_3605 = arith.cmpf oeq, %get3A_3512, %min3A_3604 : vector<16xf32>
    %select_n3A_3606 = arith.select %eq3A_3605, %broadcast_in_dim3A_7, %broadcast_in_dim3A_5 : vector<16xi1>, vector<16xf32>
    %add3A_3607 = arith.addf %broadcast_in_dim3A_5, %select_n3A_3606 : vector<16xf32>
    %eq3A_3608 = arith.cmpf oeq, %get3A_3517, %min3A_3604 : vector<16xf32>
    %select_n3A_3609 = arith.select %eq3A_3608, %broadcast_in_dim3A_7, %broadcast_in_dim3A_5 : vector<16xi1>, vector<16xf32>
    %add3A_3610 = arith.addf %add3A_3607, %select_n3A_3609 : vector<16xf32>
    %eq3A_3611 = arith.cmpf oeq, %get3A_3522, %min3A_3604 : vector<16xf32>
    %select_n3A_3612 = arith.select %eq3A_3611, %broadcast_in_dim3A_7, %broadcast_in_dim3A_5 : vector<16xi1>, vector<16xf32>
    %add3A_3613 = arith.addf %add3A_3610, %select_n3A_3612 : vector<16xf32>
    %eq3A_3614 = arith.cmpf oeq, %get3A_3527, %min3A_3604 : vector<16xf32>
    %select_n3A_3615 = arith.select %eq3A_3614, %broadcast_in_dim3A_7, %broadcast_in_dim3A_5 : vector<16xi1>, vector<16xf32>
    %add3A_3616 = arith.addf %add3A_3613, %select_n3A_3615 : vector<16xf32>
    %eq3A_3617 = arith.cmpf oeq, %get3A_3532, %min3A_3604 : vector<16xf32>
    %select_n3A_3618 = arith.select %eq3A_3617, %broadcast_in_dim3A_7, %broadcast_in_dim3A_5 : vector<16xi1>, vector<16xf32>
    %add3A_3619 = arith.addf %add3A_3616, %select_n3A_3618 : vector<16xf32>
    %eq3A_3620 = arith.cmpf oeq, %get3A_3537, %min3A_3604 : vector<16xf32>
    %select_n3A_3621 = arith.select %eq3A_3620, %broadcast_in_dim3A_7, %broadcast_in_dim3A_5 : vector<16xi1>, vector<16xf32>
    %add3A_3622 = arith.addf %add3A_3619, %select_n3A_3621 : vector<16xf32>
    %eq3A_3623 = arith.cmpf oeq, %get3A_3542, %min3A_3604 : vector<16xf32>
    %select_n3A_3624 = arith.select %eq3A_3623, %broadcast_in_dim3A_7, %broadcast_in_dim3A_5 : vector<16xi1>, vector<16xf32>
    %add3A_3625 = arith.addf %add3A_3622, %select_n3A_3624 : vector<16xf32>
    %eq3A_3626 = arith.cmpf oeq, %get3A_3547, %min3A_3604 : vector<16xf32>
    %select_n3A_3627 = arith.select %eq3A_3626, %broadcast_in_dim3A_7, %broadcast_in_dim3A_5 : vector<16xi1>, vector<16xf32>
    %add3A_3628 = arith.addf %add3A_3625, %select_n3A_3627 : vector<16xf32>
    %eq3A_3629 = arith.cmpf oeq, %get3A_3552, %min3A_3604 : vector<16xf32>
    %select_n3A_3630 = arith.select %eq3A_3629, %broadcast_in_dim3A_7, %broadcast_in_dim3A_5 : vector<16xi1>, vector<16xf32>
    %add3A_3631 = arith.addf %add3A_3628, %select_n3A_3630 : vector<16xf32>
    %eq3A_3632 = arith.cmpf oeq, %get3A_3557, %min3A_3604 : vector<16xf32>
    %select_n3A_3633 = arith.select %eq3A_3632, %broadcast_in_dim3A_7, %broadcast_in_dim3A_5 : vector<16xi1>, vector<16xf32>
    %add3A_3634 = arith.addf %add3A_3631, %select_n3A_3633 : vector<16xf32>
    %eq3A_3635 = arith.cmpf oeq, %get3A_3562, %min3A_3604 : vector<16xf32>
    %select_n3A_3636 = arith.select %eq3A_3635, %broadcast_in_dim3A_7, %broadcast_in_dim3A_5 : vector<16xi1>, vector<16xf32>
    %add3A_3637 = arith.addf %add3A_3634, %select_n3A_3636 : vector<16xf32>
    %eq3A_3638 = arith.cmpf oeq, %get3A_3567, %min3A_3604 : vector<16xf32>
    %select_n3A_3639 = arith.select %eq3A_3638, %broadcast_in_dim3A_7, %broadcast_in_dim3A_5 : vector<16xi1>, vector<16xf32>
    %add3A_3640 = arith.addf %add3A_3637, %select_n3A_3639 : vector<16xf32>
    %eq3A_3641 = arith.cmpf oeq, %get3A_3572, %min3A_3604 : vector<16xf32>
    %select_n3A_3642 = arith.select %eq3A_3641, %broadcast_in_dim3A_7, %broadcast_in_dim3A_5 : vector<16xi1>, vector<16xf32>
    %add3A_3643 = arith.addf %add3A_3640, %select_n3A_3642 : vector<16xf32>
    %eq3A_3644 = arith.cmpf oeq, %get3A_3577, %min3A_3604 : vector<16xf32>
    %select_n3A_3645 = arith.select %eq3A_3644, %broadcast_in_dim3A_7, %broadcast_in_dim3A_5 : vector<16xi1>, vector<16xf32>
    %add3A_3646 = arith.addf %add3A_3643, %select_n3A_3645 : vector<16xf32>
    %eq3A_3647 = arith.cmpf oeq, %get3A_3582, %min3A_3604 : vector<16xf32>
    %select_n3A_3648 = arith.select %eq3A_3647, %broadcast_in_dim3A_7, %broadcast_in_dim3A_5 : vector<16xi1>, vector<16xf32>
    %add3A_3649 = arith.addf %add3A_3646, %select_n3A_3648 : vector<16xf32>
    %eq3A_3650 = arith.cmpf oeq, %get3A_3587, %min3A_3604 : vector<16xf32>
    %select_n3A_3651 = arith.select %eq3A_3650, %broadcast_in_dim3A_7, %broadcast_in_dim3A_5 : vector<16xi1>, vector<16xf32>
    %add3A_3652 = arith.addf %add3A_3649, %select_n3A_3651 : vector<16xf32>
    %min3A_3653 = arith.minimumf %add3A_3652, %broadcast_in_dim3A_3589 : vector<16xf32>
    %gt3A_3654 = arith.constant 0.000000e+00 : f32
    %gt3A_3655 = vector.broadcast %gt3A_3654 : f32 to vector<16xf32>
    %gt3A_3656 = arith.cmpf ogt, %min3A_3653, %gt3A_3655 : vector<16xf32>
    %mul3A_3657 = arith.mulf %min3A_3653, %min3A_3604 : vector<16xf32>
    %select_n3A_3658 = arith.select %gt3A_3656, %mul3A_3657, %broadcast_in_dim3A_5 : vector<16xi1>, vector<16xf32>
    %add3A_3659 = arith.addf %broadcast_in_dim3A_5, %select_n3A_3658 : vector<16xf32>
    %sub3A_3660 = arith.subf %broadcast_in_dim3A_3589, %min3A_3653 : vector<16xf32>
    %eq3A_3661 = arith.cmpf oeq, %get3A_3512, %min3A_3604 : vector<16xf32>
    %select_n3A_3662 = arith.select %eq3A_3661, %broadcast_in_dim3A_3, %get3A_3512 : vector<16xi1>, vector<16xf32>
    %eq3A_3663 = arith.cmpf oeq, %get3A_3517, %min3A_3604 : vector<16xf32>
    %select_n3A_3664 = arith.select %eq3A_3663, %broadcast_in_dim3A_3, %get3A_3517 : vector<16xi1>, vector<16xf32>
    %eq3A_3665 = arith.cmpf oeq, %get3A_3522, %min3A_3604 : vector<16xf32>
    %select_n3A_3666 = arith.select %eq3A_3665, %broadcast_in_dim3A_3, %get3A_3522 : vector<16xi1>, vector<16xf32>
    %eq3A_3667 = arith.cmpf oeq, %get3A_3527, %min3A_3604 : vector<16xf32>
    %select_n3A_3668 = arith.select %eq3A_3667, %broadcast_in_dim3A_3, %get3A_3527 : vector<16xi1>, vector<16xf32>
    %eq3A_3669 = arith.cmpf oeq, %get3A_3532, %min3A_3604 : vector<16xf32>
    %select_n3A_3670 = arith.select %eq3A_3669, %broadcast_in_dim3A_3, %get3A_3532 : vector<16xi1>, vector<16xf32>
    %eq3A_3671 = arith.cmpf oeq, %get3A_3537, %min3A_3604 : vector<16xf32>
    %select_n3A_3672 = arith.select %eq3A_3671, %broadcast_in_dim3A_3, %get3A_3537 : vector<16xi1>, vector<16xf32>
    %eq3A_3673 = arith.cmpf oeq, %get3A_3542, %min3A_3604 : vector<16xf32>
    %select_n3A_3674 = arith.select %eq3A_3673, %broadcast_in_dim3A_3, %get3A_3542 : vector<16xi1>, vector<16xf32>
    %eq3A_3675 = arith.cmpf oeq, %get3A_3547, %min3A_3604 : vector<16xf32>
    %select_n3A_3676 = arith.select %eq3A_3675, %broadcast_in_dim3A_3, %get3A_3547 : vector<16xi1>, vector<16xf32>
    %eq3A_3677 = arith.cmpf oeq, %get3A_3552, %min3A_3604 : vector<16xf32>
    %select_n3A_3678 = arith.select %eq3A_3677, %broadcast_in_dim3A_3, %get3A_3552 : vector<16xi1>, vector<16xf32>
    %eq3A_3679 = arith.cmpf oeq, %get3A_3557, %min3A_3604 : vector<16xf32>
    %select_n3A_3680 = arith.select %eq3A_3679, %broadcast_in_dim3A_3, %get3A_3557 : vector<16xi1>, vector<16xf32>
    %eq3A_3681 = arith.cmpf oeq, %get3A_3562, %min3A_3604 : vector<16xf32>
    %select_n3A_3682 = arith.select %eq3A_3681, %broadcast_in_dim3A_3, %get3A_3562 : vector<16xi1>, vector<16xf32>
    %eq3A_3683 = arith.cmpf oeq, %get3A_3567, %min3A_3604 : vector<16xf32>
    %select_n3A_3684 = arith.select %eq3A_3683, %broadcast_in_dim3A_3, %get3A_3567 : vector<16xi1>, vector<16xf32>
    %eq3A_3685 = arith.cmpf oeq, %get3A_3572, %min3A_3604 : vector<16xf32>
    %select_n3A_3686 = arith.select %eq3A_3685, %broadcast_in_dim3A_3, %get3A_3572 : vector<16xi1>, vector<16xf32>
    %eq3A_3687 = arith.cmpf oeq, %get3A_3577, %min3A_3604 : vector<16xf32>
    %select_n3A_3688 = arith.select %eq3A_3687, %broadcast_in_dim3A_3, %get3A_3577 : vector<16xi1>, vector<16xf32>
    %eq3A_3689 = arith.cmpf oeq, %get3A_3582, %min3A_3604 : vector<16xf32>
    %select_n3A_3690 = arith.select %eq3A_3689, %broadcast_in_dim3A_3, %get3A_3582 : vector<16xi1>, vector<16xf32>
    %eq3A_3691 = arith.cmpf oeq, %get3A_3587, %min3A_3604 : vector<16xf32>
    %select_n3A_3692 = arith.select %eq3A_3691, %broadcast_in_dim3A_3, %get3A_3587 : vector<16xi1>, vector<16xf32>
    %min3A_3693 = arith.minimumf %select_n3A_3662, %select_n3A_3664 : vector<16xf32>
    %min3A_3694 = arith.minimumf %min3A_3693, %select_n3A_3666 : vector<16xf32>
    %min3A_3695 = arith.minimumf %min3A_3694, %select_n3A_3668 : vector<16xf32>
    %min3A_3696 = arith.minimumf %min3A_3695, %select_n3A_3670 : vector<16xf32>
    %min3A_3697 = arith.minimumf %min3A_3696, %select_n3A_3672 : vector<16xf32>
    %min3A_3698 = arith.minimumf %min3A_3697, %select_n3A_3674 : vector<16xf32>
    %min3A_3699 = arith.minimumf %min3A_3698, %select_n3A_3676 : vector<16xf32>
    %min3A_3700 = arith.minimumf %min3A_3699, %select_n3A_3678 : vector<16xf32>
    %min3A_3701 = arith.minimumf %min3A_3700, %select_n3A_3680 : vector<16xf32>
    %min3A_3702 = arith.minimumf %min3A_3701, %select_n3A_3682 : vector<16xf32>
    %min3A_3703 = arith.minimumf %min3A_3702, %select_n3A_3684 : vector<16xf32>
    %min3A_3704 = arith.minimumf %min3A_3703, %select_n3A_3686 : vector<16xf32>
    %min3A_3705 = arith.minimumf %min3A_3704, %select_n3A_3688 : vector<16xf32>
    %min3A_3706 = arith.minimumf %min3A_3705, %select_n3A_3690 : vector<16xf32>
    %min3A_3707 = arith.minimumf %min3A_3706, %select_n3A_3692 : vector<16xf32>
    %eq3A_3708 = arith.cmpf oeq, %select_n3A_3662, %min3A_3707 : vector<16xf32>
    %select_n3A_3709 = arith.select %eq3A_3708, %broadcast_in_dim3A_7, %broadcast_in_dim3A_5 : vector<16xi1>, vector<16xf32>
    %add3A_3710 = arith.addf %broadcast_in_dim3A_5, %select_n3A_3709 : vector<16xf32>
    %eq3A_3711 = arith.cmpf oeq, %select_n3A_3664, %min3A_3707 : vector<16xf32>
    %select_n3A_3712 = arith.select %eq3A_3711, %broadcast_in_dim3A_7, %broadcast_in_dim3A_5 : vector<16xi1>, vector<16xf32>
    %add3A_3713 = arith.addf %add3A_3710, %select_n3A_3712 : vector<16xf32>
    %eq3A_3714 = arith.cmpf oeq, %select_n3A_3666, %min3A_3707 : vector<16xf32>
    %select_n3A_3715 = arith.select %eq3A_3714, %broadcast_in_dim3A_7, %broadcast_in_dim3A_5 : vector<16xi1>, vector<16xf32>
    %add3A_3716 = arith.addf %add3A_3713, %select_n3A_3715 : vector<16xf32>
    %eq3A_3717 = arith.cmpf oeq, %select_n3A_3668, %min3A_3707 : vector<16xf32>
    %select_n3A_3718 = arith.select %eq3A_3717, %broadcast_in_dim3A_7, %broadcast_in_dim3A_5 : vector<16xi1>, vector<16xf32>
    %add3A_3719 = arith.addf %add3A_3716, %select_n3A_3718 : vector<16xf32>
    %eq3A_3720 = arith.cmpf oeq, %select_n3A_3670, %min3A_3707 : vector<16xf32>
    %select_n3A_3721 = arith.select %eq3A_3720, %broadcast_in_dim3A_7, %broadcast_in_dim3A_5 : vector<16xi1>, vector<16xf32>
    %add3A_3722 = arith.addf %add3A_3719, %select_n3A_3721 : vector<16xf32>
    %eq3A_3723 = arith.cmpf oeq, %select_n3A_3672, %min3A_3707 : vector<16xf32>
    %select_n3A_3724 = arith.select %eq3A_3723, %broadcast_in_dim3A_7, %broadcast_in_dim3A_5 : vector<16xi1>, vector<16xf32>
    %add3A_3725 = arith.addf %add3A_3722, %select_n3A_3724 : vector<16xf32>
    %eq3A_3726 = arith.cmpf oeq, %select_n3A_3674, %min3A_3707 : vector<16xf32>
    %select_n3A_3727 = arith.select %eq3A_3726, %broadcast_in_dim3A_7, %broadcast_in_dim3A_5 : vector<16xi1>, vector<16xf32>
    %add3A_3728 = arith.addf %add3A_3725, %select_n3A_3727 : vector<16xf32>
    %eq3A_3729 = arith.cmpf oeq, %select_n3A_3676, %min3A_3707 : vector<16xf32>
    %select_n3A_3730 = arith.select %eq3A_3729, %broadcast_in_dim3A_7, %broadcast_in_dim3A_5 : vector<16xi1>, vector<16xf32>
    %add3A_3731 = arith.addf %add3A_3728, %select_n3A_3730 : vector<16xf32>
    %eq3A_3732 = arith.cmpf oeq, %select_n3A_3678, %min3A_3707 : vector<16xf32>
    %select_n3A_3733 = arith.select %eq3A_3732, %broadcast_in_dim3A_7, %broadcast_in_dim3A_5 : vector<16xi1>, vector<16xf32>
    %add3A_3734 = arith.addf %add3A_3731, %select_n3A_3733 : vector<16xf32>
    %eq3A_3735 = arith.cmpf oeq, %select_n3A_3680, %min3A_3707 : vector<16xf32>
    %select_n3A_3736 = arith.select %eq3A_3735, %broadcast_in_dim3A_7, %broadcast_in_dim3A_5 : vector<16xi1>, vector<16xf32>
    %add3A_3737 = arith.addf %add3A_3734, %select_n3A_3736 : vector<16xf32>
    %eq3A_3738 = arith.cmpf oeq, %select_n3A_3682, %min3A_3707 : vector<16xf32>
    %select_n3A_3739 = arith.select %eq3A_3738, %broadcast_in_dim3A_7, %broadcast_in_dim3A_5 : vector<16xi1>, vector<16xf32>
    %add3A_3740 = arith.addf %add3A_3737, %select_n3A_3739 : vector<16xf32>
    %eq3A_3741 = arith.cmpf oeq, %select_n3A_3684, %min3A_3707 : vector<16xf32>
    %select_n3A_3742 = arith.select %eq3A_3741, %broadcast_in_dim3A_7, %broadcast_in_dim3A_5 : vector<16xi1>, vector<16xf32>
    %add3A_3743 = arith.addf %add3A_3740, %select_n3A_3742 : vector<16xf32>
    %eq3A_3744 = arith.cmpf oeq, %select_n3A_3686, %min3A_3707 : vector<16xf32>
    %select_n3A_3745 = arith.select %eq3A_3744, %broadcast_in_dim3A_7, %broadcast_in_dim3A_5 : vector<16xi1>, vector<16xf32>
    %add3A_3746 = arith.addf %add3A_3743, %select_n3A_3745 : vector<16xf32>
    %eq3A_3747 = arith.cmpf oeq, %select_n3A_3688, %min3A_3707 : vector<16xf32>
    %select_n3A_3748 = arith.select %eq3A_3747, %broadcast_in_dim3A_7, %broadcast_in_dim3A_5 : vector<16xi1>, vector<16xf32>
    %add3A_3749 = arith.addf %add3A_3746, %select_n3A_3748 : vector<16xf32>
    %eq3A_3750 = arith.cmpf oeq, %select_n3A_3690, %min3A_3707 : vector<16xf32>
    %select_n3A_3751 = arith.select %eq3A_3750, %broadcast_in_dim3A_7, %broadcast_in_dim3A_5 : vector<16xi1>, vector<16xf32>
    %add3A_3752 = arith.addf %add3A_3749, %select_n3A_3751 : vector<16xf32>
    %eq3A_3753 = arith.cmpf oeq, %select_n3A_3692, %min3A_3707 : vector<16xf32>
    %select_n3A_3754 = arith.select %eq3A_3753, %broadcast_in_dim3A_7, %broadcast_in_dim3A_5 : vector<16xi1>, vector<16xf32>
    %add3A_3755 = arith.addf %add3A_3752, %select_n3A_3754 : vector<16xf32>
    %min3A_3756 = arith.minimumf %add3A_3755, %sub3A_3660 : vector<16xf32>
    %gt3A_3757 = arith.constant 0.000000e+00 : f32
    %gt3A_3758 = vector.broadcast %gt3A_3757 : f32 to vector<16xf32>
    %gt3A_3759 = arith.cmpf ogt, %min3A_3756, %gt3A_3758 : vector<16xf32>
    %mul3A_3760 = arith.mulf %min3A_3756, %min3A_3707 : vector<16xf32>
    %select_n3A_3761 = arith.select %gt3A_3759, %mul3A_3760, %broadcast_in_dim3A_5 : vector<16xi1>, vector<16xf32>
    %add3A_3762 = arith.addf %add3A_3659, %select_n3A_3761 : vector<16xf32>
    %sub3A_3763 = arith.subf %sub3A_3660, %min3A_3756 : vector<16xf32>
    %eq3A_3764 = arith.cmpf oeq, %select_n3A_3662, %min3A_3707 : vector<16xf32>
    %select_n3A_3765 = arith.select %eq3A_3764, %broadcast_in_dim3A_3, %select_n3A_3662 : vector<16xi1>, vector<16xf32>
    %eq3A_3766 = arith.cmpf oeq, %select_n3A_3664, %min3A_3707 : vector<16xf32>
    %select_n3A_3767 = arith.select %eq3A_3766, %broadcast_in_dim3A_3, %select_n3A_3664 : vector<16xi1>, vector<16xf32>
    %eq3A_3768 = arith.cmpf oeq, %select_n3A_3666, %min3A_3707 : vector<16xf32>
    %select_n3A_3769 = arith.select %eq3A_3768, %broadcast_in_dim3A_3, %select_n3A_3666 : vector<16xi1>, vector<16xf32>
    %eq3A_3770 = arith.cmpf oeq, %select_n3A_3668, %min3A_3707 : vector<16xf32>
    %select_n3A_3771 = arith.select %eq3A_3770, %broadcast_in_dim3A_3, %select_n3A_3668 : vector<16xi1>, vector<16xf32>
    %eq3A_3772 = arith.cmpf oeq, %select_n3A_3670, %min3A_3707 : vector<16xf32>
    %select_n3A_3773 = arith.select %eq3A_3772, %broadcast_in_dim3A_3, %select_n3A_3670 : vector<16xi1>, vector<16xf32>
    %eq3A_3774 = arith.cmpf oeq, %select_n3A_3672, %min3A_3707 : vector<16xf32>
    %select_n3A_3775 = arith.select %eq3A_3774, %broadcast_in_dim3A_3, %select_n3A_3672 : vector<16xi1>, vector<16xf32>
    %eq3A_3776 = arith.cmpf oeq, %select_n3A_3674, %min3A_3707 : vector<16xf32>
    %select_n3A_3777 = arith.select %eq3A_3776, %broadcast_in_dim3A_3, %select_n3A_3674 : vector<16xi1>, vector<16xf32>
    %eq3A_3778 = arith.cmpf oeq, %select_n3A_3676, %min3A_3707 : vector<16xf32>
    %select_n3A_3779 = arith.select %eq3A_3778, %broadcast_in_dim3A_3, %select_n3A_3676 : vector<16xi1>, vector<16xf32>
    %eq3A_3780 = arith.cmpf oeq, %select_n3A_3678, %min3A_3707 : vector<16xf32>
    %select_n3A_3781 = arith.select %eq3A_3780, %broadcast_in_dim3A_3, %select_n3A_3678 : vector<16xi1>, vector<16xf32>
    %eq3A_3782 = arith.cmpf oeq, %select_n3A_3680, %min3A_3707 : vector<16xf32>
    %select_n3A_3783 = arith.select %eq3A_3782, %broadcast_in_dim3A_3, %select_n3A_3680 : vector<16xi1>, vector<16xf32>
    %eq3A_3784 = arith.cmpf oeq, %select_n3A_3682, %min3A_3707 : vector<16xf32>
    %select_n3A_3785 = arith.select %eq3A_3784, %broadcast_in_dim3A_3, %select_n3A_3682 : vector<16xi1>, vector<16xf32>
    %eq3A_3786 = arith.cmpf oeq, %select_n3A_3684, %min3A_3707 : vector<16xf32>
    %select_n3A_3787 = arith.select %eq3A_3786, %broadcast_in_dim3A_3, %select_n3A_3684 : vector<16xi1>, vector<16xf32>
    %eq3A_3788 = arith.cmpf oeq, %select_n3A_3686, %min3A_3707 : vector<16xf32>
    %select_n3A_3789 = arith.select %eq3A_3788, %broadcast_in_dim3A_3, %select_n3A_3686 : vector<16xi1>, vector<16xf32>
    %eq3A_3790 = arith.cmpf oeq, %select_n3A_3688, %min3A_3707 : vector<16xf32>
    %select_n3A_3791 = arith.select %eq3A_3790, %broadcast_in_dim3A_3, %select_n3A_3688 : vector<16xi1>, vector<16xf32>
    %eq3A_3792 = arith.cmpf oeq, %select_n3A_3690, %min3A_3707 : vector<16xf32>
    %select_n3A_3793 = arith.select %eq3A_3792, %broadcast_in_dim3A_3, %select_n3A_3690 : vector<16xi1>, vector<16xf32>
    %eq3A_3794 = arith.cmpf oeq, %select_n3A_3692, %min3A_3707 : vector<16xf32>
    %select_n3A_3795 = arith.select %eq3A_3794, %broadcast_in_dim3A_3, %select_n3A_3692 : vector<16xi1>, vector<16xf32>
    %min3A_3796 = arith.minimumf %select_n3A_3765, %select_n3A_3767 : vector<16xf32>
    %min3A_3797 = arith.minimumf %min3A_3796, %select_n3A_3769 : vector<16xf32>
    %min3A_3798 = arith.minimumf %min3A_3797, %select_n3A_3771 : vector<16xf32>
    %min3A_3799 = arith.minimumf %min3A_3798, %select_n3A_3773 : vector<16xf32>
    %min3A_3800 = arith.minimumf %min3A_3799, %select_n3A_3775 : vector<16xf32>
    %min3A_3801 = arith.minimumf %min3A_3800, %select_n3A_3777 : vector<16xf32>
    %min3A_3802 = arith.minimumf %min3A_3801, %select_n3A_3779 : vector<16xf32>
    %min3A_3803 = arith.minimumf %min3A_3802, %select_n3A_3781 : vector<16xf32>
    %min3A_3804 = arith.minimumf %min3A_3803, %select_n3A_3783 : vector<16xf32>
    %min3A_3805 = arith.minimumf %min3A_3804, %select_n3A_3785 : vector<16xf32>
    %min3A_3806 = arith.minimumf %min3A_3805, %select_n3A_3787 : vector<16xf32>
    %min3A_3807 = arith.minimumf %min3A_3806, %select_n3A_3789 : vector<16xf32>
    %min3A_3808 = arith.minimumf %min3A_3807, %select_n3A_3791 : vector<16xf32>
    %min3A_3809 = arith.minimumf %min3A_3808, %select_n3A_3793 : vector<16xf32>
    %min3A_3810 = arith.minimumf %min3A_3809, %select_n3A_3795 : vector<16xf32>
    %eq3A_3811 = arith.cmpf oeq, %select_n3A_3765, %min3A_3810 : vector<16xf32>
    %select_n3A_3812 = arith.select %eq3A_3811, %broadcast_in_dim3A_7, %broadcast_in_dim3A_5 : vector<16xi1>, vector<16xf32>
    %add3A_3813 = arith.addf %broadcast_in_dim3A_5, %select_n3A_3812 : vector<16xf32>
    %eq3A_3814 = arith.cmpf oeq, %select_n3A_3767, %min3A_3810 : vector<16xf32>
    %select_n3A_3815 = arith.select %eq3A_3814, %broadcast_in_dim3A_7, %broadcast_in_dim3A_5 : vector<16xi1>, vector<16xf32>
    %add3A_3816 = arith.addf %add3A_3813, %select_n3A_3815 : vector<16xf32>
    %eq3A_3817 = arith.cmpf oeq, %select_n3A_3769, %min3A_3810 : vector<16xf32>
    %select_n3A_3818 = arith.select %eq3A_3817, %broadcast_in_dim3A_7, %broadcast_in_dim3A_5 : vector<16xi1>, vector<16xf32>
    %add3A_3819 = arith.addf %add3A_3816, %select_n3A_3818 : vector<16xf32>
    %eq3A_3820 = arith.cmpf oeq, %select_n3A_3771, %min3A_3810 : vector<16xf32>
    %select_n3A_3821 = arith.select %eq3A_3820, %broadcast_in_dim3A_7, %broadcast_in_dim3A_5 : vector<16xi1>, vector<16xf32>
    %add3A_3822 = arith.addf %add3A_3819, %select_n3A_3821 : vector<16xf32>
    %eq3A_3823 = arith.cmpf oeq, %select_n3A_3773, %min3A_3810 : vector<16xf32>
    %select_n3A_3824 = arith.select %eq3A_3823, %broadcast_in_dim3A_7, %broadcast_in_dim3A_5 : vector<16xi1>, vector<16xf32>
    %add3A_3825 = arith.addf %add3A_3822, %select_n3A_3824 : vector<16xf32>
    %eq3A_3826 = arith.cmpf oeq, %select_n3A_3775, %min3A_3810 : vector<16xf32>
    %select_n3A_3827 = arith.select %eq3A_3826, %broadcast_in_dim3A_7, %broadcast_in_dim3A_5 : vector<16xi1>, vector<16xf32>
    %add3A_3828 = arith.addf %add3A_3825, %select_n3A_3827 : vector<16xf32>
    %eq3A_3829 = arith.cmpf oeq, %select_n3A_3777, %min3A_3810 : vector<16xf32>
    %select_n3A_3830 = arith.select %eq3A_3829, %broadcast_in_dim3A_7, %broadcast_in_dim3A_5 : vector<16xi1>, vector<16xf32>
    %add3A_3831 = arith.addf %add3A_3828, %select_n3A_3830 : vector<16xf32>
    %eq3A_3832 = arith.cmpf oeq, %select_n3A_3779, %min3A_3810 : vector<16xf32>
    %select_n3A_3833 = arith.select %eq3A_3832, %broadcast_in_dim3A_7, %broadcast_in_dim3A_5 : vector<16xi1>, vector<16xf32>
    %add3A_3834 = arith.addf %add3A_3831, %select_n3A_3833 : vector<16xf32>
    %eq3A_3835 = arith.cmpf oeq, %select_n3A_3781, %min3A_3810 : vector<16xf32>
    %select_n3A_3836 = arith.select %eq3A_3835, %broadcast_in_dim3A_7, %broadcast_in_dim3A_5 : vector<16xi1>, vector<16xf32>
    %add3A_3837 = arith.addf %add3A_3834, %select_n3A_3836 : vector<16xf32>
    %eq3A_3838 = arith.cmpf oeq, %select_n3A_3783, %min3A_3810 : vector<16xf32>
    %select_n3A_3839 = arith.select %eq3A_3838, %broadcast_in_dim3A_7, %broadcast_in_dim3A_5 : vector<16xi1>, vector<16xf32>
    %add3A_3840 = arith.addf %add3A_3837, %select_n3A_3839 : vector<16xf32>
    %eq3A_3841 = arith.cmpf oeq, %select_n3A_3785, %min3A_3810 : vector<16xf32>
    %select_n3A_3842 = arith.select %eq3A_3841, %broadcast_in_dim3A_7, %broadcast_in_dim3A_5 : vector<16xi1>, vector<16xf32>
    %add3A_3843 = arith.addf %add3A_3840, %select_n3A_3842 : vector<16xf32>
    %eq3A_3844 = arith.cmpf oeq, %select_n3A_3787, %min3A_3810 : vector<16xf32>
    %select_n3A_3845 = arith.select %eq3A_3844, %broadcast_in_dim3A_7, %broadcast_in_dim3A_5 : vector<16xi1>, vector<16xf32>
    %add3A_3846 = arith.addf %add3A_3843, %select_n3A_3845 : vector<16xf32>
    %eq3A_3847 = arith.cmpf oeq, %select_n3A_3789, %min3A_3810 : vector<16xf32>
    %select_n3A_3848 = arith.select %eq3A_3847, %broadcast_in_dim3A_7, %broadcast_in_dim3A_5 : vector<16xi1>, vector<16xf32>
    %add3A_3849 = arith.addf %add3A_3846, %select_n3A_3848 : vector<16xf32>
    %eq3A_3850 = arith.cmpf oeq, %select_n3A_3791, %min3A_3810 : vector<16xf32>
    %select_n3A_3851 = arith.select %eq3A_3850, %broadcast_in_dim3A_7, %broadcast_in_dim3A_5 : vector<16xi1>, vector<16xf32>
    %add3A_3852 = arith.addf %add3A_3849, %select_n3A_3851 : vector<16xf32>
    %eq3A_3853 = arith.cmpf oeq, %select_n3A_3793, %min3A_3810 : vector<16xf32>
    %select_n3A_3854 = arith.select %eq3A_3853, %broadcast_in_dim3A_7, %broadcast_in_dim3A_5 : vector<16xi1>, vector<16xf32>
    %add3A_3855 = arith.addf %add3A_3852, %select_n3A_3854 : vector<16xf32>
    %eq3A_3856 = arith.cmpf oeq, %select_n3A_3795, %min3A_3810 : vector<16xf32>
    %select_n3A_3857 = arith.select %eq3A_3856, %broadcast_in_dim3A_7, %broadcast_in_dim3A_5 : vector<16xi1>, vector<16xf32>
    %add3A_3858 = arith.addf %add3A_3855, %select_n3A_3857 : vector<16xf32>
    %min3A_3859 = arith.minimumf %add3A_3858, %sub3A_3763 : vector<16xf32>
    %gt3A_3860 = arith.constant 0.000000e+00 : f32
    %gt3A_3861 = vector.broadcast %gt3A_3860 : f32 to vector<16xf32>
    %gt3A_3862 = arith.cmpf ogt, %min3A_3859, %gt3A_3861 : vector<16xf32>
    %mul3A_3863 = arith.mulf %min3A_3859, %min3A_3810 : vector<16xf32>
    %select_n3A_3864 = arith.select %gt3A_3862, %mul3A_3863, %broadcast_in_dim3A_5 : vector<16xi1>, vector<16xf32>
    %add3A_3865 = arith.addf %add3A_3762, %select_n3A_3864 : vector<16xf32>
    %sub3A_3866 = arith.subf %sub3A_3763, %min3A_3859 : vector<16xf32>
    %eq3A_3867 = arith.cmpf oeq, %select_n3A_3765, %min3A_3810 : vector<16xf32>
    %select_n3A_3868 = arith.select %eq3A_3867, %broadcast_in_dim3A_3, %select_n3A_3765 : vector<16xi1>, vector<16xf32>
    %eq3A_3869 = arith.cmpf oeq, %select_n3A_3767, %min3A_3810 : vector<16xf32>
    %select_n3A_3870 = arith.select %eq3A_3869, %broadcast_in_dim3A_3, %select_n3A_3767 : vector<16xi1>, vector<16xf32>
    %eq3A_3871 = arith.cmpf oeq, %select_n3A_3769, %min3A_3810 : vector<16xf32>
    %select_n3A_3872 = arith.select %eq3A_3871, %broadcast_in_dim3A_3, %select_n3A_3769 : vector<16xi1>, vector<16xf32>
    %eq3A_3873 = arith.cmpf oeq, %select_n3A_3771, %min3A_3810 : vector<16xf32>
    %select_n3A_3874 = arith.select %eq3A_3873, %broadcast_in_dim3A_3, %select_n3A_3771 : vector<16xi1>, vector<16xf32>
    %eq3A_3875 = arith.cmpf oeq, %select_n3A_3773, %min3A_3810 : vector<16xf32>
    %select_n3A_3876 = arith.select %eq3A_3875, %broadcast_in_dim3A_3, %select_n3A_3773 : vector<16xi1>, vector<16xf32>
    %eq3A_3877 = arith.cmpf oeq, %select_n3A_3775, %min3A_3810 : vector<16xf32>
    %select_n3A_3878 = arith.select %eq3A_3877, %broadcast_in_dim3A_3, %select_n3A_3775 : vector<16xi1>, vector<16xf32>
    %eq3A_3879 = arith.cmpf oeq, %select_n3A_3777, %min3A_3810 : vector<16xf32>
    %select_n3A_3880 = arith.select %eq3A_3879, %broadcast_in_dim3A_3, %select_n3A_3777 : vector<16xi1>, vector<16xf32>
    %eq3A_3881 = arith.cmpf oeq, %select_n3A_3779, %min3A_3810 : vector<16xf32>
    %select_n3A_3882 = arith.select %eq3A_3881, %broadcast_in_dim3A_3, %select_n3A_3779 : vector<16xi1>, vector<16xf32>
    %eq3A_3883 = arith.cmpf oeq, %select_n3A_3781, %min3A_3810 : vector<16xf32>
    %select_n3A_3884 = arith.select %eq3A_3883, %broadcast_in_dim3A_3, %select_n3A_3781 : vector<16xi1>, vector<16xf32>
    %eq3A_3885 = arith.cmpf oeq, %select_n3A_3783, %min3A_3810 : vector<16xf32>
    %select_n3A_3886 = arith.select %eq3A_3885, %broadcast_in_dim3A_3, %select_n3A_3783 : vector<16xi1>, vector<16xf32>
    %eq3A_3887 = arith.cmpf oeq, %select_n3A_3785, %min3A_3810 : vector<16xf32>
    %select_n3A_3888 = arith.select %eq3A_3887, %broadcast_in_dim3A_3, %select_n3A_3785 : vector<16xi1>, vector<16xf32>
    %eq3A_3889 = arith.cmpf oeq, %select_n3A_3787, %min3A_3810 : vector<16xf32>
    %select_n3A_3890 = arith.select %eq3A_3889, %broadcast_in_dim3A_3, %select_n3A_3787 : vector<16xi1>, vector<16xf32>
    %eq3A_3891 = arith.cmpf oeq, %select_n3A_3789, %min3A_3810 : vector<16xf32>
    %select_n3A_3892 = arith.select %eq3A_3891, %broadcast_in_dim3A_3, %select_n3A_3789 : vector<16xi1>, vector<16xf32>
    %eq3A_3893 = arith.cmpf oeq, %select_n3A_3791, %min3A_3810 : vector<16xf32>
    %select_n3A_3894 = arith.select %eq3A_3893, %broadcast_in_dim3A_3, %select_n3A_3791 : vector<16xi1>, vector<16xf32>
    %eq3A_3895 = arith.cmpf oeq, %select_n3A_3793, %min3A_3810 : vector<16xf32>
    %select_n3A_3896 = arith.select %eq3A_3895, %broadcast_in_dim3A_3, %select_n3A_3793 : vector<16xi1>, vector<16xf32>
    %eq3A_3897 = arith.cmpf oeq, %select_n3A_3795, %min3A_3810 : vector<16xf32>
    %select_n3A_3898 = arith.select %eq3A_3897, %broadcast_in_dim3A_3, %select_n3A_3795 : vector<16xi1>, vector<16xf32>
    %min3A_3899 = arith.minimumf %select_n3A_3868, %select_n3A_3870 : vector<16xf32>
    %min3A_3900 = arith.minimumf %min3A_3899, %select_n3A_3872 : vector<16xf32>
    %min3A_3901 = arith.minimumf %min3A_3900, %select_n3A_3874 : vector<16xf32>
    %min3A_3902 = arith.minimumf %min3A_3901, %select_n3A_3876 : vector<16xf32>
    %min3A_3903 = arith.minimumf %min3A_3902, %select_n3A_3878 : vector<16xf32>
    %min3A_3904 = arith.minimumf %min3A_3903, %select_n3A_3880 : vector<16xf32>
    %min3A_3905 = arith.minimumf %min3A_3904, %select_n3A_3882 : vector<16xf32>
    %min3A_3906 = arith.minimumf %min3A_3905, %select_n3A_3884 : vector<16xf32>
    %min3A_3907 = arith.minimumf %min3A_3906, %select_n3A_3886 : vector<16xf32>
    %min3A_3908 = arith.minimumf %min3A_3907, %select_n3A_3888 : vector<16xf32>
    %min3A_3909 = arith.minimumf %min3A_3908, %select_n3A_3890 : vector<16xf32>
    %min3A_3910 = arith.minimumf %min3A_3909, %select_n3A_3892 : vector<16xf32>
    %min3A_3911 = arith.minimumf %min3A_3910, %select_n3A_3894 : vector<16xf32>
    %min3A_3912 = arith.minimumf %min3A_3911, %select_n3A_3896 : vector<16xf32>
    %min3A_3913 = arith.minimumf %min3A_3912, %select_n3A_3898 : vector<16xf32>
    %eq3A_3914 = arith.cmpf oeq, %select_n3A_3868, %min3A_3913 : vector<16xf32>
    %select_n3A_3915 = arith.select %eq3A_3914, %broadcast_in_dim3A_7, %broadcast_in_dim3A_5 : vector<16xi1>, vector<16xf32>
    %add3A_3916 = arith.addf %broadcast_in_dim3A_5, %select_n3A_3915 : vector<16xf32>
    %eq3A_3917 = arith.cmpf oeq, %select_n3A_3870, %min3A_3913 : vector<16xf32>
    %select_n3A_3918 = arith.select %eq3A_3917, %broadcast_in_dim3A_7, %broadcast_in_dim3A_5 : vector<16xi1>, vector<16xf32>
    %add3A_3919 = arith.addf %add3A_3916, %select_n3A_3918 : vector<16xf32>
    %eq3A_3920 = arith.cmpf oeq, %select_n3A_3872, %min3A_3913 : vector<16xf32>
    %select_n3A_3921 = arith.select %eq3A_3920, %broadcast_in_dim3A_7, %broadcast_in_dim3A_5 : vector<16xi1>, vector<16xf32>
    %add3A_3922 = arith.addf %add3A_3919, %select_n3A_3921 : vector<16xf32>
    %eq3A_3923 = arith.cmpf oeq, %select_n3A_3874, %min3A_3913 : vector<16xf32>
    %select_n3A_3924 = arith.select %eq3A_3923, %broadcast_in_dim3A_7, %broadcast_in_dim3A_5 : vector<16xi1>, vector<16xf32>
    %add3A_3925 = arith.addf %add3A_3922, %select_n3A_3924 : vector<16xf32>
    %eq3A_3926 = arith.cmpf oeq, %select_n3A_3876, %min3A_3913 : vector<16xf32>
    %select_n3A_3927 = arith.select %eq3A_3926, %broadcast_in_dim3A_7, %broadcast_in_dim3A_5 : vector<16xi1>, vector<16xf32>
    %add3A_3928 = arith.addf %add3A_3925, %select_n3A_3927 : vector<16xf32>
    %eq3A_3929 = arith.cmpf oeq, %select_n3A_3878, %min3A_3913 : vector<16xf32>
    %select_n3A_3930 = arith.select %eq3A_3929, %broadcast_in_dim3A_7, %broadcast_in_dim3A_5 : vector<16xi1>, vector<16xf32>
    %add3A_3931 = arith.addf %add3A_3928, %select_n3A_3930 : vector<16xf32>
    %eq3A_3932 = arith.cmpf oeq, %select_n3A_3880, %min3A_3913 : vector<16xf32>
    %select_n3A_3933 = arith.select %eq3A_3932, %broadcast_in_dim3A_7, %broadcast_in_dim3A_5 : vector<16xi1>, vector<16xf32>
    %add3A_3934 = arith.addf %add3A_3931, %select_n3A_3933 : vector<16xf32>
    %eq3A_3935 = arith.cmpf oeq, %select_n3A_3882, %min3A_3913 : vector<16xf32>
    %select_n3A_3936 = arith.select %eq3A_3935, %broadcast_in_dim3A_7, %broadcast_in_dim3A_5 : vector<16xi1>, vector<16xf32>
    %add3A_3937 = arith.addf %add3A_3934, %select_n3A_3936 : vector<16xf32>
    %eq3A_3938 = arith.cmpf oeq, %select_n3A_3884, %min3A_3913 : vector<16xf32>
    %select_n3A_3939 = arith.select %eq3A_3938, %broadcast_in_dim3A_7, %broadcast_in_dim3A_5 : vector<16xi1>, vector<16xf32>
    %add3A_3940 = arith.addf %add3A_3937, %select_n3A_3939 : vector<16xf32>
    %eq3A_3941 = arith.cmpf oeq, %select_n3A_3886, %min3A_3913 : vector<16xf32>
    %select_n3A_3942 = arith.select %eq3A_3941, %broadcast_in_dim3A_7, %broadcast_in_dim3A_5 : vector<16xi1>, vector<16xf32>
    %add3A_3943 = arith.addf %add3A_3940, %select_n3A_3942 : vector<16xf32>
    %eq3A_3944 = arith.cmpf oeq, %select_n3A_3888, %min3A_3913 : vector<16xf32>
    %select_n3A_3945 = arith.select %eq3A_3944, %broadcast_in_dim3A_7, %broadcast_in_dim3A_5 : vector<16xi1>, vector<16xf32>
    %add3A_3946 = arith.addf %add3A_3943, %select_n3A_3945 : vector<16xf32>
    %eq3A_3947 = arith.cmpf oeq, %select_n3A_3890, %min3A_3913 : vector<16xf32>
    %select_n3A_3948 = arith.select %eq3A_3947, %broadcast_in_dim3A_7, %broadcast_in_dim3A_5 : vector<16xi1>, vector<16xf32>
    %add3A_3949 = arith.addf %add3A_3946, %select_n3A_3948 : vector<16xf32>
    %eq3A_3950 = arith.cmpf oeq, %select_n3A_3892, %min3A_3913 : vector<16xf32>
    %select_n3A_3951 = arith.select %eq3A_3950, %broadcast_in_dim3A_7, %broadcast_in_dim3A_5 : vector<16xi1>, vector<16xf32>
    %add3A_3952 = arith.addf %add3A_3949, %select_n3A_3951 : vector<16xf32>
    %eq3A_3953 = arith.cmpf oeq, %select_n3A_3894, %min3A_3913 : vector<16xf32>
    %select_n3A_3954 = arith.select %eq3A_3953, %broadcast_in_dim3A_7, %broadcast_in_dim3A_5 : vector<16xi1>, vector<16xf32>
    %add3A_3955 = arith.addf %add3A_3952, %select_n3A_3954 : vector<16xf32>
    %eq3A_3956 = arith.cmpf oeq, %select_n3A_3896, %min3A_3913 : vector<16xf32>
    %select_n3A_3957 = arith.select %eq3A_3956, %broadcast_in_dim3A_7, %broadcast_in_dim3A_5 : vector<16xi1>, vector<16xf32>
    %add3A_3958 = arith.addf %add3A_3955, %select_n3A_3957 : vector<16xf32>
    %eq3A_3959 = arith.cmpf oeq, %select_n3A_3898, %min3A_3913 : vector<16xf32>
    %select_n3A_3960 = arith.select %eq3A_3959, %broadcast_in_dim3A_7, %broadcast_in_dim3A_5 : vector<16xi1>, vector<16xf32>
    %add3A_3961 = arith.addf %add3A_3958, %select_n3A_3960 : vector<16xf32>
    %min3A_3962 = arith.minimumf %add3A_3961, %sub3A_3866 : vector<16xf32>
    %gt3A_3963 = arith.constant 0.000000e+00 : f32
    %gt3A_3964 = vector.broadcast %gt3A_3963 : f32 to vector<16xf32>
    %gt3A_3965 = arith.cmpf ogt, %min3A_3962, %gt3A_3964 : vector<16xf32>
    %mul3A_3966 = arith.mulf %min3A_3962, %min3A_3913 : vector<16xf32>
    %select_n3A_3967 = arith.select %gt3A_3965, %mul3A_3966, %broadcast_in_dim3A_5 : vector<16xi1>, vector<16xf32>
    %add3A_3968 = arith.addf %add3A_3865, %select_n3A_3967 : vector<16xf32>
    %sub3A_3969 = arith.subf %sub3A_3866, %min3A_3962 : vector<16xf32>
    %eq3A_3970 = arith.cmpf oeq, %select_n3A_3868, %min3A_3913 : vector<16xf32>
    %select_n3A_3971 = arith.select %eq3A_3970, %broadcast_in_dim3A_3, %select_n3A_3868 : vector<16xi1>, vector<16xf32>
    %eq3A_3972 = arith.cmpf oeq, %select_n3A_3870, %min3A_3913 : vector<16xf32>
    %select_n3A_3973 = arith.select %eq3A_3972, %broadcast_in_dim3A_3, %select_n3A_3870 : vector<16xi1>, vector<16xf32>
    %eq3A_3974 = arith.cmpf oeq, %select_n3A_3872, %min3A_3913 : vector<16xf32>
    %select_n3A_3975 = arith.select %eq3A_3974, %broadcast_in_dim3A_3, %select_n3A_3872 : vector<16xi1>, vector<16xf32>
    %eq3A_3976 = arith.cmpf oeq, %select_n3A_3874, %min3A_3913 : vector<16xf32>
    %select_n3A_3977 = arith.select %eq3A_3976, %broadcast_in_dim3A_3, %select_n3A_3874 : vector<16xi1>, vector<16xf32>
    %eq3A_3978 = arith.cmpf oeq, %select_n3A_3876, %min3A_3913 : vector<16xf32>
    %select_n3A_3979 = arith.select %eq3A_3978, %broadcast_in_dim3A_3, %select_n3A_3876 : vector<16xi1>, vector<16xf32>
    %eq3A_3980 = arith.cmpf oeq, %select_n3A_3878, %min3A_3913 : vector<16xf32>
    %select_n3A_3981 = arith.select %eq3A_3980, %broadcast_in_dim3A_3, %select_n3A_3878 : vector<16xi1>, vector<16xf32>
    %eq3A_3982 = arith.cmpf oeq, %select_n3A_3880, %min3A_3913 : vector<16xf32>
    %select_n3A_3983 = arith.select %eq3A_3982, %broadcast_in_dim3A_3, %select_n3A_3880 : vector<16xi1>, vector<16xf32>
    %eq3A_3984 = arith.cmpf oeq, %select_n3A_3882, %min3A_3913 : vector<16xf32>
    %select_n3A_3985 = arith.select %eq3A_3984, %broadcast_in_dim3A_3, %select_n3A_3882 : vector<16xi1>, vector<16xf32>
    %eq3A_3986 = arith.cmpf oeq, %select_n3A_3884, %min3A_3913 : vector<16xf32>
    %select_n3A_3987 = arith.select %eq3A_3986, %broadcast_in_dim3A_3, %select_n3A_3884 : vector<16xi1>, vector<16xf32>
    %eq3A_3988 = arith.cmpf oeq, %select_n3A_3886, %min3A_3913 : vector<16xf32>
    %select_n3A_3989 = arith.select %eq3A_3988, %broadcast_in_dim3A_3, %select_n3A_3886 : vector<16xi1>, vector<16xf32>
    %eq3A_3990 = arith.cmpf oeq, %select_n3A_3888, %min3A_3913 : vector<16xf32>
    %select_n3A_3991 = arith.select %eq3A_3990, %broadcast_in_dim3A_3, %select_n3A_3888 : vector<16xi1>, vector<16xf32>
    %eq3A_3992 = arith.cmpf oeq, %select_n3A_3890, %min3A_3913 : vector<16xf32>
    %select_n3A_3993 = arith.select %eq3A_3992, %broadcast_in_dim3A_3, %select_n3A_3890 : vector<16xi1>, vector<16xf32>
    %eq3A_3994 = arith.cmpf oeq, %select_n3A_3892, %min3A_3913 : vector<16xf32>
    %select_n3A_3995 = arith.select %eq3A_3994, %broadcast_in_dim3A_3, %select_n3A_3892 : vector<16xi1>, vector<16xf32>
    %eq3A_3996 = arith.cmpf oeq, %select_n3A_3894, %min3A_3913 : vector<16xf32>
    %select_n3A_3997 = arith.select %eq3A_3996, %broadcast_in_dim3A_3, %select_n3A_3894 : vector<16xi1>, vector<16xf32>
    %eq3A_3998 = arith.cmpf oeq, %select_n3A_3896, %min3A_3913 : vector<16xf32>
    %select_n3A_3999 = arith.select %eq3A_3998, %broadcast_in_dim3A_3, %select_n3A_3896 : vector<16xi1>, vector<16xf32>
    %eq3A_4000 = arith.cmpf oeq, %select_n3A_3898, %min3A_3913 : vector<16xf32>
    %select_n3A_4001 = arith.select %eq3A_4000, %broadcast_in_dim3A_3, %select_n3A_3898 : vector<16xi1>, vector<16xf32>
    %mul3A_4002 = arith.constant 2.500000e-01 : f32
    %mul3A_4003 = vector.broadcast %mul3A_4002 : f32 to vector<16xf32>
    %mul3A_4004 = arith.mulf %add3A_3968, %mul3A_4003 : vector<16xf32>
    %swap3A_4005 = arith.constant 112 : index
    %swap3A_4006 = tpu.vector_load %arg5[%swap3A_4005] {strides = array<i32>} : memref<128xf32, #tpu.memory_space<vmem>>, vector<16xf32>,
    %swap3A_4007 = vector.shape_cast %swap3A_4006 : vector<16xf32> to vector<16xf32>
    %swap3A_4008 = vector.shape_cast %mul3A_4004 : vector<16xf32> to vector<16xf32>
    tpu.vector_store %arg5[%swap3A_4005], %swap3A_4008 {strides = array<i32>} : memref<128xf32, #tpu.memory_space<vmem>>, vector<16xf32>,
    "tpu.region"() ({
      %run_scoped3A = tpu.sem_alloc : memref<!tpu.dma_semaphore, #tpu.memory_space<semaphore_mem>>
      %dma_start3A = tpu.memref_slice %arg3[%mul3A_2] : memref<4096xf32, #tpu.memory_space<hbm>> -> memref<128xf32, #tpu.memory_space<hbm>>
      %dma_start3A_4009 = tpu.memref_slice %arg3[%mul3A_2] : memref<4096xf32, #tpu.memory_space<hbm>> -> memref<128xf32, #tpu.memory_space<hbm>>
      tpu.enqueue_dma source(%arg5 : memref<128xf32, #tpu.memory_space<vmem>>) target(%dma_start3A_4009 : memref<128xf32, #tpu.memory_space<hbm>>) target_semaphore(%run_scoped3A : memref<!tpu.dma_semaphore, #tpu.memory_space<semaphore_mem>>)
      %dma_wait3A = tpu.memref_slice %arg3[%mul3A_2] : memref<4096xf32, #tpu.memory_space<hbm>> -> memref<128xf32, #tpu.memory_space<hbm>>
      %dma_wait3A_4010 = tpu.memref_slice %arg3[%mul3A_2] : memref<4096xf32, #tpu.memory_space<hbm>> -> memref<128xf32, #tpu.memory_space<hbm>>
      tpu.wait_dma2 semaphore(%run_scoped3A : memref<!tpu.dma_semaphore, #tpu.memory_space<semaphore_mem>>) src(%arg5 : memref<128xf32, #tpu.memory_space<vmem>>) dst(%dma_wait3A_4010 : memref<128xf32, #tpu.memory_space<hbm>>)
      tpu.yield
    }) : () -> ()
    return
  }
}

module attributes {stable_mosaic.version = 14 : i64} {
  func.func @_msm_dist_kernel(%arg0: i32, %arg1: memref<4096x1024xf32, #tpu.memory_space<vmem>>, %arg2: memref<16x2048xf32, #tpu.memory_space<vmem>>, %arg3: memref<4096x1024xbf16, #tpu.memory_space<vmem>>, %arg4: memref<4096x1xf32, #tpu.memory_space<vmem>>, %arg5: memref<2x2048xf32, #tpu.memory_space<vmem>>) attributes {dimension_semantics = [#tpu.dimension_semantics<arbitrary>], iteration_bounds = array<i64: 2>, scalar_prefetch = 0 : i64, scratch_operands = 3 : i64, tpu.core_type = #tpu.core_type<tc>, window_params = [{pipeline_mode = #tpu.pipeline_mode<synchronous>, transform_indices = @transform_0, window_bounds = array<i64: 4096, 1024>}, {transform_indices = @transform_1, window_bounds = array<i64: 16, 2048>}]} {
    %eq3A = arith.constant 0 : i32
    %eq3A_0 = arith.cmpi eq, %arg0, %eq3A : i32
    %convert_element_type3A = arith.extui %eq3A_0 : i1 to i32
    %cond3A = arith.constant 0 : i32
    %cond3A_1 = arith.cmpi ne, %convert_element_type3A, %cond3A : i32
    scf.if %cond3A_1 {
      %get3A_238 = arith.constant 0 : index
      %get3A_239 = arith.constant 0 : index
      %get3A_240 = vector.load %arg1[%get3A_238, %get3A_239] : memref<4096x1024xf32, #tpu.memory_space<vmem>>, vector<4096x1024xf32>
      %mul3A_241 = arith.mulf %get3A_240, %get3A_240 : vector<4096x1024xf32>
      %reduce_sum3A = arith.constant dense<0.000000e+00> : vector<4096xf32>
      %reduce_sum3A_242 = vector.multi_reduction <add>, %mul3A_241, %reduce_sum3A [1] : vector<4096x1024xf32> to vector<4096xf32>
      %broadcast_in_dim3A_243 = vector.shape_cast %reduce_sum3A_242 : vector<4096xf32> to vector<4096x1xf32>
      %swap3A_244 = arith.constant 0 : index
      %swap3A_245 = arith.constant 0 : index
      %swap3A_246 = vector.load %arg4[%swap3A_244, %swap3A_245] : memref<4096x1xf32, #tpu.memory_space<vmem>>, vector<4096x1xf32>
      tpu.vector_store %arg4[%swap3A_244, %swap3A_245], %broadcast_in_dim3A_243 {strides = array<i32>} : memref<4096x1xf32, #tpu.memory_space<vmem>>, vector<4096x1xf32>,
      %convert_element_type3A_247 = arith.truncf %get3A_240 : vector<4096x1024xf32> to vector<4096x1024xbf16>
      %swap3A_248 = arith.constant 0 : index
      %swap3A_249 = arith.constant 0 : index
      %swap3A_250 = vector.load %arg3[%swap3A_248, %swap3A_249] : memref<4096x1024xbf16, #tpu.memory_space<vmem>>, vector<4096x1024xbf16>
      tpu.vector_store %arg3[%swap3A_248, %swap3A_249], %convert_element_type3A_247 {strides = array<i32>} : memref<4096x1024xbf16, #tpu.memory_space<vmem>>, vector<4096x1024xbf16>,
      %broadcast_in_dim3A_251 = arith.constant 1.000000e+00 : f32
      %broadcast_in_dim3A_252 = vector.broadcast %broadcast_in_dim3A_251 : f32 to vector<1x1xf32>
      %slice3A_253 = vector.extract_strided_slice %broadcast_in_dim3A_243 {offsets = [0, 0], sizes = [2048, 1], strides = [1, 1]} : vector<4096x1xf32> to vector<2048x1xf32>
      %dot_general3A_254 = arith.constant dense<0.000000e+00> : vector<1x2048xf32>
      %dot_general3A_255 = tpu.matmul %broadcast_in_dim3A_252, %slice3A_253, %dot_general3A_254 {dimension_numbers = #tpu.dot_dimension_numbers<[1], [1], [0], [0], [0, 0, 1, 0], [], []>, precision = #tpu.contract_precision<fp32>, transpose_lhs_hint = false} : vector<1x1xf32>, vector<2048x1xf32>, vector<1x2048xf32> -> vector<1x2048xf32>
      %swap3A_256 = arith.constant 0 : index
      %swap3A_257 = arith.constant 0 : index
      %swap3A_258 = vector.load %arg5[%swap3A_256, %swap3A_257] : memref<2x2048xf32, #tpu.memory_space<vmem>>, vector<1x2048xf32>
      tpu.vector_store %arg5[%swap3A_256, %swap3A_257], %dot_general3A_255 {strides = array<i32>} : memref<2x2048xf32, #tpu.memory_space<vmem>>, vector<1x2048xf32>,
      %broadcast_in_dim3A_259 = arith.constant 1.000000e+00 : f32
      %broadcast_in_dim3A_260 = vector.broadcast %broadcast_in_dim3A_259 : f32 to vector<1x1xf32>
      %slice3A_261 = vector.extract_strided_slice %broadcast_in_dim3A_243 {offsets = [2048, 0], sizes = [2048, 1], strides = [1, 1]} : vector<4096x1xf32> to vector<2048x1xf32>
      %dot_general3A_262 = arith.constant dense<0.000000e+00> : vector<1x2048xf32>
      %dot_general3A_263 = tpu.matmul %broadcast_in_dim3A_260, %slice3A_261, %dot_general3A_262 {dimension_numbers = #tpu.dot_dimension_numbers<[1], [1], [0], [0], [0, 0, 1, 0], [], []>, precision = #tpu.contract_precision<fp32>, transpose_lhs_hint = false} : vector<1x1xf32>, vector<2048x1xf32>, vector<1x2048xf32> -> vector<1x2048xf32>
      %swap3A_264 = arith.constant 1 : index
      %swap3A_265 = arith.constant 0 : index
      %swap3A_266 = vector.load %arg5[%swap3A_264, %swap3A_265] : memref<2x2048xf32, #tpu.memory_space<vmem>>, vector<1x2048xf32>
      tpu.vector_store %arg5[%swap3A_264, %swap3A_265], %dot_general3A_263 {strides = array<i32>} : memref<2x2048xf32, #tpu.memory_space<vmem>>, vector<1x2048xf32>,
    } else {
    }
    %get3A = arith.constant 0 : index
    %get3A_2 = arith.constant 0 : index
    %get3A_3 = vector.load %arg3[%get3A, %get3A_2] : memref<4096x1024xbf16, #tpu.memory_space<vmem>>, vector<4096x1024xbf16>
    %mul3A = arith.constant 2048 : i32
    %mul3A_4 = arith.muli %arg0, %mul3A : i32
    %get3A_5 = arith.index_cast %mul3A_4 : i32 to index
    %get3A_6 = arith.constant 0 : index
    %get3A_7 = vector.load %arg3[%get3A_5, %get3A_6] : memref<4096x1024xbf16, #tpu.memory_space<vmem>>, vector<2048x1024xbf16>
    %dot_general3A = arith.constant dense<0.000000e+00> : vector<4096x2048xf32>
    %dot_general3A_8 = tpu.matmul %get3A_3, %get3A_7, %dot_general3A {dimension_numbers = #tpu.dot_dimension_numbers<[1], [1], [0], [0], [0, 0, 1, 0], [], []>, transpose_lhs_hint = false} : vector<4096x1024xbf16>, vector<2048x1024xbf16>, vector<4096x2048xf32> -> vector<4096x2048xf32>
    %get3A_9 = arith.index_cast %arg0 : i32 to index
    %get3A_10 = arith.constant 0 : index
    %get3A_11 = vector.load %arg5[%get3A_9, %get3A_10] : memref<2x2048xf32, #tpu.memory_space<vmem>>, vector<1x2048xf32>
    %get3A_12 = arith.constant 0 : index
    %get3A_13 = arith.constant 0 : index
    %get3A_14 = vector.load %arg4[%get3A_12, %get3A_13] : memref<4096x1xf32, #tpu.memory_space<vmem>>, vector<256x1xf32>
    %slice3A = vector.extract_strided_slice %dot_general3A_8 {offsets = [0, 0], sizes = [256, 2048], strides = [1, 1]} : vector<4096x2048xf32> to vector<256x2048xf32>
    %mul3A_15 = arith.constant 2.000000e+00 : f32
    %mul3A_16 = vector.broadcast %mul3A_15 : f32 to vector<256x2048xf32>
    %mul3A_17 = arith.mulf %mul3A_16, %slice3A : vector<256x2048xf32>
    %sub3A = vector.broadcast %get3A_14 : vector<256x1xf32> to vector<256x2048xf32>
    %sub3A_18 = arith.subf %sub3A, %mul3A_17 : vector<256x2048xf32>
    %reduce_min3A = arith.constant dense<0x7F800000> : vector<2048xf32>
    %reduce_min3A_19 = vector.multi_reduction <minimumf>, %sub3A_18, %reduce_min3A [0] : vector<256x2048xf32> to vector<2048xf32>
    %broadcast_in_dim3A = vector.shape_cast %reduce_min3A_19 : vector<2048xf32> to vector<1x2048xf32>
    %get3A_20 = arith.constant 256 : index
    %get3A_21 = arith.constant 0 : index
    %get3A_22 = vector.load %arg4[%get3A_20, %get3A_21] : memref<4096x1xf32, #tpu.memory_space<vmem>>, vector<256x1xf32>
    %slice3A_23 = vector.extract_strided_slice %dot_general3A_8 {offsets = [256, 0], sizes = [256, 2048], strides = [1, 1]} : vector<4096x2048xf32> to vector<256x2048xf32>
    %mul3A_24 = arith.constant 2.000000e+00 : f32
    %mul3A_25 = vector.broadcast %mul3A_24 : f32 to vector<256x2048xf32>
    %mul3A_26 = arith.mulf %mul3A_25, %slice3A_23 : vector<256x2048xf32>
    %sub3A_27 = vector.broadcast %get3A_22 : vector<256x1xf32> to vector<256x2048xf32>
    %sub3A_28 = arith.subf %sub3A_27, %mul3A_26 : vector<256x2048xf32>
    %reduce_min3A_29 = arith.constant dense<0x7F800000> : vector<2048xf32>
    %reduce_min3A_30 = vector.multi_reduction <minimumf>, %sub3A_28, %reduce_min3A_29 [0] : vector<256x2048xf32> to vector<2048xf32>
    %broadcast_in_dim3A_31 = vector.shape_cast %reduce_min3A_30 : vector<2048xf32> to vector<1x2048xf32>
    %get3A_32 = arith.constant 512 : index
    %get3A_33 = arith.constant 0 : index
    %get3A_34 = vector.load %arg4[%get3A_32, %get3A_33] : memref<4096x1xf32, #tpu.memory_space<vmem>>, vector<256x1xf32>
    %slice3A_35 = vector.extract_strided_slice %dot_general3A_8 {offsets = [512, 0], sizes = [256, 2048], strides = [1, 1]} : vector<4096x2048xf32> to vector<256x2048xf32>
    %mul3A_36 = arith.constant 2.000000e+00 : f32
    %mul3A_37 = vector.broadcast %mul3A_36 : f32 to vector<256x2048xf32>
    %mul3A_38 = arith.mulf %mul3A_37, %slice3A_35 : vector<256x2048xf32>
    %sub3A_39 = vector.broadcast %get3A_34 : vector<256x1xf32> to vector<256x2048xf32>
    %sub3A_40 = arith.subf %sub3A_39, %mul3A_38 : vector<256x2048xf32>
    %reduce_min3A_41 = arith.constant dense<0x7F800000> : vector<2048xf32>
    %reduce_min3A_42 = vector.multi_reduction <minimumf>, %sub3A_40, %reduce_min3A_41 [0] : vector<256x2048xf32> to vector<2048xf32>
    %broadcast_in_dim3A_43 = vector.shape_cast %reduce_min3A_42 : vector<2048xf32> to vector<1x2048xf32>
    %get3A_44 = arith.constant 768 : index
    %get3A_45 = arith.constant 0 : index
    %get3A_46 = vector.load %arg4[%get3A_44, %get3A_45] : memref<4096x1xf32, #tpu.memory_space<vmem>>, vector<256x1xf32>
    %slice3A_47 = vector.extract_strided_slice %dot_general3A_8 {offsets = [768, 0], sizes = [256, 2048], strides = [1, 1]} : vector<4096x2048xf32> to vector<256x2048xf32>
    %mul3A_48 = arith.constant 2.000000e+00 : f32
    %mul3A_49 = vector.broadcast %mul3A_48 : f32 to vector<256x2048xf32>
    %mul3A_50 = arith.mulf %mul3A_49, %slice3A_47 : vector<256x2048xf32>
    %sub3A_51 = vector.broadcast %get3A_46 : vector<256x1xf32> to vector<256x2048xf32>
    %sub3A_52 = arith.subf %sub3A_51, %mul3A_50 : vector<256x2048xf32>
    %reduce_min3A_53 = arith.constant dense<0x7F800000> : vector<2048xf32>
    %reduce_min3A_54 = vector.multi_reduction <minimumf>, %sub3A_52, %reduce_min3A_53 [0] : vector<256x2048xf32> to vector<2048xf32>
    %broadcast_in_dim3A_55 = vector.shape_cast %reduce_min3A_54 : vector<2048xf32> to vector<1x2048xf32>
    %get3A_56 = arith.constant 1024 : index
    %get3A_57 = arith.constant 0 : index
    %get3A_58 = vector.load %arg4[%get3A_56, %get3A_57] : memref<4096x1xf32, #tpu.memory_space<vmem>>, vector<256x1xf32>
    %slice3A_59 = vector.extract_strided_slice %dot_general3A_8 {offsets = [1024, 0], sizes = [256, 2048], strides = [1, 1]} : vector<4096x2048xf32> to vector<256x2048xf32>
    %mul3A_60 = arith.constant 2.000000e+00 : f32
    %mul3A_61 = vector.broadcast %mul3A_60 : f32 to vector<256x2048xf32>
    %mul3A_62 = arith.mulf %mul3A_61, %slice3A_59 : vector<256x2048xf32>
    %sub3A_63 = vector.broadcast %get3A_58 : vector<256x1xf32> to vector<256x2048xf32>
    %sub3A_64 = arith.subf %sub3A_63, %mul3A_62 : vector<256x2048xf32>
    %reduce_min3A_65 = arith.constant dense<0x7F800000> : vector<2048xf32>
    %reduce_min3A_66 = vector.multi_reduction <minimumf>, %sub3A_64, %reduce_min3A_65 [0] : vector<256x2048xf32> to vector<2048xf32>
    %broadcast_in_dim3A_67 = vector.shape_cast %reduce_min3A_66 : vector<2048xf32> to vector<1x2048xf32>
    %get3A_68 = arith.constant 1280 : index
    %get3A_69 = arith.constant 0 : index
    %get3A_70 = vector.load %arg4[%get3A_68, %get3A_69] : memref<4096x1xf32, #tpu.memory_space<vmem>>, vector<256x1xf32>
    %slice3A_71 = vector.extract_strided_slice %dot_general3A_8 {offsets = [1280, 0], sizes = [256, 2048], strides = [1, 1]} : vector<4096x2048xf32> to vector<256x2048xf32>
    %mul3A_72 = arith.constant 2.000000e+00 : f32
    %mul3A_73 = vector.broadcast %mul3A_72 : f32 to vector<256x2048xf32>
    %mul3A_74 = arith.mulf %mul3A_73, %slice3A_71 : vector<256x2048xf32>
    %sub3A_75 = vector.broadcast %get3A_70 : vector<256x1xf32> to vector<256x2048xf32>
    %sub3A_76 = arith.subf %sub3A_75, %mul3A_74 : vector<256x2048xf32>
    %reduce_min3A_77 = arith.constant dense<0x7F800000> : vector<2048xf32>
    %reduce_min3A_78 = vector.multi_reduction <minimumf>, %sub3A_76, %reduce_min3A_77 [0] : vector<256x2048xf32> to vector<2048xf32>
    %broadcast_in_dim3A_79 = vector.shape_cast %reduce_min3A_78 : vector<2048xf32> to vector<1x2048xf32>
    %get3A_80 = arith.constant 1536 : index
    %get3A_81 = arith.constant 0 : index
    %get3A_82 = vector.load %arg4[%get3A_80, %get3A_81] : memref<4096x1xf32, #tpu.memory_space<vmem>>, vector<256x1xf32>
    %slice3A_83 = vector.extract_strided_slice %dot_general3A_8 {offsets = [1536, 0], sizes = [256, 2048], strides = [1, 1]} : vector<4096x2048xf32> to vector<256x2048xf32>
    %mul3A_84 = arith.constant 2.000000e+00 : f32
    %mul3A_85 = vector.broadcast %mul3A_84 : f32 to vector<256x2048xf32>
    %mul3A_86 = arith.mulf %mul3A_85, %slice3A_83 : vector<256x2048xf32>
    %sub3A_87 = vector.broadcast %get3A_82 : vector<256x1xf32> to vector<256x2048xf32>
    %sub3A_88 = arith.subf %sub3A_87, %mul3A_86 : vector<256x2048xf32>
    %reduce_min3A_89 = arith.constant dense<0x7F800000> : vector<2048xf32>
    %reduce_min3A_90 = vector.multi_reduction <minimumf>, %sub3A_88, %reduce_min3A_89 [0] : vector<256x2048xf32> to vector<2048xf32>
    %broadcast_in_dim3A_91 = vector.shape_cast %reduce_min3A_90 : vector<2048xf32> to vector<1x2048xf32>
    %get3A_92 = arith.constant 1792 : index
    %get3A_93 = arith.constant 0 : index
    %get3A_94 = vector.load %arg4[%get3A_92, %get3A_93] : memref<4096x1xf32, #tpu.memory_space<vmem>>, vector<256x1xf32>
    %slice3A_95 = vector.extract_strided_slice %dot_general3A_8 {offsets = [1792, 0], sizes = [256, 2048], strides = [1, 1]} : vector<4096x2048xf32> to vector<256x2048xf32>
    %mul3A_96 = arith.constant 2.000000e+00 : f32
    %mul3A_97 = vector.broadcast %mul3A_96 : f32 to vector<256x2048xf32>
    %mul3A_98 = arith.mulf %mul3A_97, %slice3A_95 : vector<256x2048xf32>
    %sub3A_99 = vector.broadcast %get3A_94 : vector<256x1xf32> to vector<256x2048xf32>
    %sub3A_100 = arith.subf %sub3A_99, %mul3A_98 : vector<256x2048xf32>
    %reduce_min3A_101 = arith.constant dense<0x7F800000> : vector<2048xf32>
    %reduce_min3A_102 = vector.multi_reduction <minimumf>, %sub3A_100, %reduce_min3A_101 [0] : vector<256x2048xf32> to vector<2048xf32>
    %broadcast_in_dim3A_103 = vector.shape_cast %reduce_min3A_102 : vector<2048xf32> to vector<1x2048xf32>
    %get3A_104 = arith.constant 2048 : index
    %get3A_105 = arith.constant 0 : index
    %get3A_106 = vector.load %arg4[%get3A_104, %get3A_105] : memref<4096x1xf32, #tpu.memory_space<vmem>>, vector<256x1xf32>
    %slice3A_107 = vector.extract_strided_slice %dot_general3A_8 {offsets = [2048, 0], sizes = [256, 2048], strides = [1, 1]} : vector<4096x2048xf32> to vector<256x2048xf32>
    %mul3A_108 = arith.constant 2.000000e+00 : f32
    %mul3A_109 = vector.broadcast %mul3A_108 : f32 to vector<256x2048xf32>
    %mul3A_110 = arith.mulf %mul3A_109, %slice3A_107 : vector<256x2048xf32>
    %sub3A_111 = vector.broadcast %get3A_106 : vector<256x1xf32> to vector<256x2048xf32>
    %sub3A_112 = arith.subf %sub3A_111, %mul3A_110 : vector<256x2048xf32>
    %reduce_min3A_113 = arith.constant dense<0x7F800000> : vector<2048xf32>
    %reduce_min3A_114 = vector.multi_reduction <minimumf>, %sub3A_112, %reduce_min3A_113 [0] : vector<256x2048xf32> to vector<2048xf32>
    %broadcast_in_dim3A_115 = vector.shape_cast %reduce_min3A_114 : vector<2048xf32> to vector<1x2048xf32>
    %get3A_116 = arith.constant 2304 : index
    %get3A_117 = arith.constant 0 : index
    %get3A_118 = vector.load %arg4[%get3A_116, %get3A_117] : memref<4096x1xf32, #tpu.memory_space<vmem>>, vector<256x1xf32>
    %slice3A_119 = vector.extract_strided_slice %dot_general3A_8 {offsets = [2304, 0], sizes = [256, 2048], strides = [1, 1]} : vector<4096x2048xf32> to vector<256x2048xf32>
    %mul3A_120 = arith.constant 2.000000e+00 : f32
    %mul3A_121 = vector.broadcast %mul3A_120 : f32 to vector<256x2048xf32>
    %mul3A_122 = arith.mulf %mul3A_121, %slice3A_119 : vector<256x2048xf32>
    %sub3A_123 = vector.broadcast %get3A_118 : vector<256x1xf32> to vector<256x2048xf32>
    %sub3A_124 = arith.subf %sub3A_123, %mul3A_122 : vector<256x2048xf32>
    %reduce_min3A_125 = arith.constant dense<0x7F800000> : vector<2048xf32>
    %reduce_min3A_126 = vector.multi_reduction <minimumf>, %sub3A_124, %reduce_min3A_125 [0] : vector<256x2048xf32> to vector<2048xf32>
    %broadcast_in_dim3A_127 = vector.shape_cast %reduce_min3A_126 : vector<2048xf32> to vector<1x2048xf32>
    %get3A_128 = arith.constant 2560 : index
    %get3A_129 = arith.constant 0 : index
    %get3A_130 = vector.load %arg4[%get3A_128, %get3A_129] : memref<4096x1xf32, #tpu.memory_space<vmem>>, vector<256x1xf32>
    %slice3A_131 = vector.extract_strided_slice %dot_general3A_8 {offsets = [2560, 0], sizes = [256, 2048], strides = [1, 1]} : vector<4096x2048xf32> to vector<256x2048xf32>
    %mul3A_132 = arith.constant 2.000000e+00 : f32
    %mul3A_133 = vector.broadcast %mul3A_132 : f32 to vector<256x2048xf32>
    %mul3A_134 = arith.mulf %mul3A_133, %slice3A_131 : vector<256x2048xf32>
    %sub3A_135 = vector.broadcast %get3A_130 : vector<256x1xf32> to vector<256x2048xf32>
    %sub3A_136 = arith.subf %sub3A_135, %mul3A_134 : vector<256x2048xf32>
    %reduce_min3A_137 = arith.constant dense<0x7F800000> : vector<2048xf32>
    %reduce_min3A_138 = vector.multi_reduction <minimumf>, %sub3A_136, %reduce_min3A_137 [0] : vector<256x2048xf32> to vector<2048xf32>
    %broadcast_in_dim3A_139 = vector.shape_cast %reduce_min3A_138 : vector<2048xf32> to vector<1x2048xf32>
    %get3A_140 = arith.constant 2816 : index
    %get3A_141 = arith.constant 0 : index
    %get3A_142 = vector.load %arg4[%get3A_140, %get3A_141] : memref<4096x1xf32, #tpu.memory_space<vmem>>, vector<256x1xf32>
    %slice3A_143 = vector.extract_strided_slice %dot_general3A_8 {offsets = [2816, 0], sizes = [256, 2048], strides = [1, 1]} : vector<4096x2048xf32> to vector<256x2048xf32>
    %mul3A_144 = arith.constant 2.000000e+00 : f32
    %mul3A_145 = vector.broadcast %mul3A_144 : f32 to vector<256x2048xf32>
    %mul3A_146 = arith.mulf %mul3A_145, %slice3A_143 : vector<256x2048xf32>
    %sub3A_147 = vector.broadcast %get3A_142 : vector<256x1xf32> to vector<256x2048xf32>
    %sub3A_148 = arith.subf %sub3A_147, %mul3A_146 : vector<256x2048xf32>
    %reduce_min3A_149 = arith.constant dense<0x7F800000> : vector<2048xf32>
    %reduce_min3A_150 = vector.multi_reduction <minimumf>, %sub3A_148, %reduce_min3A_149 [0] : vector<256x2048xf32> to vector<2048xf32>
    %broadcast_in_dim3A_151 = vector.shape_cast %reduce_min3A_150 : vector<2048xf32> to vector<1x2048xf32>
    %get3A_152 = arith.constant 3072 : index
    %get3A_153 = arith.constant 0 : index
    %get3A_154 = vector.load %arg4[%get3A_152, %get3A_153] : memref<4096x1xf32, #tpu.memory_space<vmem>>, vector<256x1xf32>
    %slice3A_155 = vector.extract_strided_slice %dot_general3A_8 {offsets = [3072, 0], sizes = [256, 2048], strides = [1, 1]} : vector<4096x2048xf32> to vector<256x2048xf32>
    %mul3A_156 = arith.constant 2.000000e+00 : f32
    %mul3A_157 = vector.broadcast %mul3A_156 : f32 to vector<256x2048xf32>
    %mul3A_158 = arith.mulf %mul3A_157, %slice3A_155 : vector<256x2048xf32>
    %sub3A_159 = vector.broadcast %get3A_154 : vector<256x1xf32> to vector<256x2048xf32>
    %sub3A_160 = arith.subf %sub3A_159, %mul3A_158 : vector<256x2048xf32>
    %reduce_min3A_161 = arith.constant dense<0x7F800000> : vector<2048xf32>
    %reduce_min3A_162 = vector.multi_reduction <minimumf>, %sub3A_160, %reduce_min3A_161 [0] : vector<256x2048xf32> to vector<2048xf32>
    %broadcast_in_dim3A_163 = vector.shape_cast %reduce_min3A_162 : vector<2048xf32> to vector<1x2048xf32>
    %get3A_164 = arith.constant 3328 : index
    %get3A_165 = arith.constant 0 : index
    %get3A_166 = vector.load %arg4[%get3A_164, %get3A_165] : memref<4096x1xf32, #tpu.memory_space<vmem>>, vector<256x1xf32>
    %slice3A_167 = vector.extract_strided_slice %dot_general3A_8 {offsets = [3328, 0], sizes = [256, 2048], strides = [1, 1]} : vector<4096x2048xf32> to vector<256x2048xf32>
    %mul3A_168 = arith.constant 2.000000e+00 : f32
    %mul3A_169 = vector.broadcast %mul3A_168 : f32 to vector<256x2048xf32>
    %mul3A_170 = arith.mulf %mul3A_169, %slice3A_167 : vector<256x2048xf32>
    %sub3A_171 = vector.broadcast %get3A_166 : vector<256x1xf32> to vector<256x2048xf32>
    %sub3A_172 = arith.subf %sub3A_171, %mul3A_170 : vector<256x2048xf32>
    %reduce_min3A_173 = arith.constant dense<0x7F800000> : vector<2048xf32>
    %reduce_min3A_174 = vector.multi_reduction <minimumf>, %sub3A_172, %reduce_min3A_173 [0] : vector<256x2048xf32> to vector<2048xf32>
    %broadcast_in_dim3A_175 = vector.shape_cast %reduce_min3A_174 : vector<2048xf32> to vector<1x2048xf32>
    %get3A_176 = arith.constant 3584 : index
    %get3A_177 = arith.constant 0 : index
    %get3A_178 = vector.load %arg4[%get3A_176, %get3A_177] : memref<4096x1xf32, #tpu.memory_space<vmem>>, vector<256x1xf32>
    %slice3A_179 = vector.extract_strided_slice %dot_general3A_8 {offsets = [3584, 0], sizes = [256, 2048], strides = [1, 1]} : vector<4096x2048xf32> to vector<256x2048xf32>
    %mul3A_180 = arith.constant 2.000000e+00 : f32
    %mul3A_181 = vector.broadcast %mul3A_180 : f32 to vector<256x2048xf32>
    %mul3A_182 = arith.mulf %mul3A_181, %slice3A_179 : vector<256x2048xf32>
    %sub3A_183 = vector.broadcast %get3A_178 : vector<256x1xf32> to vector<256x2048xf32>
    %sub3A_184 = arith.subf %sub3A_183, %mul3A_182 : vector<256x2048xf32>
    %reduce_min3A_185 = arith.constant dense<0x7F800000> : vector<2048xf32>
    %reduce_min3A_186 = vector.multi_reduction <minimumf>, %sub3A_184, %reduce_min3A_185 [0] : vector<256x2048xf32> to vector<2048xf32>
    %broadcast_in_dim3A_187 = vector.shape_cast %reduce_min3A_186 : vector<2048xf32> to vector<1x2048xf32>
    %get3A_188 = arith.constant 3840 : index
    %get3A_189 = arith.constant 0 : index
    %get3A_190 = vector.load %arg4[%get3A_188, %get3A_189] : memref<4096x1xf32, #tpu.memory_space<vmem>>, vector<256x1xf32>
    %slice3A_191 = vector.extract_strided_slice %dot_general3A_8 {offsets = [3840, 0], sizes = [256, 2048], strides = [1, 1]} : vector<4096x2048xf32> to vector<256x2048xf32>
    %mul3A_192 = arith.constant 2.000000e+00 : f32
    %mul3A_193 = vector.broadcast %mul3A_192 : f32 to vector<256x2048xf32>
    %mul3A_194 = arith.mulf %mul3A_193, %slice3A_191 : vector<256x2048xf32>
    %sub3A_195 = vector.broadcast %get3A_190 : vector<256x1xf32> to vector<256x2048xf32>
    %sub3A_196 = arith.subf %sub3A_195, %mul3A_194 : vector<256x2048xf32>
    %reduce_min3A_197 = arith.constant dense<0x7F800000> : vector<2048xf32>
    %reduce_min3A_198 = vector.multi_reduction <minimumf>, %sub3A_196, %reduce_min3A_197 [0] : vector<256x2048xf32> to vector<2048xf32>
    %broadcast_in_dim3A_199 = vector.shape_cast %reduce_min3A_198 : vector<2048xf32> to vector<1x2048xf32>
    %concatenate3A = tpu.concatenate %broadcast_in_dim3A, %broadcast_in_dim3A_31, %broadcast_in_dim3A_43, %broadcast_in_dim3A_55, %broadcast_in_dim3A_67, %broadcast_in_dim3A_79, %broadcast_in_dim3A_91, %broadcast_in_dim3A_103, %broadcast_in_dim3A_115, %broadcast_in_dim3A_127, %broadcast_in_dim3A_139, %broadcast_in_dim3A_151, %broadcast_in_dim3A_163, %broadcast_in_dim3A_175, %broadcast_in_dim3A_187, %broadcast_in_dim3A_199 in 0 : vector<1x2048xf32>, vector<1x2048xf32>, vector<1x2048xf32>, vector<1x2048xf32>, vector<1x2048xf32>, vector<1x2048xf32>, vector<1x2048xf32>, vector<1x2048xf32>, vector<1x2048xf32>, vector<1x2048xf32>, vector<1x2048xf32>, vector<1x2048xf32>, vector<1x2048xf32>, vector<1x2048xf32>, vector<1x2048xf32>, vector<1x2048xf32> -> vector<16x2048xf32>
    %iota3A = tpu.iota {dimensions = array<i32: 0>} : vector<16x2048xi32>
    %mul3A_200 = arith.constant 8 : i32
    %mul3A_201 = arith.muli %arg0, %mul3A_200 : i32
    %iota3A_202 = tpu.iota {dimensions = array<i32: 1>} : vector<16x2048xi32>
    %jit3A = arith.constant 256 : i32
    %div3A = vector.broadcast %jit3A : i32 to vector<16x2048xi32>
    %div3A_203 = arith.divsi %iota3A_202, %div3A : vector<16x2048xi32>
    %sign3A = arith.constant 0 : i32
    %sign3A_204 = vector.broadcast %sign3A : i32 to vector<16x2048xi32>
    %sign3A_205 = arith.cmpi sgt, %iota3A_202, %sign3A_204 : vector<16x2048xi32>
    %sign3A_206 = arith.extui %sign3A_205 : vector<16x2048xi1> to vector<16x2048xi32>
    %sign3A_207 = arith.constant 0 : i32
    %sign3A_208 = vector.broadcast %sign3A_207 : i32 to vector<16x2048xi32>
    %sign3A_209 = arith.cmpi slt, %iota3A_202, %sign3A_208 : vector<16x2048xi32>
    %sign3A_210 = arith.extui %sign3A_209 : vector<16x2048xi1> to vector<16x2048xi32>
    %sign3A_211 = arith.subi %sign3A_206, %sign3A_210 : vector<16x2048xi32>
    %sign3A_212 = arith.constant 0 : i32
    %sign3A_213 = arith.cmpi sgt, %jit3A, %sign3A_212 : i32
    %sign3A_214 = arith.extui %sign3A_213 : i1 to i32
    %sign3A_215 = arith.constant 0 : i32
    %sign3A_216 = arith.cmpi slt, %jit3A, %sign3A_215 : i32
    %sign3A_217 = arith.extui %sign3A_216 : i1 to i32
    %sign3A_218 = arith.subi %sign3A_214, %sign3A_217 : i32
    %ne3A = vector.broadcast %sign3A_218 : i32 to vector<16x2048xi32>
    %ne3A_219 = arith.cmpi ne, %sign3A_211, %ne3A : vector<16x2048xi32>
    %rem3A = vector.broadcast %jit3A : i32 to vector<16x2048xi32>
    %rem3A_220 = arith.remsi %iota3A_202, %rem3A : vector<16x2048xi32>
    %ne3A_221 = arith.constant 0 : i32
    %ne3A_222 = vector.broadcast %ne3A_221 : i32 to vector<16x2048xi32>
    %ne3A_223 = arith.cmpi ne, %rem3A_220, %ne3A_222 : vector<16x2048xi32>
    %and3A = arith.andi %ne3A_219, %ne3A_223 : vector<16x2048xi1>
    %sub3A_224 = arith.constant 1 : i32
    %sub3A_225 = vector.broadcast %sub3A_224 : i32 to vector<16x2048xi32>
    %sub3A_226 = arith.subi %div3A_203, %sub3A_225 : vector<16x2048xi32>
    %select_n3A = arith.select %and3A, %sub3A_226, %div3A_203 : vector<16x2048xi1>, vector<16x2048xi32>
    %add3A = vector.broadcast %mul3A_201 : i32 to vector<16x2048xi32>
    %add3A_227 = arith.addi %add3A, %select_n3A : vector<16x2048xi32>
    %add3A_228 = vector.broadcast %get3A_11 : vector<1x2048xf32> to vector<16x2048xf32>
    %add3A_229 = arith.addf %add3A_228, %concatenate3A : vector<16x2048xf32>
    %max3A = arith.constant 9.99999996E-13 : f32
    %max3A_230 = vector.broadcast %max3A : f32 to vector<16x2048xf32>
    %max3A_231 = arith.maximumf %add3A_229, %max3A_230 : vector<16x2048xf32>
    %sqrt3A = math.sqrt %max3A_231 : vector<16x2048xf32>
    %eq3A_232 = arith.cmpi eq, %iota3A, %add3A_227 : vector<16x2048xi32>
    %jit3A_233 = arith.constant 0x7F800000 : f32
    %broadcast_in_dim3A_234 = vector.broadcast %jit3A_233 : f32 to vector<16x2048xf32>
    %select_n3A_235 = arith.select %eq3A_232, %broadcast_in_dim3A_234, %sqrt3A : vector<16x2048xi1>, vector<16x2048xf32>
    %swap3A = arith.constant 0 : index
    %swap3A_236 = arith.constant 0 : index
    %swap3A_237 = vector.load %arg2[%swap3A, %swap3A_236] : memref<16x2048xf32, #tpu.memory_space<vmem>>, vector<16x2048xf32>
    tpu.vector_store %arg2[%swap3A, %swap3A_236], %select_n3A_235 {strides = array<i32>} : memref<16x2048xf32, #tpu.memory_space<vmem>>, vector<16x2048xf32>,
    return
  }
  func.func @transform_0(%arg0: i32) -> (i32, i32) {
    %c0_i32 = arith.constant 0 : i32
    %c0_i32_0 = arith.constant 0 : i32
    %c0_i32_1 = arith.constant 0 : i32
    return %c0_i32, %c0_i32_0 : i32, i32
  }
  func.func @transform_1(%arg0: i32) -> (i32, i32) {
    %c0_i32 = arith.constant 0 : i32
    %c0_i32_0 = arith.constant 0 : i32
    return %c0_i32, %arg0 : i32, i32
  }
}

</mosaic_0001>

<sc_bundles>
// kernel: kernel.4.cloned.1.call-start
scs
__scs_entry_jumppad:
0x0: {  	(pc) =	sbr.rel $0x88, $3  }
0x1: {  	(tag) =	ssettag $0x0;
	lr =	simm.s32 $0x1  }
0x2: {  	[smem:$0x3FA0] =	sst lr;
	_ =	strace $0xD0000000  }
0x3: {  	_ = 	snop  }
0x4: {  	_ = 	snop  }
0x5: {  	_ = 	snop  }
0x6: {  	_ = 	snop  }
0x7: {  	_ = 	snop  }
__scs_overlays_trampoline_lowered:
0x8: {  	[smem:$0x3FAF] =	sst s0  }
0x9: {  	[smem:$0x3FB0] =	sst s1  }
0xa: {  	[smem:$0x3FB1] =	sst s2  }
0xb: {  	[smem:$0x3FB2] =	sst s3  }
0xc: {  	[smem:$0x3FB3] =	sst s4  }
0xd: {  	[smem:$0x3FB4] =	sst s5  }
0xe: {  	[smem:$0x3FB5] =	sst s6  }
0xf: {  	[smem:$0x3FB6] =	sst s7  }
0x10: {  	[smem:$0x3FB7] =	sst s8  }
0x11: {  	[smem:$0x3FB8] =	sst s9;
	s0 =	simm.s32 @!p0 $0x0  }
0x12: {  	s1 =	sld [smem:$0x3F9E];
	s0 =	simm.s32 @p0 $0x1  }
0x13: {  	[smem:$0x3FB9] =	sst s0;
	s0 =	simm.s32 @!p1 $0x0  }
0x14: {  	s2 =	sld [smem:$0x3F9D];
	s0 =	simm.s32 @p1 $0x1  }
0x15: {  	[smem:$0x3FBA] =	sst s0;
	s0 =	simm.s32 @!p2 $0x0  }
0x16: {  	s3 =	sld [smem:$0x3FDB];
	s0 =	simm.s32 @p2 $0x1  }
0x17: {  	s4 =	simm.s32 $0x1BF5;
	[smem:$0x3FBC] =	sst s0  }
0x18: {  	s0 =	sld [smem:$0x3F9F];
	_ =	swait.ge [sflag:s4], $0x0  }
0x19: {  	s7 =	sld [smem:$0x3FA0]  }
0x1a: {  	s8 =	sadd.s32 $0xFFFFE003, lr  }
0x1b: {  	s9 =	sadd.s32 $0xFFFFFEF7, lr;
	s5 =	simm.s32 $0xFFFFFFFF;
	p2 =	slt.u32 s8, $0xFFFFF086  }
0x1c: {  	p1 =	slt.u32 s9, $0xF7A;
	s5 =	simm.s32 @!p2 $0x0  }
0x1d: {  	s5 =	simm.s32 @p1 $0x1;
	p0 =	seq.s32 s7, s2  }
0x1e: {  	s7 =	smul.u32 @!p0 $0xF7A, s2;
	p2 =	seq.s32 @!p0 s5, $0x0  }
0x1f: {  	s9 =	smul.u32 $0xF7A, s1;
	s8 =	simm.s32 @!p0 $0x1BF5;
	p2 =	por !p2, p0  }
0x20: {  	[sflag:s8] =	ssyncset.s32 @!p0 $0xFFFFF086;
	s6 =	sadd.s32 @!p0 s3, s7;
	s7 =	simm.s32 @!p0 $0x108  }
0x21: {  	s3 =	sadd.s32 s3, s9;
	s6 =	sadd.s32 @!p0 $0x88, s6;
	s7 =	simm.s32 @p2 $0x1082  }
0x22: {  	[simem:s7], [sflag:s8] =	dma.local @!p0 [hbm:s6], $0xF7A  }
0x23: {  	s9 =	sor.u32 $0xD0000000, s2;
	s6 =	simm.s32 $0x108;
	_ =	swait.ge @!p0 [sflag:s8], $0x0  }
0x24: {  	s3 =	sadd.s32 $0x88, s3;
	s6 =	simm.s32 @!p1 $0x1082;
	[sflag:s4] =	ssyncset.s32 $0xFFFFF086  }
0x25: {  	[simem:s6], [sflag:s4] =	dma.local [hbm:s3], $0xF7A  }
0x26: {  	[smem:$0x3FA0] =	sst s1;
	(tag) =	ssettag s2;
	_ =	strace s9  }
0x27: {  	s1 =	sld [smem:$0x3FB0]  }
0x28: {  	s2 =	sld [smem:$0x3FB1]  }
0x29: {  	s4 =	sld [smem:$0x3FB3]  }
0x2a: {  	p0 =	seq.s32 s5, $0x0;
	s5 =	sld [smem:$0x3FB4]  }
0x2b: {  	s6 =	sld [smem:$0x3FB5]  }
0x2c: {  	s7 =	sld [smem:$0x3FB6]  }
0x2d: {  	s3 =	simm.s32 $0x108;
	s8 =	sld [smem:$0x3FB7]  }
0x2e: {  	s3 =	simm.s32 @!p0 $0x1082;
	s9 =	sld [smem:$0x3FB8]  }
0x2f: {  	lr =	sadd.s32 s0, s3;
	s0 =	sld [smem:$0x3FAF]  }
0x30: {  	s3 =	sld [smem:$0x3FB2]  }
0x31: {  	[smem:$0x3FBB] =	sst s10  }
0x32: {  	s10 =	sld [smem:$0x3FB9];
	_ =	sdelay $0x3  }
0x33: {  	p0 =	seq.s32 s10, $0x1;
	s10 =	sld [smem:$0x3FBB];
	_ =	sdelay $0x3  }
0x34: {  	[smem:$0x3FBB] =	sst s10  }
0x35: {  	s10 =	sld [smem:$0x3FBA];
	_ =	sdelay $0x3  }
0x36: {  	p1 =	seq.s32 s10, $0x1;
	s10 =	sld [smem:$0x3FBB];
	_ =	sdelay $0x3  }
0x37: {  	[smem:$0x3FBB] =	sst s10  }
0x38: {  	s10 =	sld [smem:$0x3FBC]  }
0x39: {  	_ = 	snop;
	(pc) =	sbr.ind lr, $3  }
0x3a: {  	_ = 	snop  }
0x3b: {  	_ = 	snop  }
0x3c: {  	p2 =	seq.s32 s10, $0x1;
	s10 =	sld [smem:$0x3FBB]  }
0x3d: {  	_ =	shalt  }
0x3e: {  	_ =	shalt  }
0x3f: {  	_ =	shalt  }
0x40: {  	_ =	shalt  }
0x41: {  	_ =	shalt  }
0x42: {  	_ =	shalt  }
0x43: {  	_ =	shalt  }
0x44: {  	_ =	shalt  }
0x45: {  	_ =	shalt  }
0x46: {  	_ =	shalt  }
0x47: {  	_ =	shalt  }
0x48: {  	_ =	shalt  }
0x49: {  	_ =	shalt  }
0x4a: {  	_ =	shalt  }
0x4b: {  	_ =	shalt  }
0x4c: {  	_ =	shalt  }
0x4d: {  	_ =	shalt  }
0x4e: {  	_ =	shalt  }
0x4f: {  	_ =	shalt  }
0x50: {  	_ =	shalt  }
0x51: {  	_ =	shalt  }
0x52: {  	_ =	shalt  }
0x53: {  	_ =	shalt  }
0x54: {  	_ =	shalt  }
0x55: {  	_ =	shalt  }
0x56: {  	_ =	shalt  }
0x57: {  	_ =	shalt  }
0x58: {  	_ =	shalt  }
0x59: {  	_ =	shalt  }
0x5a: {  	_ =	shalt  }
0x5b: {  	_ =	shalt  }
0x5c: {  	_ =	shalt  }
0x5d: {  	_ =	shalt  }
0x5e: {  	_ =	shalt  }
0x5f: {  	_ =	shalt  }
0x60: {  	_ =	shalt  }
0x61: {  	_ =	shalt  }
0x62: {  	_ =	shalt  }
0x63: {  	_ =	shalt  }
0x64: {  	_ =	shalt  }
0x65: {  	_ =	shalt  }
0x66: {  	_ =	shalt  }
0x67: {  	_ =	shalt  }
0x68: {  	_ =	shalt  }
0x69: {  	_ =	shalt  }
0x6a: {  	_ =	shalt  }
0x6b: {  	_ =	shalt  }
0x6c: {  	_ =	shalt  }
0x6d: {  	_ =	shalt  }
0x6e: {  	_ =	shalt  }
0x6f: {  	_ =	shalt  }
0x70: {  	_ =	shalt  }
0x71: {  	_ =	shalt  }
0x72: {  	_ =	shalt  }
0x73: {  	_ =	shalt  }
0x74: {  	_ =	shalt  }
0x75: {  	_ =	shalt  }
0x76: {  	_ =	shalt  }
0x77: {  	_ =	shalt  }
0x78: {  	_ =	shalt  }
0x79: {  	_ =	shalt  }
0x7a: {  	_ =	shalt  }
0x7b: {  	_ =	shalt  }
0x7c: {  	_ =	shalt  }
0x7d: {  	_ =	shalt  }
0x7e: {  	_ =	shalt  }
0x7f: {  	_ =	shalt  }
0x80: {  	_ =	shalt  }
0x81: {  	_ =	shalt  }
0x82: {  	_ =	shalt  }
0x83: {  	_ =	shalt  }
0x84: {  	_ =	shalt  }
0x85: {  	_ =	shalt  }
0x86: {  	_ =	shalt  }
0x87: {  	_ =	shalt  }
.Lfunc_end0:
.L_simem_size_0:
called_computation_lowered:
.L_overlay_start_0:
0x88: {  	s2 =	sld [smem:$0x3FD9]  }
0x89: {  	s3 =	sld [smem:$0x3FFE];
	_ =	sdelay $0x1  }
0x8a: {  	s1 =	srdreg.scid  }
0x8b: {  	s0 =	sand.u32 $0x1, s1  }
0x8c: {  	s16 =	sshll.u32 s0, $0xA;
	s2 =	sadd.s32 s3, s2  }
0x8d: {  	s2 =	sadd.s32 s2, s16  }
0x8e: {  	[smem:$0x3FC7] =	sst s2  }
0x8f: {  	_ = 	snop  }
0x90: {  	(tm) =	ssettm $0x1  }
0x91: {  	s17 =	sld [smem:$0x3FFB];
	_ =	sdelay $0x3  }
0x92: {  	_ =	strace s17  }
0x93: {  	s2 =	sld [smem:$0x3FFC];
	_ =	sdelay $0x3  }
0x94: {  	_ =	strace s2  }
0x95: {  	s2 =	sld [smem:$0x3FFD];
	_ =	sdelay $0x3  }
0x96: {  	_ =	strace s2  }
0x97: {  	_ =	strace $0x8FFFFFFF  }
0x98: {  	s18 =	sld [smem:$0x3FDB];
	_ =	sdelay $0x1  }
0x99: {  	s19 =	simm.s32 $_scs_section_size  }
0x9a: {  	s4 =	simm.s32 $_size__tile_overlayer_lowered;
	s5 =	simm.s32 $_tile_overlayer_lowered  }
0x9b: {  	s22 =	simm.s32 $0x1BFF;
	s21 =	sshll.u32 s5, $0x1;
	s2 =	sadd.s32 s19, s18  }
0x9c: {  	s6 =	simm.s32 $0x0;
	s20 =	sshll.u32 s4, $0x1;
	s4 =	sadd.s32 s21, s2  }
0x9d: {  	[timem:s6], [sflag:s22] =	dma.local [hbm:s4], s20  }
0x9e: {  	_ =	swait.ge [sflag:s22], s20  }
0x9f: {  	s3 =	ssub.s32 $0x0, s20;
	[sflag:s22] =	ssyncset.done $0x0  }
0xa0: {  	[sflag:s22] =	ssyncadd.s32 s3;
	_ =	sdelay $0x1  }
0xa1: {  	s23 =	simm.s32 $0x1B8B  }
0xa2: {  	_ =	swait.ge [sflag:s23], $0x1  }
0xa3: {  	[sflag:s23] =	ssyncset.done $0x0  }
0xa4: {  	s25 =	simm.s32 $0x1B8E;
	s24 =	sld [smem:$0x3FFE];
	[sflag:s23] =	ssyncadd.s32 $0xFFFFFFFF  }
0xa5: {  	s26 =	simm.s32 $execute0_lowered;
	[smem:$0x3FD2] =	sst s25  }
0xa6: {  	s4 =	sshll.u32 s26, $0x1;
	_ =	strace $0x80000046;
	[dreg:$0x1] =	wrdreg $0xFFFFFFFF  }
0xa7: {  	s28 =	simm.s32 $_size_execute0_lowered;
	s2 =	sadd.s32 s2, s4;
	[dreg:$0x0] =	wrdreg $0x0  }
0xa8: {  	s4 =	sshll.u32 s28, $0x1;
	[dreg:$0x2] =	wrdreg s2  }
0xa9: {  	[dreg:$0x3] =	wrdreg s4  }
0xaa: {  	[dreg:$0x4] =	wrdreg $0xC0  }
0xab: {  	_ =	task [dreg:s6], $0x5FFFF  }
0xac: {  	[dreg:$0x1] =	wrdreg $0xFFFFFFFF  }
0xad: {  	[dreg:$0x0] =	wrdreg $0x60  }
0xae: {  	[dreg:$0x2] =	wrdreg s24  }
0xaf: {  	[dreg:$0x3] =	wrdreg $0x9  }
0xb0: {  	_ =	task.clear_ibuf [dreg:s6], $0x4FFFF;
	_ =	strace $0x90000046  }
0xb1: {  	s29 =	simm.s32 $0x9;
	_ =	strace $0x80000048  }
0xb2: {  	_ =	swait.ge [sflag:s29], $0x1  }
0xb3: {  	[sflag:s29] =	ssyncadd.s32 $0xFFFFFFFF  }
0xb4: {  	_ =	strace $0x90000048  }
0xb5: {  	_ =	sfence  }
0xb6: {  	s30 =	sld [smem:$0x0];
	_ =	sdelay $0x2  }
0xb7: {  	s31 =	sshll.u32 s1, $0xD;
	s1 =	sshrl.u32 s1, $0x2  }
0xb8: {  	s3 =	sand.u32 $0x4000, s31;
	s1 =	sadd.s32 s1, s30  }
0xb9: {  	s0 =	sor.u32 s3, s0;
	s1 =	sshll.u32 s1, $0x11  }
0xba: {  	s0 =	sor.u32 s1, s0  }
0xbb: {  	s0 =	sadd.s32 $0x8F2B, s0  }
0xbc: {  	[sflag:s0] =	ssyncadd.remote.s32 $0x1  }
0xbd: {  	_ =	sfence.sel $0xFFFF  }
0xbe: {  	[dreg:$0x0] =	wrdreg $0xFFFFFFFF;
	(pc) =	sbr.abs _section_cstart, $3  }
0xbf: {  	[dreg:$0x1] =	wrdreg $0xFFFFFFFF  }
0xc0: {  	_ =	task.clear_ibuf [dreg:s6], $0x2FFFF;
	_ =	strace $0x9FFFFFFF  }
0xc1: {  	(tm) =	ssettm $0x7FFFFFFF  }
tec
execute0_lowered:
.L_overlay_start_1:
0x0: {  	(tag) =	ssettag $0x1  }
0x1: {  	s3 =	rddreg [dreg:$0x0]  }
0x2: {  	s0 =	rddreg [dreg:$0x1];
	s4 =	srdreg.scid  }
0x3: {  	s1 =	stileid.u32;
	s2 =	simm.s32 $0x0;
	s8 =	simm.s32 $0x1  }
0x4: {  	s4 =	sand.u32 $0x1, s4;
	s5 =	sshll.u32 s1, $0x1;
	[smem:$0x7FF] =	sst s2  }
0x5: {  	s9 =	simm.s32 $0x800;
	s5 =	sor.u32 s4, s5;
	_ =	strace $0x80000047  }
0x6: {  	s4 =	ssub.s32 $0x2, s4;
	s6 =	sshll.u32 s5, $0x7;
	s5 =	sshll.u32 s5, $0x4  }
0x7: {  	s7 =	sshrl.u32 s4, $0x1;
	s6 =	sadd.s32 s6, s3;
	s5 =	sadd.s32 s5, s3  }
0x8: {  	s7 =	ssub.s32 s4, s7;
	s3 =	sadd.s32 $0x800, s6;
	s4 =	sadd.s32 $0x2800, s5  }
0x9: {  	v0 =	vimm.f32 $0.0e+00;
	s5 =	smax.u32 s7, $0x1;
	s6 =	simm.s32 $0x400;
	s7 =	simm.s32 $0x8000  }
.LBB2_1:
0xa: {  	[tilespmem:s2], [sflag:$0x1] =	stream.strided.gather [hbm4b:s3+s6], $0x800, s7, s6, $0x38;
	[tilespmem:$0x880] =	vst v63  }
0xb: {  	_ =	swait.ge [sflag:s8], $0x800  }
0xc: {  	[sflag:s8] =	ssyncset.done $0x0  }
0xd: {  	[sflag:s8] =	ssyncadd.s32 $0xFFFFF800  }
0xe: {  	v2 =	vld [tilespmem:$0x0]  }
0xf: {  	v3 =	vld [tilespmem:$0x80]  }
0x10: {  	v4 =	vld [tilespmem:$0x100]  }
0x11: {  	v5 =	vld [tilespmem:$0x180]  }
0x12: {  	v6 =	vld [tilespmem:$0x200]  }
0x13: {  	v7 =	vld [tilespmem:$0x280]  }
0x14: {  	v8 =	vld [tilespmem:$0x300];
	v1 =	vmin.f32 v2, v3  }
0x15: {  	v9 =	vld [tilespmem:$0x380];
	v1 =	vmin.f32 v1, v4  }
0x16: {  	v10 =	vld [tilespmem:$0x400];
	v1 =	vmin.f32 v1, v5  }
0x17: {  	v11 =	vld [tilespmem:$0x480];
	v1 =	vmin.f32 v1, v6  }
0x18: {  	v12 =	vld [tilespmem:$0x500];
	v1 =	vmin.f32 v1, v7  }
0x19: {  	v13 =	vld [tilespmem:$0x580];
	v1 =	vmin.f32 v1, v8  }
0x1a: {  	v14 =	vld [tilespmem:$0x600];
	v1 =	vmin.f32 v1, v9  }
0x1b: {  	v15 =	vld [tilespmem:$0x680];
	v1 =	vmin.f32 v1, v10  }
0x1c: {  	v16 =	vld [tilespmem:$0x700];
	v1 =	vmin.f32 v1, v11  }
0x1d: {  	v17 =	vld [tilespmem:$0x780];
	v1 =	vmin.f32 v1, v12  }
0x1e: {  	v1 =	vmin.f32 v1, v13  }
0x1f: {  	v1 =	vmin.f32 v1, v14  }
0x20: {  	v1 =	vmin.f32 v1, v15  }
0x21: {  	v1 =	vmin.f32 v1, v16  }
0x22: {  	v1 =	vmin.f32 v1, v17  }
0x23: {  	vm0 =	veq.f32 v2, v1;
	vm1 =	veq.f32 v3, v1;
	vm2 =	veq.f32 v4, v1  }
0x24: {  	vm3 =	veq.f32 v5, v1;
	vm4 =	veq.f32 v6, v1;
	vm5 =	veq.f32 v7, v1  }
0x25: {  	vm11 =	veq.f32 v8, v1;
	vm12 =	veq.f32 v9, v1;
	vm13 =	veq.f32 v10, v1  }
0x26: {  	vm7 =	veq.f32 v11, v1;
	vm8 =	veq.f32 v12, v1;
	vm14 =	veq.f32 v13, v1  }
0x27: {  	vm15 =	veq.f32 v14, v1;
	v18 =	vsel vm0, $0x3F800000, v0;
	v19 =	vsel vm1, $0x3F800000, v0  }
0x28: {  	v33 =	vsel vm2, $0x3F800000, v0;
	v34 =	vsel vm3, $0x3F800000, v0;
	v35 =	vsel vm4, $0x3F800000, v0  }
0x29: {  	v36 =	vsel vm5, $0x3F800000, v0;
	v2 =	vsel vm0, $0x7F800000, v2;
	v3 =	vsel vm1, $0x7F800000, v3  }
0x2a: {  	v4 =	vsel vm2, $0x7F800000, v4;
	v20 =	vsel vm11, $0x3F800000, v0;
	v5 =	vsel vm3, $0x7F800000, v5  }
0x2b: {  	v6 =	vsel vm4, $0x7F800000, v6;
	v7 =	vsel vm5, $0x7F800000, v7;
	v37 =	vmin.f32 v2, v3  }
0x2c: {  	v38 =	vsel vm12, $0x3F800000, v0;
	v18 =	vadd.f32 v19, v18;
	v19 =	vmin.f32 v37, v4  }
0x2d: {  	v8 =	vsel vm11, $0x7F800000, v8;
	v9 =	vsel vm12, $0x7F800000, v9;
	v19 =	vmin.f32 v19, v5  }
0x2e: {  	v10 =	vsel vm13, $0x7F800000, v10;
	v18 =	vadd.f32 v18, v33;
	v19 =	vmin.f32 v19, v6  }
0x2f: {  	v11 =	vsel vm7, $0x7F800000, v11;
	v12 =	vsel vm8, $0x7F800000, v12;
	v19 =	vmin.f32 v19, v7  }
0x30: {  	v13 =	vsel vm14, $0x7F800000, v13;
	v18 =	vadd.f32 v18, v34;
	v19 =	vmin.f32 v19, v8  }
0x31: {  	vm2 =	veq.f32 v15, v1;
	v14 =	vsel vm15, $0x7F800000, v14;
	v19 =	vmin.f32 v19, v9  }
0x32: {  	vm1 =	veq.f32 v16, v1;
	v18 =	vadd.f32 v18, v35;
	v19 =	vmin.f32 v19, v10  }
0x33: {  	vm0 =	veq.f32 v17, v1;
	v39 =	vsel vm13, $0x3F800000, v0;
	v19 =	vmin.f32 v19, v11  }
0x34: {  	v40 =	vsel vm7, $0x3F800000, v0;
	v18 =	vadd.f32 v18, v36;
	v19 =	vmin.f32 v19, v12  }
0x35: {  	v42 =	vsel vm8, $0x3F800000, v0;
	v44 =	vsel vm14, $0x3F800000, v0;
	v19 =	vmin.f32 v19, v13  }
0x36: {  	v15 =	vsel vm2, $0x7F800000, v15;
	v18 =	vadd.f32 v18, v20;
	v19 =	vmin.f32 v19, v14  }
0x37: {  	v46 =	vsel vm15, $0x3F800000, v0;
	v16 =	vsel vm1, $0x7F800000, v16;
	v19 =	vmin.f32 v19, v15  }
0x38: {  	v17 =	vsel vm0, $0x7F800000, v17;
	v18 =	vadd.f32 v18, v38;
	v19 =	vmin.f32 v19, v16  }
0x39: {  	v48 =	vsel vm2, $0x3F800000, v0;
	v50 =	vsel vm1, $0x3F800000, v0;
	v19 =	vmin.f32 v19, v17  }
0x3a: {  	v23 =	vsel vm0, $0x3F800000, v0;
	v18 =	vadd.f32 v18, v39;
	vm5 =	veq.f32 v2, v19  }
0x3b: {  	vm6 =	veq.f32 v3, v19;
	vm12 =	veq.f32 v4, v19;
	vm13 =	veq.f32 v5, v19  }
0x3c: {  	vm14 =	veq.f32 v6, v19;
	v21 =	vsel vm5, $0x3F800000, v0;
	v22 =	vsel vm6, $0x3F800000, v0  }
0x3d: {  	vm15 =	veq.f32 v7, v19;
	vm9 =	veq.f32 v8, v19;
	v41 =	vadd.f32 v22, v21  }
0x3e: {  	vm10 =	veq.f32 v9, v19;
	vm11 =	veq.f32 v10, v19;
	v43 =	vsel vm12, $0x3F800000, v0  }
0x3f: {  	v18 =	vadd.f32 v18, v40;
	v45 =	vsel vm13, $0x3F800000, v0;
	v20 =	vadd.f32 v41, v43  }
0x40: {  	v47 =	vsel vm14, $0x3F800000, v0;
	v49 =	vsel vm15, $0x3F800000, v0;
	v51 =	vsel vm9, $0x3F800000, v0  }
0x41: {  	v52 =	vsel vm10, $0x3F800000, v0;
	v53 =	vsel vm5, $0x7F800000, v2;
	v20 =	vadd.f32 v20, v45  }
0x42: {  	v3 =	vsel vm6, $0x7F800000, v3;
	v4 =	vsel vm12, $0x7F800000, v4;
	v5 =	vsel vm13, $0x7F800000, v5  }
0x43: {  	v55 =	vsel vm11, $0x3F800000, v0;
	v6 =	vsel vm14, $0x7F800000, v6;
	v20 =	vadd.f32 v20, v47  }
0x44: {  	v7 =	vsel vm15, $0x7F800000, v7;
	vm12 =	veq.f32 v11, v19;
	v8 =	vsel vm9, $0x7F800000, v8  }
0x45: {  	v9 =	vsel vm10, $0x7F800000, v9;
	v10 =	vsel vm11, $0x7F800000, v10;
	v20 =	vadd.f32 v20, v49  }
0x46: {  	vm13 =	veq.f32 v12, v19;
	vm14 =	veq.f32 v13, v19;
	v18 =	vadd.f32 v18, v42  }
0x47: {  	vm15 =	veq.f32 v14, v19;
	vm9 =	veq.f32 v15, v19;
	v20 =	vadd.f32 v20, v51  }
0x48: {  	vm10 =	veq.f32 v16, v19;
	v54 =	vmin.f32 v53, v3;
	v18 =	vadd.f32 v18, v44  }
0x49: {  	vm11 =	veq.f32 v17, v19;
	v2 =	vadd.f32 v20, v52;
	v20 =	vmin.f32 v54, v4  }
0x4a: {  	v56 =	vsel vm12, $0x3F800000, v0;
	v18 =	vadd.f32 v18, v46;
	v20 =	vmin.f32 v20, v5  }
0x4b: {  	v11 =	vsel vm12, $0x7F800000, v11;
	v12 =	vsel vm13, $0x7F800000, v12;
	v20 =	vmin.f32 v20, v6  }
0x4c: {  	v13 =	vsel vm14, $0x7F800000, v13;
	v18 =	vadd.f32 v18, v48;
	v20 =	vmin.f32 v20, v7  }
0x4d: {  	v14 =	vsel vm15, $0x7F800000, v14;
	v15 =	vsel vm9, $0x7F800000, v15;
	v20 =	vmin.f32 v20, v8  }
0x4e: {  	v16 =	vsel vm10, $0x7F800000, v16;
	v18 =	vadd.f32 v18, v50;
	v20 =	vmin.f32 v20, v9  }
0x4f: {  	v57 =	vsel vm13, $0x3F800000, v0;
	v17 =	vsel vm11, $0x7F800000, v17;
	v20 =	vmin.f32 v20, v10  }
0x50: {  	v58 =	vsel vm14, $0x3F800000, v0;
	v18 =	vadd.f32 v18, v23;
	v20 =	vmin.f32 v20, v11  }
0x51: {  	v25 =	vsel vm15, $0x3F800000, v0;
	v2 =	vadd.f32 v2, v55;
	v20 =	vmin.f32 v20, v12  }
0x52: {  	v61 =	vsel vm9, $0x3F800000, v0;
	v18 =	vmin.f32 v18, $4.000000000e+00;
	v20 =	vmin.f32 v20, v13  }
0x53: {  	v1 =	vmul.f32 v18, v1;
	v2 =	vadd.f32 v2, v56;
	v20 =	vmin.f32 v20, v14  }
0x54: {  	v63 =	vsel vm10, $0x3F800000, v0;
	v29 =	vsel vm11, $0x3F800000, v0;
	v20 =	vmin.f32 v20, v15  }
0x55: {  	v1 =	vadd.f32 $0.0e+00, v1;
	v21 =	vadd.f32 v2, v57;
	v20 =	vmin.f32 v20, v16  }
0x56: {  	v30 =	vsub.f32 $4.000000000e+00, v18;
	vm14 =	vgt.f32 v18, $0.0e+00;
	v2 =	vmin.f32 v20, v17  }
0x57: {  	v1 =	vnsel vm14, $0x0, v1;
	v20 =	vadd.f32 v21, v58;
	vm0 =	veq.f32 v53, v2  }
0x58: {  	vm1 =	veq.f32 v3, v2;
	vm2 =	veq.f32 v4, v2;
	vm3 =	veq.f32 v5, v2  }
0x59: {  	vm4 =	veq.f32 v6, v2;
	vm5 =	veq.f32 v7, v2;
	vm12 =	veq.f32 v8, v2  }
0x5a: {  	vm13 =	veq.f32 v9, v2;
	vm15 =	veq.f32 v10, v2;
	vm10 =	veq.f32 v11, v2  }
0x5b: {  	vm11 =	veq.f32 v12, v2;
	vm14 =	veq.f32 v15, v2;
	vm7 =	veq.f32 v17, v2  }
0x5c: {  	v59 =	vsel vm0, $0x3F800000, v0;
	v24 =	vsel vm1, $0x3F800000, v0;
	v20 =	vadd.f32 v20, v25  }
0x5d: {  	v60 =	vsel vm2, $0x3F800000, v0;
	v62 =	vsel vm3, $0x3F800000, v0;
	v28 =	vsel vm4, $0x3F800000, v0  }
0x5e: {  	v31 =	vsel vm5, $0x3F800000, v0;
	v32 =	vsel vm12, $0x3F800000, v0;
	v33 =	vsel vm13, $0x3F800000, v0  }
0x5f: {  	v34 =	vsel vm0, $0x7F800000, v53;
	v3 =	vsel vm1, $0x7F800000, v3;
	v35 =	vsel vm15, $0x3F800000, v0  }
0x60: {  	v4 =	vsel vm2, $0x7F800000, v4;
	v5 =	vsel vm3, $0x7F800000, v5;
	v6 =	vsel vm4, $0x7F800000, v6  }
0x61: {  	v38 =	vsel vm10, $0x3F800000, v0;
	v7 =	vsel vm5, $0x7F800000, v7;
	v8 =	vsel vm12, $0x7F800000, v8  }
0x62: {  	v9 =	vsel vm13, $0x7F800000, v9;
	v39 =	vsel vm11, $0x3F800000, v0;
	v10 =	vsel vm15, $0x7F800000, v10  }
0x63: {  	v11 =	vsel vm10, $0x7F800000, v11;
	v21 =	vadd.f32 v24, v59;
	v36 =	vmin.f32 v34, v3  }
0x64: {  	vm12 =	veq.f32 v13, v2;
	v12 =	vsel vm11, $0x7F800000, v12;
	v37 =	vmin.f32 v36, v4  }
0x65: {  	vm13 =	veq.f32 v14, v2;
	v21 =	vadd.f32 v21, v60;
	v22 =	vmin.f32 v37, v5  }
0x66: {  	vm15 =	veq.f32 v16, v2;
	v15 =	vsel vm14, $0x7F800000, v15;
	v22 =	vmin.f32 v22, v6  }
0x67: {  	v20 =	vadd.f32 v20, v61;
	v21 =	vadd.f32 v21, v62;
	v22 =	vmin.f32 v22, v7  }
0x68: {  	v17 =	vsel vm7, $0x7F800000, v17;
	v26 =	vsel vm14, $0x3F800000, v0;
	v22 =	vmin.f32 v22, v8  }
0x69: {  	v20 =	vadd.f32 v20, v63;
	v21 =	vadd.f32 v21, v28;
	v22 =	vmin.f32 v22, v9  }
0x6a: {  	v49 =	vsel vm7, $0x3F800000, v0;
	v13 =	vsel vm12, $0x7F800000, v13;
	v22 =	vmin.f32 v22, v10  }
0x6b: {  	v20 =	vadd.f32 v20, v29;
	v21 =	vadd.f32 v21, v31;
	v22 =	vmin.f32 v22, v11  }
0x6c: {  	v14 =	vsel vm13, $0x7F800000, v14;
	v16 =	vsel vm15, $0x7F800000, v16;
	v22 =	vmin.f32 v22, v12  }
0x6d: {  	v20 =	vmin.f32 v20, v30;
	v21 =	vadd.f32 v21, v32;
	v22 =	vmin.f32 v22, v13  }
0x6e: {  	v40 =	vsel vm12, $0x3F800000, v0;
	v19 =	vmul.f32 v20, v19;
	v22 =	vmin.f32 v22, v14  }
0x6f: {  	vm9 =	vgt.f32 v20, $0.0e+00;
	v18 =	vadd.f32 v21, v33;
	v22 =	vmin.f32 v22, v15  }
0x70: {  	v42 =	vsel vm13, $0x3F800000, v0;
	v19 =	vnsel vm9, $0x0, v19;
	v22 =	vmin.f32 v22, v16  }
0x71: {  	v19 =	vadd.f32 v19, v1;
	v18 =	vadd.f32 v18, v35;
	v1 =	vmin.f32 v22, v17  }
0x72: {  	v46 =	vsel vm15, $0x3F800000, v0;
	v20 =	vsub.f32 v30, v20;
	vm8 =	veq.f32 v34, v1  }
0x73: {  	vm9 =	veq.f32 v3, v1;
	vm10 =	veq.f32 v4, v1;
	v18 =	vadd.f32 v18, v38  }
0x74: {  	vm11 =	veq.f32 v5, v1;
	vm12 =	veq.f32 v6, v1;
	vm13 =	veq.f32 v7, v1  }
0x75: {  	v41 =	vld [tilespmem:$0x10];
	v21 =	vsel vm8, $0x3F800000, v0;
	v43 =	vsel vm9, $0x3F800000, v0;
	v18 =	vadd.f32 v18, v39  }
0x76: {  	v3 =	vld [tilespmem:$0x90];
	vm14 =	veq.f32 v8, v1;
	vm15 =	veq.f32 v9, v1;
	v21 =	vadd.f32 v43, v21  }
0x77: {  	v44 =	vld [tilespmem:$0x110];
	vm5 =	veq.f32 v10, v1;
	v45 =	vsel vm10, $0x3F800000, v0;
	v18 =	vadd.f32 v18, v40  }
0x78: {  	v4 =	vld [tilespmem:$0x190];
	vm6 =	veq.f32 v11, v1;
	vm7 =	veq.f32 v12, v1;
	v21 =	vadd.f32 v21, v45  }
0x79: {  	v24 =	vld [tilespmem:$0x210];
	v47 =	vsel vm11, $0x3F800000, v0;
	v28 =	vsel vm12, $0x3F800000, v0;
	v18 =	vadd.f32 v18, v42  }
0x7a: {  	v5 =	vld [tilespmem:$0x290];
	v51 =	vsel vm13, $0x3F800000, v0;
	v54 =	vsel vm14, $0x3F800000, v0;
	v21 =	vadd.f32 v21, v47  }
0x7b: {  	v56 =	vsel vm15, $0x3F800000, v0;
	v27 =	vmin.f32 v41, v3;
	v18 =	vadd.f32 v18, v26;
	v26 =	vld [tilespmem:$0x310]  }
0x7c: {  	v6 =	vld [tilespmem:$0x390];
	v58 =	vsel vm5, $0x3F800000, v0;
	v48 =	vmin.f32 v27, v44;
	v21 =	vadd.f32 v21, v28  }
0x7d: {  	v29 =	vld [tilespmem:$0x410];
	v60 =	vsel vm6, $0x3F800000, v0;
	v61 =	vsel vm7, $0x3F800000, v0;
	v23 =	vmin.f32 v48, v4  }
0x7e: {  	v50 =	vld [tilespmem:$0x490];
	vm8 =	veq.f32 v13, v1;
	v23 =	vmin.f32 v23, v24;
	v21 =	vadd.f32 v21, v51  }
0x7f: {  	v52 =	vld [tilespmem:$0x510];
	vm9 =	veq.f32 v14, v1;
	vm11 =	veq.f32 v15, v1;
	v23 =	vmin.f32 v23, v5  }
0x80: {  	v53 =	vld [tilespmem:$0x590];
	vm13 =	veq.f32 v16, v1;
	v21 =	vadd.f32 v21, v54;
	v23 =	vmin.f32 v23, v26  }
0x81: {  	v30 =	vld [tilespmem:$0x610];
	vm15 =	veq.f32 v17, v1;
	v18 =	vadd.f32 v18, v46;
	v23 =	vmin.f32 v23, v6  }
0x82: {  	v55 =	vld [tilespmem:$0x690];
	v32 =	vsel vm8, $0x3F800000, v0;
	v21 =	vadd.f32 v21, v56;
	v23 =	vmin.f32 v23, v29  }
0x83: {  	v31 =	vld [tilespmem:$0x710];
	v34 =	vsel vm9, $0x3F800000, v0;
	v18 =	vadd.f32 v18, v49;
	v23 =	vmin.f32 v23, v50  }
0x84: {  	v57 =	vld [tilespmem:$0x790];
	v15 =	vsel vm11, $0x3F800000, v0;
	v21 =	vadd.f32 v21, v58;
	v23 =	vmin.f32 v23, v52  }
0x85: {  	v38 =	vsel vm13, $0x3F800000, v0;
	v18 =	vmin.f32 v18, v20;
	v23 =	vmin.f32 v23, v53  }
0x86: {  	v2 =	vmul.f32 v18, v2;
	v21 =	vadd.f32 v21, v60;
	v59 =	vmin.f32 v23, v30  }
0x87: {  	v40 =	vsel vm15, $0x3F800000, v0;
	vm4 =	vgt.f32 v18, $0.0e+00;
	v11 =	vmin.f32 v59, v55  }
0x88: {  	v2 =	vnsel vm4, $0x0, v2;
	v62 =	vadd.f32 v21, v61;
	v11 =	vmin.f32 v11, v31  }
0x89: {  	v36 =	vsub.f32 v20, v18;
	v12 =	vadd.f32 v2, v19;
	v2 =	vmin.f32 v11, v57  }
0x8a: {  	v11 =	vadd.f32 v62, v32;
	vm0 =	veq.f32 v41, v2;
	vm1 =	veq.f32 v3, v2  }
0x8b: {  	vm2 =	veq.f32 v44, v2;
	vm10 =	veq.f32 v4, v2;
	vm12 =	veq.f32 v24, v2  }
0x8c: {  	vm14 =	veq.f32 v5, v2;
	vm8 =	veq.f32 v26, v2;
	vm9 =	veq.f32 v6, v2  }
0x8d: {  	vm11 =	veq.f32 v50, v2;
	vm13 =	veq.f32 v53, v2;
	vm15 =	veq.f32 v55, v2  }
0x8e: {  	v63 =	vsel vm0, $0x3F800000, v0;
	v27 =	vsel vm1, $0x3F800000, v0;
	v33 =	vsel vm2, $0x3F800000, v0  }
0x8f: {  	v11 =	vadd.f32 v11, v34;
	v35 =	vsel vm10, $0x3F800000, v0;
	v37 =	vsel vm12, $0x3F800000, v0  }
0x90: {  	v39 =	vsel vm14, $0x3F800000, v0;
	v41 =	vsel vm0, $0x7F800000, v41;
	v3 =	vsel vm1, $0x7F800000, v3  }
0x91: {  	v42 =	vsel vm8, $0x3F800000, v0;
	v43 =	vsel vm2, $0x7F800000, v44;
	v4 =	vsel vm10, $0x7F800000, v4  }
0x92: {  	v46 =	vsel vm12, $0x7F800000, v24;
	v47 =	vsel vm9, $0x3F800000, v0;
	v5 =	vsel vm14, $0x7F800000, v5  }
0x93: {  	v48 =	vsel vm8, $0x7F800000, v26;
	vm10 =	veq.f32 v29, v2;
	v6 =	vsel vm9, $0x7F800000, v6  }
0x94: {  	vm12 =	veq.f32 v52, v2;
	v7 =	vsel vm11, $0x7F800000, v50;
	vm14 =	veq.f32 v30, v2  }
0x95: {  	v8 =	vsel vm13, $0x7F800000, v53;
	vm1 =	veq.f32 v31, v2;
	v9 =	vsel vm15, $0x7F800000, v55  }
0x96: {  	vm0 =	veq.f32 v57, v2;
	v13 =	vadd.f32 v27, v63;
	v44 =	vmin.f32 v41, v3  }
0x97: {  	v54 =	vsel vm11, $0x3F800000, v0;
	v59 =	vsel vm13, $0x3F800000, v0;
	v45 =	vmin.f32 v44, v43  }
0x98: {  	v11 =	vadd.f32 v11, v15;
	v13 =	vadd.f32 v13, v33;
	v17 =	vmin.f32 v45, v4  }
0x99: {  	v25 =	vsel vm15, $0x3F800000, v0;
	v49 =	vsel vm10, $0x7F800000, v29;
	v17 =	vmin.f32 v17, v46  }
0x9a: {  	v11 =	vadd.f32 v11, v38;
	v13 =	vadd.f32 v13, v35;
	v17 =	vmin.f32 v17, v5  }
0x9b: {  	v50 =	vsel vm12, $0x7F800000, v52;
	v51 =	vsel vm14, $0x7F800000, v30;
	v17 =	vmin.f32 v17, v48  }
0x9c: {  	v11 =	vadd.f32 v11, v40;
	v13 =	vadd.f32 v13, v37;
	v17 =	vmin.f32 v17, v6  }
0x9d: {  	v52 =	vsel vm1, $0x7F800000, v31;
	v53 =	vsel vm10, $0x3F800000, v0;
	v17 =	vmin.f32 v17, v49  }
0x9e: {  	v11 =	vmin.f32 v11, v36;
	v13 =	vadd.f32 v13, v39;
	v17 =	vmin.f32 v17, v7  }
0x9f: {  	v10 =	vsel vm0, $0x7F800000, v57;
	v1 =	vmul.f32 v11, v1;
	v17 =	vmin.f32 v17, v50  }
0xa0: {  	vm13 =	vgt.f32 v11, $0.0e+00;
	v13 =	vadd.f32 v13, v42;
	v17 =	vmin.f32 v17, v8  }
0xa1: {  	v57 =	vsel vm12, $0x3F800000, v0;
	v1 =	vnsel vm13, $0x0, v1;
	v17 =	vmin.f32 v17, v51  }
0xa2: {  	v1 =	vadd.f32 v1, v12;
	v13 =	vadd.f32 v13, v47;
	v17 =	vmin.f32 v17, v9  }
0xa3: {  	v61 =	vsel vm14, $0x3F800000, v0;
	v27 =	vsel vm1, $0x3F800000, v0;
	v17 =	vmin.f32 v17, v52  }
0xa4: {  	v1 =	vmul.f32 $2.500000000e-01, v1;
	v13 =	vadd.f32 v13, v53;
	v15 =	vmin.f32 v17, v10  }
0xa5: {  	vm4 =	veq.f32 v41, v15;
	vm5 =	veq.f32 v3, v15;
	vm7 =	veq.f32 v43, v15  }
0xa6: {  	vm12 =	veq.f32 v4, v15;
	vm14 =	veq.f32 v46, v15;
	vm15 =	veq.f32 v5, v15  }
0xa7: {  	vm9 =	veq.f32 v48, v15;
	vm10 =	veq.f32 v6, v15;
	vm11 =	veq.f32 v49, v15  }
0xa8: {  	vm13 =	veq.f32 v50, v15;
	v13 =	vadd.f32 v13, v54;
	v55 =	vsel vm4, $0x3F800000, v0  }
0xa9: {  	v56 =	vsel vm5, $0x3F800000, v0;
	v58 =	vsel vm7, $0x3F800000, v0;
	v60 =	vsel vm12, $0x3F800000, v0  }
0xaa: {  	v63 =	vsel vm14, $0x3F800000, v0;
	v26 =	vsel vm15, $0x3F800000, v0;
	v28 =	vsel vm9, $0x3F800000, v0  }
0xab: {  	v29 =	vsel vm4, $0x7F800000, v41;
	v30 =	vsel vm5, $0x7F800000, v3;
	v31 =	vsel vm7, $0x7F800000, v43  }
0xac: {  	v32 =	vsel vm10, $0x3F800000, v0;
	v4 =	vsel vm12, $0x7F800000, v4;
	v33 =	vsel vm14, $0x7F800000, v46  }
0xad: {  	v5 =	vsel vm15, $0x7F800000, v5;
	v34 =	vsel vm11, $0x3F800000, v0;
	v35 =	vsel vm9, $0x7F800000, v48  }
0xae: {  	v6 =	vsel vm10, $0x7F800000, v6;
	vm12 =	veq.f32 v7, v15;
	v36 =	vsel vm11, $0x7F800000, v49  }
0xaf: {  	vm14 =	veq.f32 v8, v15;
	v37 =	vsel vm13, $0x7F800000, v50;
	vm15 =	veq.f32 v51, v15  }
0xb0: {  	vm9 =	veq.f32 v9, v15;
	vm10 =	veq.f32 v52, v15;
	vm11 =	veq.f32 v10, v15  }
0xb1: {  	v41 =	vsel vm0, $0x3F800000, v0;
	v17 =	vadd.f32 v56, v55;
	v3 =	vmin.f32 v29, v30  }
0xb2: {  	v42 =	vsel vm13, $0x3F800000, v0;
	v13 =	vadd.f32 v13, v57;
	v3 =	vmin.f32 v3, v31  }
0xb3: {  	v7 =	vsel vm12, $0x7F800000, v7;
	v14 =	vadd.f32 v17, v58;
	v3 =	vmin.f32 v3, v4  }
0xb4: {  	v8 =	vsel vm14, $0x7F800000, v8;
	v13 =	vadd.f32 v13, v59;
	v3 =	vmin.f32 v3, v33  }
0xb5: {  	v38 =	vsel vm15, $0x7F800000, v51;
	v14 =	vadd.f32 v14, v60;
	v3 =	vmin.f32 v3, v5  }
0xb6: {  	v9 =	vsel vm9, $0x7F800000, v9;
	v62 =	vadd.f32 v13, v61;
	v3 =	vmin.f32 v3, v35  }
0xb7: {  	v39 =	vsel vm10, $0x7F800000, v52;
	v13 =	vadd.f32 v14, v63;
	v3 =	vmin.f32 v3, v6  }
0xb8: {  	v40 =	vsel vm12, $0x3F800000, v0;
	v11 =	vadd.f32 v62, v25;
	v3 =	vmin.f32 v3, v36  }
0xb9: {  	v10 =	vsel vm11, $0x7F800000, v10;
	v13 =	vadd.f32 v13, v26;
	v3 =	vmin.f32 v3, v7  }
0xba: {  	v45 =	vsel vm14, $0x3F800000, v0;
	v11 =	vadd.f32 v11, v27;
	v3 =	vmin.f32 v3, v37  }
0xbb: {  	v47 =	vsel vm15, $0x3F800000, v0;
	v12 =	vadd.f32 v13, v28;
	v3 =	vmin.f32 v3, v8  }
0xbc: {  	v49 =	vsel vm9, $0x3F800000, v0;
	v3 =	vmin.f32 v3, v38;
	v11 =	vadd.f32 v11, v41  }
0xbd: {  	v51 =	vsel vm10, $0x3F800000, v0;
	v12 =	vadd.f32 v12, v32;
	v3 =	vmin.f32 v3, v9  }
0xbe: {  	v53 =	vsel vm11, $0x3F800000, v0;
	v3 =	vmin.f32 v3, v39;
	v11 =	vmin.f32 v11, $4.000000000e+00  }
0xbf: {  	v12 =	vadd.f32 v12, v34;
	v3 =	vmin.f32 v3, v10;
	v2 =	vmul.f32 v11, v2  }
0xc0: {  	v54 =	vsub.f32 $4.000000000e+00, v11;
	vm13 =	vgt.f32 v11, $0.0e+00;
	vm1 =	veq.f32 v29, v3  }
0xc1: {  	vm2 =	veq.f32 v30, v3;
	vm3 =	veq.f32 v31, v3;
	vm5 =	veq.f32 v4, v3  }
0xc2: {  	vm7 =	veq.f32 v33, v3;
	vm6 =	veq.f32 v5, v3;
	vm12 =	veq.f32 v35, v3  }
0xc3: {  	vm14 =	veq.f32 v6, v3;
	vm15 =	veq.f32 v36, v3;
	vm10 =	veq.f32 v7, v3  }
0xc4: {  	vm11 =	veq.f32 v37, v3;
	vm8 =	veq.f32 v10, v3;
	v12 =	vadd.f32 v12, v40  }
0xc5: {  	v43 =	vsel vm1, $0x3F800000, v0;
	v44 =	vsel vm2, $0x3F800000, v0;
	v46 =	vsel vm3, $0x3F800000, v0  }
0xc6: {  	v48 =	vsel vm5, $0x3F800000, v0;
	v50 =	vsel vm7, $0x3F800000, v0;
	v2 =	vadd.f32 $0.0e+00, v2  }
0xc7: {  	v52 =	vsel vm6, $0x3F800000, v0;
	v55 =	vsel vm12, $0x3F800000, v0;
	v58 =	vsel vm1, $0x7F800000, v29  }
0xc8: {  	v59 =	vsel vm2, $0x7F800000, v30;
	v60 =	vsel vm15, $0x3F800000, v0;
	v16 =	vsel vm3, $0x7F800000, v31  }
0xc9: {  	v4 =	vsel vm5, $0x7F800000, v4;
	v17 =	vsel vm7, $0x7F800000, v33;
	v23 =	vadd.f32 v44, v43  }
0xca: {  	v63 =	vsel vm10, $0x3F800000, v0;
	v5 =	vsel vm6, $0x7F800000, v5;
	v19 =	vsel vm12, $0x7F800000, v35  }
0xcb: {  	v6 =	vsel vm14, $0x7F800000, v6;
	v28 =	vsel vm11, $0x3F800000, v0;
	v23 =	vadd.f32 v23, v46  }
0xcc: {  	v18 =	vsel vm15, $0x7F800000, v36;
	v7 =	vsel vm10, $0x7F800000, v7;
	vm12 =	veq.f32 v8, v3  }
0xcd: {  	v20 =	vsel vm11, $0x7F800000, v37;
	vm15 =	veq.f32 v39, v3;
	v23 =	vadd.f32 v23, v48  }
0xce: {  	v10 =	vsel vm8, $0x7F800000, v10;
	v61 =	vmin.f32 v58, v59;
	v12 =	vadd.f32 v12, v42  }
0xcf: {  	v8 =	vsel vm12, $0x7F800000, v8;
	v22 =	vsel vm15, $0x7F800000, v39;
	v23 =	vadd.f32 v23, v50  }
0xd0: {  	v29 =	vsel vm12, $0x3F800000, v0;
	v62 =	vmin.f32 v61, v16;
	v12 =	vadd.f32 v12, v45  }
0xd1: {  	v36 =	vsel vm15, $0x3F800000, v0;
	v14 =	vmin.f32 v62, v4;
	v23 =	vadd.f32 v23, v52  }
0xd2: {  	v39 =	vsel vm8, $0x3F800000, v0;
	v14 =	vmin.f32 v14, v17;
	v12 =	vadd.f32 v12, v47  }
0xd3: {  	v57 =	vnsel vm13, $0x0, v2;
	v14 =	vmin.f32 v14, v5;
	v56 =	vadd.f32 v23, v55  }
0xd4: {  	v2 =	vsel vm14, $0x3F800000, v0;
	v14 =	vmin.f32 v14, v19;
	v12 =	vadd.f32 v12, v49  }
0xd5: {  	vm13 =	veq.f32 v38, v3;
	v14 =	vmin.f32 v14, v6;
	v2 =	vadd.f32 v56, v2  }
0xd6: {  	v26 =	vld [tilespmem:$0xA0];
	vm14 =	veq.f32 v9, v3;
	v14 =	vmin.f32 v14, v18;
	v12 =	vadd.f32 v12, v51  }
0xd7: {  	v11 =	vld [tilespmem:$0x20];
	v21 =	vsel vm13, $0x7F800000, v38;
	v14 =	vmin.f32 v14, v7;
	v2 =	vadd.f32 v2, v60  }
0xd8: {  	v9 =	vsel vm14, $0x7F800000, v9;
	v14 =	vmin.f32 v14, v20;
	v12 =	vadd.f32 v12, v53  }
0xd9: {  	v30 =	vsel vm13, $0x3F800000, v0;
	v14 =	vmin.f32 v14, v8;
	v2 =	vadd.f32 v2, v63  }
0xda: {  	v34 =	vsel vm14, $0x3F800000, v0;
	v14 =	vmin.f32 v14, v21;
	v12 =	vmin.f32 v12, v54  }
0xdb: {  	v14 =	vmin.f32 v14, v9;
	v15 =	vmul.f32 v12, v15;
	v2 =	vadd.f32 v2, v28  }
0xdc: {  	v38 =	vmin.f32 v11, v26;
	v14 =	vmin.f32 v14, v22;
	vm0 =	vgt.f32 v12, $0.0e+00  }
0xdd: {  	v15 =	vnsel vm0, $0x0, v15;
	v25 =	vadd.f32 v2, v29;
	v2 =	vmin.f32 v14, v10  }
0xde: {  	v12 =	vsub.f32 v54, v12;
	v15 =	vadd.f32 v15, v57;
	vm9 =	veq.f32 v58, v2  }
0xdf: {  	vm10 =	veq.f32 v59, v2;
	vm11 =	veq.f32 v16, v2;
	vm12 =	veq.f32 v4, v2  }
0xe0: {  	vm13 =	veq.f32 v17, v2;
	v32 =	vsel vm9, $0x3F800000, v0;
	v33 =	vsel vm10, $0x3F800000, v0  }
0xe1: {  	v16 =	vld [tilespmem:$0x120];
	vm14 =	veq.f32 v5, v2;
	vm15 =	veq.f32 v19, v2;
	v14 =	vadd.f32 v33, v32  }
0xe2: {  	vm4 =	veq.f32 v6, v2;
	v31 =	vadd.f32 v25, v30;
	v35 =	vsel vm11, $0x3F800000, v0;
	v25 =	vld [tilespmem:$0x1A0]  }
0xe3: {  	v4 =	vld [tilespmem:$0x220];
	vm6 =	veq.f32 v18, v2;
	vm7 =	veq.f32 v7, v2;
	v14 =	vadd.f32 v14, v35  }
0xe4: {  	v24 =	vld [tilespmem:$0x2A0];
	vm8 =	veq.f32 v20, v2;
	v37 =	vsel vm12, $0x3F800000, v0;
	v40 =	vsel vm13, $0x3F800000, v0  }
0xe5: {  	v17 =	vld [tilespmem:$0x320];
	v42 =	vsel vm14, $0x3F800000, v0;
	v45 =	vsel vm15, $0x3F800000, v0;
	v14 =	vadd.f32 v14, v37  }
0xe6: {  	v41 =	vld [tilespmem:$0x3A0];
	v48 =	vsel vm4, $0x3F800000, v0;
	v51 =	vsel vm6, $0x3F800000, v0;
	v23 =	vmin.f32 v38, v16  }
0xe7: {  	v5 =	vld [tilespmem:$0x420];
	v53 =	vsel vm7, $0x3F800000, v0;
	v23 =	vmin.f32 v23, v25;
	v14 =	vadd.f32 v14, v40  }
0xe8: {  	v43 =	vld [tilespmem:$0x4A0];
	vm9 =	veq.f32 v8, v2;
	v13 =	vadd.f32 v31, v34;
	v23 =	vmin.f32 v23, v4  }
0xe9: {  	v44 =	vld [tilespmem:$0x520];
	vm10 =	veq.f32 v21, v2;
	v23 =	vmin.f32 v23, v24;
	v14 =	vadd.f32 v14, v42  }
0xea: {  	v46 =	vld [tilespmem:$0x5A0];
	vm11 =	veq.f32 v9, v2;
	v13 =	vadd.f32 v13, v36;
	v23 =	vmin.f32 v23, v17  }
0xeb: {  	v47 =	vld [tilespmem:$0x620];
	vm13 =	veq.f32 v22, v2;
	v23 =	vmin.f32 v23, v41;
	v14 =	vadd.f32 v14, v45  }
0xec: {  	v49 =	vld [tilespmem:$0x6A0];
	vm15 =	veq.f32 v10, v2;
	v13 =	vadd.f32 v13, v39;
	v23 =	vmin.f32 v23, v5  }
0xed: {  	v50 =	vld [tilespmem:$0x720];
	v55 =	vsel vm9, $0x3F800000, v0;
	v23 =	vmin.f32 v23, v43;
	v14 =	vadd.f32 v14, v48  }
0xee: {  	v32 =	vld [tilespmem:$0x7A0];
	v58 =	vsel vm10, $0x3F800000, v0;
	v13 =	vmin.f32 v13, v12;
	v23 =	vmin.f32 v23, v44  }
0xef: {  	v3 =	vmul.f32 v13, v3;
	v52 =	vmin.f32 v23, v46;
	v14 =	vadd.f32 v14, v51  }
0xf0: {  	v9 =	vsel vm11, $0x3F800000, v0;
	vm5 =	vgt.f32 v13, $0.0e+00;
	v7 =	vmin.f32 v52, v47  }
0xf1: {  	v3 =	vnsel vm5, $0x0, v3;
	v7 =	vmin.f32 v7, v49;
	v14 =	vadd.f32 v14, v53  }
0xf2: {  	v15 =	vadd.f32 v3, v15;
	v3 =	vsel vm8, $0x3F800000, v0;
	v7 =	vmin.f32 v7, v50  }
0xf3: {  	v61 =	vsel vm13, $0x3F800000, v0;
	v54 =	vadd.f32 v14, v3;
	v3 =	vmin.f32 v7, v32  }
0xf4: {  	v63 =	vsel vm15, $0x3F800000, v0;
	v12 =	vsub.f32 v12, v13;
	vm1 =	veq.f32 v11, v3  }
0xf5: {  	vm2 =	veq.f32 v26, v3;
	vm3 =	veq.f32 v16, v3;
	vm12 =	veq.f32 v25, v3  }
0xf6: {  	vm14 =	veq.f32 v4, v3;
	vm9 =	veq.f32 v24, v3;
	vm10 =	veq.f32 v17, v3  }
0xf7: {  	vm11 =	veq.f32 v41, v3;
	vm4 =	veq.f32 v5, v3;
	vm13 =	veq.f32 v44, v3  }
0xf8: {  	vm15 =	veq.f32 v47, v3;
	vm0 =	veq.f32 v32, v3;
	v56 =	vsel vm1, $0x3F800000, v0  }
0xf9: {  	v57 =	vsel vm2, $0x3F800000, v0;
	v7 =	vadd.f32 v54, v55;
	v59 =	vsel vm3, $0x3F800000, v0  }
0xfa: {  	v60 =	vsel vm12, $0x3F800000, v0;
	v62 =	vsel vm14, $0x3F800000, v0;
	v27 =	vsel vm9, $0x3F800000, v0  }
0xfb: {  	v33 =	vsel vm1, $0x7F800000, v11;
	v34 =	vsel vm2, $0x7F800000, v26;
	v35 =	vsel vm3, $0x7F800000, v16  }
0xfc: {  	v37 =	vsel vm10, $0x3F800000, v0;
	v38 =	vsel vm12, $0x7F800000, v25;
	v4 =	vsel vm14, $0x7F800000, v4  }
0xfd: {  	v39 =	vsel vm9, $0x7F800000, v24;
	v40 =	vsel vm11, $0x3F800000, v0;
	v17 =	vsel vm10, $0x7F800000, v17  }
0xfe: {  	v41 =	vsel vm11, $0x7F800000, v41;
	vm12 =	veq.f32 v43, v3;
	v5 =	vsel vm4, $0x7F800000, v5  }
0xff: {  	vm14 =	veq.f32 v46, v3;
	v19 =	vsel vm13, $0x7F800000, v44;
	vm2 =	veq.f32 v49, v3  }
0x100: {  	v6 =	vsel vm15, $0x7F800000, v47;
	vm1 =	veq.f32 v50, v3;
	v36 =	vmin.f32 v33, v34  }
0x101: {  	v45 =	vsel vm0, $0x7F800000, v32;
	v8 =	vadd.f32 v57, v56;
	v14 =	vmin.f32 v36, v35  }
0x102: {  	v51 =	vsel vm13, $0x3F800000, v0;
	v7 =	vadd.f32 v7, v58;
	v14 =	vmin.f32 v14, v38  }
0x103: {  	v55 =	vsel vm15, $0x3F800000, v0;
	v8 =	vadd.f32 v8, v59;
	v14 =	vmin.f32 v14, v4  }
0x104: {  	v42 =	vsel vm12, $0x7F800000, v43;
	v7 =	vadd.f32 v7, v9;
	v14 =	vmin.f32 v14, v39  }
0x105: {  	v43 =	vsel vm14, $0x7F800000, v46;
	v8 =	vadd.f32 v8, v60;
	v14 =	vmin.f32 v14, v17  }
0x106: {  	v44 =	vsel vm2, $0x7F800000, v49;
	v7 =	vadd.f32 v7, v61;
	v14 =	vmin.f32 v14, v41  }
0x107: {  	v18 =	vsel vm1, $0x7F800000, v50;
	v8 =	vadd.f32 v8, v62;
	v14 =	vmin.f32 v14, v5  }
0x108: {  	v46 =	vsel vm4, $0x3F800000, v0;
	v7 =	vadd.f32 v7, v63;
	v14 =	vmin.f32 v14, v42  }
0x109: {  	v47 =	vsel vm12, $0x3F800000, v0;
	v8 =	vadd.f32 v8, v27;
	v14 =	vmin.f32 v14, v19  }
0x10a: {  	v53 =	vsel vm14, $0x3F800000, v0;
	v7 =	vmin.f32 v7, v12;
	v14 =	vmin.f32 v14, v43  }
0x10b: {  	v8 =	vadd.f32 v8, v37;
	v2 =	vmul.f32 v7, v2;
	v14 =	vmin.f32 v14, v6  }
0x10c: {  	v58 =	vsel vm2, $0x3F800000, v0;
	vm13 =	vgt.f32 v7, $0.0e+00;
	v14 =	vmin.f32 v14, v44  }
0x10d: {  	v8 =	vadd.f32 v8, v40;
	v2 =	vnsel vm13, $0x0, v2;
	v14 =	vmin.f32 v14, v18  }
0x10e: {  	v60 =	vsel vm1, $0x3F800000, v0;
	v2 =	vadd.f32 v2, v15;
	v14 =	vmin.f32 v14, v45  }
0x10f: {  	v8 =	vadd.f32 v8, v46;
	vm4 =	veq.f32 v33, v14;
	vm5 =	veq.f32 v34, v14  }
0x110: {  	vm7 =	veq.f32 v35, v14;
	vm12 =	veq.f32 v38, v14;
	vm14 =	veq.f32 v4, v14  }
0x111: {  	vm15 =	veq.f32 v39, v14;
	vm9 =	veq.f32 v17, v14;
	vm10 =	veq.f32 v41, v14  }
0x112: {  	vm11 =	veq.f32 v5, v14;
	vm13 =	veq.f32 v19, v14;
	v2 =	vmul.f32 $2.500000000e-01, v2  }
0x113: {  	v48 =	vsel vm4, $0x3F800000, v0;
	v49 =	vsel vm5, $0x3F800000, v0;
	v8 =	vadd.f32 v8, v47  }
0x114: {  	v52 =	vsel vm7, $0x3F800000, v0;
	v54 =	vsel vm12, $0x3F800000, v0;
	v56 =	vsel vm14, $0x3F800000, v0  }
0x115: {  	v59 =	vsel vm15, $0x3F800000, v0;
	v61 =	vsel vm9, $0x3F800000, v0;
	v62 =	vsel vm10, $0x3F800000, v0  }
0x116: {  	v10 =	vsel vm4, $0x7F800000, v33;
	v11 =	vsel vm5, $0x7F800000, v34;
	v63 =	vsel vm7, $0x7F800000, v35  }
0x117: {  	v31 =	vsel vm12, $0x7F800000, v38;
	v32 =	vsel vm11, $0x3F800000, v0;
	v33 =	vsel vm14, $0x7F800000, v4  }
0x118: {  	v35 =	vsel vm15, $0x7F800000, v39;
	vm12 =	veq.f32 v42, v14;
	v36 =	vsel vm9, $0x7F800000, v17  }
0x119: {  	v38 =	vsel vm10, $0x7F800000, v41;
	v5 =	vsel vm11, $0x7F800000, v5;
	vm14 =	veq.f32 v43, v14  }
0x11a: {  	v19 =	vsel vm13, $0x7F800000, v19;
	vm15 =	veq.f32 v6, v14;
	vm9 =	veq.f32 v44, v14  }
0x11b: {  	vm10 =	veq.f32 v18, v14;
	vm11 =	veq.f32 v45, v14;
	v50 =	vadd.f32 v49, v48  }
0x11c: {  	v30 =	vmin.f32 v10, v11;
	v37 =	vsel vm12, $0x3F800000, v0;
	v39 =	vsel vm12, $0x7F800000, v42  }
0x11d: {  	v8 =	vadd.f32 v8, v51;
	v12 =	vmin.f32 v30, v63;
	v9 =	vadd.f32 v50, v52  }
0x11e: {  	v40 =	vsel vm14, $0x7F800000, v43;
	v6 =	vsel vm15, $0x7F800000, v6;
	v34 =	vmin.f32 v12, v31  }
0x11f: {  	v8 =	vadd.f32 v8, v53;
	v4 =	vmin.f32 v34, v33;
	v9 =	vadd.f32 v9, v54  }
0x120: {  	v41 =	vsel vm9, $0x7F800000, v44;
	v18 =	vsel vm10, $0x7F800000, v18;
	v4 =	vmin.f32 v4, v35  }
0x121: {  	v7 =	vadd.f32 v8, v55;
	v4 =	vmin.f32 v4, v36;
	v57 =	vadd.f32 v9, v56  }
0x122: {  	v42 =	vsel vm13, $0x3F800000, v0;
	v21 =	vsel vm11, $0x7F800000, v45;
	v4 =	vmin.f32 v4, v38  }
0x123: {  	v7 =	vadd.f32 v7, v58;
	v4 =	vmin.f32 v4, v5;
	v8 =	vadd.f32 v57, v59  }
0x124: {  	v43 =	vsel vm0, $0x3F800000, v0;
	v44 =	vsel vm14, $0x3F800000, v0;
	v4 =	vmin.f32 v4, v39  }
0x125: {  	v7 =	vadd.f32 v7, v60;
	v4 =	vmin.f32 v4, v19;
	v8 =	vadd.f32 v8, v61  }
0x126: {  	v47 =	vsel vm15, $0x3F800000, v0;
	v49 =	vsel vm9, $0x3F800000, v0;
	v4 =	vmin.f32 v4, v40  }
0x127: {  	v4 =	vmin.f32 v4, v6;
	v7 =	vadd.f32 v7, v43;
	v8 =	vadd.f32 v8, v62  }
0x128: {  	v51 =	vsel vm10, $0x3F800000, v0;
	v53 =	vsel vm11, $0x3F800000, v0;
	v4 =	vmin.f32 v4, v41  }
0x129: {  	v4 =	vmin.f32 v4, v18;
	v7 =	vmin.f32 v7, $4.000000000e+00;
	v8 =	vadd.f32 v8, v32  }
0x12a: {  	v4 =	vmin.f32 v4, v21;
	v3 =	vmul.f32 v7, v3;
	v54 =	vsub.f32 $4.000000000e+00, v7  }
0x12b: {  	vm13 =	vgt.f32 v7, $0.0e+00;
	vm0 =	veq.f32 v10, v4;
	vm1 =	veq.f32 v11, v4  }
0x12c: {  	vm2 =	veq.f32 v63, v4;
	vm3 =	veq.f32 v31, v4;
	vm4 =	veq.f32 v33, v4  }
0x12d: {  	vm12 =	veq.f32 v35, v4;
	vm14 =	veq.f32 v36, v4;
	vm15 =	veq.f32 v38, v4  }
0x12e: {  	vm10 =	veq.f32 v5, v4;
	vm11 =	veq.f32 v39, v4;
	vm8 =	veq.f32 v18, v4  }
0x12f: {  	v8 =	vadd.f32 v8, v37;
	v45 =	vsel vm0, $0x3F800000, v0;
	v46 =	vsel vm1, $0x3F800000, v0  }
0x130: {  	v48 =	vsel vm2, $0x3F800000, v0;
	v50 =	vsel vm3, $0x3F800000, v0;
	v52 =	vsel vm4, $0x3F800000, v0  }
0x131: {  	v55 =	vsel vm12, $0x3F800000, v0;
	v3 =	vadd.f32 $0.0e+00, v3;
	v57 =	vsel vm14, $0x3F800000, v0  }
0x132: {  	v58 =	vsel vm15, $0x3F800000, v0;
	v59 =	vsel vm10, $0x3F800000, v0;
	v10 =	vsel vm0, $0x7F800000, v10  }
0x133: {  	v11 =	vsel vm1, $0x7F800000, v11;
	v9 =	vsel vm2, $0x7F800000, v63;
	v24 =	vadd.f32 v46, v45  }
0x134: {  	v13 =	vsel vm3, $0x7F800000, v31;
	v61 =	vsel vm11, $0x3F800000, v0;
	v20 =	vsel vm4, $0x7F800000, v33  }
0x135: {  	v12 =	vsel vm12, $0x7F800000, v35;
	vm12 =	veq.f32 v19, v4;
	v24 =	vadd.f32 v24, v48  }
0x136: {  	v15 =	vsel vm14, $0x7F800000, v36;
	v17 =	vsel vm15, $0x7F800000, v38;
	v63 =	vsel vm10, $0x7F800000, v5  }
0x137: {  	v16 =	vsel vm11, $0x7F800000, v39;
	v8 =	vadd.f32 v8, v42;
	v24 =	vadd.f32 v24, v50  }
0x138: {  	vm14 =	veq.f32 v6, v4;
	vm15 =	veq.f32 v41, v4;
	v18 =	vsel vm8, $0x7F800000, v18  }
0x139: {  	v60 =	vmin.f32 v10, v11;
	v8 =	vadd.f32 v8, v44;
	v24 =	vadd.f32 v24, v52  }
0x13a: {  	v62 =	vsel vm12, $0x3F800000, v0;
	v19 =	vsel vm12, $0x7F800000, v19;
	v6 =	vsel vm14, $0x7F800000, v6  }
0x13b: {  	v8 =	vadd.f32 v8, v47;
	v56 =	vadd.f32 v24, v55;
	v24 =	vmin.f32 v60, v9  }
0x13c: {  	v23 =	vsel vm15, $0x7F800000, v41;
	v35 =	vsel vm14, $0x3F800000, v0;
	v24 =	vmin.f32 v24, v13  }
0x13d: {  	v8 =	vadd.f32 v8, v49;
	v7 =	vadd.f32 v56, v57;
	v24 =	vmin.f32 v24, v20  }
0x13e: {  	v3 =	vnsel vm13, $0x0, v3;
	vm13 =	veq.f32 v40, v4;
	v24 =	vmin.f32 v24, v12  }
0x13f: {  	v8 =	vadd.f32 v8, v51;
	v7 =	vadd.f32 v7, v58;
	v24 =	vmin.f32 v24, v15  }
0x140: {  	v36 =	vsel vm15, $0x3F800000, v0;
	v34 =	vsel vm13, $0x3F800000, v0;
	v33 =	vmin.f32 v24, v17  }
0x141: {  	v8 =	vadd.f32 v8, v53;
	v7 =	vadd.f32 v7, v59;
	v5 =	vmin.f32 v33, v63  }
0x142: {  	v22 =	vsel vm13, $0x7F800000, v40;
	v40 =	vsel vm8, $0x3F800000, v0;
	v5 =	vmin.f32 v5, v16  }
0x143: {  	v8 =	vmin.f32 v8, v54;
	v7 =	vadd.f32 v7, v61;
	v5 =	vmin.f32 v5, v19  }
0x144: {  	v14 =	vmul.f32 v8, v14;
	vm9 =	vgt.f32 v8, $0.0e+00;
	v5 =	vmin.f32 v5, v22  }
0x145: {  	v8 =	vsub.f32 v54, v8;
	v7 =	vadd.f32 v7, v62;
	v5 =	vmin.f32 v5, v6  }
0x146: {  	v14 =	vnsel vm9, $0x0, v14;
	vm9 =	veq.f32 v21, v4;
	v5 =	vmin.f32 v5, v23  }
0x147: {  	v21 =	vsel vm9, $0x7F800000, v21;
	v7 =	vadd.f32 v7, v34;
	v5 =	vmin.f32 v5, v18  }
0x148: {  	v3 =	vadd.f32 v14, v3;
	v42 =	vsel vm9, $0x3F800000, v0;
	v5 =	vmin.f32 v5, v21  }
0x149: {  	v7 =	vadd.f32 v7, v35;
	vm10 =	veq.f32 v10, v5;
	vm11 =	veq.f32 v11, v5  }
0x14a: {  	v24 =	vld [tilespmem:$0x30];
	vm12 =	veq.f32 v9, v5;
	vm13 =	veq.f32 v13, v5;
	vm14 =	veq.f32 v20, v5  }
0x14b: {  	v10 =	vld [tilespmem:$0xB0];
	vm15 =	veq.f32 v12, v5;
	v37 =	vsel vm10, $0x3F800000, v0;
	v38 =	vsel vm11, $0x3F800000, v0  }
0x14c: {  	v28 =	vld [tilespmem:$0x130];
	vm4 =	veq.f32 v15, v5;
	vm6 =	veq.f32 v17, v5;
	v39 =	vadd.f32 v38, v37  }
0x14d: {  	v9 =	vld [tilespmem:$0x1B0];
	vm7 =	veq.f32 v63, v5;
	vm8 =	veq.f32 v16, v5;
	v41 =	vsel vm12, $0x3F800000, v0  }
0x14e: {  	v27 =	vld [tilespmem:$0x230];
	vm9 =	veq.f32 v19, v5;
	vm1 =	veq.f32 v21, v5;
	v11 =	vadd.f32 v39, v41  }
0x14f: {  	v13 =	vld [tilespmem:$0x2B0];
	v43 =	vsel vm13, $0x3F800000, v0;
	v46 =	vsel vm14, $0x3F800000, v0;
	v50 =	vsel vm15, $0x3F800000, v0  }
0x150: {  	v29 =	vld [tilespmem:$0x330];
	v53 =	vsel vm4, $0x3F800000, v0;
	v44 =	vmin.f32 v24, v10;
	v11 =	vadd.f32 v11, v43  }
0x151: {  	v20 =	vld [tilespmem:$0x3B0];
	v56 =	vsel vm6, $0x3F800000, v0;
	v26 =	vsel vm7, $0x3F800000, v0;
	v45 =	vmin.f32 v44, v28  }
0x152: {  	v47 =	vld [tilespmem:$0x430];
	v58 =	vsel vm8, $0x3F800000, v0;
	v25 =	vmin.f32 v45, v9;
	v11 =	vadd.f32 v11, v46  }
0x153: {  	v48 =	vld [tilespmem:$0x4B0];
	v60 =	vsel vm9, $0x3F800000, v0;
	v7 =	vadd.f32 v7, v36;
	v49 =	vmin.f32 v25, v27  }
0x154: {  	v51 =	vld [tilespmem:$0x530];
	vm10 =	veq.f32 v22, v5;
	v14 =	vmin.f32 v49, v13;
	v11 =	vadd.f32 v11, v50  }
0x155: {  	v52 =	vld [tilespmem:$0x5B0];
	vm12 =	veq.f32 v6, v5;
	v7 =	vadd.f32 v7, v40;
	v14 =	vmin.f32 v14, v29  }
0x156: {  	v54 =	vld [tilespmem:$0x630];
	vm14 =	veq.f32 v23, v5;
	v14 =	vmin.f32 v14, v20;
	v11 =	vadd.f32 v11, v53  }
0x157: {  	v55 =	vld [tilespmem:$0x6B0];
	vm8 =	veq.f32 v18, v5;
	v7 =	vadd.f32 v7, v42;
	v14 =	vmin.f32 v14, v47  }
0x158: {  	v33 =	vld [tilespmem:$0x730];
	v63 =	vsel vm10, $0x3F800000, v0;
	v14 =	vmin.f32 v14, v48;
	v11 =	vadd.f32 v11, v56  }
0x159: {  	v57 =	vld [tilespmem:$0x7B0];
	v35 =	vsel vm14, $0x3F800000, v0;
	v7 =	vmin.f32 v7, v8;
	v14 =	vmin.f32 v14, v51  }
0x15a: {  	v4 =	vmul.f32 v7, v4;
	v14 =	vmin.f32 v14, v52;
	v11 =	vadd.f32 v11, v26  }
0x15b: {  	v37 =	vsel vm8, $0x3F800000, v0;
	vm5 =	vgt.f32 v7, $0.0e+00;
	v14 =	vmin.f32 v14, v54  }
0x15c: {  	v4 =	vnsel vm5, $0x0, v4;
	v14 =	vmin.f32 v14, v55;
	v11 =	vadd.f32 v11, v58  }
0x15d: {  	v7 =	vsub.f32 v8, v7;
	v3 =	vadd.f32 v4, v3;
	v59 =	vmin.f32 v14, v33  }
0x15e: {  	v26 =	vsel vm12, $0x3F800000, v0;
	v4 =	vmin.f32 v59, v57;
	v8 =	vadd.f32 v11, v60  }
0x15f: {  	vm0 =	veq.f32 v24, v4;
	vm2 =	veq.f32 v10, v4;
	vm11 =	veq.f32 v28, v4  }
0x160: {  	vm13 =	veq.f32 v9, v4;
	vm15 =	veq.f32 v27, v4;
	vm9 =	veq.f32 v13, v4  }
0x161: {  	vm10 =	veq.f32 v29, v4;
	vm5 =	veq.f32 v47, v4;
	vm7 =	veq.f32 v48, v4  }
0x162: {  	vm12 =	veq.f32 v51, v4;
	vm14 =	veq.f32 v54, v4;
	v61 =	vsel vm0, $0x3F800000, v0  }
0x163: {  	v62 =	vsel vm2, $0x3F800000, v0;
	v22 =	vsel vm11, $0x3F800000, v0;
	v34 =	vsel vm13, $0x3F800000, v0  }
0x164: {  	v36 =	vsel vm15, $0x3F800000, v0;
	v38 =	vsel vm9, $0x3F800000, v0;
	v39 =	vsel vm0, $0x7F800000, v24  }
0x165: {  	v10 =	vsel vm2, $0x7F800000, v10;
	v40 =	vsel vm11, $0x7F800000, v28;
	v42 =	vsel vm10, $0x3F800000, v0  }
0x166: {  	v9 =	vsel vm13, $0x7F800000, v9;
	v43 =	vsel vm15, $0x7F800000, v27;
	vm11 =	veq.f32 v20, v4  }
0x167: {  	v13 =	vsel vm9, $0x7F800000, v13;
	v45 =	vsel vm10, $0x7F800000, v29;
	v46 =	vsel vm5, $0x7F800000, v47  }
0x168: {  	v12 =	vsel vm7, $0x7F800000, v48;
	vm13 =	veq.f32 v52, v4;
	v47 =	vsel vm12, $0x7F800000, v51  }
0x169: {  	vm15 =	veq.f32 v55, v4;
	v48 =	vsel vm14, $0x7F800000, v54;
	vm2 =	veq.f32 v33, v4  }
0x16a: {  	vm0 =	veq.f32 v57, v4;
	v51 =	vsel vm1, $0x3F800000, v0;
	v53 =	vsel vm7, $0x3F800000, v0  }
0x16b: {  	v11 =	vadd.f32 v62, v61;
	v8 =	vadd.f32 v8, v63;
	v41 =	vmin.f32 v39, v10  }
0x16c: {  	v44 =	vsel vm11, $0x3F800000, v0;
	v20 =	vsel vm11, $0x7F800000, v20;
	v16 =	vmin.f32 v41, v40  }
0x16d: {  	v6 =	vadd.f32 v11, v22;
	v8 =	vadd.f32 v8, v26;
	v16 =	vmin.f32 v16, v9  }
0x16e: {  	v15 =	vsel vm13, $0x7F800000, v52;
	v17 =	vsel vm15, $0x7F800000, v55;
	v16 =	vmin.f32 v16, v43  }
0x16f: {  	v6 =	vadd.f32 v6, v34;
	v8 =	vadd.f32 v8, v35;
	v16 =	vmin.f32 v16, v13  }
0x170: {  	v49 =	vsel vm2, $0x7F800000, v33;
	v50 =	vsel vm0, $0x7F800000, v57;
	v16 =	vmin.f32 v16, v45  }
0x171: {  	v6 =	vadd.f32 v6, v36;
	v8 =	vadd.f32 v8, v37;
	v16 =	vmin.f32 v16, v20  }
0x172: {  	v52 =	vsel vm5, $0x3F800000, v0;
	v57 =	vsel vm12, $0x3F800000, v0;
	v16 =	vmin.f32 v16, v46  }
0x173: {  	v6 =	vadd.f32 v6, v38;
	v16 =	vmin.f32 v16, v12;
	v8 =	vadd.f32 v8, v51  }
0x174: {  	v60 =	vsel vm13, $0x3F800000, v0;
	v63 =	vsel vm14, $0x3F800000, v0;
	v16 =	vmin.f32 v16, v47  }
0x175: {  	v6 =	vadd.f32 v6, v42;
	v16 =	vmin.f32 v16, v15;
	v7 =	vmin.f32 v8, v7  }
0x176: {  	v31 =	vsel vm15, $0x3F800000, v0;
	v16 =	vmin.f32 v16, v48;
	v5 =	vmul.f32 v7, v5  }
0x177: {  	vm13 =	vgt.f32 v7, $0.0e+00;
	v16 =	vmin.f32 v16, v17;
	v6 =	vadd.f32 v6, v44  }
0x178: {  	v35 =	vsel vm2, $0x3F800000, v0;
	v16 =	vmin.f32 v16, v49;
	v34 =	vnsel vm13, $0x0, v5  }
0x179: {  	v16 =	vmin.f32 v16, v50;
	v6 =	vadd.f32 v6, v52;
	v3 =	vadd.f32 v34, v3  }
0x17a: {  	vm1 =	veq.f32 v39, v16;
	vm5 =	veq.f32 v10, v16;
	vm7 =	veq.f32 v40, v16  }
0x17b: {  	vm8 =	veq.f32 v9, v16;
	vm12 =	veq.f32 v43, v16;
	vm14 =	veq.f32 v13, v16  }
0x17c: {  	vm15 =	veq.f32 v45, v16;
	vm10 =	veq.f32 v20, v16;
	vm11 =	veq.f32 v46, v16  }
0x17d: {  	vm13 =	veq.f32 v47, v16;
	vm9 =	veq.f32 v17, v16;
	v54 =	vsel vm1, $0x3F800000, v0  }
0x17e: {  	v55 =	vsel vm5, $0x3F800000, v0;
	v6 =	vadd.f32 v6, v53;
	v58 =	vsel vm7, $0x3F800000, v0  }
0x17f: {  	v61 =	vsel vm8, $0x3F800000, v0;
	v30 =	vsel vm12, $0x3F800000, v0;
	v32 =	vsel vm14, $0x3F800000, v0  }
0x180: {  	v36 =	vsel vm15, $0x3F800000, v0;
	v38 =	vsel vm10, $0x3F800000, v0;
	v11 =	vsel vm1, $0x7F800000, v39  }
0x181: {  	v10 =	vsel vm5, $0x7F800000, v10;
	v39 =	vsel vm7, $0x7F800000, v40;
	v9 =	vsel vm8, $0x7F800000, v9  }
0x182: {  	v41 =	vsel vm11, $0x3F800000, v0;
	v18 =	vsel vm12, $0x7F800000, v43;
	v13 =	vsel vm14, $0x7F800000, v13  }
0x183: {  	vm12 =	veq.f32 v12, v16;
	v21 =	vsel vm15, $0x7F800000, v45;
	v20 =	vsel vm10, $0x7F800000, v20  }
0x184: {  	v22 =	vsel vm11, $0x7F800000, v46;
	vm14 =	veq.f32 v15, v16;
	v56 =	vadd.f32 v55, v54  }
0x185: {  	v23 =	vsel vm13, $0x7F800000, v47;
	vm15 =	veq.f32 v48, v16;
	vm10 =	veq.f32 v49, v16  }
0x186: {  	v17 =	vsel vm9, $0x7F800000, v17;
	v6 =	vadd.f32 v6, v57;
	v59 =	vadd.f32 v56, v58  }
0x187: {  	vm11 =	veq.f32 v50, v16;
	v44 =	vsel vm13, $0x3F800000, v0;
	v45 =	vsel vm0, $0x3F800000, v0  }
0x188: {  	v40 =	vmin.f32 v11, v10;
	v6 =	vadd.f32 v6, v60;
	v62 =	vadd.f32 v59, v61  }
0x189: {  	v51 =	vsel vm9, $0x3F800000, v0;
	v3 =	vmul.f32 $2.500000000e-01, v3;
	v14 =	vmin.f32 v40, v39  }
0x18a: {  	v14 =	vmin.f32 v14, v9;
	v6 =	vadd.f32 v6, v63;
	v8 =	vadd.f32 v62, v30  }
0x18b: {  	v42 =	vsel vm12, $0x3F800000, v0;
	v12 =	vsel vm12, $0x7F800000, v12;
	v14 =	vmin.f32 v14, v18  }
0x18c: {  	v14 =	vmin.f32 v14, v13;
	v6 =	vadd.f32 v6, v31;
	v33 =	vadd.f32 v8, v32  }
0x18d: {  	v15 =	vsel vm14, $0x7F800000, v15;
	v24 =	vsel vm15, $0x7F800000, v48;
	v14 =	vmin.f32 v14, v21  }
0x18e: {  	v14 =	vmin.f32 v14, v20;
	v6 =	vadd.f32 v6, v35;
	v37 =	vadd.f32 v33, v36  }
0x18f: {  	v43 =	vsel vm10, $0x7F800000, v49;
	v19 =	vsel vm11, $0x7F800000, v50;
	v14 =	vmin.f32 v14, v22  }
0x190: {  	v14 =	vmin.f32 v14, v12;
	v6 =	vadd.f32 v6, v45;
	v5 =	vadd.f32 v37, v38  }
0x191: {  	v46 =	vsel vm14, $0x3F800000, v0;
	v49 =	vsel vm15, $0x3F800000, v0;
	v14 =	vmin.f32 v14, v23  }
0x192: {  	v14 =	vmin.f32 v14, v15;
	v6 =	vmin.f32 v6, $4.000000000e+00;
	v5 =	vadd.f32 v5, v41  }
0x193: {  	v53 =	vsel vm10, $0x3F800000, v0;
	v14 =	vmin.f32 v14, v24;
	v4 =	vmul.f32 v6, v4  }
0x194: {  	v55 =	vsel vm11, $0x3F800000, v0;
	v14 =	vmin.f32 v14, v17;
	v5 =	vadd.f32 v5, v42  }
0x195: {  	v14 =	vmin.f32 v14, v43;
	v56 =	vsub.f32 $4.000000000e+00, v6;
	v4 =	vadd.f32 $0.0e+00, v4  }
0x196: {  	vm13 =	vgt.f32 v6, $0.0e+00;
	v26 =	vadd.f32 v5, v44;
	v5 =	vmin.f32 v14, v19  }
0x197: {  	v4 =	vnsel vm13, $0x0, v4;
	vm0 =	veq.f32 v11, v5;
	vm1 =	veq.f32 v10, v5  }
0x198: {  	vm2 =	veq.f32 v39, v5;
	vm3 =	veq.f32 v9, v5;
	vm4 =	veq.f32 v18, v5  }
0x199: {  	vm5 =	veq.f32 v13, v5;
	vm6 =	veq.f32 v21, v5;
	vm12 =	veq.f32 v20, v5  }
0x19a: {  	vm15 =	veq.f32 v22, v5;
	vm10 =	veq.f32 v12, v5;
	vm11 =	veq.f32 v23, v5  }
0x19b: {  	vm13 =	veq.f32 v24, v5;
	vm7 =	veq.f32 v19, v5;
	v14 =	vadd.f32 v26, v46  }
0x19c: {  	v47 =	vsel vm0, $0x3F800000, v0;
	v48 =	vsel vm1, $0x3F800000, v0;
	v50 =	vsel vm2, $0x3F800000, v0  }
0x19d: {  	v52 =	vsel vm3, $0x3F800000, v0;
	v54 =	vsel vm4, $0x3F800000, v0;
	v26 =	vadd.f32 v48, v47  }
0x19e: {  	v57 =	vsel vm5, $0x3F800000, v0;
	v59 =	vsel vm6, $0x3F800000, v0;
	v60 =	vsel vm12, $0x3F800000, v0  }
0x19f: {  	v61 =	vsel vm0, $0x7F800000, v11;
	v10 =	vsel vm1, $0x7F800000, v10;
	v26 =	vadd.f32 v26, v50  }
0x1a0: {  	v62 =	vsel vm15, $0x3F800000, v0;
	v7 =	vsel vm2, $0x7F800000, v39;
	v9 =	vsel vm3, $0x7F800000, v9  }
0x1a1: {  	v18 =	vsel vm4, $0x7F800000, v18;
	v28 =	vsel vm10, $0x3F800000, v0;
	v26 =	vadd.f32 v26, v52  }
0x1a2: {  	v13 =	vsel vm5, $0x7F800000, v13;
	v21 =	vsel vm6, $0x7F800000, v21;
	v14 =	vadd.f32 v14, v49  }
0x1a3: {  	v20 =	vsel vm12, $0x7F800000, v20;
	v29 =	vsel vm11, $0x3F800000, v0;
	v26 =	vadd.f32 v26, v54  }
0x1a4: {  	v22 =	vsel vm15, $0x7F800000, v22;
	v63 =	vmin.f32 v61, v10;
	v14 =	vadd.f32 v14, v51  }
0x1a5: {  	v12 =	vsel vm10, $0x7F800000, v12;
	v58 =	vadd.f32 v26, v57;
	v26 =	vmin.f32 v63, v7  }
0x1a6: {  	vm12 =	veq.f32 v15, v5;
	v14 =	vadd.f32 v14, v53;
	v11 =	vmin.f32 v26, v9  }
0x1a7: {  	v23 =	vsel vm11, $0x7F800000, v23;
	v24 =	vsel vm13, $0x7F800000, v24;
	v11 =	vmin.f32 v11, v18  }
0x1a8: {  	v14 =	vadd.f32 v14, v55;
	v8 =	vadd.f32 v58, v59;
	v11 =	vmin.f32 v11, v13  }
0x1a9: {  	vm15 =	veq.f32 v43, v5;
	v19 =	vsel vm7, $0x7F800000, v19;
	v11 =	vmin.f32 v11, v21  }
0x1aa: {  	v14 =	vmin.f32 v14, v56;
	v6 =	vadd.f32 v8, v60;
	v11 =	vmin.f32 v11, v20  }
0x1ab: {  	v31 =	vsel vm13, $0x3F800000, v0;
	v16 =	vmul.f32 v14, v16;
	v11 =	vmin.f32 v11, v22  }
0x1ac: {  	vm14 =	vgt.f32 v14, $0.0e+00;
	v6 =	vadd.f32 v6, v62;
	v11 =	vmin.f32 v11, v12  }
0x1ad: {  	v15 =	vsel vm12, $0x7F800000, v15;
	v16 =	vnsel vm14, $0x0, v16;
	v11 =	vmin.f32 v11, v23  }
0x1ae: {  	vm14 =	veq.f32 v17, v5;
	v6 =	vadd.f32 v6, v28;
	v11 =	vmin.f32 v11, v15  }
0x1af: {  	v40 =	vsel vm7, $0x3F800000, v0;
	v17 =	vsel vm14, $0x7F800000, v17;
	v11 =	vmin.f32 v11, v24  }
0x1b0: {  	v25 =	vsel vm15, $0x7F800000, v43;
	v6 =	vadd.f32 v6, v29;
	v11 =	vmin.f32 v11, v17  }
0x1b1: {  	v30 =	vsel vm12, $0x3F800000, v0;
	v36 =	vsel vm15, $0x3F800000, v0;
	v11 =	vmin.f32 v11, v25  }
0x1b2: {  	v16 =	vadd.f32 v16, v4;
	v6 =	vadd.f32 v6, v30;
	v4 =	vmin.f32 v11, v19  }
0x1b3: {  	v14 =	vsub.f32 v56, v14;
	v34 =	vsel vm14, $0x3F800000, v0;
	vm8 =	veq.f32 v61, v4  }
0x1b4: {  	v8 =	vld [tilespmem:$0xC0];
	vm9 =	veq.f32 v10, v4;
	v6 =	vadd.f32 v6, v31;
	vm10 =	veq.f32 v7, v4  }
0x1b5: {  	v11 =	vld [tilespmem:$0x40];
	vm11 =	veq.f32 v9, v4;
	vm12 =	veq.f32 v18, v4;
	vm13 =	veq.f32 v13, v4  }
0x1b6: {  	v28 =	vld [tilespmem:$0x140];
	vm14 =	veq.f32 v21, v4;
	vm15 =	veq.f32 v20, v4;
	vm5 =	veq.f32 v22, v4  }
0x1b7: {  	v7 =	vld [tilespmem:$0x1C0];
	vm6 =	veq.f32 v12, v4;
	vm7 =	veq.f32 v23, v4;
	v32 =	vsel vm8, $0x3F800000, v0  }
0x1b8: {  	v27 =	vld [tilespmem:$0x240];
	v33 =	vsel vm9, $0x3F800000, v0;
	v35 =	vsel vm10, $0x3F800000, v0;
	v37 =	vsel vm11, $0x3F800000, v0  }
0x1b9: {  	v9 =	vld [tilespmem:$0x2C0];
	v41 =	vsel vm12, $0x3F800000, v0;
	v43 =	vsel vm13, $0x3F800000, v0;
	v10 =	vadd.f32 v33, v32  }
0x1ba: {  	v29 =	vld [tilespmem:$0x340];
	v46 =	vsel vm14, $0x3F800000, v0;
	v49 =	vsel vm15, $0x3F800000, v0;
	v38 =	vmin.f32 v11, v8  }
0x1bb: {  	v18 =	vld [tilespmem:$0x3C0];
	v51 =	vsel vm5, $0x3F800000, v0;
	v10 =	vadd.f32 v10, v35;
	v39 =	vmin.f32 v38, v28  }
0x1bc: {  	v42 =	vld [tilespmem:$0x440];
	v53 =	vsel vm6, $0x3F800000, v0;
	v23 =	vsel vm7, $0x3F800000, v0;
	v26 =	vmin.f32 v39, v7  }
0x1bd: {  	v13 =	vld [tilespmem:$0x4C0];
	vm8 =	veq.f32 v15, v4;
	v10 =	vadd.f32 v10, v37;
	v26 =	vmin.f32 v26, v27  }
0x1be: {  	v44 =	vld [tilespmem:$0x540];
	vm9 =	veq.f32 v24, v4;
	v6 =	vadd.f32 v6, v34;
	v26 =	vmin.f32 v26, v9  }
0x1bf: {  	v45 =	vld [tilespmem:$0x5C0];
	vm11 =	veq.f32 v17, v4;
	v10 =	vadd.f32 v10, v41;
	v26 =	vmin.f32 v26, v29  }
0x1c0: {  	v47 =	vld [tilespmem:$0x640];
	vm13 =	veq.f32 v25, v4;
	v6 =	vadd.f32 v6, v36;
	v26 =	vmin.f32 v26, v18  }
0x1c1: {  	v48 =	vld [tilespmem:$0x6C0];
	vm15 =	veq.f32 v19, v4;
	v10 =	vadd.f32 v10, v43;
	v26 =	vmin.f32 v26, v42  }
0x1c2: {  	v34 =	vld [tilespmem:$0x740];
	v56 =	vsel vm8, $0x3F800000, v0;
	v6 =	vadd.f32 v6, v40;
	v26 =	vmin.f32 v26, v13  }
0x1c3: {  	v50 =	vld [tilespmem:$0x7C0];
	v58 =	vsel vm9, $0x3F800000, v0;
	v10 =	vadd.f32 v10, v46;
	v26 =	vmin.f32 v26, v44  }
0x1c4: {  	v17 =	vsel vm11, $0x3F800000, v0;
	v6 =	vmin.f32 v6, v14;
	v26 =	vmin.f32 v26, v45  }
0x1c5: {  	v5 =	vmul.f32 v6, v5;
	v10 =	vadd.f32 v10, v49;
	v52 =	vmin.f32 v26, v47  }
0x1c6: {  	v61 =	vsel vm13, $0x3F800000, v0;
	vm4 =	vgt.f32 v6, $0.0e+00;
	v12 =	vmin.f32 v52, v48  }
0x1c7: {  	v5 =	vnsel vm4, $0x0, v5;
	v10 =	vadd.f32 v10, v51;
	v12 =	vmin.f32 v12, v34  }
0x1c8: {  	v63 =	vsel vm15, $0x3F800000, v0;
	v16 =	vadd.f32 v5, v16;
	v5 =	vmin.f32 v12, v50  }
0x1c9: {  	v6 =	vsub.f32 v14, v6;
	v10 =	vadd.f32 v10, v53;
	vm0 =	veq.f32 v11, v5  }
0x1ca: {  	vm1 =	veq.f32 v8, v5;
	vm2 =	veq.f32 v28, v5;
	vm10 =	veq.f32 v7, v5  }
0x1cb: {  	vm12 =	veq.f32 v27, v5;
	vm14 =	veq.f32 v9, v5;
	vm8 =	veq.f32 v29, v5  }
0x1cc: {  	vm9 =	veq.f32 v18, v5;
	vm11 =	veq.f32 v13, v5;
	vm13 =	veq.f32 v45, v5  }
0x1cd: {  	vm15 =	veq.f32 v48, v5;
	v10 =	vadd.f32 v10, v23;
	v54 =	vsel vm0, $0x3F800000, v0  }
0x1ce: {  	v55 =	vsel vm1, $0x3F800000, v0;
	v57 =	vsel vm2, $0x3F800000, v0;
	v59 =	vsel vm10, $0x3F800000, v0  }
0x1cf: {  	v60 =	vsel vm12, $0x3F800000, v0;
	v62 =	vsel vm14, $0x3F800000, v0;
	v11 =	vsel vm0, $0x7F800000, v11  }
0x1d0: {  	v8 =	vsel vm1, $0x7F800000, v8;
	v35 =	vsel vm8, $0x3F800000, v0;
	v36 =	vsel vm2, $0x7F800000, v28  }
0x1d1: {  	v7 =	vsel vm10, $0x7F800000, v7;
	v39 =	vsel vm12, $0x7F800000, v27;
	v40 =	vsel vm9, $0x3F800000, v0  }
0x1d2: {  	v9 =	vsel vm14, $0x7F800000, v9;
	v41 =	vsel vm8, $0x7F800000, v29;
	vm10 =	veq.f32 v42, v5  }
0x1d3: {  	v18 =	vsel vm9, $0x7F800000, v18;
	vm12 =	veq.f32 v44, v5;
	v13 =	vsel vm11, $0x7F800000, v13  }
0x1d4: {  	vm14 =	veq.f32 v47, v5;
	v21 =	vsel vm13, $0x7F800000, v45;
	vm1 =	veq.f32 v34, v5  }
0x1d5: {  	v20 =	vsel vm15, $0x7F800000, v48;
	v12 =	vadd.f32 v55, v54;
	v37 =	vmin.f32 v11, v8  }
0x1d6: {  	vm0 =	veq.f32 v50, v5;
	v53 =	vsel vm13, $0x3F800000, v0;
	v38 =	vmin.f32 v37, v36  }
0x1d7: {  	v10 =	vadd.f32 v10, v56;
	v12 =	vadd.f32 v12, v57;
	v15 =	vmin.f32 v38, v7  }
0x1d8: {  	v42 =	vsel vm10, $0x7F800000, v42;
	v43 =	vsel vm12, $0x7F800000, v44;
	v15 =	vmin.f32 v15, v39  }
0x1d9: {  	v10 =	vadd.f32 v10, v58;
	v12 =	vadd.f32 v12, v59;
	v15 =	vmin.f32 v15, v9  }
0x1da: {  	v44 =	vsel vm14, $0x7F800000, v47;
	v45 =	vsel vm1, $0x7F800000, v34;
	v15 =	vmin.f32 v15, v41  }
0x1db: {  	v10 =	vadd.f32 v10, v17;
	v12 =	vadd.f32 v12, v60;
	v15 =	vmin.f32 v15, v18  }
0x1dc: {  	v46 =	vsel vm10, $0x3F800000, v0;
	v22 =	vsel vm0, $0x7F800000, v50;
	v15 =	vmin.f32 v15, v42  }
0x1dd: {  	v10 =	vadd.f32 v10, v61;
	v12 =	vadd.f32 v12, v62;
	v15 =	vmin.f32 v15, v13  }
0x1de: {  	v47 =	vsel vm11, $0x3F800000, v0;
	v50 =	vsel vm12, $0x3F800000, v0;
	v15 =	vmin.f32 v15, v43  }
0x1df: {  	v10 =	vadd.f32 v10, v63;
	v12 =	vadd.f32 v12, v35;
	v15 =	vmin.f32 v15, v21  }
0x1e0: {  	v55 =	vsel vm14, $0x3F800000, v0;
	v58 =	vsel vm15, $0x3F800000, v0;
	v15 =	vmin.f32 v15, v44  }
0x1e1: {  	v6 =	vmin.f32 v10, v6;
	v12 =	vadd.f32 v12, v40;
	v15 =	vmin.f32 v15, v20  }
0x1e2: {  	v60 =	vsel vm1, $0x3F800000, v0;
	v4 =	vmul.f32 v6, v4;
	v15 =	vmin.f32 v15, v45  }
0x1e3: {  	vm13 =	vgt.f32 v6, $0.0e+00;
	v12 =	vadd.f32 v12, v46;
	v14 =	vmin.f32 v15, v22  }
0x1e4: {  	v4 =	vnsel vm13, $0x0, v4;
	vm4 =	veq.f32 v11, v14;
	vm5 =	veq.f32 v8, v14  }
0x1e5: {  	vm7 =	veq.f32 v36, v14;
	vm12 =	veq.f32 v7, v14;
	vm14 =	veq.f32 v39, v14  }
0x1e6: {  	vm15 =	veq.f32 v9, v14;
	vm9 =	veq.f32 v41, v14;
	v4 =	vadd.f32 v4, v16  }
0x1e7: {  	vm10 =	veq.f32 v18, v14;
	vm11 =	veq.f32 v42, v14;
	vm13 =	veq.f32 v43, v14  }
0x1e8: {  	v12 =	vadd.f32 v12, v47;
	v48 =	vsel vm4, $0x3F800000, v0;
	v49 =	vsel vm5, $0x3F800000, v0  }
0x1e9: {  	v52 =	vsel vm7, $0x3F800000, v0;
	v54 =	vsel vm12, $0x3F800000, v0;
	v57 =	vsel vm14, $0x3F800000, v0  }
0x1ea: {  	v59 =	vsel vm15, $0x3F800000, v0;
	v62 =	vsel vm9, $0x3F800000, v0;
	v63 =	vsel vm4, $0x7F800000, v11  }
0x1eb: {  	v8 =	vsel vm5, $0x7F800000, v8;
	v32 =	vsel vm7, $0x7F800000, v36;
	v34 =	vsel vm10, $0x3F800000, v0  }
0x1ec: {  	v7 =	vsel vm12, $0x7F800000, v7;
	v35 =	vsel vm14, $0x7F800000, v39;
	v9 =	vsel vm15, $0x7F800000, v9  }
0x1ed: {  	v36 =	vsel vm11, $0x3F800000, v0;
	v37 =	vsel vm9, $0x7F800000, v41;
	v38 =	vsel vm10, $0x7F800000, v18  }
0x1ee: {  	vm12 =	veq.f32 v13, v14;
	v39 =	vsel vm11, $0x7F800000, v42;
	vm14 =	veq.f32 v21, v14  }
0x1ef: {  	v40 =	vsel vm13, $0x7F800000, v43;
	vm15 =	veq.f32 v44, v14;
	vm9 =	veq.f32 v20, v14  }
0x1f0: {  	vm10 =	veq.f32 v45, v14;
	vm11 =	veq.f32 v22, v14;
	v15 =	vadd.f32 v49, v48  }
0x1f1: {  	v33 =	vmin.f32 v63, v8;
	v13 =	vsel vm12, $0x7F800000, v13;
	v21 =	vsel vm14, $0x7F800000, v21  }
0x1f2: {  	v41 =	vsel vm15, $0x7F800000, v44;
	v51 =	vadd.f32 v12, v50;
	v12 =	vadd.f32 v15, v52  }
0x1f3: {  	v20 =	vsel vm9, $0x7F800000, v20;
	v42 =	vsel vm10, $0x7F800000, v45;
	v15 =	vmin.f32 v33, v32  }
0x1f4: {  	v10 =	vadd.f32 v51, v53;
	v15 =	vmin.f32 v15, v7;
	v12 =	vadd.f32 v12, v54  }
0x1f5: {  	v43 =	vsel vm12, $0x3F800000, v0;
	v22 =	vsel vm11, $0x7F800000, v22;
	v15 =	vmin.f32 v15, v35  }
0x1f6: {  	v56 =	vadd.f32 v10, v55;
	v15 =	vmin.f32 v15, v9;
	v10 =	vadd.f32 v12, v57  }
0x1f7: {  	v44 =	vsel vm0, $0x3F800000, v0;
	v45 =	vsel vm13, $0x3F800000, v0;
	v15 =	vmin.f32 v15, v37  }
0x1f8: {  	v6 =	vadd.f32 v56, v58;
	v15 =	vmin.f32 v15, v38;
	v10 =	vadd.f32 v10, v59  }
0x1f9: {  	v48 =	vsel vm14, $0x3F800000, v0;
	v4 =	vmul.f32 $2.500000000e-01, v4;
	v15 =	vmin.f32 v15, v39  }
0x1fa: {  	v61 =	vadd.f32 v6, v60;
	v15 =	vmin.f32 v15, v13;
	v6 =	vadd.f32 v10, v62  }
0x1fb: {  	v50 =	vsel vm15, $0x3F800000, v0;
	v52 =	vsel vm9, $0x3F800000, v0;
	v15 =	vmin.f32 v15, v40  }
0x1fc: {  	v15 =	vmin.f32 v15, v21;
	v12 =	vadd.f32 v61, v44;
	v6 =	vadd.f32 v6, v34  }
0x1fd: {  	v54 =	vsel vm10, $0x3F800000, v0;
	v56 =	vsel vm11, $0x3F800000, v0;
	v15 =	vmin.f32 v15, v41  }
0x1fe: {  	v15 =	vmin.f32 v15, v20;
	v12 =	vmin.f32 v12, $4.000000000e+00;
	v6 =	vadd.f32 v6, v36  }
0x1ff: {  	v15 =	vmin.f32 v15, v42;
	v5 =	vmul.f32 v12, v5;
	v57 =	vsub.f32 $4.000000000e+00, v12  }
0x200: {  	vm13 =	vgt.f32 v12, $0.0e+00;
	v26 =	vadd.f32 v6, v43;
	v6 =	vmin.f32 v15, v22  }
0x201: {  	v5 =	vadd.f32 $0.0e+00, v5;
	vm1 =	veq.f32 v63, v6;
	vm2 =	veq.f32 v8, v6  }
0x202: {  	vm3 =	veq.f32 v32, v6;
	vm5 =	veq.f32 v7, v6;
	vm7 =	veq.f32 v35, v6  }
0x203: {  	vm6 =	veq.f32 v9, v6;
	vm12 =	veq.f32 v37, v6;
	vm14 =	veq.f32 v38, v6  }
0x204: {  	vm15 =	veq.f32 v39, v6;
	vm10 =	veq.f32 v13, v6;
	vm11 =	veq.f32 v40, v6  }
0x205: {  	vm8 =	veq.f32 v22, v6;
	v15 =	vadd.f32 v26, v45;
	v46 =	vsel vm1, $0x3F800000, v0  }
0x206: {  	v47 =	vsel vm2, $0x3F800000, v0;
	v49 =	vsel vm3, $0x3F800000, v0;
	v51 =	vsel vm5, $0x3F800000, v0  }
0x207: {  	v53 =	vsel vm7, $0x3F800000, v0;
	v55 =	vsel vm6, $0x3F800000, v0;
	v58 =	vsel vm12, $0x3F800000, v0  }
0x208: {  	v60 =	vnsel vm13, $0x0, v5;
	v61 =	vsel vm14, $0x3F800000, v0;
	v10 =	vsel vm1, $0x7F800000, v63  }
0x209: {  	v8 =	vsel vm2, $0x7F800000, v8;
	v62 =	vsel vm15, $0x3F800000, v0;
	v26 =	vadd.f32 v47, v46  }
0x20a: {  	v11 =	vsel vm3, $0x7F800000, v32;
	v7 =	vsel vm5, $0x7F800000, v7;
	v16 =	vsel vm7, $0x7F800000, v35  }
0x20b: {  	v32 =	vsel vm10, $0x3F800000, v0;
	v9 =	vsel vm6, $0x7F800000, v9;
	v26 =	vadd.f32 v26, v49  }
0x20c: {  	v19 =	vsel vm12, $0x7F800000, v37;
	v17 =	vsel vm14, $0x7F800000, v38;
	v33 =	vsel vm11, $0x3F800000, v0  }
0x20d: {  	v18 =	vsel vm15, $0x7F800000, v39;
	v13 =	vsel vm10, $0x7F800000, v13;
	v26 =	vadd.f32 v26, v51  }
0x20e: {  	vm12 =	veq.f32 v21, v6;
	v23 =	vsel vm11, $0x7F800000, v40;
	vm13 =	veq.f32 v41, v6  }
0x20f: {  	vm14 =	veq.f32 v20, v6;
	v63 =	vmin.f32 v10, v8;
	v26 =	vadd.f32 v26, v53  }
0x210: {  	vm15 =	veq.f32 v42, v6;
	v15 =	vadd.f32 v15, v48;
	v31 =	vmin.f32 v63, v11  }
0x211: {  	v22 =	vsel vm8, $0x7F800000, v22;
	v12 =	vmin.f32 v31, v7;
	v26 =	vadd.f32 v26, v55  }
0x212: {  	v44 =	vsel vm8, $0x3F800000, v0;
	v15 =	vadd.f32 v15, v50;
	v12 =	vmin.f32 v12, v16  }
0x213: {  	v21 =	vsel vm12, $0x7F800000, v21;
	v12 =	vmin.f32 v12, v9;
	v59 =	vadd.f32 v26, v58  }
0x214: {  	v24 =	vsel vm13, $0x7F800000, v41;
	v15 =	vadd.f32 v15, v52;
	v12 =	vmin.f32 v12, v19  }
0x215: {  	v20 =	vsel vm14, $0x7F800000, v20;
	v12 =	vmin.f32 v12, v17;
	v5 =	vadd.f32 v59, v61  }
0x216: {  	v25 =	vsel vm15, $0x7F800000, v42;
	v15 =	vadd.f32 v15, v54;
	v12 =	vmin.f32 v12, v18  }
0x217: {  	v34 =	vsel vm12, $0x3F800000, v0;
	v12 =	vmin.f32 v12, v13;
	v5 =	vadd.f32 v5, v62  }
0x218: {  	v35 =	vsel vm13, $0x3F800000, v0;
	v15 =	vadd.f32 v15, v56;
	v12 =	vmin.f32 v12, v23  }
0x219: {  	v39 =	vsel vm14, $0x3F800000, v0;
	v12 =	vmin.f32 v12, v21;
	v5 =	vadd.f32 v5, v32  }
0x21a: {  	v41 =	vsel vm15, $0x3F800000, v0;
	v15 =	vmin.f32 v15, v57;
	v12 =	vmin.f32 v12, v24  }
0x21b: {  	v14 =	vmul.f32 v15, v14;
	v12 =	vmin.f32 v12, v20;
	v5 =	vadd.f32 v5, v33  }
0x21c: {  	vm0 =	vgt.f32 v15, $0.0e+00;
	v15 =	vsub.f32 v57, v15;
	v12 =	vmin.f32 v12, v25  }
0x21d: {  	v14 =	vnsel vm0, $0x0, v14;
	v28 =	vadd.f32 v5, v34;
	v5 =	vmin.f32 v12, v22  }
0x21e: {  	v14 =	vadd.f32 v14, v60;
	vm9 =	veq.f32 v10, v5;
	vm10 =	veq.f32 v8, v5  }
0x21f: {  	v29 =	vld [tilespmem:$0xD0];
	vm11 =	veq.f32 v11, v5;
	vm12 =	veq.f32 v7, v5;
	vm13 =	veq.f32 v16, v5  }
0x220: {  	v8 =	vld [tilespmem:$0x50];
	vm14 =	veq.f32 v9, v5;
	vm15 =	veq.f32 v19, v5;
	vm4 =	veq.f32 v17, v5  }
0x221: {  	v11 =	vld [tilespmem:$0x150];
	vm6 =	veq.f32 v18, v5;
	v37 =	vsel vm9, $0x3F800000, v0;
	v38 =	vsel vm10, $0x3F800000, v0  }
0x222: {  	vm7 =	veq.f32 v13, v5;
	v36 =	vadd.f32 v28, v35;
	v28 =	vld [tilespmem:$0x1D0];
	v12 =	vadd.f32 v38, v37  }
0x223: {  	v7 =	vld [tilespmem:$0x250];
	vm8 =	veq.f32 v23, v5;
	v40 =	vsel vm11, $0x3F800000, v0;
	v42 =	vsel vm12, $0x3F800000, v0  }
0x224: {  	v27 =	vld [tilespmem:$0x2D0];
	v45 =	vsel vm13, $0x3F800000, v0;
	v47 =	vsel vm14, $0x3F800000, v0;
	v12 =	vadd.f32 v12, v40  }
0x225: {  	v16 =	vld [tilespmem:$0x350];
	v50 =	vsel vm15, $0x3F800000, v0;
	v53 =	vsel vm4, $0x3F800000, v0;
	v43 =	vmin.f32 v8, v29  }
0x226: {  	v46 =	vld [tilespmem:$0x3D0];
	v56 =	vsel vm6, $0x3F800000, v0;
	v12 =	vadd.f32 v12, v42;
	v26 =	vmin.f32 v43, v11  }
0x227: {  	v9 =	vld [tilespmem:$0x450];
	v58 =	vsel vm7, $0x3F800000, v0;
	v59 =	vsel vm8, $0x3F800000, v0;
	v26 =	vmin.f32 v26, v28  }
0x228: {  	v48 =	vld [tilespmem:$0x4D0];
	vm9 =	veq.f32 v21, v5;
	v12 =	vadd.f32 v12, v45;
	v26 =	vmin.f32 v26, v7  }
0x229: {  	v49 =	vld [tilespmem:$0x550];
	vm10 =	veq.f32 v24, v5;
	v10 =	vadd.f32 v36, v39;
	v26 =	vmin.f32 v26, v27  }
0x22a: {  	v51 =	vld [tilespmem:$0x5D0];
	vm11 =	veq.f32 v20, v5;
	v12 =	vadd.f32 v12, v47;
	v26 =	vmin.f32 v26, v16  }
0x22b: {  	v52 =	vld [tilespmem:$0x650];
	vm13 =	veq.f32 v25, v5;
	v10 =	vadd.f32 v10, v41;
	v26 =	vmin.f32 v26, v46  }
0x22c: {  	v54 =	vld [tilespmem:$0x6D0];
	vm15 =	veq.f32 v22, v5;
	v12 =	vadd.f32 v12, v50;
	v26 =	vmin.f32 v26, v9  }
0x22d: {  	v55 =	vld [tilespmem:$0x750];
	v60 =	vsel vm9, $0x3F800000, v0;
	v10 =	vadd.f32 v10, v44;
	v26 =	vmin.f32 v26, v48  }
0x22e: {  	v35 =	vld [tilespmem:$0x7D0];
	v63 =	vsel vm10, $0x3F800000, v0;
	v12 =	vadd.f32 v12, v53;
	v26 =	vmin.f32 v26, v49  }
0x22f: {  	v38 =	vsel vm15, $0x3F800000, v0;
	v10 =	vmin.f32 v10, v15;
	v57 =	vmin.f32 v26, v51  }
0x230: {  	v6 =	vmul.f32 v10, v6;
	v12 =	vadd.f32 v12, v56;
	v13 =	vmin.f32 v57, v52  }
0x231: {  	v36 =	vsel vm13, $0x3F800000, v0;
	vm5 =	vgt.f32 v10, $0.0e+00;
	v13 =	vmin.f32 v13, v54  }
0x232: {  	v6 =	vnsel vm5, $0x0, v6;
	v12 =	vadd.f32 v12, v58;
	v13 =	vmin.f32 v13, v55  }
0x233: {  	v10 =	vsub.f32 v15, v10;
	v14 =	vadd.f32 v6, v14;
	v6 =	vmin.f32 v13, v35  }
0x234: {  	v26 =	vsel vm11, $0x3F800000, v0;
	v12 =	vadd.f32 v12, v59;
	vm1 =	veq.f32 v8, v6  }
0x235: {  	vm2 =	veq.f32 v29, v6;
	vm3 =	veq.f32 v11, v6;
	vm12 =	veq.f32 v28, v6  }
0x236: {  	vm14 =	veq.f32 v7, v6;
	vm9 =	veq.f32 v27, v6;
	vm10 =	veq.f32 v16, v6  }
0x237: {  	vm11 =	veq.f32 v46, v6;
	vm4 =	veq.f32 v9, v6;
	vm13 =	veq.f32 v49, v6  }
0x238: {  	vm15 =	veq.f32 v52, v6;
	vm0 =	veq.f32 v35, v6;
	v61 =	vsel vm1, $0x3F800000, v0  }
0x239: {  	v62 =	vsel vm2, $0x3F800000, v0;
	v24 =	vsel vm3, $0x3F800000, v0;
	v30 =	vsel vm12, $0x3F800000, v0  }
0x23a: {  	v37 =	vsel vm14, $0x3F800000, v0;
	v39 =	vsel vm9, $0x3F800000, v0;
	v8 =	vsel vm1, $0x7F800000, v8  }
0x23b: {  	v40 =	vsel vm2, $0x7F800000, v29;
	v11 =	vsel vm3, $0x7F800000, v11;
	v42 =	vsel vm10, $0x3F800000, v0  }
0x23c: {  	v43 =	vsel vm12, $0x7F800000, v28;
	v7 =	vsel vm14, $0x7F800000, v7;
	v44 =	vsel vm9, $0x7F800000, v27  }
0x23d: {  	v45 =	vsel vm11, $0x3F800000, v0;
	v16 =	vsel vm10, $0x7F800000, v16;
	v46 =	vsel vm11, $0x7F800000, v46  }
0x23e: {  	vm12 =	veq.f32 v48, v6;
	v9 =	vsel vm4, $0x7F800000, v9;
	vm14 =	veq.f32 v51, v6  }
0x23f: {  	v19 =	vsel vm13, $0x7F800000, v49;
	vm2 =	veq.f32 v54, v6;
	v17 =	vsel vm15, $0x7F800000, v52  }
0x240: {  	vm1 =	veq.f32 v55, v6;
	v15 =	vadd.f32 v62, v61;
	v41 =	vmin.f32 v8, v40  }
0x241: {  	v50 =	vsel vm0, $0x7F800000, v35;
	v12 =	vadd.f32 v12, v60;
	v21 =	vmin.f32 v41, v11  }
0x242: {  	v56 =	vsel vm13, $0x3F800000, v0;
	v15 =	vadd.f32 v15, v24;
	v21 =	vmin.f32 v21, v43  }
0x243: {  	v47 =	vsel vm12, $0x7F800000, v48;
	v12 =	vadd.f32 v12, v63;
	v21 =	vmin.f32 v21, v7  }
0x244: {  	v48 =	vsel vm14, $0x7F800000, v51;
	v15 =	vadd.f32 v15, v30;
	v21 =	vmin.f32 v21, v44  }
0x245: {  	v49 =	vsel vm2, $0x7F800000, v54;
	v12 =	vadd.f32 v12, v26;
	v21 =	vmin.f32 v21, v16  }
0x246: {  	v18 =	vsel vm1, $0x7F800000, v55;
	v15 =	vadd.f32 v15, v37;
	v21 =	vmin.f32 v21, v46  }
0x247: {  	v51 =	vsel vm4, $0x3F800000, v0;
	v12 =	vadd.f32 v12, v36;
	v21 =	vmin.f32 v21, v9  }
0x248: {  	v52 =	vsel vm12, $0x3F800000, v0;
	v15 =	vadd.f32 v15, v39;
	v21 =	vmin.f32 v21, v47  }
0x249: {  	v59 =	vsel vm14, $0x3F800000, v0;
	v12 =	vadd.f32 v12, v38;
	v21 =	vmin.f32 v21, v19  }
0x24a: {  	v61 =	vsel vm15, $0x3F800000, v0;
	v15 =	vadd.f32 v15, v42;
	v21 =	vmin.f32 v21, v48  }
0x24b: {  	v29 =	vsel vm2, $0x3F800000, v0;
	v10 =	vmin.f32 v12, v10;
	v21 =	vmin.f32 v21, v17  }
0x24c: {  	v5 =	vmul.f32 v10, v5;
	v21 =	vmin.f32 v21, v49;
	v15 =	vadd.f32 v15, v45  }
0x24d: {  	v31 =	vsel vm1, $0x3F800000, v0;
	vm13 =	vgt.f32 v10, $0.0e+00;
	v21 =	vmin.f32 v21, v18  }
0x24e: {  	v5 =	vnsel vm13, $0x0, v5;
	v21 =	vmin.f32 v21, v50;
	v13 =	vadd.f32 v15, v51  }
0x24f: {  	v5 =	vadd.f32 v5, v14;
	vm4 =	veq.f32 v8, v21;
	vm5 =	veq.f32 v40, v21  }
0x250: {  	vm7 =	veq.f32 v11, v21;
	vm12 =	veq.f32 v43, v21;
	vm14 =	veq.f32 v7, v21  }
0x251: {  	vm15 =	veq.f32 v44, v21;
	vm9 =	veq.f32 v16, v21;
	vm10 =	veq.f32 v46, v21  }
0x252: {  	vm11 =	veq.f32 v9, v21;
	vm13 =	veq.f32 v19, v21;
	v53 =	vsel vm4, $0x3F800000, v0  }
0x253: {  	v54 =	vsel vm5, $0x3F800000, v0;
	v13 =	vadd.f32 v13, v52;
	v57 =	vsel vm7, $0x3F800000, v0  }
0x254: {  	v60 =	vsel vm12, $0x3F800000, v0;
	v62 =	vsel vm14, $0x3F800000, v0;
	v30 =	vsel vm15, $0x3F800000, v0  }
0x255: {  	v32 =	vsel vm9, $0x3F800000, v0;
	v33 =	vsel vm10, $0x3F800000, v0;
	v8 =	vsel vm4, $0x7F800000, v8  }
0x256: {  	v34 =	vsel vm5, $0x7F800000, v40;
	v11 =	vsel vm7, $0x7F800000, v11;
	v36 =	vsel vm12, $0x7F800000, v43  }
0x257: {  	v37 =	vsel vm11, $0x3F800000, v0;
	v38 =	vsel vm14, $0x7F800000, v7;
	v40 =	vsel vm15, $0x7F800000, v44  }
0x258: {  	vm12 =	veq.f32 v47, v21;
	v16 =	vsel vm9, $0x7F800000, v16;
	v55 =	vadd.f32 v54, v53  }
0x259: {  	v42 =	vsel vm10, $0x7F800000, v46;
	v9 =	vsel vm11, $0x7F800000, v9;
	vm14 =	veq.f32 v48, v21  }
0x25a: {  	v19 =	vsel vm13, $0x7F800000, v19;
	vm15 =	veq.f32 v17, v21;
	v58 =	vadd.f32 v55, v57  }
0x25b: {  	vm9 =	veq.f32 v49, v21;
	vm10 =	veq.f32 v18, v21;
	v12 =	vadd.f32 v13, v56  }
0x25c: {  	vm11 =	veq.f32 v50, v21;
	v46 =	vsel vm13, $0x3F800000, v0;
	v13 =	vadd.f32 v58, v60  }
0x25d: {  	v35 =	vmin.f32 v8, v34;
	v41 =	vsel vm12, $0x3F800000, v0;
	v12 =	vadd.f32 v12, v59  }
0x25e: {  	v43 =	vsel vm12, $0x7F800000, v47;
	v63 =	vadd.f32 v13, v62;
	v13 =	vmin.f32 v35, v11  }
0x25f: {  	v44 =	vsel vm14, $0x7F800000, v48;
	v10 =	vadd.f32 v12, v61;
	v39 =	vmin.f32 v13, v36  }
0x260: {  	v17 =	vsel vm15, $0x7F800000, v17;
	v45 =	vsel vm9, $0x7F800000, v49;
	v7 =	vmin.f32 v39, v38  }
0x261: {  	v10 =	vadd.f32 v10, v29;
	v12 =	vadd.f32 v63, v30;
	v7 =	vmin.f32 v7, v40  }
0x262: {  	v18 =	vsel vm10, $0x7F800000, v18;
	v24 =	vsel vm11, $0x7F800000, v50;
	v7 =	vmin.f32 v7, v16  }
0x263: {  	v10 =	vadd.f32 v10, v31;
	v12 =	vadd.f32 v12, v32;
	v7 =	vmin.f32 v7, v42  }
0x264: {  	v47 =	vsel vm0, $0x3F800000, v0;
	v48 =	vsel vm14, $0x3F800000, v0;
	v7 =	vmin.f32 v7, v9  }
0x265: {  	v10 =	vadd.f32 v10, v47;
	v12 =	vadd.f32 v12, v33;
	v7 =	vmin.f32 v7, v43  }
0x266: {  	v51 =	vsel vm15, $0x3F800000, v0;
	v53 =	vsel vm9, $0x3F800000, v0;
	v7 =	vmin.f32 v7, v19  }
0x267: {  	v10 =	vmin.f32 v10, $4.000000000e+00;
	v12 =	vadd.f32 v12, v37;
	v7 =	vmin.f32 v7, v44  }
0x268: {  	v55 =	vsel vm10, $0x3F800000, v0;
	v6 =	vmul.f32 v10, v6;
	v7 =	vmin.f32 v7, v17  }
0x269: {  	v57 =	vsel vm11, $0x3F800000, v0;
	v12 =	vadd.f32 v12, v41;
	v7 =	vmin.f32 v7, v45  }
0x26a: {  	v58 =	vsub.f32 $4.000000000e+00, v10;
	v6 =	vadd.f32 $0.0e+00, v6;
	v7 =	vmin.f32 v7, v18  }
0x26b: {  	vm13 =	vgt.f32 v10, $0.0e+00;
	v12 =	vadd.f32 v12, v46;
	v7 =	vmin.f32 v7, v24  }
0x26c: {  	v6 =	vnsel vm13, $0x0, v6;
	vm0 =	veq.f32 v8, v7;
	vm1 =	veq.f32 v34, v7  }
0x26d: {  	v12 =	vadd.f32 v12, v48;
	vm2 =	veq.f32 v11, v7;
	vm3 =	veq.f32 v36, v7  }
0x26e: {  	vm4 =	veq.f32 v38, v7;
	vm12 =	veq.f32 v40, v7;
	vm14 =	veq.f32 v16, v7  }
0x26f: {  	vm15 =	veq.f32 v42, v7;
	vm10 =	veq.f32 v9, v7;
	vm11 =	veq.f32 v43, v7  }
0x270: {  	vm13 =	veq.f32 v44, v7;
	vm8 =	veq.f32 v18, v7;
	v49 =	vsel vm0, $0x3F800000, v0  }
0x271: {  	v50 =	vsel vm1, $0x3F800000, v0;
	v52 =	vsel vm2, $0x3F800000, v0;
	v54 =	vsel vm3, $0x3F800000, v0  }
0x272: {  	v56 =	vsel vm4, $0x3F800000, v0;
	v59 =	vsel vm12, $0x3F800000, v0;
	v61 =	vsel vm14, $0x3F800000, v0  }
0x273: {  	v62 =	vsel vm15, $0x3F800000, v0;
	v63 =	vsel vm10, $0x3F800000, v0;
	v27 =	vadd.f32 v50, v49  }
0x274: {  	v32 =	vsel vm0, $0x7F800000, v8;
	v14 =	vsel vm1, $0x7F800000, v34;
	v34 =	vsel vm2, $0x7F800000, v11  }
0x275: {  	v15 =	vsel vm3, $0x7F800000, v36;
	v36 =	vsel vm11, $0x3F800000, v0;
	v27 =	vadd.f32 v27, v52  }
0x276: {  	v23 =	vsel vm4, $0x7F800000, v38;
	v13 =	vsel vm12, $0x7F800000, v40;
	vm12 =	veq.f32 v19, v7  }
0x277: {  	v16 =	vsel vm14, $0x7F800000, v16;
	v22 =	vsel vm15, $0x7F800000, v42;
	v27 =	vadd.f32 v27, v54  }
0x278: {  	v9 =	vsel vm10, $0x7F800000, v9;
	v20 =	vsel vm11, $0x7F800000, v43;
	v38 =	vsel vm13, $0x3F800000, v0  }
0x279: {  	v12 =	vadd.f32 v12, v51;
	v35 =	vmin.f32 v32, v14;
	v27 =	vadd.f32 v27, v56  }
0x27a: {  	vm14 =	veq.f32 v17, v7;
	v25 =	vsel vm13, $0x7F800000, v44;
	v11 =	vmin.f32 v35, v34  }
0x27b: {  	v12 =	vadd.f32 v12, v53;
	v11 =	vmin.f32 v11, v15;
	v60 =	vadd.f32 v27, v59  }
0x27c: {  	vm15 =	veq.f32 v45, v7;
	v18 =	vsel vm8, $0x7F800000, v18;
	v11 =	vmin.f32 v11, v23  }
0x27d: {  	v12 =	vadd.f32 v12, v55;
	v11 =	vmin.f32 v11, v13;
	v10 =	vadd.f32 v60, v61  }
0x27e: {  	v44 =	vsel vm8, $0x3F800000, v0;
	v37 =	vsel vm12, $0x3F800000, v0;
	v11 =	vmin.f32 v11, v16  }
0x27f: {  	v12 =	vadd.f32 v12, v57;
	v11 =	vmin.f32 v11, v22;
	v10 =	vadd.f32 v10, v62  }
0x280: {  	v19 =	vsel vm12, $0x7F800000, v19;
	v17 =	vsel vm14, $0x7F800000, v17;
	v11 =	vmin.f32 v11, v9  }
0x281: {  	v12 =	vmin.f32 v12, v58;
	v11 =	vmin.f32 v11, v20;
	v33 =	vadd.f32 v10, v63  }
0x282: {  	v26 =	vsel vm15, $0x7F800000, v45;
	v21 =	vmul.f32 v12, v21;
	v11 =	vmin.f32 v11, v19  }
0x283: {  	vm9 =	vgt.f32 v12, $0.0e+00;
	v11 =	vmin.f32 v11, v25;
	v8 =	vadd.f32 v33, v36  }
0x284: {  	v40 =	vsel vm14, $0x3F800000, v0;
	v21 =	vnsel vm9, $0x0, v21;
	v11 =	vmin.f32 v11, v17  }
0x285: {  	vm9 =	veq.f32 v24, v7;
	v11 =	vmin.f32 v11, v26;
	v8 =	vadd.f32 v8, v37  }
0x286: {  	v41 =	vsel vm15, $0x3F800000, v0;
	v24 =	vsel vm9, $0x7F800000, v24;
	v39 =	vmin.f32 v11, v18  }
0x287: {  	v12 =	vsub.f32 v58, v12;
	v27 =	vadd.f32 v8, v38;
	v8 =	vmin.f32 v39, v24  }
0x288: {  	v6 =	vadd.f32 v21, v6;
	v46 =	vsel vm9, $0x3F800000, v0;
	vm10 =	veq.f32 v32, v8  }
0x289: {  	v21 =	vld [tilespmem:$0x60];
	vm11 =	veq.f32 v14, v8;
	vm12 =	veq.f32 v34, v8;
	vm13 =	veq.f32 v15, v8  }
0x28a: {  	v14 =	vld [tilespmem:$0xE0];
	vm14 =	veq.f32 v23, v8;
	vm15 =	veq.f32 v13, v8;
	vm4 =	veq.f32 v16, v8  }
0x28b: {  	v31 =	vld [tilespmem:$0x160];
	vm6 =	veq.f32 v22, v8;
	v29 =	vsel vm10, $0x3F800000, v0;
	v42 =	vsel vm11, $0x3F800000, v0  }
0x28c: {  	v10 =	vld [tilespmem:$0x1E0];
	vm7 =	veq.f32 v9, v8;
	vm8 =	veq.f32 v20, v8;
	v43 =	vadd.f32 v42, v29  }
0x28d: {  	v30 =	vld [tilespmem:$0x260];
	vm9 =	veq.f32 v19, v8;
	vm1 =	veq.f32 v24, v8;
	v45 =	vsel vm12, $0x3F800000, v0  }
0x28e: {  	v15 =	vld [tilespmem:$0x2E0];
	v11 =	vadd.f32 v27, v40;
	v47 =	vsel vm13, $0x3F800000, v0;
	v27 =	vadd.f32 v43, v45  }
0x28f: {  	v32 =	vld [tilespmem:$0x360];
	v50 =	vsel vm14, $0x3F800000, v0;
	v53 =	vsel vm15, $0x3F800000, v0;
	v48 =	vmin.f32 v21, v14  }
0x290: {  	v23 =	vld [tilespmem:$0x3E0];
	v56 =	vsel vm4, $0x3F800000, v0;
	v27 =	vadd.f32 v27, v47;
	v49 =	vmin.f32 v48, v31  }
0x291: {  	v51 =	vld [tilespmem:$0x460];
	v59 =	vsel vm6, $0x3F800000, v0;
	v61 =	vsel vm7, $0x3F800000, v0;
	v29 =	vmin.f32 v49, v10  }
0x292: {  	v13 =	vld [tilespmem:$0x4E0];
	v63 =	vsel vm8, $0x3F800000, v0;
	v27 =	vadd.f32 v27, v50;
	v52 =	vmin.f32 v29, v30  }
0x293: {  	v54 =	vld [tilespmem:$0x560];
	vm10 =	veq.f32 v25, v8;
	v11 =	vadd.f32 v11, v41;
	v28 =	vmin.f32 v52, v15  }
0x294: {  	v55 =	vld [tilespmem:$0x5E0];
	vm12 =	veq.f32 v17, v8;
	v27 =	vadd.f32 v27, v53;
	v28 =	vmin.f32 v28, v32  }
0x295: {  	v57 =	vld [tilespmem:$0x660];
	vm14 =	veq.f32 v26, v8;
	v11 =	vadd.f32 v11, v44;
	v28 =	vmin.f32 v28, v23  }
0x296: {  	v58 =	vld [tilespmem:$0x6E0];
	vm8 =	veq.f32 v18, v8;
	v27 =	vadd.f32 v27, v56;
	v28 =	vmin.f32 v28, v51  }
0x297: {  	v36 =	vld [tilespmem:$0x760];
	v25 =	vsel vm10, $0x3F800000, v0;
	v11 =	vadd.f32 v11, v46;
	v28 =	vmin.f32 v28, v13  }
0x298: {  	v60 =	vld [tilespmem:$0x7E0];
	v40 =	vsel vm12, $0x3F800000, v0;
	v27 =	vadd.f32 v27, v59;
	v28 =	vmin.f32 v28, v54  }
0x299: {  	v42 =	vsel vm14, $0x3F800000, v0;
	v11 =	vmin.f32 v11, v12;
	v28 =	vmin.f32 v28, v55  }
0x29a: {  	v7 =	vmul.f32 v11, v7;
	v27 =	vadd.f32 v27, v61;
	v62 =	vmin.f32 v28, v57  }
0x29b: {  	v44 =	vsel vm8, $0x3F800000, v0;
	vm5 =	vgt.f32 v11, $0.0e+00;
	v20 =	vmin.f32 v62, v58  }
0x29c: {  	v7 =	vnsel vm5, $0x0, v7;
	v27 =	vadd.f32 v27, v63;
	v28 =	vmin.f32 v20, v36  }
0x29d: {  	v29 =	vsel vm9, $0x3F800000, v0;
	v6 =	vadd.f32 v7, v6;
	v7 =	vmin.f32 v28, v60  }
0x29e: {  	v11 =	vsub.f32 v12, v11;
	v12 =	vadd.f32 v27, v29;
	vm0 =	veq.f32 v21, v7  }
0x29f: {  	vm2 =	veq.f32 v14, v7;
	vm11 =	veq.f32 v31, v7;
	vm13 =	veq.f32 v10, v7  }
0x2a0: {  	vm15 =	veq.f32 v30, v7;
	vm9 =	veq.f32 v15, v7;
	vm10 =	veq.f32 v32, v7  }
0x2a1: {  	vm5 =	veq.f32 v51, v7;
	vm7 =	veq.f32 v13, v7;
	vm12 =	veq.f32 v54, v7  }
0x2a2: {  	vm14 =	veq.f32 v57, v7;
	v37 =	vsel vm0, $0x3F800000, v0;
	v38 =	vsel vm2, $0x3F800000, v0  }
0x2a3: {  	v39 =	vsel vm11, $0x3F800000, v0;
	v41 =	vsel vm13, $0x3F800000, v0;
	v43 =	vsel vm15, $0x3F800000, v0  }
0x2a4: {  	v45 =	vsel vm9, $0x3F800000, v0;
	v18 =	vsel vm0, $0x7F800000, v21;
	v14 =	vsel vm2, $0x7F800000, v14  }
0x2a5: {  	v46 =	vsel vm11, $0x7F800000, v31;
	v48 =	vsel vm10, $0x3F800000, v0;
	v10 =	vsel vm13, $0x7F800000, v10  }
0x2a6: {  	v21 =	vsel vm15, $0x7F800000, v30;
	vm11 =	veq.f32 v23, v7;
	v15 =	vsel vm9, $0x7F800000, v15  }
0x2a7: {  	v50 =	vsel vm10, $0x7F800000, v32;
	v51 =	vsel vm5, $0x7F800000, v51;
	v13 =	vsel vm7, $0x7F800000, v13  }
0x2a8: {  	vm13 =	veq.f32 v55, v7;
	v52 =	vsel vm12, $0x7F800000, v54;
	vm15 =	veq.f32 v58, v7  }
0x2a9: {  	v53 =	vsel vm14, $0x7F800000, v57;
	vm2 =	veq.f32 v36, v7;
	vm0 =	veq.f32 v60, v7  }
0x2aa: {  	v56 =	vsel vm5, $0x3F800000, v0;
	v57 =	vsel vm7, $0x3F800000, v0;
	v47 =	vmin.f32 v18, v14  }
0x2ab: {  	v19 =	vadd.f32 v38, v37;
	v12 =	vadd.f32 v12, v25;
	v20 =	vmin.f32 v47, v46  }
0x2ac: {  	v61 =	vsel vm12, $0x3F800000, v0;
	v49 =	vsel vm11, $0x3F800000, v0;
	v20 =	vmin.f32 v20, v10  }
0x2ad: {  	v17 =	vadd.f32 v19, v39;
	v12 =	vadd.f32 v12, v40;
	v20 =	vmin.f32 v20, v21  }
0x2ae: {  	v23 =	vsel vm11, $0x7F800000, v23;
	v16 =	vsel vm13, $0x7F800000, v55;
	v20 =	vmin.f32 v20, v15  }
0x2af: {  	v17 =	vadd.f32 v17, v41;
	v12 =	vadd.f32 v12, v42;
	v20 =	vmin.f32 v20, v50  }
0x2b0: {  	v22 =	vsel vm15, $0x7F800000, v58;
	v54 =	vsel vm2, $0x7F800000, v36;
	v20 =	vmin.f32 v20, v23  }
0x2b1: {  	v17 =	vadd.f32 v17, v43;
	v12 =	vadd.f32 v12, v44;
	v20 =	vmin.f32 v20, v51  }
0x2b2: {  	v9 =	vsel vm0, $0x7F800000, v60;
	v55 =	vsel vm1, $0x3F800000, v0;
	v20 =	vmin.f32 v20, v13  }
0x2b3: {  	v17 =	vadd.f32 v17, v45;
	v12 =	vadd.f32 v12, v55;
	v20 =	vmin.f32 v20, v52  }
0x2b4: {  	v33 =	vsel vm13, $0x3F800000, v0;
	v36 =	vsel vm14, $0x3F800000, v0;
	v20 =	vmin.f32 v20, v16  }
0x2b5: {  	v17 =	vadd.f32 v17, v48;
	v11 =	vmin.f32 v12, v11;
	v20 =	vmin.f32 v20, v53  }
0x2b6: {  	v38 =	vsel vm15, $0x3F800000, v0;
	v8 =	vmul.f32 v11, v8;
	v20 =	vmin.f32 v20, v22  }
0x2b7: {  	vm13 =	vgt.f32 v11, $0.0e+00;
	v17 =	vadd.f32 v17, v49;
	v20 =	vmin.f32 v20, v54  }
0x2b8: {  	v42 =	vsel vm2, $0x3F800000, v0;
	v41 =	vnsel vm13, $0x0, v8;
	v20 =	vmin.f32 v20, v9  }
0x2b9: {  	v17 =	vadd.f32 v17, v56;
	v56 =	vsel vm0, $0x3F800000, v0;
	v6 =	vadd.f32 v41, v6  }
0x2ba: {  	vm1 =	veq.f32 v18, v20;
	vm5 =	veq.f32 v14, v20;
	vm7 =	veq.f32 v46, v20  }
0x2bb: {  	vm8 =	veq.f32 v10, v20;
	vm12 =	veq.f32 v21, v20;
	vm14 =	veq.f32 v15, v20  }
0x2bc: {  	vm15 =	veq.f32 v50, v20;
	vm10 =	veq.f32 v23, v20;
	vm11 =	veq.f32 v51, v20  }
0x2bd: {  	vm13 =	veq.f32 v52, v20;
	vm9 =	veq.f32 v22, v20;
	v58 =	vsel vm1, $0x3F800000, v0  }
0x2be: {  	v59 =	vsel vm5, $0x3F800000, v0;
	v17 =	vadd.f32 v17, v57;
	v62 =	vsel vm7, $0x3F800000, v0  }
0x2bf: {  	v34 =	vsel vm8, $0x3F800000, v0;
	v37 =	vsel vm12, $0x3F800000, v0;
	v39 =	vsel vm14, $0x3F800000, v0  }
0x2c0: {  	v43 =	vsel vm15, $0x3F800000, v0;
	v45 =	vsel vm10, $0x3F800000, v0;
	v18 =	vsel vm1, $0x7F800000, v18  }
0x2c1: {  	v14 =	vsel vm5, $0x7F800000, v14;
	v46 =	vsel vm7, $0x7F800000, v46;
	v10 =	vsel vm8, $0x7F800000, v10  }
0x2c2: {  	v48 =	vsel vm11, $0x3F800000, v0;
	v21 =	vsel vm12, $0x7F800000, v21;
	v15 =	vsel vm14, $0x7F800000, v15  }
0x2c3: {  	vm12 =	veq.f32 v13, v20;
	v49 =	vsel vm15, $0x7F800000, v50;
	v60 =	vadd.f32 v59, v58  }
0x2c4: {  	v23 =	vsel vm10, $0x7F800000, v23;
	v51 =	vsel vm11, $0x7F800000, v51;
	vm14 =	veq.f32 v16, v20  }
0x2c5: {  	v52 =	vsel vm13, $0x7F800000, v52;
	v17 =	vadd.f32 v17, v61;
	v63 =	vadd.f32 v60, v62  }
0x2c6: {  	vm15 =	veq.f32 v53, v20;
	vm10 =	veq.f32 v54, v20;
	v22 =	vsel vm9, $0x7F800000, v22  }
0x2c7: {  	v47 =	vmin.f32 v18, v14;
	v12 =	vadd.f32 v17, v33;
	v35 =	vadd.f32 v63, v34  }
0x2c8: {  	vm11 =	veq.f32 v9, v20;
	v55 =	vsel vm13, $0x3F800000, v0;
	v19 =	vmin.f32 v47, v46  }
0x2c9: {  	v19 =	vmin.f32 v19, v10;
	v12 =	vadd.f32 v12, v36;
	v17 =	vadd.f32 v35, v37  }
0x2ca: {  	v50 =	vsel vm12, $0x3F800000, v0;
	v13 =	vsel vm12, $0x7F800000, v13;
	v19 =	vmin.f32 v19, v21  }
0x2cb: {  	v19 =	vmin.f32 v19, v15;
	v11 =	vadd.f32 v12, v38;
	v40 =	vadd.f32 v17, v39  }
0x2cc: {  	v16 =	vsel vm14, $0x7F800000, v16;
	v53 =	vsel vm15, $0x7F800000, v53;
	v19 =	vmin.f32 v19, v49  }
0x2cd: {  	v19 =	vmin.f32 v19, v23;
	v11 =	vadd.f32 v11, v42;
	v44 =	vadd.f32 v40, v43  }
0x2ce: {  	v54 =	vsel vm10, $0x7F800000, v54;
	v9 =	vsel vm11, $0x7F800000, v9;
	v19 =	vmin.f32 v19, v51  }
0x2cf: {  	v19 =	vmin.f32 v19, v13;
	v11 =	vadd.f32 v11, v56;
	v8 =	vadd.f32 v44, v45  }
0x2d0: {  	v57 =	vsel vm14, $0x3F800000, v0;
	v60 =	vsel vm15, $0x3F800000, v0;
	v19 =	vmin.f32 v19, v52  }
0x2d1: {  	v19 =	vmin.f32 v19, v16;
	v11 =	vmin.f32 v11, $4.000000000e+00;
	v8 =	vadd.f32 v8, v48  }
0x2d2: {  	v62 =	vsel vm9, $0x3F800000, v0;
	v19 =	vmin.f32 v19, v53;
	v7 =	vmul.f32 v11, v7  }
0x2d3: {  	v33 =	vsel vm10, $0x3F800000, v0;
	v19 =	vmin.f32 v19, v22;
	v8 =	vadd.f32 v8, v50  }
0x2d4: {  	v35 =	vsel vm11, $0x3F800000, v0;
	v19 =	vmin.f32 v19, v54;
	v7 =	vadd.f32 $0.0e+00, v7  }
0x2d5: {  	vm13 =	vgt.f32 v11, $0.0e+00;
	v29 =	vadd.f32 v8, v55;
	v8 =	vmin.f32 v19, v9  }
0x2d6: {  	v36 =	vsub.f32 $4.000000000e+00, v11;
	v7 =	vnsel vm13, $0x0, v7;
	vm0 =	veq.f32 v18, v8  }
0x2d7: {  	vm12 =	veq.f32 v14, v8;
	vm2 =	veq.f32 v46, v8;
	vm3 =	veq.f32 v10, v8  }
0x2d8: {  	vm4 =	veq.f32 v21, v8;
	vm5 =	veq.f32 v15, v8;
	vm14 =	veq.f32 v49, v8  }
0x2d9: {  	vm15 =	veq.f32 v23, v8;
	vm11 =	veq.f32 v51, v8;
	vm13 =	veq.f32 v52, v8  }
0x2da: {  	vm6 =	veq.f32 v22, v8;
	vm7 =	veq.f32 v54, v8;
	vm8 =	veq.f32 v9, v8  }
0x2db: {  	v19 =	vadd.f32 v29, v57;
	v58 =	vsel vm0, $0x3F800000, v0;
	v59 =	vsel vm12, $0x3F800000, v0  }
0x2dc: {  	v61 =	vsel vm2, $0x3F800000, v0;
	v63 =	vsel vm3, $0x3F800000, v0;
	v34 =	vsel vm4, $0x3F800000, v0  }
0x2dd: {  	v37 =	vsel vm5, $0x3F800000, v0;
	v39 =	vsel vm14, $0x3F800000, v0;
	v29 =	vadd.f32 v59, v58  }
0x2de: {  	v40 =	vsel vm15, $0x3F800000, v0;
	v41 =	vsel vm11, $0x3F800000, v0;
	v42 =	vsel vm0, $0x7F800000, v18  }
0x2df: {  	v14 =	vsel vm12, $0x7F800000, v14;
	v19 =	vadd.f32 v19, v60;
	v29 =	vadd.f32 v29, v61  }
0x2e0: {  	vm12 =	veq.f32 v13, v8;
	v43 =	vsel vm2, $0x7F800000, v46;
	v10 =	vsel vm3, $0x7F800000, v10  }
0x2e1: {  	v46 =	vsel vm4, $0x7F800000, v21;
	v19 =	vadd.f32 v19, v62;
	v29 =	vadd.f32 v29, v63  }
0x2e2: {  	v15 =	vsel vm5, $0x7F800000, v15;
	v47 =	vsel vm13, $0x3F800000, v0;
	v24 =	vsel vm14, $0x7F800000, v49  }
0x2e3: {  	v48 =	vsel vm15, $0x7F800000, v23;
	v19 =	vadd.f32 v19, v33;
	v29 =	vadd.f32 v29, v34  }
0x2e4: {  	vm14 =	veq.f32 v16, v8;
	v49 =	vsel vm11, $0x7F800000, v51;
	v51 =	vsel vm13, $0x7F800000, v52  }
0x2e5: {  	v44 =	vmin.f32 v42, v14;
	v19 =	vadd.f32 v19, v35;
	v38 =	vadd.f32 v29, v37  }
0x2e6: {  	vm15 =	veq.f32 v53, v8;
	v22 =	vsel vm6, $0x7F800000, v22;
	v12 =	vmin.f32 v44, v43  }
0x2e7: {  	v12 =	vmin.f32 v12, v10;
	v19 =	vmin.f32 v19, v36;
	v11 =	vadd.f32 v38, v39  }
0x2e8: {  	v27 =	vsel vm7, $0x7F800000, v54;
	v12 =	vmin.f32 v12, v46;
	v20 =	vmul.f32 v19, v20  }
0x2e9: {  	v12 =	vmin.f32 v12, v15;
	vm10 =	vgt.f32 v19, $0.0e+00;
	v11 =	vadd.f32 v11, v40  }
0x2ea: {  	v56 =	vsel vm6, $0x3F800000, v0;
	v12 =	vmin.f32 v12, v24;
	v20 =	vnsel vm10, $0x0, v20  }
0x2eb: {  	v12 =	vmin.f32 v12, v48;
	v17 =	vadd.f32 v20, v7;
	v7 =	vadd.f32 v11, v41  }
0x2ec: {  	v28 =	vld [tilespmem:$0xF0];
	v45 =	vsel vm12, $0x3F800000, v0;
	v13 =	vsel vm12, $0x7F800000, v13;
	v12 =	vmin.f32 v12, v49  }
0x2ed: {  	v50 =	vsel vm14, $0x3F800000, v0;
	v12 =	vmin.f32 v12, v13;
	v29 =	vld [tilespmem:$0x70];
	v7 =	vadd.f32 v7, v45  }
0x2ee: {  	v31 =	vld [tilespmem:$0x170];
	v16 =	vsel vm14, $0x7F800000, v16;
	v26 =	vsel vm15, $0x7F800000, v53;
	v12 =	vmin.f32 v12, v51  }
0x2ef: {  	v53 =	vsel vm15, $0x3F800000, v0;
	v12 =	vmin.f32 v12, v16;
	v7 =	vadd.f32 v7, v47  }
0x2f0: {  	v59 =	vsel vm7, $0x3F800000, v0;
	v63 =	vsel vm8, $0x3F800000, v0;
	v12 =	vmin.f32 v12, v26;
	v11 =	vld [tilespmem:$0x1F0]  }
0x2f1: {  	v19 =	vsub.f32 v36, v19;
	v52 =	vmin.f32 v12, v22;
	v7 =	vadd.f32 v7, v50  }
0x2f2: {  	v12 =	vsel vm8, $0x7F800000, v9;
	v54 =	vmin.f32 v52, v27;
	v61 =	vmin.f32 v29, v28  }
0x2f3: {  	v62 =	vmin.f32 v61, v31;
	v55 =	vadd.f32 v7, v53;
	v7 =	vmin.f32 v54, v12  }
0x2f4: {  	vm9 =	veq.f32 v42, v7;
	vm10 =	veq.f32 v14, v7;
	vm11 =	veq.f32 v43, v7  }
0x2f5: {  	v32 =	vld [tilespmem:$0x270];
	vm12 =	veq.f32 v10, v7;
	v10 =	vmin.f32 v62, v11;
	vm13 =	veq.f32 v46, v7  }
0x2f6: {  	vm14 =	veq.f32 v15, v7;
	v57 =	vsel vm9, $0x3F800000, v0;
	v58 =	vsel vm10, $0x3F800000, v0  }
0x2f7: {  	vm15 =	veq.f32 v24, v7;
	vm5 =	veq.f32 v48, v7;
	v14 =	vadd.f32 v58, v57  }
0x2f8: {  	v18 =	vld [tilespmem:$0x2F0];
	vm6 =	veq.f32 v49, v7;
	vm7 =	veq.f32 v13, v7;
	v60 =	vsel vm11, $0x3F800000, v0  }
0x2f9: {  	v33 =	vld [tilespmem:$0x370];
	vm8 =	veq.f32 v51, v7;
	v9 =	vadd.f32 v55, v56;
	v14 =	vadd.f32 v14, v60  }
0x2fa: {  	v30 =	vld [tilespmem:$0x3F0];
	v40 =	vsel vm12, $0x3F800000, v0;
	v10 =	vmin.f32 v10, v32;
	v41 =	vsel vm13, $0x3F800000, v0  }
0x2fb: {  	v36 =	vld [tilespmem:$0x470];
	v43 =	vsel vm14, $0x3F800000, v0;
	v9 =	vadd.f32 v9, v59;
	v14 =	vadd.f32 v14, v40  }
0x2fc: {  	v20 =	vld [tilespmem:$0x4F0];
	v24 =	vsel vm15, $0x3F800000, v0;
	v44 =	vsel vm5, $0x3F800000, v0;
	v23 =	vsel vm6, $0x3F800000, v0  }
0x2fd: {  	v35 =	vld [tilespmem:$0x570];
	v10 =	vmin.f32 v10, v18;
	v9 =	vadd.f32 v9, v63;
	v14 =	vadd.f32 v14, v41  }
0x2fe: {  	v15 =	vld [tilespmem:$0x5F0];
	v46 =	vsel vm7, $0x3F800000, v0;
	v49 =	vsel vm8, $0x3F800000, v0;
	v10 =	vmin.f32 v10, v33  }
0x2ff: {  	v37 =	vld [tilespmem:$0x670];
	v10 =	vmin.f32 v10, v30;
	v42 =	vmin.f32 v9, v19;
	v9 =	vadd.f32 v14, v43  }
0x300: {  	vm9 =	veq.f32 v16, v7;
	vm11 =	veq.f32 v26, v7;
	v10 =	vmin.f32 v10, v36;
	v14 =	vld [tilespmem:$0x6F0]  }
0x301: {  	v38 =	vld [tilespmem:$0x770];
	vm13 =	veq.f32 v22, v7;
	v10 =	vmin.f32 v10, v20;
	v9 =	vadd.f32 v9, v24  }
0x302: {  	v21 =	vld [tilespmem:$0x7F0];
	vm15 =	veq.f32 v27, v7;
	v51 =	vsel vm9, $0x3F800000, v0;
	v10 =	vmin.f32 v10, v35  }
0x303: {  	v54 =	vsel vm11, $0x3F800000, v0;
	v10 =	vmin.f32 v10, v15;
	v9 =	vadd.f32 v9, v44  }
0x304: {  	v56 =	vsel vm13, $0x3F800000, v0;
	v8 =	vmul.f32 v42, v8;
	v10 =	vmin.f32 v10, v37  }
0x305: {  	vm4 =	vgt.f32 v42, $0.0e+00;
	v10 =	vmin.f32 v10, v14;
	v23 =	vadd.f32 v9, v23  }
0x306: {  	v58 =	vsel vm15, $0x3F800000, v0;
	v8 =	vnsel vm4, $0x0, v8;
	v45 =	vmin.f32 v10, v38  }
0x307: {  	v8 =	vadd.f32 v8, v17;
	v9 =	vmin.f32 v45, v21;
	v10 =	vadd.f32 v23, v46  }
0x308: {  	vm0 =	veq.f32 v29, v9;
	vm1 =	veq.f32 v28, v9;
	vm2 =	veq.f32 v31, v9  }
0x309: {  	vm10 =	veq.f32 v11, v9;
	vm12 =	veq.f32 v32, v9;
	vm14 =	veq.f32 v18, v9  }
0x30a: {  	vm8 =	veq.f32 v33, v9;
	vm9 =	veq.f32 v30, v9;
	vm11 =	veq.f32 v20, v9  }
0x30b: {  	vm13 =	veq.f32 v15, v9;
	vm15 =	veq.f32 v14, v9;
	v47 =	vsel vm0, $0x3F800000, v0  }
0x30c: {  	v48 =	vsel vm1, $0x3F800000, v0;
	v50 =	vsel vm2, $0x3F800000, v0;
	v53 =	vsel vm10, $0x3F800000, v0  }
0x30d: {  	v55 =	vsel vm12, $0x3F800000, v0;
	v57 =	vsel vm14, $0x3F800000, v0;
	v22 =	vsel vm1, $0x7F800000, v28  }
0x30e: {  	v59 =	vsel vm8, $0x3F800000, v0;
	v60 =	vsel vm2, $0x7F800000, v31;
	v23 =	vsel vm10, $0x7F800000, v11  }
0x30f: {  	v63 =	vsel vm12, $0x7F800000, v32;
	v39 =	vsel vm9, $0x3F800000, v0;
	v18 =	vsel vm14, $0x7F800000, v18  }
0x310: {  	v40 =	vsel vm8, $0x7F800000, v33;
	vm10 =	veq.f32 v36, v9;
	v41 =	vsel vm9, $0x7F800000, v30  }
0x311: {  	vm12 =	veq.f32 v35, v9;
	v20 =	vsel vm11, $0x7F800000, v20;
	v10 =	vadd.f32 v10, v49  }
0x312: {  	vm14 =	veq.f32 v37, v9;
	v15 =	vsel vm13, $0x7F800000, v15;
	v13 =	vadd.f32 v48, v47  }
0x313: {  	v52 =	vadd.f32 v10, v51;
	v10 =	vsub.f32 v19, v42;
	v19 =	vsel vm0, $0x7F800000, v29  }
0x314: {  	vm1 =	veq.f32 v38, v9;
	v13 =	vadd.f32 v13, v50;
	v61 =	vmin.f32 v19, v22  }
0x315: {  	v14 =	vsel vm15, $0x7F800000, v14;
	vm2 =	veq.f32 v21, v9;
	v62 =	vmin.f32 v61, v60  }
0x316: {  	v43 =	vsel vm12, $0x7F800000, v35;
	v13 =	vadd.f32 v13, v53;
	v11 =	vmin.f32 v62, v23  }
0x317: {  	v44 =	vsel vm14, $0x7F800000, v37;
	v45 =	vsel vm1, $0x7F800000, v38;
	v11 =	vmin.f32 v11, v63  }
0x318: {  	v46 =	vsel vm10, $0x3F800000, v0;
	v13 =	vadd.f32 v13, v55;
	v11 =	vmin.f32 v11, v18  }
0x319: {  	v21 =	vsel vm2, $0x7F800000, v21;
	v42 =	vsel vm10, $0x7F800000, v36;
	v11 =	vmin.f32 v11, v40  }
0x31a: {  	v16 =	vadd.f32 v52, v54;
	v13 =	vadd.f32 v13, v57;
	v11 =	vmin.f32 v11, v41  }
0x31b: {  	v47 =	vsel vm11, $0x3F800000, v0;
	v33 =	vsel vm1, $0x3F800000, v0;
	v11 =	vmin.f32 v11, v42  }
0x31c: {  	v16 =	vadd.f32 v16, v56;
	v13 =	vadd.f32 v13, v59;
	v11 =	vmin.f32 v11, v20  }
0x31d: {  	v50 =	vsel vm12, $0x3F800000, v0;
	vm12 =	veq.f32 v12, v7;
	v11 =	vmin.f32 v11, v43  }
0x31e: {  	v16 =	vadd.f32 v16, v58;
	v13 =	vadd.f32 v13, v39;
	v11 =	vmin.f32 v11, v15  }
0x31f: {  	v53 =	vsel vm13, $0x3F800000, v0;
	v54 =	vsel vm12, $0x3F800000, v0;
	v11 =	vmin.f32 v11, v44  }
0x320: {  	v12 =	vadd.f32 v16, v54;
	v13 =	vadd.f32 v13, v46;
	v11 =	vmin.f32 v11, v14  }
0x321: {  	v56 =	vsel vm14, $0x3F800000, v0;
	v58 =	vsel vm15, $0x3F800000, v0;
	v11 =	vmin.f32 v11, v45  }
0x322: {  	v10 =	vmin.f32 v12, v10;
	v13 =	vadd.f32 v13, v47;
	v11 =	vmin.f32 v11, v21  }
0x323: {  	vm5 =	veq.f32 v19, v11;
	vm6 =	veq.f32 v22, v11;
	vm7 =	veq.f32 v60, v11  }
0x324: {  	v51 =	vadd.f32 v13, v50;
	vm13 =	veq.f32 v23, v11;
	vm14 =	veq.f32 v63, v11  }
0x325: {  	vm15 =	veq.f32 v18, v11;
	vm8 =	veq.f32 v42, v11;
	vm9 =	veq.f32 v20, v11  }
0x326: {  	vm10 =	veq.f32 v43, v11;
	vm11 =	veq.f32 v15, v11;
	vm12 =	veq.f32 v44, v11  }
0x327: {  	v48 =	vsel vm5, $0x3F800000, v0;
	v49 =	vsel vm6, $0x3F800000, v0;
	v52 =	vsel vm7, $0x3F800000, v0  }
0x328: {  	v55 =	vsel vm13, $0x3F800000, v0;
	v57 =	vsel vm14, $0x3F800000, v0;
	v59 =	vsel vm15, $0x3F800000, v0  }
0x329: {  	v19 =	vsel vm5, $0x7F800000, v19;
	v22 =	vsel vm6, $0x7F800000, v22;
	vm6 =	veq.f32 v40, v11  }
0x32a: {  	v24 =	vsel vm7, $0x7F800000, v60;
	v23 =	vsel vm13, $0x7F800000, v23;
	vm7 =	veq.f32 v41, v11  }
0x32b: {  	v25 =	vsel vm14, $0x7F800000, v63;
	v18 =	vsel vm15, $0x7F800000, v18;
	v63 =	vsel vm8, $0x3F800000, v0  }
0x32c: {  	v28 =	vsel vm8, $0x7F800000, v42;
	v20 =	vsel vm9, $0x7F800000, v20;
	v29 =	vsel vm10, $0x7F800000, v43  }
0x32d: {  	v15 =	vsel vm11, $0x7F800000, v15;
	vm13 =	veq.f32 v14, v11;
	v60 =	vmin.f32 v19, v22  }
0x32e: {  	v30 =	vsel vm12, $0x7F800000, v44;
	vm14 =	veq.f32 v45, v11;
	v34 =	vmin.f32 v60, v24  }
0x32f: {  	vm15 =	veq.f32 v21, v11;
	v39 =	vsel vm10, $0x3F800000, v0;
	v34 =	vmin.f32 v34, v23  }
0x330: {  	v17 =	vadd.f32 v49, v48;
	v32 =	vadd.f32 v51, v53;
	v34 =	vmin.f32 v34, v25  }
0x331: {  	v61 =	vsel vm6, $0x3F800000, v0;
	v26 =	vsel vm6, $0x7F800000, v40;
	v34 =	vmin.f32 v34, v18  }
0x332: {  	v62 =	vsel vm7, $0x3F800000, v0;
	v27 =	vsel vm7, $0x7F800000, v41;
	v34 =	vmin.f32 v34, v26  }
0x333: {  	v54 =	vsel vm13, $0x7F800000, v14;
	v13 =	vadd.f32 v17, v52;
	v34 =	vmin.f32 v34, v27  }
0x334: {  	v31 =	vsel vm14, $0x7F800000, v45;
	v21 =	vsel vm15, $0x7F800000, v21;
	v34 =	vmin.f32 v34, v28  }
0x335: {  	v40 =	vsel vm11, $0x3F800000, v0;
	v13 =	vadd.f32 v13, v55;
	v34 =	vmin.f32 v34, v20  }
0x336: {  	v41 =	vsel vm12, $0x3F800000, v0;
	v42 =	vsel vm13, $0x3F800000, v0;
	v34 =	vmin.f32 v34, v29  }
0x337: {  	v16 =	vadd.f32 v32, v56;
	v17 =	vadd.f32 v13, v57;
	v34 =	vmin.f32 v34, v15  }
0x338: {  	v43 =	vsel vm14, $0x3F800000, v0;
	v44 =	vsel vm15, $0x3F800000, v0;
	v55 =	vmin.f32 v34, v30  }
0x339: {  	v16 =	vadd.f32 v16, v58;
	v17 =	vadd.f32 v17, v59;
	v14 =	vmin.f32 v55, v54  }
0x33a: {  	v56 =	vsel vm9, $0x3F800000, v0;
	v13 =	vsel vm2, $0x3F800000, v0;
	v14 =	vmin.f32 v14, v31  }
0x33b: {  	v16 =	vadd.f32 v16, v33;
	v17 =	vadd.f32 v17, v61;
	v14 =	vmin.f32 v14, v21  }
0x33c: {  	vm8 =	veq.f32 v19, v14;
	vm9 =	veq.f32 v22, v14;
	vm10 =	veq.f32 v24, v14  }
0x33d: {  	vm11 =	veq.f32 v23, v14;
	vm12 =	veq.f32 v25, v14;
	vm13 =	veq.f32 v18, v14  }
0x33e: {  	vm14 =	veq.f32 v26, v14;
	v19 =	vsel vm8, $0x7F800000, v19;
	v22 =	vsel vm9, $0x7F800000, v22  }
0x33f: {  	vm15 =	veq.f32 v27, v14;
	v24 =	vsel vm10, $0x7F800000, v24;
	v50 =	vmin.f32 v19, v22  }
0x340: {  	vm7 =	veq.f32 v28, v14;
	v23 =	vsel vm11, $0x7F800000, v23;
	v50 =	vmin.f32 v50, v24  }
0x341: {  	vm6 =	veq.f32 v20, v14;
	v25 =	vsel vm12, $0x7F800000, v25;
	v50 =	vmin.f32 v50, v23  }
0x342: {  	vm4 =	veq.f32 v15, v14;
	v18 =	vsel vm13, $0x7F800000, v18;
	v50 =	vmin.f32 v50, v25  }
0x343: {  	vm3 =	veq.f32 v30, v14;
	v26 =	vsel vm14, $0x7F800000, v26;
	v50 =	vmin.f32 v50, v18  }
0x344: {  	vm2 =	veq.f32 v54, v14;
	v27 =	vsel vm15, $0x7F800000, v27;
	v50 =	vmin.f32 v50, v26  }
0x345: {  	v49 =	vsel vm12, $0x3F800000, v0;
	v28 =	vsel vm7, $0x7F800000, v28;
	v50 =	vmin.f32 v50, v27  }
0x346: {  	vm12 =	veq.f32 v29, v14;
	v20 =	vsel vm6, $0x7F800000, v20;
	v50 =	vmin.f32 v50, v28  }
0x347: {  	vm1 =	veq.f32 v31, v14;
	v29 =	vsel vm12, $0x7F800000, v29;
	v50 =	vmin.f32 v50, v20  }
0x348: {  	vm0 =	veq.f32 v21, v14;
	v15 =	vsel vm4, $0x7F800000, v15;
	v50 =	vmin.f32 v50, v29  }
0x349: {  	v45 =	vsel vm8, $0x3F800000, v0;
	v30 =	vsel vm3, $0x7F800000, v30;
	v50 =	vmin.f32 v50, v15  }
0x34a: {  	v46 =	vsel vm9, $0x3F800000, v0;
	v38 =	vsel vm2, $0x7F800000, v54;
	v50 =	vmin.f32 v50, v30  }
0x34b: {  	v47 =	vsel vm10, $0x3F800000, v0;
	v31 =	vsel vm1, $0x7F800000, v31;
	v50 =	vmin.f32 v50, v38  }
0x34c: {  	v48 =	vsel vm11, $0x3F800000, v0;
	v21 =	vsel vm0, $0x7F800000, v21;
	v57 =	vmin.f32 v50, v31  }
0x34d: {  	v51 =	vsel vm13, $0x3F800000, v0;
	v45 =	vadd.f32 v46, v45;
	v32 =	vmin.f32 v57, v21  }
0x34e: {  	v59 =	vsel vm14, $0x3F800000, v0;
	vm13 =	veq.f32 v19, v32;
	vm14 =	veq.f32 v22, v32  }
0x34f: {  	v58 =	vadd.f32 v45, v47;
	v19 =	vsel vm13, $0x3F800000, v0;
	v22 =	vsel vm14, $0x3F800000, v0  }
0x350: {  	v61 =	vsel vm15, $0x3F800000, v0;
	vm15 =	veq.f32 v24, v32;
	v19 =	vadd.f32 v22, v19  }
0x351: {  	v17 =	vadd.f32 v17, v62;
	v60 =	vadd.f32 v58, v48;
	v24 =	vsel vm15, $0x3F800000, v0  }
0x352: {  	v13 =	vadd.f32 v16, v13;
	vm10 =	veq.f32 v23, v32;
	v19 =	vadd.f32 v19, v24  }
0x353: {  	v17 =	vadd.f32 v17, v63;
	v33 =	vadd.f32 v60, v49;
	v23 =	vsel vm10, $0x3F800000, v0  }
0x354: {  	v13 =	vmin.f32 v13, $4.000000000e+00;
	vm11 =	veq.f32 v25, v32;
	v19 =	vadd.f32 v19, v23  }
0x355: {  	v17 =	vadd.f32 v17, v56;
	v33 =	vadd.f32 v33, v51;
	v25 =	vsel vm11, $0x3F800000, v0  }
0x356: {  	v36 =	vsel vm12, $0x3F800000, v0;
	vm12 =	veq.f32 v18, v32;
	v19 =	vadd.f32 v19, v25  }
0x357: {  	v17 =	vadd.f32 v17, v39;
	v33 =	vadd.f32 v33, v59;
	v18 =	vsel vm12, $0x3F800000, v0  }
0x358: {  	v9 =	vmul.f32 v13, v9;
	vm13 =	veq.f32 v26, v32;
	v18 =	vadd.f32 v19, v18  }
0x359: {  	v17 =	vadd.f32 v17, v40;
	v22 =	vadd.f32 v33, v61;
	v26 =	vsel vm13, $0x3F800000, v0  }
0x35a: {  	v62 =	vsel vm7, $0x3F800000, v0;
	vm14 =	veq.f32 v27, v32;
	v18 =	vadd.f32 v18, v26  }
0x35b: {  	v17 =	vadd.f32 v17, v41;
	v40 =	vsel vm14, $0x3F800000, v0;
	v22 =	vadd.f32 v22, v62  }
0x35c: {  	v63 =	vsel vm6, $0x3F800000, v0;
	vm15 =	veq.f32 v28, v32;
	v18 =	vadd.f32 v18, v40  }
0x35d: {  	v17 =	vadd.f32 v17, v42;
	v42 =	vsel vm15, $0x3F800000, v0;
	v22 =	vadd.f32 v22, v63  }
0x35e: {  	v37 =	vsel vm4, $0x3F800000, v0;
	vm4 =	veq.f32 v20, v32;
	v18 =	vadd.f32 v18, v42  }
0x35f: {  	v7 =	vmul.f32 v10, v7;
	v20 =	vsel vm4, $0x3F800000, v0;
	v22 =	vadd.f32 v22, v36  }
0x360: {  	v9 =	vadd.f32 $0.0e+00, v9;
	vm5 =	veq.f32 v29, v32;
	v18 =	vadd.f32 v18, v20  }
0x361: {  	v54 =	vsub.f32 $4.000000000e+00, v13;
	v46 =	vsel vm5, $0x3F800000, v0;
	v19 =	vadd.f32 v22, v37  }
0x362: {  	v39 =	vsel vm3, $0x3F800000, v0;
	vm6 =	veq.f32 v15, v32;
	v50 =	vadd.f32 v18, v46  }
0x363: {  	v41 =	vsel vm2, $0x3F800000, v0;
	v48 =	vsel vm6, $0x3F800000, v0;
	v47 =	vadd.f32 v19, v39  }
0x364: {  	v17 =	vadd.f32 v17, v43;
	vm7 =	veq.f32 v30, v32;
	v16 =	vadd.f32 v50, v48  }
0x365: {  	v45 =	vsel vm1, $0x3F800000, v0;
	v49 =	vsel vm7, $0x3F800000, v0;
	v15 =	vadd.f32 v47, v41  }
0x366: {  	v51 =	vadd.f32 v17, v44;
	vm8 =	veq.f32 v38, v32;
	v16 =	vadd.f32 v16, v49  }
0x367: {  	v52 =	vsel vm0, $0x3F800000, v0;
	v53 =	vsel vm8, $0x3F800000, v0;
	v15 =	vadd.f32 v15, v45  }
0x368: {  	v12 =	vmin.f32 v51, v54;
	vm9 =	veq.f32 v31, v32;
	v16 =	vadd.f32 v16, v53  }
0x369: {  	v56 =	vsub.f32 v54, v12;
	v55 =	vsel vm9, $0x3F800000, v0;
	v15 =	vadd.f32 v15, v52  }
0x36a: {  	v11 =	vmul.f32 v12, v11;
	vm11 =	veq.f32 v21, v32;
	v16 =	vadd.f32 v16, v55  }
0x36b: {  	vm10 =	vgt.f32 v13, $0.0e+00;
	v57 =	vsel vm11, $0x3F800000, v0;
	v15 =	vmin.f32 v15, v56  }
0x36c: {  	vm12 =	vgt.f32 v12, $0.0e+00;
	v58 =	vsub.f32 v56, v15;
	v59 =	vadd.f32 v16, v57  }
0x36d: {  	v9 =	vnsel vm10, $0x0, v9;
	v11 =	vnsel vm12, $0x0, v11;
	v14 =	vmul.f32 v15, v14  }
0x36e: {  	v9 =	vadd.f32 v11, v9;
	vm13 =	vgt.f32 v15, $0.0e+00;
	v60 =	vmin.f32 v59, v58  }
0x36f: {  	[tilespmem:$0x800] =	vst v1;
	vm14 =	vgt.f32 v10, $0.0e+00;
	v1 =	vnsel vm13, $0x0, v14;
	v61 =	vmul.f32 v60, v32  }
0x370: {  	[tilespmem:$0x810] =	vst v2;
	v2 =	vnsel vm14, $0x0, v7;
	v1 =	vadd.f32 v1, v9;
	vm15 =	vgt.f32 v60, $0.0e+00  }
0x371: {  	[tilespmem:$0x820] =	vst v3;
	v3 =	vmul.f32 $2.500000000e-01, v5;
	v2 =	vadd.f32 v2, v8;
	v62 =	vnsel vm15, $0x0, v61  }
0x372: {  	[tilespmem:$0x830] =	vst v4;
	v63 =	vmul.f32 $2.500000000e-01, v6;
	v1 =	vadd.f32 v62, v1  }
0x373: {  	[tilespmem:$0x840] =	vst v3;
	v2 =	vmul.f32 $2.500000000e-01, v2  }
0x374: {  	[tilespmem:$0x850] =	vst v63;
	v1 =	vmul.f32 $2.500000000e-01, v1  }
0x375: {  	p0 =	sne.s32 s5, $0x1;
	[tilespmem:$0x860] =	vst v2  }
.Ltmp0:
0x376: {  	[tilespmem:$0x870] =	vst v1;
	(pc) =	sbr.rel @p0 .LBB2_1-.Ltmp0, $4  }
0x377: {  	[hbm4b:s4+s2] =	stream.linear.scatter [tilespmem:s9], [sflag:$0x1], $0x80, $0x38;
	[tilespmem:$0x880] =	vst v63  }
0x378: {  	_ =	swait.ge [sflag:s8], $0x80  }
0x379: {  	[sflag:s8] =	ssyncset.done $0x0  }
0x37a: {  	s5 =	sadd.s32 $0xFFFFFFFF, s5;
	[sflag:s8] =	ssyncadd.s32 $0xFFFFFF80  }
0x37b: {  	_ =	sfence.sel $0x180000  }
0x37c: {  	[bflag:$0x0] =	sbarrier.arrive $0xFFFF  }
0x37d: {  	p0 =	sne.s32 s1, $0x0;
	_ =	strace $0x90000047  }
0x37e: {  	s0 =	sadd.s32 @!p0 $0x100000, s0;
	[bflag:$0x2] =	sbarrier.arrive $0xFFFF  }
0x37f: {  	[sflag:s0] =	ssyncadd.tile.s32 @!p0 $0x1;
	_ =	shalt  }
.Lfunc_end2:
_tile_overlayer_lowered:
.L_overlay_start_2:
0x380: {  	(tag) =	ssettag $0x2  }
0x381: {  	s0 =	rddreg [dreg:$0x0];
	s2 =	stileid.u32  }
0x382: {  	s1 =	rddreg [dreg:$0x1];
	p0 =	sne.s32 s2, $0x0  }
0x383: {  	s3 =	rddreg [dreg:$0x2];
	[bflag:$0x3] =	sbarrier.arrive $0xFFFF;
	s2 =	simm.s32 @!p0 $0x1C01  }
0x384: {  	[timem:s3], [sflag:s2] =	dma.local @!p0 [hbm:s0], s1  }
0x385: {  	s0 =	simm.s32 @!p0 $0x1  }
0x386: {  	_ =	swait.ge @!p0 [sflag:s0], s1  }
0x387: {  	s1 =	ssub.s32 @!p0 $0x0, s1;
	[sflag:s0] =	ssyncset.done @!p0 $0x0  }
0x388: {  	[sflag:s0] =	ssyncadd.s32 @!p0 s1  }
0x389: {  	[bflag:$0x3] =	sbarrier.arrive $0xFFFF  }
0x38a: {  	_ =	shalt  }

</sc_bundles>
